<compile_context>
chip_gen: v7x
topology: tpu7x:2x2x1
jax: 0.10.2.dev20260603
libtpu: 0.0.44.dev20260713+nightly
codegen_flags: <defaults>
</compile_context>

<pallas_src>
import functools

import jax
import jax.numpy as jnp
from jax import lax
from jax.experimental import pallas as pl
from jax.experimental.pallas import tpu as pltpu
from jax.experimental.pallas import tpu_sc as plsc

N = 10000
D = 128
DP = 144
E = 320000
NC = 2
NS = 16
NW = NC * NS
EW = E // NW
CB = 40
NCH = EW // CB
NBUF = 5
NGRP = NCH // NBUF
NP = 10240
RPS = NP // NS
RB = 1000
NB = N // RB


def _segment_sum_sc(feat, edges4, zeros_init, dp):
    mesh = plsc.VectorSubcoreMesh(core_axis_name="c", subcore_axis_name="s")

    @functools.partial(
        pl.kernel,
        out_type=jax.ShapeDtypeStruct((NC, NP, dp), jnp.float32),
        mesh=mesh,
        compiler_params=pltpu.CompilerParams(use_tc_tiling_on_sc=False),
        scratch_types=[
            pltpu.VMEM((NBUF, 2, CB), jnp.int32),
            pltpu.VMEM((NBUF, CB, dp), jnp.float32),
            pltpu.VMEM_SHARED((NP, dp), jnp.float32),
            pltpu.SemaphoreType.DMA((NBUF,)),
            pltpu.SemaphoreType.DMA((NBUF,)),
        ],
    )
    def seg_kernel(feat_h, edge_h, zz_h, out_h, idx_v, rows_v, acc, isems,
                   gsems):
        c = lax.axis_index("c")
        s = lax.axis_index("s")
        w = s * NC + c

        def _wait_idx(b):
            pltpu.make_async_copy(edge_h.at[w, 0], idx_v.at[b],
                                  isems.at[b]).wait()

        def _wait_rows(b):
            pltpu.make_async_copy(feat_h.at[pl.ds(0, CB)], rows_v.at[b],
                                  gsems.at[b]).wait()

        for b in range(NBUF):
            pltpu.async_copy(edge_h.at[w, b], idx_v.at[b], isems.at[b])
        for b in range(NBUF):
            _wait_idx(b)
            pltpu.async_copy(feat_h.at[idx_v.at[b, 0]], rows_v.at[b],
                             gsems.at[b])
        pltpu.sync_copy(zz_h.at[pl.ds(s * RPS, RPS)],
                        acc.at[pl.ds(s * RPS, RPS)])
        plsc.subcore_barrier()

        def group(g, carry):
            for b in range(NBUF):
                i = g * NBUF + b
                _wait_rows(b)
                pltpu.sync_copy(rows_v.at[b], acc.at[idx_v.at[b, 1]],
                                add=True)
                pltpu.async_copy(edge_h.at[w, i + NBUF], idx_v.at[b],
                                 isems.at[b])
                _wait_idx(b)
                pltpu.async_copy(feat_h.at[idx_v.at[b, 0]], rows_v.at[b],
                                 gsems.at[b])
            return carry

        lax.fori_loop(0, NGRP - 1, group, 0)
        for b in range(NBUF):
            _wait_rows(b)
            pltpu.sync_copy(rows_v.at[b], acc.at[idx_v.at[b, 1]], add=True)
        plsc.subcore_barrier()
        pltpu.sync_copy(acc.at[pl.ds(s * RPS, RPS)],
                        out_h.at[c, pl.ds(s * RPS, RPS)])

    return seg_kernel(feat, edges4, zeros_init)


def _dotT(a, w):
    return lax.dot_general(a, w, (((1,), (1,)), ((), ())),
                           preferred_element_type=jnp.float32)


def _layer1_body(agg_ref, x_ref, wl_ref, bl_ref, wr_ref, o_ref, c_ref):
    ssum = agg_ref[0] + agg_ref[1]
    cnt = jnp.maximum(ssum[:, D:D + 1], 1.0)
    mean = ssum[:, :D] / cnt
    y = _dotT(mean, wl_ref[...]) + bl_ref[...] + _dotT(x_ref[...], wr_ref[...])
    o_ref[...] = jnp.maximum(y, 0.0)
    c_ref[...] = cnt


def _layer2_body(agg_ref, cnt_ref, y1_ref, wl_ref, bl_ref, wr_ref, wm_ref,
                 bm_ref, o_ref):
    ssum = agg_ref[0] + agg_ref[1]
    mean = ssum / cnt_ref[...]
    t = _dotT(mean, wl_ref[...]) + bl_ref[...] + _dotT(y1_ref[...],
                                                       wr_ref[...])
    t = jnp.maximum(t, 0.0)
    o_ref[...] = _dotT(t, wm_ref[...]) + bm_ref[...]


def _wspec():
    return pl.BlockSpec((D, D), lambda i: (0, 0))


def _bspec():
    return pl.BlockSpec((1, D), lambda i: (0, 0))


_AGG1_SPEC = pl.BlockSpec((NC, RB, DP), lambda i: (0, i, 0))
_AGG2_SPEC = pl.BlockSpec((NC, RB, D), lambda i: (0, i, 0))
_ROW_SPEC = pl.BlockSpec((RB, D), lambda i: (i, 0))
_CNT_SPEC = pl.BlockSpec((RB, 1), lambda i: (i, 0))


def _layer1_tc(agg, x, W_l, b_l, W_r):
    return pl.pallas_call(
        _layer1_body,
        grid=(NB,),
        in_specs=[
            _AGG1_SPEC, _ROW_SPEC,
            _wspec(), _bspec(), _wspec(),
        ],
        out_specs=[_ROW_SPEC, _CNT_SPEC],
        out_shape=[jax.ShapeDtypeStruct((N, D), jnp.float32),
                   jax.ShapeDtypeStruct((N, 1), jnp.float32)],
    )(agg, x, W_l, b_l.reshape(1, D), W_r)


def _layer2_tc(agg, cntc, y1, W_l, b_l, W_r, Wm, bm):
    return pl.pallas_call(
        _layer2_body,
        grid=(NB,),
        in_specs=[
            _AGG2_SPEC, _CNT_SPEC, _ROW_SPEC,
            _wspec(), _bspec(), _wspec(), _wspec(), _bspec(),
        ],
        out_specs=_ROW_SPEC,
        out_shape=jax.ShapeDtypeStruct((N, D), jnp.float32),
    )(agg, cntc, y1, W_l, b_l.reshape(1, D), W_r, Wm, bm.reshape(1, D))


@jax.jit
def kernel(x, edge_index, batch, W1_l, b1_l, W1_r, W2_l, b2_l, W2_r, Wm, bm):
    del batch
    src3 = edge_index[0].astype(jnp.int32).reshape(NW, NCH, CB)
    dst3 = edge_index[1].astype(jnp.int32).reshape(NW, NCH, CB)
    edges4 = jnp.stack([src3, dst3], axis=2)
    xa = jnp.concatenate(
        [x, jnp.ones((N, 1), jnp.float32), jnp.zeros((N, 15), jnp.float32)],
        axis=1)

    agg1 = _segment_sum_sc(xa, edges4, jnp.zeros((NP, DP), jnp.float32), DP)
    y1, cntc = _layer1_tc(agg1, x, W1_l, b1_l, W1_r)
    agg2 = _segment_sum_sc(y1, edges4, jnp.zeros((NP, D), jnp.float32), D)
    return _layer2_tc(agg2, cntc, y1, W2_l, b2_l, W2_r, Wm, bm)

# --- scband reference (transcript-rebuilt; emitter-appended) ---
"""Pipeline reference for scband-gnn-31731218383040 (READ-ONLY COPY).

The authoritative reference and input builder live on the scoring server;
editing this copy changes nothing except your own understanding.
"""

import jax, jax.numpy as jnp
import numpy as np

N_NODES = 10000
N_EDGES = 320000
D = 128


def _sage_conv(x, src, dst, W_l, b_l, W_r):
    # torch_geometric SAGEConv (mean aggr): out = lin_l(mean_j x_j) + lin_r(x_i)
    msg = jnp.take(x, src, axis=0)                                   # gather [E, d]
    agg = jax.ops.segment_sum(msg, dst, num_segments=N_NODES)        # scatter-add [N, d]
    cnt = jax.ops.segment_sum(jnp.ones((msg.shape[0], 1), dtype=x.dtype), dst, num_segments=N_NODES)
    mean = agg / jnp.clip(cnt, 1.0, None)
    return mean @ W_l.T + b_l + x @ W_r.T


def setup_inputs(seed: int = 0) -> dict:
    key = jax.random.key(seed)
    ks = jax.random.split(key, 12)
    x = jax.random.normal(ks[0], (N_NODES, D), dtype=jnp.float32)
    edge_index = jax.random.randint(ks[1], (2, N_EDGES), 0, N_NODES, dtype=jnp.int64)
    batch = jnp.zeros((N_NODES,), dtype=jnp.int64)
    s = 1.0 / np.sqrt(D)
    W1_l = jax.random.uniform(ks[2], (D, D), jnp.float32, -s, s)
    b1_l = jax.random.uniform(ks[3], (D,), jnp.float32, -s, s)
    W1_r = jax.random.uniform(ks[4], (D, D), jnp.float32, -s, s)
    W2_l = jax.random.uniform(ks[5], (D, D), jnp.float32, -s, s)
    b2_l = jax.random.uniform(ks[6], (D,), jnp.float32, -s, s)
    W2_r = jax.random.uniform(ks[7], (D, D), jnp.float32, -s, s)
    Wm = jax.random.uniform(ks[8], (D, D), jnp.float32, -s, s)
    bm = jax.random.uniform(ks[9], (D,), jnp.float32, -s, s)
    return {"x": x, "edge_index": edge_index, "batch": batch,
            "W1_l": W1_l, "b1_l": b1_l, "W1_r": W1_r,
            "W2_l": W2_l, "b2_l": b2_l, "W2_r": W2_r,
            "Wm": Wm, "bm": bm}


def reference(x, edge_index, batch, W1_l, b1_l, W1_r, W2_l, b2_l, W2_r, Wm, bm):
    src = edge_index[0]
    dst = edge_index[1]
    y = _sage_conv(x, src, dst, W1_l, b1_l, W1_r)
    y = jax.nn.relu(y)
    y = _sage_conv(y, src, dst, W2_l, b2_l, W2_r)
    y = jax.nn.relu(y)
    y = y @ Wm.T + bm
    return y

if __name__ == "__main__":
    import jax
    _d = setup_inputs()
    print(jax.jit(kernel)(*tuple(_d.values())))

</pallas_src>

<mosaic_0001>
#map = affine_map<(d0, d1) -> (0, 0)>
#map1 = affine_map<(d0, d1) -> (0, 0, 0, 0)>
#map2 = affine_map<(d0, d1) -> (0, 0, 0)>
module attributes {stable_mosaic.version = 14 : i64} {
  func.func @seg_kernel(%arg0: i32, %arg1: i32, %arg2: memref<10000x144xf32, #tpu.memory_space<hbm>>, %arg3: memref<32x250x2x40xi32, #tpu.memory_space<hbm>>, %arg4: memref<10240x144xf32, #tpu.memory_space<hbm>>, %arg5: memref<2x10240x144xf32, #tpu.memory_space<hbm>>, %arg6: memref<5x2x40xi32, #tpu.memory_space<vmem>>, %arg7: memref<5x40x144xf32, #tpu.memory_space<vmem>>, %arg8: memref<10240x144xf32, #tpu.memory_space<vmem_shared>>, %arg9: memref<5x!tpu.dma_semaphore, #tpu.memory_space<semaphore_mem>>, %arg10: memref<5x!tpu.dma_semaphore, #tpu.memory_space<semaphore_mem>>) attributes {dimension_semantics = [#tpu.dimension_semantics<core_parallel>, #tpu.dimension_semantics<subcore_parallel>], iteration_bounds = array<i64: 2, 16>, scalar_prefetch = 0 : i64, scratch_operands = 5 : i64, tpu.core_type = #tpu.core_type<sc_vector_subcore>, window_params = [{transform_indices = #map}, {transform_indices = #map1}, {transform_indices = #map}, {transform_indices = #map2}]} {
    %mul3A = arith.constant 2 : i32
    %mul3A_0 = arith.muli %arg1, %mul3A : i32
    %add3A = arith.addi %mul3A_0, %arg0 : i32
    %dma_start3A = arith.constant 0 : i32
    %dma_start3A_1 = arith.constant 0 : i32
    %dma_start3A_2 = arith.constant 0 : i32
    %dma_start3A_3 = arith.constant 0 : i32
    %dma_start3A_4 = arith.constant 0 : i32
    %dma_start3A_5 = tpu.memref_slice %arg6[%dma_start3A_1, %dma_start3A_3, %dma_start3A_4] : memref<5x2x40xi32, #tpu.memory_space<vmem>> -> memref<1x2x40xi32, #tpu.memory_space<vmem>>
    %dma_start3A_6 = tpu.memref_squeeze %dma_start3A_5 : memref<1x2x40xi32, #tpu.memory_space<vmem>> -> memref<2x40xi32, #tpu.memory_space<vmem>>
    %dma_start3A_7 = arith.constant 0 : i32
    %dma_start3A_8 = arith.constant 0 : i32
    %dma_start3A_9 = tpu.memref_slice %arg3[%add3A, %dma_start3A, %dma_start3A_7, %dma_start3A_8] : memref<32x250x2x40xi32, #tpu.memory_space<hbm>> -> memref<1x1x2x40xi32, #tpu.memory_space<hbm>>
    %dma_start3A_10 = tpu.memref_squeeze %dma_start3A_9 : memref<1x1x2x40xi32, #tpu.memory_space<hbm>> -> memref<2x40xi32, #tpu.memory_space<hbm>>
    %dma_start3A_11 = tpu.memref_slice %arg9[%dma_start3A_2] : memref<5x!tpu.dma_semaphore, #tpu.memory_space<semaphore_mem>> -> memref<1x!tpu.dma_semaphore, #tpu.memory_space<semaphore_mem>>
    %dma_start3A_12 = tpu.memref_squeeze %dma_start3A_11 : memref<1x!tpu.dma_semaphore, #tpu.memory_space<semaphore_mem>> -> memref<!tpu.dma_semaphore, #tpu.memory_space<semaphore_mem>>
    %dma_start3A_13 = arith.constant 0 : i32
    %dma_start3A_14 = arith.constant 0 : i32
    %dma_start3A_15 = tpu.memref_slice %arg6[%dma_start3A_1, %dma_start3A_13, %dma_start3A_14] : memref<5x2x40xi32, #tpu.memory_space<vmem>> -> memref<1x2x40xi32, #tpu.memory_space<vmem>>
    %dma_start3A_16 = tpu.memref_squeeze %dma_start3A_15 : memref<1x2x40xi32, #tpu.memory_space<vmem>> -> memref<2x40xi32, #tpu.memory_space<vmem>>
    %dma_start3A_17 = arith.constant 0 : i32
    %dma_start3A_18 = arith.constant 0 : i32
    %dma_start3A_19 = tpu.memref_slice %arg3[%add3A, %dma_start3A, %dma_start3A_17, %dma_start3A_18] : memref<32x250x2x40xi32, #tpu.memory_space<hbm>> -> memref<1x1x2x40xi32, #tpu.memory_space<hbm>>
    %dma_start3A_20 = tpu.memref_squeeze %dma_start3A_19 : memref<1x1x2x40xi32, #tpu.memory_space<hbm>> -> memref<2x40xi32, #tpu.memory_space<hbm>>
    tpu.enqueue_dma source(%dma_start3A_20 : memref<2x40xi32, #tpu.memory_space<hbm>>) target(%dma_start3A_16 : memref<2x40xi32, #tpu.memory_space<vmem>>) target_semaphore(%dma_start3A_12 : memref<!tpu.dma_semaphore, #tpu.memory_space<semaphore_mem>>)
    %dma_start3A_21 = arith.constant 1 : i32
    %dma_start3A_22 = arith.constant 1 : i32
    %dma_start3A_23 = arith.constant 1 : i32
    %dma_start3A_24 = arith.constant 0 : i32
    %dma_start3A_25 = arith.constant 0 : i32
    %dma_start3A_26 = tpu.memref_slice %arg6[%dma_start3A_22, %dma_start3A_24, %dma_start3A_25] : memref<5x2x40xi32, #tpu.memory_space<vmem>> -> memref<1x2x40xi32, #tpu.memory_space<vmem>>
    %dma_start3A_27 = tpu.memref_squeeze %dma_start3A_26 : memref<1x2x40xi32, #tpu.memory_space<vmem>> -> memref<2x40xi32, #tpu.memory_space<vmem>>
    %dma_start3A_28 = arith.constant 0 : i32
    %dma_start3A_29 = arith.constant 0 : i32
    %dma_start3A_30 = tpu.memref_slice %arg3[%add3A, %dma_start3A_21, %dma_start3A_28, %dma_start3A_29] : memref<32x250x2x40xi32, #tpu.memory_space<hbm>> -> memref<1x1x2x40xi32, #tpu.memory_space<hbm>>
    %dma_start3A_31 = tpu.memref_squeeze %dma_start3A_30 : memref<1x1x2x40xi32, #tpu.memory_space<hbm>> -> memref<2x40xi32, #tpu.memory_space<hbm>>
    %dma_start3A_32 = tpu.memref_slice %arg9[%dma_start3A_23] : memref<5x!tpu.dma_semaphore, #tpu.memory_space<semaphore_mem>> -> memref<1x!tpu.dma_semaphore, #tpu.memory_space<semaphore_mem>>
    %dma_start3A_33 = tpu.memref_squeeze %dma_start3A_32 : memref<1x!tpu.dma_semaphore, #tpu.memory_space<semaphore_mem>> -> memref<!tpu.dma_semaphore, #tpu.memory_space<semaphore_mem>>
    %dma_start3A_34 = arith.constant 0 : i32
    %dma_start3A_35 = arith.constant 0 : i32
    %dma_start3A_36 = tpu.memref_slice %arg6[%dma_start3A_22, %dma_start3A_34, %dma_start3A_35] : memref<5x2x40xi32, #tpu.memory_space<vmem>> -> memref<1x2x40xi32, #tpu.memory_space<vmem>>
    %dma_start3A_37 = tpu.memref_squeeze %dma_start3A_36 : memref<1x2x40xi32, #tpu.memory_space<vmem>> -> memref<2x40xi32, #tpu.memory_space<vmem>>
    %dma_start3A_38 = arith.constant 0 : i32
    %dma_start3A_39 = arith.constant 0 : i32
    %dma_start3A_40 = tpu.memref_slice %arg3[%add3A, %dma_start3A_21, %dma_start3A_38, %dma_start3A_39] : memref<32x250x2x40xi32, #tpu.memory_space<hbm>> -> memref<1x1x2x40xi32, #tpu.memory_space<hbm>>
    %dma_start3A_41 = tpu.memref_squeeze %dma_start3A_40 : memref<1x1x2x40xi32, #tpu.memory_space<hbm>> -> memref<2x40xi32, #tpu.memory_space<hbm>>
    tpu.enqueue_dma source(%dma_start3A_41 : memref<2x40xi32, #tpu.memory_space<hbm>>) target(%dma_start3A_37 : memref<2x40xi32, #tpu.memory_space<vmem>>) target_semaphore(%dma_start3A_33 : memref<!tpu.dma_semaphore, #tpu.memory_space<semaphore_mem>>)
    %dma_start3A_42 = arith.constant 2 : i32
    %dma_start3A_43 = arith.constant 2 : i32
    %dma_start3A_44 = arith.constant 2 : i32
    %dma_start3A_45 = arith.constant 0 : i32
    %dma_start3A_46 = arith.constant 0 : i32
    %dma_start3A_47 = tpu.memref_slice %arg6[%dma_start3A_43, %dma_start3A_45, %dma_start3A_46] : memref<5x2x40xi32, #tpu.memory_space<vmem>> -> memref<1x2x40xi32, #tpu.memory_space<vmem>>
    %dma_start3A_48 = tpu.memref_squeeze %dma_start3A_47 : memref<1x2x40xi32, #tpu.memory_space<vmem>> -> memref<2x40xi32, #tpu.memory_space<vmem>>
    %dma_start3A_49 = arith.constant 0 : i32
    %dma_start3A_50 = arith.constant 0 : i32
    %dma_start3A_51 = tpu.memref_slice %arg3[%add3A, %dma_start3A_42, %dma_start3A_49, %dma_start3A_50] : memref<32x250x2x40xi32, #tpu.memory_space<hbm>> -> memref<1x1x2x40xi32, #tpu.memory_space<hbm>>
    %dma_start3A_52 = tpu.memref_squeeze %dma_start3A_51 : memref<1x1x2x40xi32, #tpu.memory_space<hbm>> -> memref<2x40xi32, #tpu.memory_space<hbm>>
    %dma_start3A_53 = tpu.memref_slice %arg9[%dma_start3A_44] : memref<5x!tpu.dma_semaphore, #tpu.memory_space<semaphore_mem>> -> memref<1x!tpu.dma_semaphore, #tpu.memory_space<semaphore_mem>>
    %dma_start3A_54 = tpu.memref_squeeze %dma_start3A_53 : memref<1x!tpu.dma_semaphore, #tpu.memory_space<semaphore_mem>> -> memref<!tpu.dma_semaphore, #tpu.memory_space<semaphore_mem>>
    %dma_start3A_55 = arith.constant 0 : i32
    %dma_start3A_56 = arith.constant 0 : i32
    %dma_start3A_57 = tpu.memref_slice %arg6[%dma_start3A_43, %dma_start3A_55, %dma_start3A_56] : memref<5x2x40xi32, #tpu.memory_space<vmem>> -> memref<1x2x40xi32, #tpu.memory_space<vmem>>
    %dma_start3A_58 = tpu.memref_squeeze %dma_start3A_57 : memref<1x2x40xi32, #tpu.memory_space<vmem>> -> memref<2x40xi32, #tpu.memory_space<vmem>>
    %dma_start3A_59 = arith.constant 0 : i32
    %dma_start3A_60 = arith.constant 0 : i32
    %dma_start3A_61 = tpu.memref_slice %arg3[%add3A, %dma_start3A_42, %dma_start3A_59, %dma_start3A_60] : memref<32x250x2x40xi32, #tpu.memory_space<hbm>> -> memref<1x1x2x40xi32, #tpu.memory_space<hbm>>
    %dma_start3A_62 = tpu.memref_squeeze %dma_start3A_61 : memref<1x1x2x40xi32, #tpu.memory_space<hbm>> -> memref<2x40xi32, #tpu.memory_space<hbm>>
    tpu.enqueue_dma source(%dma_start3A_62 : memref<2x40xi32, #tpu.memory_space<hbm>>) target(%dma_start3A_58 : memref<2x40xi32, #tpu.memory_space<vmem>>) target_semaphore(%dma_start3A_54 : memref<!tpu.dma_semaphore, #tpu.memory_space<semaphore_mem>>)
    %dma_start3A_63 = arith.constant 3 : i32
    %dma_start3A_64 = arith.constant 3 : i32
    %dma_start3A_65 = arith.constant 3 : i32
    %dma_start3A_66 = arith.constant 0 : i32
    %dma_start3A_67 = arith.constant 0 : i32
    %dma_start3A_68 = tpu.memref_slice %arg6[%dma_start3A_64, %dma_start3A_66, %dma_start3A_67] : memref<5x2x40xi32, #tpu.memory_space<vmem>> -> memref<1x2x40xi32, #tpu.memory_space<vmem>>
    %dma_start3A_69 = tpu.memref_squeeze %dma_start3A_68 : memref<1x2x40xi32, #tpu.memory_space<vmem>> -> memref<2x40xi32, #tpu.memory_space<vmem>>
    %dma_start3A_70 = arith.constant 0 : i32
    %dma_start3A_71 = arith.constant 0 : i32
    %dma_start3A_72 = tpu.memref_slice %arg3[%add3A, %dma_start3A_63, %dma_start3A_70, %dma_start3A_71] : memref<32x250x2x40xi32, #tpu.memory_space<hbm>> -> memref<1x1x2x40xi32, #tpu.memory_space<hbm>>
    %dma_start3A_73 = tpu.memref_squeeze %dma_start3A_72 : memref<1x1x2x40xi32, #tpu.memory_space<hbm>> -> memref<2x40xi32, #tpu.memory_space<hbm>>
    %dma_start3A_74 = tpu.memref_slice %arg9[%dma_start3A_65] : memref<5x!tpu.dma_semaphore, #tpu.memory_space<semaphore_mem>> -> memref<1x!tpu.dma_semaphore, #tpu.memory_space<semaphore_mem>>
    %dma_start3A_75 = tpu.memref_squeeze %dma_start3A_74 : memref<1x!tpu.dma_semaphore, #tpu.memory_space<semaphore_mem>> -> memref<!tpu.dma_semaphore, #tpu.memory_space<semaphore_mem>>
    %dma_start3A_76 = arith.constant 0 : i32
    %dma_start3A_77 = arith.constant 0 : i32
    %dma_start3A_78 = tpu.memref_slice %arg6[%dma_start3A_64, %dma_start3A_76, %dma_start3A_77] : memref<5x2x40xi32, #tpu.memory_space<vmem>> -> memref<1x2x40xi32, #tpu.memory_space<vmem>>
    %dma_start3A_79 = tpu.memref_squeeze %dma_start3A_78 : memref<1x2x40xi32, #tpu.memory_space<vmem>> -> memref<2x40xi32, #tpu.memory_space<vmem>>
    %dma_start3A_80 = arith.constant 0 : i32
    %dma_start3A_81 = arith.constant 0 : i32
    %dma_start3A_82 = tpu.memref_slice %arg3[%add3A, %dma_start3A_63, %dma_start3A_80, %dma_start3A_81] : memref<32x250x2x40xi32, #tpu.memory_space<hbm>> -> memref<1x1x2x40xi32, #tpu.memory_space<hbm>>
    %dma_start3A_83 = tpu.memref_squeeze %dma_start3A_82 : memref<1x1x2x40xi32, #tpu.memory_space<hbm>> -> memref<2x40xi32, #tpu.memory_space<hbm>>
    tpu.enqueue_dma source(%dma_start3A_83 : memref<2x40xi32, #tpu.memory_space<hbm>>) target(%dma_start3A_79 : memref<2x40xi32, #tpu.memory_space<vmem>>) target_semaphore(%dma_start3A_75 : memref<!tpu.dma_semaphore, #tpu.memory_space<semaphore_mem>>)
    %dma_start3A_84 = arith.constant 4 : i32
    %dma_start3A_85 = arith.constant 4 : i32
    %dma_start3A_86 = arith.constant 4 : i32
    %dma_start3A_87 = arith.constant 0 : i32
    %dma_start3A_88 = arith.constant 0 : i32
    %dma_start3A_89 = tpu.memref_slice %arg6[%dma_start3A_85, %dma_start3A_87, %dma_start3A_88] : memref<5x2x40xi32, #tpu.memory_space<vmem>> -> memref<1x2x40xi32, #tpu.memory_space<vmem>>
    %dma_start3A_90 = tpu.memref_squeeze %dma_start3A_89 : memref<1x2x40xi32, #tpu.memory_space<vmem>> -> memref<2x40xi32, #tpu.memory_space<vmem>>
    %dma_start3A_91 = arith.constant 0 : i32
    %dma_start3A_92 = arith.constant 0 : i32
    %dma_start3A_93 = tpu.memref_slice %arg3[%add3A, %dma_start3A_84, %dma_start3A_91, %dma_start3A_92] : memref<32x250x2x40xi32, #tpu.memory_space<hbm>> -> memref<1x1x2x40xi32, #tpu.memory_space<hbm>>
    %dma_start3A_94 = tpu.memref_squeeze %dma_start3A_93 : memref<1x1x2x40xi32, #tpu.memory_space<hbm>> -> memref<2x40xi32, #tpu.memory_space<hbm>>
    %dma_start3A_95 = tpu.memref_slice %arg9[%dma_start3A_86] : memref<5x!tpu.dma_semaphore, #tpu.memory_space<semaphore_mem>> -> memref<1x!tpu.dma_semaphore, #tpu.memory_space<semaphore_mem>>
    %dma_start3A_96 = tpu.memref_squeeze %dma_start3A_95 : memref<1x!tpu.dma_semaphore, #tpu.memory_space<semaphore_mem>> -> memref<!tpu.dma_semaphore, #tpu.memory_space<semaphore_mem>>
    %dma_start3A_97 = arith.constant 0 : i32
    %dma_start3A_98 = arith.constant 0 : i32
    %dma_start3A_99 = tpu.memref_slice %arg6[%dma_start3A_85, %dma_start3A_97, %dma_start3A_98] : memref<5x2x40xi32, #tpu.memory_space<vmem>> -> memref<1x2x40xi32, #tpu.memory_space<vmem>>
    %dma_start3A_100 = tpu.memref_squeeze %dma_start3A_99 : memref<1x2x40xi32, #tpu.memory_space<vmem>> -> memref<2x40xi32, #tpu.memory_space<vmem>>
    %dma_start3A_101 = arith.constant 0 : i32
    %dma_start3A_102 = arith.constant 0 : i32
    %dma_start3A_103 = tpu.memref_slice %arg3[%add3A, %dma_start3A_84, %dma_start3A_101, %dma_start3A_102] : memref<32x250x2x40xi32, #tpu.memory_space<hbm>> -> memref<1x1x2x40xi32, #tpu.memory_space<hbm>>
    %dma_start3A_104 = tpu.memref_squeeze %dma_start3A_103 : memref<1x1x2x40xi32, #tpu.memory_space<hbm>> -> memref<2x40xi32, #tpu.memory_space<hbm>>
    tpu.enqueue_dma source(%dma_start3A_104 : memref<2x40xi32, #tpu.memory_space<hbm>>) target(%dma_start3A_100 : memref<2x40xi32, #tpu.memory_space<vmem>>) target_semaphore(%dma_start3A_96 : memref<!tpu.dma_semaphore, #tpu.memory_space<semaphore_mem>>)
    %dma_wait3A = arith.constant 0 : i32
    %dma_wait3A_105 = arith.constant 0 : i32
    %dma_wait3A_106 = arith.constant 0 : i32
    %dma_wait3A_107 = arith.constant 0 : i32
    %dma_wait3A_108 = arith.constant 0 : i32
    %dma_wait3A_109 = tpu.memref_slice %arg6[%dma_wait3A_105, %dma_wait3A_107, %dma_wait3A_108] : memref<5x2x40xi32, #tpu.memory_space<vmem>> -> memref<1x2x40xi32, #tpu.memory_space<vmem>>
    %dma_wait3A_110 = tpu.memref_squeeze %dma_wait3A_109 : memref<1x2x40xi32, #tpu.memory_space<vmem>> -> memref<2x40xi32, #tpu.memory_space<vmem>>
    %dma_wait3A_111 = arith.constant 0 : i32
    %dma_wait3A_112 = arith.constant 0 : i32
    %dma_wait3A_113 = tpu.memref_slice %arg3[%add3A, %dma_wait3A, %dma_wait3A_111, %dma_wait3A_112] : memref<32x250x2x40xi32, #tpu.memory_space<hbm>> -> memref<1x1x2x40xi32, #tpu.memory_space<hbm>>
    %dma_wait3A_114 = tpu.memref_squeeze %dma_wait3A_113 : memref<1x1x2x40xi32, #tpu.memory_space<hbm>> -> memref<2x40xi32, #tpu.memory_space<hbm>>
    %dma_wait3A_115 = tpu.memref_slice %arg9[%dma_wait3A_106] : memref<5x!tpu.dma_semaphore, #tpu.memory_space<semaphore_mem>> -> memref<1x!tpu.dma_semaphore, #tpu.memory_space<semaphore_mem>>
    %dma_wait3A_116 = tpu.memref_squeeze %dma_wait3A_115 : memref<1x!tpu.dma_semaphore, #tpu.memory_space<semaphore_mem>> -> memref<!tpu.dma_semaphore, #tpu.memory_space<semaphore_mem>>
    %dma_wait3A_117 = arith.constant 0 : i32
    %dma_wait3A_118 = arith.constant 0 : i32
    %dma_wait3A_119 = tpu.memref_slice %arg6[%dma_wait3A_105, %dma_wait3A_117, %dma_wait3A_118] : memref<5x2x40xi32, #tpu.memory_space<vmem>> -> memref<1x2x40xi32, #tpu.memory_space<vmem>>
    %dma_wait3A_120 = tpu.memref_squeeze %dma_wait3A_119 : memref<1x2x40xi32, #tpu.memory_space<vmem>> -> memref<2x40xi32, #tpu.memory_space<vmem>>
    %dma_wait3A_121 = arith.constant 0 : i32
    %dma_wait3A_122 = arith.constant 0 : i32
    %dma_wait3A_123 = tpu.memref_slice %arg3[%add3A, %dma_wait3A, %dma_wait3A_121, %dma_wait3A_122] : memref<32x250x2x40xi32, #tpu.memory_space<hbm>> -> memref<1x1x2x40xi32, #tpu.memory_space<hbm>>
    %dma_wait3A_124 = tpu.memref_squeeze %dma_wait3A_123 : memref<1x1x2x40xi32, #tpu.memory_space<hbm>> -> memref<2x40xi32, #tpu.memory_space<hbm>>
    tpu.wait_dma2 semaphore(%dma_wait3A_116 : memref<!tpu.dma_semaphore, #tpu.memory_space<semaphore_mem>>) src(%dma_wait3A_124 : memref<2x40xi32, #tpu.memory_space<hbm>>) dst(%dma_wait3A_120 : memref<2x40xi32, #tpu.memory_space<vmem>>)
    %dma_start3A_125 = arith.constant 0 : i32
    %dma_start3A_126 = arith.constant 0 : i32
    %dma_start3A_127 = arith.constant 0 : i32
    %dma_start3A_128 = arith.constant 0 : i32
    %dma_start3A_129 = arith.constant 0 : i32
    %dma_start3A_130 = arith.constant 0 : i32
    %dma_start3A_131 = tpu.memref_slice %arg7[%dma_start3A_127, %dma_start3A_129, %dma_start3A_130] : memref<5x40x144xf32, #tpu.memory_space<vmem>> -> memref<1x40x144xf32, #tpu.memory_space<vmem>>
    %dma_start3A_132 = tpu.memref_squeeze %dma_start3A_131 : memref<1x40x144xf32, #tpu.memory_space<vmem>> -> memref<40x144xf32, #tpu.memory_space<vmem>>
    %dma_start3A_133 = arith.constant 0 : i32
    %dma_start3A_134 = tpu.memref_slice %arg6[%dma_start3A_125, %dma_start3A_126, %dma_start3A_133] : memref<5x2x40xi32, #tpu.memory_space<vmem>> -> memref<1x1x40xi32, #tpu.memory_space<vmem>>
    %dma_start3A_135 = tpu.memref_squeeze %dma_start3A_134 : memref<1x1x40xi32, #tpu.memory_space<vmem>> -> memref<40xi32, #tpu.memory_space<vmem>>
    %dma_start3A_136 = arith.constant 0 : i32
    %dma_start3A_137 = arith.constant 0 : i32
    %dma_start3A_138 = tpu.memref_slice %arg2[%dma_start3A_136, %dma_start3A_137] : memref<10000x144xf32, #tpu.memory_space<hbm>> -> memref<10000x144xf32, #tpu.memory_space<hbm>>
    %dma_start3A_139 = tpu.memref_slice %arg10[%dma_start3A_128] : memref<5x!tpu.dma_semaphore, #tpu.memory_space<semaphore_mem>> -> memref<1x!tpu.dma_semaphore, #tpu.memory_space<semaphore_mem>>
    %dma_start3A_140 = tpu.memref_squeeze %dma_start3A_139 : memref<1x!tpu.dma_semaphore, #tpu.memory_space<semaphore_mem>> -> memref<!tpu.dma_semaphore, #tpu.memory_space<semaphore_mem>>
    tpu.enqueue_indirect_dma source(%dma_start3A_138 : memref<10000x144xf32, #tpu.memory_space<hbm>>) target(%dma_start3A_132 : memref<40x144xf32, #tpu.memory_space<vmem>>) offsets(%dma_start3A_135 : memref<40xi32, #tpu.memory_space<vmem>>) semaphore(%dma_start3A_140 : memref<!tpu.dma_semaphore, #tpu.memory_space<semaphore_mem>>)
    %dma_wait3A_141 = arith.constant 0 : i32
    %dma_wait3A_142 = arith.constant 1 : i32
    %dma_wait3A_143 = arith.constant 1 : i32
    %dma_wait3A_144 = arith.constant 0 : i32
    %dma_wait3A_145 = arith.constant 0 : i32
    %dma_wait3A_146 = tpu.memref_slice %arg6[%dma_wait3A_142, %dma_wait3A_144, %dma_wait3A_145] : memref<5x2x40xi32, #tpu.memory_space<vmem>> -> memref<1x2x40xi32, #tpu.memory_space<vmem>>
    %dma_wait3A_147 = tpu.memref_squeeze %dma_wait3A_146 : memref<1x2x40xi32, #tpu.memory_space<vmem>> -> memref<2x40xi32, #tpu.memory_space<vmem>>
    %dma_wait3A_148 = arith.constant 0 : i32
    %dma_wait3A_149 = arith.constant 0 : i32
    %dma_wait3A_150 = tpu.memref_slice %arg3[%add3A, %dma_wait3A_141, %dma_wait3A_148, %dma_wait3A_149] : memref<32x250x2x40xi32, #tpu.memory_space<hbm>> -> memref<1x1x2x40xi32, #tpu.memory_space<hbm>>
    %dma_wait3A_151 = tpu.memref_squeeze %dma_wait3A_150 : memref<1x1x2x40xi32, #tpu.memory_space<hbm>> -> memref<2x40xi32, #tpu.memory_space<hbm>>
    %dma_wait3A_152 = tpu.memref_slice %arg9[%dma_wait3A_143] : memref<5x!tpu.dma_semaphore, #tpu.memory_space<semaphore_mem>> -> memref<1x!tpu.dma_semaphore, #tpu.memory_space<semaphore_mem>>
    %dma_wait3A_153 = tpu.memref_squeeze %dma_wait3A_152 : memref<1x!tpu.dma_semaphore, #tpu.memory_space<semaphore_mem>> -> memref<!tpu.dma_semaphore, #tpu.memory_space<semaphore_mem>>
    %dma_wait3A_154 = arith.constant 0 : i32
    %dma_wait3A_155 = arith.constant 0 : i32
    %dma_wait3A_156 = tpu.memref_slice %arg6[%dma_wait3A_142, %dma_wait3A_154, %dma_wait3A_155] : memref<5x2x40xi32, #tpu.memory_space<vmem>> -> memref<1x2x40xi32, #tpu.memory_space<vmem>>
    %dma_wait3A_157 = tpu.memref_squeeze %dma_wait3A_156 : memref<1x2x40xi32, #tpu.memory_space<vmem>> -> memref<2x40xi32, #tpu.memory_space<vmem>>
    %dma_wait3A_158 = arith.constant 0 : i32
    %dma_wait3A_159 = arith.constant 0 : i32
    %dma_wait3A_160 = tpu.memref_slice %arg3[%add3A, %dma_wait3A_141, %dma_wait3A_158, %dma_wait3A_159] : memref<32x250x2x40xi32, #tpu.memory_space<hbm>> -> memref<1x1x2x40xi32, #tpu.memory_space<hbm>>
    %dma_wait3A_161 = tpu.memref_squeeze %dma_wait3A_160 : memref<1x1x2x40xi32, #tpu.memory_space<hbm>> -> memref<2x40xi32, #tpu.memory_space<hbm>>
    tpu.wait_dma2 semaphore(%dma_wait3A_153 : memref<!tpu.dma_semaphore, #tpu.memory_space<semaphore_mem>>) src(%dma_wait3A_161 : memref<2x40xi32, #tpu.memory_space<hbm>>) dst(%dma_wait3A_157 : memref<2x40xi32, #tpu.memory_space<vmem>>)
    %dma_start3A_162 = arith.constant 1 : i32
    %dma_start3A_163 = arith.constant 0 : i32
    %dma_start3A_164 = arith.constant 1 : i32
    %dma_start3A_165 = arith.constant 1 : i32
    %dma_start3A_166 = arith.constant 0 : i32
    %dma_start3A_167 = arith.constant 0 : i32
    %dma_start3A_168 = tpu.memref_slice %arg7[%dma_start3A_164, %dma_start3A_166, %dma_start3A_167] : memref<5x40x144xf32, #tpu.memory_space<vmem>> -> memref<1x40x144xf32, #tpu.memory_space<vmem>>
    %dma_start3A_169 = tpu.memref_squeeze %dma_start3A_168 : memref<1x40x144xf32, #tpu.memory_space<vmem>> -> memref<40x144xf32, #tpu.memory_space<vmem>>
    %dma_start3A_170 = arith.constant 0 : i32
    %dma_start3A_171 = tpu.memref_slice %arg6[%dma_start3A_162, %dma_start3A_163, %dma_start3A_170] : memref<5x2x40xi32, #tpu.memory_space<vmem>> -> memref<1x1x40xi32, #tpu.memory_space<vmem>>
    %dma_start3A_172 = tpu.memref_squeeze %dma_start3A_171 : memref<1x1x40xi32, #tpu.memory_space<vmem>> -> memref<40xi32, #tpu.memory_space<vmem>>
    %dma_start3A_173 = arith.constant 0 : i32
    %dma_start3A_174 = arith.constant 0 : i32
    %dma_start3A_175 = tpu.memref_slice %arg2[%dma_start3A_173, %dma_start3A_174] : memref<10000x144xf32, #tpu.memory_space<hbm>> -> memref<10000x144xf32, #tpu.memory_space<hbm>>
    %dma_start3A_176 = tpu.memref_slice %arg10[%dma_start3A_165] : memref<5x!tpu.dma_semaphore, #tpu.memory_space<semaphore_mem>> -> memref<1x!tpu.dma_semaphore, #tpu.memory_space<semaphore_mem>>
    %dma_start3A_177 = tpu.memref_squeeze %dma_start3A_176 : memref<1x!tpu.dma_semaphore, #tpu.memory_space<semaphore_mem>> -> memref<!tpu.dma_semaphore, #tpu.memory_space<semaphore_mem>>
    tpu.enqueue_indirect_dma source(%dma_start3A_175 : memref<10000x144xf32, #tpu.memory_space<hbm>>) target(%dma_start3A_169 : memref<40x144xf32, #tpu.memory_space<vmem>>) offsets(%dma_start3A_172 : memref<40xi32, #tpu.memory_space<vmem>>) semaphore(%dma_start3A_177 : memref<!tpu.dma_semaphore, #tpu.memory_space<semaphore_mem>>)
    %dma_wait3A_178 = arith.constant 0 : i32
    %dma_wait3A_179 = arith.constant 2 : i32
    %dma_wait3A_180 = arith.constant 2 : i32
    %dma_wait3A_181 = arith.constant 0 : i32
    %dma_wait3A_182 = arith.constant 0 : i32
    %dma_wait3A_183 = tpu.memref_slice %arg6[%dma_wait3A_179, %dma_wait3A_181, %dma_wait3A_182] : memref<5x2x40xi32, #tpu.memory_space<vmem>> -> memref<1x2x40xi32, #tpu.memory_space<vmem>>
    %dma_wait3A_184 = tpu.memref_squeeze %dma_wait3A_183 : memref<1x2x40xi32, #tpu.memory_space<vmem>> -> memref<2x40xi32, #tpu.memory_space<vmem>>
    %dma_wait3A_185 = arith.constant 0 : i32
    %dma_wait3A_186 = arith.constant 0 : i32
    %dma_wait3A_187 = tpu.memref_slice %arg3[%add3A, %dma_wait3A_178, %dma_wait3A_185, %dma_wait3A_186] : memref<32x250x2x40xi32, #tpu.memory_space<hbm>> -> memref<1x1x2x40xi32, #tpu.memory_space<hbm>>
    %dma_wait3A_188 = tpu.memref_squeeze %dma_wait3A_187 : memref<1x1x2x40xi32, #tpu.memory_space<hbm>> -> memref<2x40xi32, #tpu.memory_space<hbm>>
    %dma_wait3A_189 = tpu.memref_slice %arg9[%dma_wait3A_180] : memref<5x!tpu.dma_semaphore, #tpu.memory_space<semaphore_mem>> -> memref<1x!tpu.dma_semaphore, #tpu.memory_space<semaphore_mem>>
    %dma_wait3A_190 = tpu.memref_squeeze %dma_wait3A_189 : memref<1x!tpu.dma_semaphore, #tpu.memory_space<semaphore_mem>> -> memref<!tpu.dma_semaphore, #tpu.memory_space<semaphore_mem>>
    %dma_wait3A_191 = arith.constant 0 : i32
    %dma_wait3A_192 = arith.constant 0 : i32
    %dma_wait3A_193 = tpu.memref_slice %arg6[%dma_wait3A_179, %dma_wait3A_191, %dma_wait3A_192] : memref<5x2x40xi32, #tpu.memory_space<vmem>> -> memref<1x2x40xi32, #tpu.memory_space<vmem>>
    %dma_wait3A_194 = tpu.memref_squeeze %dma_wait3A_193 : memref<1x2x40xi32, #tpu.memory_space<vmem>> -> memref<2x40xi32, #tpu.memory_space<vmem>>
    %dma_wait3A_195 = arith.constant 0 : i32
    %dma_wait3A_196 = arith.constant 0 : i32
    %dma_wait3A_197 = tpu.memref_slice %arg3[%add3A, %dma_wait3A_178, %dma_wait3A_195, %dma_wait3A_196] : memref<32x250x2x40xi32, #tpu.memory_space<hbm>> -> memref<1x1x2x40xi32, #tpu.memory_space<hbm>>
    %dma_wait3A_198 = tpu.memref_squeeze %dma_wait3A_197 : memref<1x1x2x40xi32, #tpu.memory_space<hbm>> -> memref<2x40xi32, #tpu.memory_space<hbm>>
    tpu.wait_dma2 semaphore(%dma_wait3A_190 : memref<!tpu.dma_semaphore, #tpu.memory_space<semaphore_mem>>) src(%dma_wait3A_198 : memref<2x40xi32, #tpu.memory_space<hbm>>) dst(%dma_wait3A_194 : memref<2x40xi32, #tpu.memory_space<vmem>>)
    %dma_start3A_199 = arith.constant 2 : i32
    %dma_start3A_200 = arith.constant 0 : i32
    %dma_start3A_201 = arith.constant 2 : i32
    %dma_start3A_202 = arith.constant 2 : i32
    %dma_start3A_203 = arith.constant 0 : i32
    %dma_start3A_204 = arith.constant 0 : i32
    %dma_start3A_205 = tpu.memref_slice %arg7[%dma_start3A_201, %dma_start3A_203, %dma_start3A_204] : memref<5x40x144xf32, #tpu.memory_space<vmem>> -> memref<1x40x144xf32, #tpu.memory_space<vmem>>
    %dma_start3A_206 = tpu.memref_squeeze %dma_start3A_205 : memref<1x40x144xf32, #tpu.memory_space<vmem>> -> memref<40x144xf32, #tpu.memory_space<vmem>>
    %dma_start3A_207 = arith.constant 0 : i32
    %dma_start3A_208 = tpu.memref_slice %arg6[%dma_start3A_199, %dma_start3A_200, %dma_start3A_207] : memref<5x2x40xi32, #tpu.memory_space<vmem>> -> memref<1x1x40xi32, #tpu.memory_space<vmem>>
    %dma_start3A_209 = tpu.memref_squeeze %dma_start3A_208 : memref<1x1x40xi32, #tpu.memory_space<vmem>> -> memref<40xi32, #tpu.memory_space<vmem>>
    %dma_start3A_210 = arith.constant 0 : i32
    %dma_start3A_211 = arith.constant 0 : i32
    %dma_start3A_212 = tpu.memref_slice %arg2[%dma_start3A_210, %dma_start3A_211] : memref<10000x144xf32, #tpu.memory_space<hbm>> -> memref<10000x144xf32, #tpu.memory_space<hbm>>
    %dma_start3A_213 = tpu.memref_slice %arg10[%dma_start3A_202] : memref<5x!tpu.dma_semaphore, #tpu.memory_space<semaphore_mem>> -> memref<1x!tpu.dma_semaphore, #tpu.memory_space<semaphore_mem>>
    %dma_start3A_214 = tpu.memref_squeeze %dma_start3A_213 : memref<1x!tpu.dma_semaphore, #tpu.memory_space<semaphore_mem>> -> memref<!tpu.dma_semaphore, #tpu.memory_space<semaphore_mem>>
    tpu.enqueue_indirect_dma source(%dma_start3A_212 : memref<10000x144xf32, #tpu.memory_space<hbm>>) target(%dma_start3A_206 : memref<40x144xf32, #tpu.memory_space<vmem>>) offsets(%dma_start3A_209 : memref<40xi32, #tpu.memory_space<vmem>>) semaphore(%dma_start3A_214 : memref<!tpu.dma_semaphore, #tpu.memory_space<semaphore_mem>>)
    %dma_wait3A_215 = arith.constant 0 : i32
    %dma_wait3A_216 = arith.constant 3 : i32
    %dma_wait3A_217 = arith.constant 3 : i32
    %dma_wait3A_218 = arith.constant 0 : i32
    %dma_wait3A_219 = arith.constant 0 : i32
    %dma_wait3A_220 = tpu.memref_slice %arg6[%dma_wait3A_216, %dma_wait3A_218, %dma_wait3A_219] : memref<5x2x40xi32, #tpu.memory_space<vmem>> -> memref<1x2x40xi32, #tpu.memory_space<vmem>>
    %dma_wait3A_221 = tpu.memref_squeeze %dma_wait3A_220 : memref<1x2x40xi32, #tpu.memory_space<vmem>> -> memref<2x40xi32, #tpu.memory_space<vmem>>
    %dma_wait3A_222 = arith.constant 0 : i32
    %dma_wait3A_223 = arith.constant 0 : i32
    %dma_wait3A_224 = tpu.memref_slice %arg3[%add3A, %dma_wait3A_215, %dma_wait3A_222, %dma_wait3A_223] : memref<32x250x2x40xi32, #tpu.memory_space<hbm>> -> memref<1x1x2x40xi32, #tpu.memory_space<hbm>>
    %dma_wait3A_225 = tpu.memref_squeeze %dma_wait3A_224 : memref<1x1x2x40xi32, #tpu.memory_space<hbm>> -> memref<2x40xi32, #tpu.memory_space<hbm>>
    %dma_wait3A_226 = tpu.memref_slice %arg9[%dma_wait3A_217] : memref<5x!tpu.dma_semaphore, #tpu.memory_space<semaphore_mem>> -> memref<1x!tpu.dma_semaphore, #tpu.memory_space<semaphore_mem>>
    %dma_wait3A_227 = tpu.memref_squeeze %dma_wait3A_226 : memref<1x!tpu.dma_semaphore, #tpu.memory_space<semaphore_mem>> -> memref<!tpu.dma_semaphore, #tpu.memory_space<semaphore_mem>>
    %dma_wait3A_228 = arith.constant 0 : i32
    %dma_wait3A_229 = arith.constant 0 : i32
    %dma_wait3A_230 = tpu.memref_slice %arg6[%dma_wait3A_216, %dma_wait3A_228, %dma_wait3A_229] : memref<5x2x40xi32, #tpu.memory_space<vmem>> -> memref<1x2x40xi32, #tpu.memory_space<vmem>>
    %dma_wait3A_231 = tpu.memref_squeeze %dma_wait3A_230 : memref<1x2x40xi32, #tpu.memory_space<vmem>> -> memref<2x40xi32, #tpu.memory_space<vmem>>
    %dma_wait3A_232 = arith.constant 0 : i32
    %dma_wait3A_233 = arith.constant 0 : i32
    %dma_wait3A_234 = tpu.memref_slice %arg3[%add3A, %dma_wait3A_215, %dma_wait3A_232, %dma_wait3A_233] : memref<32x250x2x40xi32, #tpu.memory_space<hbm>> -> memref<1x1x2x40xi32, #tpu.memory_space<hbm>>
    %dma_wait3A_235 = tpu.memref_squeeze %dma_wait3A_234 : memref<1x1x2x40xi32, #tpu.memory_space<hbm>> -> memref<2x40xi32, #tpu.memory_space<hbm>>
    tpu.wait_dma2 semaphore(%dma_wait3A_227 : memref<!tpu.dma_semaphore, #tpu.memory_space<semaphore_mem>>) src(%dma_wait3A_235 : memref<2x40xi32, #tpu.memory_space<hbm>>) dst(%dma_wait3A_231 : memref<2x40xi32, #tpu.memory_space<vmem>>)
    %dma_start3A_236 = arith.constant 3 : i32
    %dma_start3A_237 = arith.constant 0 : i32
    %dma_start3A_238 = arith.constant 3 : i32
    %dma_start3A_239 = arith.constant 3 : i32
    %dma_start3A_240 = arith.constant 0 : i32
    %dma_start3A_241 = arith.constant 0 : i32
    %dma_start3A_242 = tpu.memref_slice %arg7[%dma_start3A_238, %dma_start3A_240, %dma_start3A_241] : memref<5x40x144xf32, #tpu.memory_space<vmem>> -> memref<1x40x144xf32, #tpu.memory_space<vmem>>
    %dma_start3A_243 = tpu.memref_squeeze %dma_start3A_242 : memref<1x40x144xf32, #tpu.memory_space<vmem>> -> memref<40x144xf32, #tpu.memory_space<vmem>>
    %dma_start3A_244 = arith.constant 0 : i32
    %dma_start3A_245 = tpu.memref_slice %arg6[%dma_start3A_236, %dma_start3A_237, %dma_start3A_244] : memref<5x2x40xi32, #tpu.memory_space<vmem>> -> memref<1x1x40xi32, #tpu.memory_space<vmem>>
    %dma_start3A_246 = tpu.memref_squeeze %dma_start3A_245 : memref<1x1x40xi32, #tpu.memory_space<vmem>> -> memref<40xi32, #tpu.memory_space<vmem>>
    %dma_start3A_247 = arith.constant 0 : i32
    %dma_start3A_248 = arith.constant 0 : i32
    %dma_start3A_249 = tpu.memref_slice %arg2[%dma_start3A_247, %dma_start3A_248] : memref<10000x144xf32, #tpu.memory_space<hbm>> -> memref<10000x144xf32, #tpu.memory_space<hbm>>
    %dma_start3A_250 = tpu.memref_slice %arg10[%dma_start3A_239] : memref<5x!tpu.dma_semaphore, #tpu.memory_space<semaphore_mem>> -> memref<1x!tpu.dma_semaphore, #tpu.memory_space<semaphore_mem>>
    %dma_start3A_251 = tpu.memref_squeeze %dma_start3A_250 : memref<1x!tpu.dma_semaphore, #tpu.memory_space<semaphore_mem>> -> memref<!tpu.dma_semaphore, #tpu.memory_space<semaphore_mem>>
    tpu.enqueue_indirect_dma source(%dma_start3A_249 : memref<10000x144xf32, #tpu.memory_space<hbm>>) target(%dma_start3A_243 : memref<40x144xf32, #tpu.memory_space<vmem>>) offsets(%dma_start3A_246 : memref<40xi32, #tpu.memory_space<vmem>>) semaphore(%dma_start3A_251 : memref<!tpu.dma_semaphore, #tpu.memory_space<semaphore_mem>>)
    %dma_wait3A_252 = arith.constant 0 : i32
    %dma_wait3A_253 = arith.constant 4 : i32
    %dma_wait3A_254 = arith.constant 4 : i32
    %dma_wait3A_255 = arith.constant 0 : i32
    %dma_wait3A_256 = arith.constant 0 : i32
    %dma_wait3A_257 = tpu.memref_slice %arg6[%dma_wait3A_253, %dma_wait3A_255, %dma_wait3A_256] : memref<5x2x40xi32, #tpu.memory_space<vmem>> -> memref<1x2x40xi32, #tpu.memory_space<vmem>>
    %dma_wait3A_258 = tpu.memref_squeeze %dma_wait3A_257 : memref<1x2x40xi32, #tpu.memory_space<vmem>> -> memref<2x40xi32, #tpu.memory_space<vmem>>
    %dma_wait3A_259 = arith.constant 0 : i32
    %dma_wait3A_260 = arith.constant 0 : i32
    %dma_wait3A_261 = tpu.memref_slice %arg3[%add3A, %dma_wait3A_252, %dma_wait3A_259, %dma_wait3A_260] : memref<32x250x2x40xi32, #tpu.memory_space<hbm>> -> memref<1x1x2x40xi32, #tpu.memory_space<hbm>>
    %dma_wait3A_262 = tpu.memref_squeeze %dma_wait3A_261 : memref<1x1x2x40xi32, #tpu.memory_space<hbm>> -> memref<2x40xi32, #tpu.memory_space<hbm>>
    %dma_wait3A_263 = tpu.memref_slice %arg9[%dma_wait3A_254] : memref<5x!tpu.dma_semaphore, #tpu.memory_space<semaphore_mem>> -> memref<1x!tpu.dma_semaphore, #tpu.memory_space<semaphore_mem>>
    %dma_wait3A_264 = tpu.memref_squeeze %dma_wait3A_263 : memref<1x!tpu.dma_semaphore, #tpu.memory_space<semaphore_mem>> -> memref<!tpu.dma_semaphore, #tpu.memory_space<semaphore_mem>>
    %dma_wait3A_265 = arith.constant 0 : i32
    %dma_wait3A_266 = arith.constant 0 : i32
    %dma_wait3A_267 = tpu.memref_slice %arg6[%dma_wait3A_253, %dma_wait3A_265, %dma_wait3A_266] : memref<5x2x40xi32, #tpu.memory_space<vmem>> -> memref<1x2x40xi32, #tpu.memory_space<vmem>>
    %dma_wait3A_268 = tpu.memref_squeeze %dma_wait3A_267 : memref<1x2x40xi32, #tpu.memory_space<vmem>> -> memref<2x40xi32, #tpu.memory_space<vmem>>
    %dma_wait3A_269 = arith.constant 0 : i32
    %dma_wait3A_270 = arith.constant 0 : i32
    %dma_wait3A_271 = tpu.memref_slice %arg3[%add3A, %dma_wait3A_252, %dma_wait3A_269, %dma_wait3A_270] : memref<32x250x2x40xi32, #tpu.memory_space<hbm>> -> memref<1x1x2x40xi32, #tpu.memory_space<hbm>>
    %dma_wait3A_272 = tpu.memref_squeeze %dma_wait3A_271 : memref<1x1x2x40xi32, #tpu.memory_space<hbm>> -> memref<2x40xi32, #tpu.memory_space<hbm>>
    tpu.wait_dma2 semaphore(%dma_wait3A_264 : memref<!tpu.dma_semaphore, #tpu.memory_space<semaphore_mem>>) src(%dma_wait3A_272 : memref<2x40xi32, #tpu.memory_space<hbm>>) dst(%dma_wait3A_268 : memref<2x40xi32, #tpu.memory_space<vmem>>)
    %dma_start3A_273 = arith.constant 4 : i32
    %dma_start3A_274 = arith.constant 0 : i32
    %dma_start3A_275 = arith.constant 4 : i32
    %dma_start3A_276 = arith.constant 4 : i32
    %dma_start3A_277 = arith.constant 0 : i32
    %dma_start3A_278 = arith.constant 0 : i32
    %dma_start3A_279 = tpu.memref_slice %arg7[%dma_start3A_275, %dma_start3A_277, %dma_start3A_278] : memref<5x40x144xf32, #tpu.memory_space<vmem>> -> memref<1x40x144xf32, #tpu.memory_space<vmem>>
    %dma_start3A_280 = tpu.memref_squeeze %dma_start3A_279 : memref<1x40x144xf32, #tpu.memory_space<vmem>> -> memref<40x144xf32, #tpu.memory_space<vmem>>
    %dma_start3A_281 = arith.constant 0 : i32
    %dma_start3A_282 = tpu.memref_slice %arg6[%dma_start3A_273, %dma_start3A_274, %dma_start3A_281] : memref<5x2x40xi32, #tpu.memory_space<vmem>> -> memref<1x1x40xi32, #tpu.memory_space<vmem>>
    %dma_start3A_283 = tpu.memref_squeeze %dma_start3A_282 : memref<1x1x40xi32, #tpu.memory_space<vmem>> -> memref<40xi32, #tpu.memory_space<vmem>>
    %dma_start3A_284 = arith.constant 0 : i32
    %dma_start3A_285 = arith.constant 0 : i32
    %dma_start3A_286 = tpu.memref_slice %arg2[%dma_start3A_284, %dma_start3A_285] : memref<10000x144xf32, #tpu.memory_space<hbm>> -> memref<10000x144xf32, #tpu.memory_space<hbm>>
    %dma_start3A_287 = tpu.memref_slice %arg10[%dma_start3A_276] : memref<5x!tpu.dma_semaphore, #tpu.memory_space<semaphore_mem>> -> memref<1x!tpu.dma_semaphore, #tpu.memory_space<semaphore_mem>>
    %dma_start3A_288 = tpu.memref_squeeze %dma_start3A_287 : memref<1x!tpu.dma_semaphore, #tpu.memory_space<semaphore_mem>> -> memref<!tpu.dma_semaphore, #tpu.memory_space<semaphore_mem>>
    tpu.enqueue_indirect_dma source(%dma_start3A_286 : memref<10000x144xf32, #tpu.memory_space<hbm>>) target(%dma_start3A_280 : memref<40x144xf32, #tpu.memory_space<vmem>>) offsets(%dma_start3A_283 : memref<40xi32, #tpu.memory_space<vmem>>) semaphore(%dma_start3A_288 : memref<!tpu.dma_semaphore, #tpu.memory_space<semaphore_mem>>)
    %mul3A_289 = arith.constant 640 : i32
    %mul3A_290 = arith.muli %arg1, %mul3A_289 : i32
    %mul3A_291 = arith.constant 640 : i32
    %mul3A_292 = arith.muli %arg1, %mul3A_291 : i32
    "tpu.region"() ({
      %run_scoped3A_407 = tpu.sem_alloc : memref<!tpu.dma_semaphore, #tpu.memory_space<semaphore_mem>>
      %dma_start3A_408 = arith.constant 0 : i32
      %dma_start3A_409 = tpu.memref_slice %arg8[%mul3A_292, %dma_start3A_408] : memref<10240x144xf32, #tpu.memory_space<vmem_shared>> -> memref<640x144xf32, #tpu.memory_space<vmem_shared>>
      %dma_start3A_410 = arith.constant 0 : i32
      %dma_start3A_411 = tpu.memref_slice %arg4[%mul3A_290, %dma_start3A_410] : memref<10240x144xf32, #tpu.memory_space<hbm>> -> memref<640x144xf32, #tpu.memory_space<hbm>>
      tpu.enqueue_dma source(%dma_start3A_411 : memref<640x144xf32, #tpu.memory_space<hbm>>) target(%dma_start3A_409 : memref<640x144xf32, #tpu.memory_space<vmem_shared>>) target_semaphore(%run_scoped3A_407 : memref<!tpu.dma_semaphore, #tpu.memory_space<semaphore_mem>>)
      %dma_wait3A_412 = arith.constant 0 : i32
      %dma_wait3A_413 = tpu.memref_slice %arg8[%mul3A_292, %dma_wait3A_412] : memref<10240x144xf32, #tpu.memory_space<vmem_shared>> -> memref<640x144xf32, #tpu.memory_space<vmem_shared>>
      %dma_wait3A_414 = arith.constant 0 : i32
      %dma_wait3A_415 = tpu.memref_slice %arg4[%mul3A_290, %dma_wait3A_414] : memref<10240x144xf32, #tpu.memory_space<hbm>> -> memref<640x144xf32, #tpu.memory_space<hbm>>
      tpu.wait_dma2 semaphore(%run_scoped3A_407 : memref<!tpu.dma_semaphore, #tpu.memory_space<semaphore_mem>>) src(%dma_wait3A_415 : memref<640x144xf32, #tpu.memory_space<hbm>>) dst(%dma_wait3A_413 : memref<640x144xf32, #tpu.memory_space<vmem_shared>>)
      tpu.yield
    }) : () -> ()
    %barrier3A = arith.constant 0 : index
    tpu.barrier barrier_id(%barrier3A)
    %scan3A = arith.constant 0 : i32
    %scan3A_293 = arith.constant 0 : i32
    %scan3A_294 = arith.constant 49 : i32
    %scan3A_295 = arith.addi %scan3A_293, %scan3A_294 : i32
    %scan3A_296 = arith.constant 1 : i32
    scf.for %scan3A_407 = %scan3A_293 to %scan3A_295 step %scan3A_296  : i32 {
      %mul3A_408 = arith.constant 5 : i32
      %mul3A_409 = arith.muli %scan3A_407, %mul3A_408 : i32
      %add3A_410 = arith.constant 0 : i32
      %add3A_411 = arith.addi %mul3A_409, %add3A_410 : i32
      %dma_wait3A_412 = arith.constant 0 : i32
      %dma_wait3A_413 = arith.constant 0 : i32
      %dma_wait3A_414 = arith.constant 0 : i32
      %dma_wait3A_415 = arith.constant 0 : i32
      %dma_wait3A_416 = tpu.memref_slice %arg7[%dma_wait3A_412, %dma_wait3A_414, %dma_wait3A_415] : memref<5x40x144xf32, #tpu.memory_space<vmem>> -> memref<1x40x144xf32, #tpu.memory_space<vmem>>
      %dma_wait3A_417 = tpu.memref_squeeze %dma_wait3A_416 : memref<1x40x144xf32, #tpu.memory_space<vmem>> -> memref<40x144xf32, #tpu.memory_space<vmem>>
      %dma_wait3A_418 = arith.constant 0 : i32
      %dma_wait3A_419 = arith.constant 0 : i32
      %dma_wait3A_420 = tpu.memref_slice %arg2[%dma_wait3A_418, %dma_wait3A_419] : memref<10000x144xf32, #tpu.memory_space<hbm>> -> memref<40x144xf32, #tpu.memory_space<hbm>>
      %dma_wait3A_421 = tpu.memref_slice %arg10[%dma_wait3A_413] : memref<5x!tpu.dma_semaphore, #tpu.memory_space<semaphore_mem>> -> memref<1x!tpu.dma_semaphore, #tpu.memory_space<semaphore_mem>>
      %dma_wait3A_422 = tpu.memref_squeeze %dma_wait3A_421 : memref<1x!tpu.dma_semaphore, #tpu.memory_space<semaphore_mem>> -> memref<!tpu.dma_semaphore, #tpu.memory_space<semaphore_mem>>
      %dma_wait3A_423 = arith.constant 0 : i32
      %dma_wait3A_424 = arith.constant 0 : i32
      %dma_wait3A_425 = tpu.memref_slice %arg7[%dma_wait3A_412, %dma_wait3A_423, %dma_wait3A_424] : memref<5x40x144xf32, #tpu.memory_space<vmem>> -> memref<1x40x144xf32, #tpu.memory_space<vmem>>
      %dma_wait3A_426 = tpu.memref_squeeze %dma_wait3A_425 : memref<1x40x144xf32, #tpu.memory_space<vmem>> -> memref<40x144xf32, #tpu.memory_space<vmem>>
      %dma_wait3A_427 = arith.constant 0 : i32
      %dma_wait3A_428 = arith.constant 0 : i32
      %dma_wait3A_429 = tpu.memref_slice %arg2[%dma_wait3A_427, %dma_wait3A_428] : memref<10000x144xf32, #tpu.memory_space<hbm>> -> memref<40x144xf32, #tpu.memory_space<hbm>>
      tpu.wait_dma2 semaphore(%dma_wait3A_422 : memref<!tpu.dma_semaphore, #tpu.memory_space<semaphore_mem>>) src(%dma_wait3A_429 : memref<40x144xf32, #tpu.memory_space<hbm>>) dst(%dma_wait3A_426 : memref<40x144xf32, #tpu.memory_space<vmem>>)
      %run_scoped3A_430 = arith.constant 0 : i32
      %run_scoped3A_431 = arith.constant 0 : i32
      %run_scoped3A_432 = arith.constant 1 : i32
      "tpu.region"() ({
        %run_scoped3A_828 = tpu.sem_alloc : memref<!tpu.dma_semaphore, #tpu.memory_space<semaphore_mem>>
        %dma_start3A_829 = arith.constant 0 : i32
        %dma_start3A_830 = arith.constant 0 : i32
        %dma_start3A_831 = tpu.memref_slice %arg7[%run_scoped3A_430, %dma_start3A_829, %dma_start3A_830] : memref<5x40x144xf32, #tpu.memory_space<vmem>> -> memref<1x40x144xf32, #tpu.memory_space<vmem>>
        %dma_start3A_832 = tpu.memref_squeeze %dma_start3A_831 : memref<1x40x144xf32, #tpu.memory_space<vmem>> -> memref<40x144xf32, #tpu.memory_space<vmem>>
        %dma_start3A_833 = arith.constant 0 : i32
        %dma_start3A_834 = tpu.memref_slice %arg6[%run_scoped3A_431, %run_scoped3A_432, %dma_start3A_833] : memref<5x2x40xi32, #tpu.memory_space<vmem>> -> memref<1x1x40xi32, #tpu.memory_space<vmem>>
        %dma_start3A_835 = tpu.memref_squeeze %dma_start3A_834 : memref<1x1x40xi32, #tpu.memory_space<vmem>> -> memref<40xi32, #tpu.memory_space<vmem>>
        %dma_start3A_836 = arith.constant 0 : i32
        %dma_start3A_837 = arith.constant 0 : i32
        %dma_start3A_838 = tpu.memref_slice %arg8[%dma_start3A_836, %dma_start3A_837] : memref<10240x144xf32, #tpu.memory_space<vmem_shared>> -> memref<10240x144xf32, #tpu.memory_space<vmem_shared>>
        tpu.enqueue_indirect_dma source(%dma_start3A_832 : memref<40x144xf32, #tpu.memory_space<vmem>>) target(%dma_start3A_838 : memref<10240x144xf32, #tpu.memory_space<vmem_shared>>) offsets(%dma_start3A_835 : memref<40xi32, #tpu.memory_space<vmem>>) semaphore(%run_scoped3A_828 : memref<!tpu.dma_semaphore, #tpu.memory_space<semaphore_mem>>) {add = true}
        %dma_wait3A_839 = arith.constant 0 : i32
        %dma_wait3A_840 = arith.constant 0 : i32
        %dma_wait3A_841 = tpu.memref_slice %arg7[%run_scoped3A_430, %dma_wait3A_839, %dma_wait3A_840] : memref<5x40x144xf32, #tpu.memory_space<vmem>> -> memref<1x40x144xf32, #tpu.memory_space<vmem>>
        %dma_wait3A_842 = tpu.memref_squeeze %dma_wait3A_841 : memref<1x40x144xf32, #tpu.memory_space<vmem>> -> memref<40x144xf32, #tpu.memory_space<vmem>>
        %dma_wait3A_843 = arith.constant 0 : i32
        %dma_wait3A_844 = tpu.memref_slice %arg6[%run_scoped3A_431, %run_scoped3A_432, %dma_wait3A_843] : memref<5x2x40xi32, #tpu.memory_space<vmem>> -> memref<1x1x40xi32, #tpu.memory_space<vmem>>
        %dma_wait3A_845 = tpu.memref_squeeze %dma_wait3A_844 : memref<1x1x40xi32, #tpu.memory_space<vmem>> -> memref<40xi32, #tpu.memory_space<vmem>>
        %dma_wait3A_846 = arith.constant 0 : i32
        %dma_wait3A_847 = arith.constant 0 : i32
        %dma_wait3A_848 = tpu.memref_slice %arg8[%dma_wait3A_846, %dma_wait3A_847] : memref<10240x144xf32, #tpu.memory_space<vmem_shared>> -> memref<10240x144xf32, #tpu.memory_space<vmem_shared>>
        tpu.wait_indirect_dma semaphore(%run_scoped3A_828 : memref<!tpu.dma_semaphore, #tpu.memory_space<semaphore_mem>>) src(%dma_wait3A_842 : memref<40x144xf32, #tpu.memory_space<vmem>>) dst(%dma_wait3A_848 : memref<10240x144xf32, #tpu.memory_space<vmem_shared>>)
        tpu.yield
      }) : () -> ()
      %add3A_433 = arith.constant 5 : i32
      %add3A_434 = arith.addi %add3A_411, %add3A_433 : i32
      %dma_start3A_435 = arith.constant 0 : i32
      %dma_start3A_436 = arith.constant 0 : i32
      %dma_start3A_437 = arith.constant 0 : i32
      %dma_start3A_438 = arith.constant 0 : i32
      %dma_start3A_439 = tpu.memref_slice %arg6[%dma_start3A_435, %dma_start3A_437, %dma_start3A_438] : memref<5x2x40xi32, #tpu.memory_space<vmem>> -> memref<1x2x40xi32, #tpu.memory_space<vmem>>
      %dma_start3A_440 = tpu.memref_squeeze %dma_start3A_439 : memref<1x2x40xi32, #tpu.memory_space<vmem>> -> memref<2x40xi32, #tpu.memory_space<vmem>>
      %dma_start3A_441 = arith.constant 0 : i32
      %dma_start3A_442 = arith.constant 0 : i32
      %dma_start3A_443 = tpu.memref_slice %arg3[%add3A, %add3A_434, %dma_start3A_441, %dma_start3A_442] : memref<32x250x2x40xi32, #tpu.memory_space<hbm>> -> memref<1x1x2x40xi32, #tpu.memory_space<hbm>>
      %dma_start3A_444 = tpu.memref_squeeze %dma_start3A_443 : memref<1x1x2x40xi32, #tpu.memory_space<hbm>> -> memref<2x40xi32, #tpu.memory_space<hbm>>
      %dma_start3A_445 = tpu.memref_slice %arg9[%dma_start3A_436] : memref<5x!tpu.dma_semaphore, #tpu.memory_space<semaphore_mem>> -> memref<1x!tpu.dma_semaphore, #tpu.memory_space<semaphore_mem>>
      %dma_start3A_446 = tpu.memref_squeeze %dma_start3A_445 : memref<1x!tpu.dma_semaphore, #tpu.memory_space<semaphore_mem>> -> memref<!tpu.dma_semaphore, #tpu.memory_space<semaphore_mem>>
      %dma_start3A_447 = arith.constant 0 : i32
      %dma_start3A_448 = arith.constant 0 : i32
      %dma_start3A_449 = tpu.memref_slice %arg6[%dma_start3A_435, %dma_start3A_447, %dma_start3A_448] : memref<5x2x40xi32, #tpu.memory_space<vmem>> -> memref<1x2x40xi32, #tpu.memory_space<vmem>>
      %dma_start3A_450 = tpu.memref_squeeze %dma_start3A_449 : memref<1x2x40xi32, #tpu.memory_space<vmem>> -> memref<2x40xi32, #tpu.memory_space<vmem>>
      %dma_start3A_451 = arith.constant 0 : i32
      %dma_start3A_452 = arith.constant 0 : i32
      %dma_start3A_453 = tpu.memref_slice %arg3[%add3A, %add3A_434, %dma_start3A_451, %dma_start3A_452] : memref<32x250x2x40xi32, #tpu.memory_space<hbm>> -> memref<1x1x2x40xi32, #tpu.memory_space<hbm>>
      %dma_start3A_454 = tpu.memref_squeeze %dma_start3A_453 : memref<1x1x2x40xi32, #tpu.memory_space<hbm>> -> memref<2x40xi32, #tpu.memory_space<hbm>>
      tpu.enqueue_dma source(%dma_start3A_454 : memref<2x40xi32, #tpu.memory_space<hbm>>) target(%dma_start3A_450 : memref<2x40xi32, #tpu.memory_space<vmem>>) target_semaphore(%dma_start3A_446 : memref<!tpu.dma_semaphore, #tpu.memory_space<semaphore_mem>>)
      %dma_wait3A_455 = arith.constant 0 : i32
      %dma_wait3A_456 = arith.constant 0 : i32
      %dma_wait3A_457 = arith.constant 0 : i32
      %dma_wait3A_458 = arith.constant 0 : i32
      %dma_wait3A_459 = arith.constant 0 : i32
      %dma_wait3A_460 = tpu.memref_slice %arg6[%dma_wait3A_456, %dma_wait3A_458, %dma_wait3A_459] : memref<5x2x40xi32, #tpu.memory_space<vmem>> -> memref<1x2x40xi32, #tpu.memory_space<vmem>>
      %dma_wait3A_461 = tpu.memref_squeeze %dma_wait3A_460 : memref<1x2x40xi32, #tpu.memory_space<vmem>> -> memref<2x40xi32, #tpu.memory_space<vmem>>
      %dma_wait3A_462 = arith.constant 0 : i32
      %dma_wait3A_463 = arith.constant 0 : i32
      %dma_wait3A_464 = tpu.memref_slice %arg3[%add3A, %dma_wait3A_455, %dma_wait3A_462, %dma_wait3A_463] : memref<32x250x2x40xi32, #tpu.memory_space<hbm>> -> memref<1x1x2x40xi32, #tpu.memory_space<hbm>>
      %dma_wait3A_465 = tpu.memref_squeeze %dma_wait3A_464 : memref<1x1x2x40xi32, #tpu.memory_space<hbm>> -> memref<2x40xi32, #tpu.memory_space<hbm>>
      %dma_wait3A_466 = tpu.memref_slice %arg9[%dma_wait3A_457] : memref<5x!tpu.dma_semaphore, #tpu.memory_space<semaphore_mem>> -> memref<1x!tpu.dma_semaphore, #tpu.memory_space<semaphore_mem>>
      %dma_wait3A_467 = tpu.memref_squeeze %dma_wait3A_466 : memref<1x!tpu.dma_semaphore, #tpu.memory_space<semaphore_mem>> -> memref<!tpu.dma_semaphore, #tpu.memory_space<semaphore_mem>>
      %dma_wait3A_468 = arith.constant 0 : i32
      %dma_wait3A_469 = arith.constant 0 : i32
      %dma_wait3A_470 = tpu.memref_slice %arg6[%dma_wait3A_456, %dma_wait3A_468, %dma_wait3A_469] : memref<5x2x40xi32, #tpu.memory_space<vmem>> -> memref<1x2x40xi32, #tpu.memory_space<vmem>>
      %dma_wait3A_471 = tpu.memref_squeeze %dma_wait3A_470 : memref<1x2x40xi32, #tpu.memory_space<vmem>> -> memref<2x40xi32, #tpu.memory_space<vmem>>
      %dma_wait3A_472 = arith.constant 0 : i32
      %dma_wait3A_473 = arith.constant 0 : i32
      %dma_wait3A_474 = tpu.memref_slice %arg3[%add3A, %dma_wait3A_455, %dma_wait3A_472, %dma_wait3A_473] : memref<32x250x2x40xi32, #tpu.memory_space<hbm>> -> memref<1x1x2x40xi32, #tpu.memory_space<hbm>>
      %dma_wait3A_475 = tpu.memref_squeeze %dma_wait3A_474 : memref<1x1x2x40xi32, #tpu.memory_space<hbm>> -> memref<2x40xi32, #tpu.memory_space<hbm>>
      tpu.wait_dma2 semaphore(%dma_wait3A_467 : memref<!tpu.dma_semaphore, #tpu.memory_space<semaphore_mem>>) src(%dma_wait3A_475 : memref<2x40xi32, #tpu.memory_space<hbm>>) dst(%dma_wait3A_471 : memref<2x40xi32, #tpu.memory_space<vmem>>)
      %dma_start3A_476 = arith.constant 0 : i32
      %dma_start3A_477 = arith.constant 0 : i32
      %dma_start3A_478 = arith.constant 0 : i32
      %dma_start3A_479 = arith.constant 0 : i32
      %dma_start3A_480 = arith.constant 0 : i32
      %dma_start3A_481 = arith.constant 0 : i32
      %dma_start3A_482 = tpu.memref_slice %arg7[%dma_start3A_478, %dma_start3A_480, %dma_start3A_481] : memref<5x40x144xf32, #tpu.memory_space<vmem>> -> memref<1x40x144xf32, #tpu.memory_space<vmem>>
      %dma_start3A_483 = tpu.memref_squeeze %dma_start3A_482 : memref<1x40x144xf32, #tpu.memory_space<vmem>> -> memref<40x144xf32, #tpu.memory_space<vmem>>
      %dma_start3A_484 = arith.constant 0 : i32
      %dma_start3A_485 = tpu.memref_slice %arg6[%dma_start3A_476, %dma_start3A_477, %dma_start3A_484] : memref<5x2x40xi32, #tpu.memory_space<vmem>> -> memref<1x1x40xi32, #tpu.memory_space<vmem>>
      %dma_start3A_486 = tpu.memref_squeeze %dma_start3A_485 : memref<1x1x40xi32, #tpu.memory_space<vmem>> -> memref<40xi32, #tpu.memory_space<vmem>>
      %dma_start3A_487 = arith.constant 0 : i32
      %dma_start3A_488 = arith.constant 0 : i32
      %dma_start3A_489 = tpu.memref_slice %arg2[%dma_start3A_487, %dma_start3A_488] : memref<10000x144xf32, #tpu.memory_space<hbm>> -> memref<10000x144xf32, #tpu.memory_space<hbm>>
      %dma_start3A_490 = tpu.memref_slice %arg10[%dma_start3A_479] : memref<5x!tpu.dma_semaphore, #tpu.memory_space<semaphore_mem>> -> memref<1x!tpu.dma_semaphore, #tpu.memory_space<semaphore_mem>>
      %dma_start3A_491 = tpu.memref_squeeze %dma_start3A_490 : memref<1x!tpu.dma_semaphore, #tpu.memory_space<semaphore_mem>> -> memref<!tpu.dma_semaphore, #tpu.memory_space<semaphore_mem>>
      tpu.enqueue_indirect_dma source(%dma_start3A_489 : memref<10000x144xf32, #tpu.memory_space<hbm>>) target(%dma_start3A_483 : memref<40x144xf32, #tpu.memory_space<vmem>>) offsets(%dma_start3A_486 : memref<40xi32, #tpu.memory_space<vmem>>) semaphore(%dma_start3A_491 : memref<!tpu.dma_semaphore, #tpu.memory_space<semaphore_mem>>)
      %mul3A_492 = arith.constant 5 : i32
      %mul3A_493 = arith.muli %scan3A_407, %mul3A_492 : i32
      %add3A_494 = arith.constant 1 : i32
      %add3A_495 = arith.addi %mul3A_493, %add3A_494 : i32
      %dma_wait3A_496 = arith.constant 1 : i32
      %dma_wait3A_497 = arith.constant 1 : i32
      %dma_wait3A_498 = arith.constant 0 : i32
      %dma_wait3A_499 = arith.constant 0 : i32
      %dma_wait3A_500 = tpu.memref_slice %arg7[%dma_wait3A_496, %dma_wait3A_498, %dma_wait3A_499] : memref<5x40x144xf32, #tpu.memory_space<vmem>> -> memref<1x40x144xf32, #tpu.memory_space<vmem>>
      %dma_wait3A_501 = tpu.memref_squeeze %dma_wait3A_500 : memref<1x40x144xf32, #tpu.memory_space<vmem>> -> memref<40x144xf32, #tpu.memory_space<vmem>>
      %dma_wait3A_502 = arith.constant 0 : i32
      %dma_wait3A_503 = arith.constant 0 : i32
      %dma_wait3A_504 = tpu.memref_slice %arg2[%dma_wait3A_502, %dma_wait3A_503] : memref<10000x144xf32, #tpu.memory_space<hbm>> -> memref<40x144xf32, #tpu.memory_space<hbm>>
      %dma_wait3A_505 = tpu.memref_slice %arg10[%dma_wait3A_497] : memref<5x!tpu.dma_semaphore, #tpu.memory_space<semaphore_mem>> -> memref<1x!tpu.dma_semaphore, #tpu.memory_space<semaphore_mem>>
      %dma_wait3A_506 = tpu.memref_squeeze %dma_wait3A_505 : memref<1x!tpu.dma_semaphore, #tpu.memory_space<semaphore_mem>> -> memref<!tpu.dma_semaphore, #tpu.memory_space<semaphore_mem>>
      %dma_wait3A_507 = arith.constant 0 : i32
      %dma_wait3A_508 = arith.constant 0 : i32
      %dma_wait3A_509 = tpu.memref_slice %arg7[%dma_wait3A_496, %dma_wait3A_507, %dma_wait3A_508] : memref<5x40x144xf32, #tpu.memory_space<vmem>> -> memref<1x40x144xf32, #tpu.memory_space<vmem>>
      %dma_wait3A_510 = tpu.memref_squeeze %dma_wait3A_509 : memref<1x40x144xf32, #tpu.memory_space<vmem>> -> memref<40x144xf32, #tpu.memory_space<vmem>>
      %dma_wait3A_511 = arith.constant 0 : i32
      %dma_wait3A_512 = arith.constant 0 : i32
      %dma_wait3A_513 = tpu.memref_slice %arg2[%dma_wait3A_511, %dma_wait3A_512] : memref<10000x144xf32, #tpu.memory_space<hbm>> -> memref<40x144xf32, #tpu.memory_space<hbm>>
      tpu.wait_dma2 semaphore(%dma_wait3A_506 : memref<!tpu.dma_semaphore, #tpu.memory_space<semaphore_mem>>) src(%dma_wait3A_513 : memref<40x144xf32, #tpu.memory_space<hbm>>) dst(%dma_wait3A_510 : memref<40x144xf32, #tpu.memory_space<vmem>>)
      %run_scoped3A_514 = arith.constant 1 : i32
      %run_scoped3A_515 = arith.constant 1 : i32
      %run_scoped3A_516 = arith.constant 1 : i32
      "tpu.region"() ({
        %run_scoped3A_828 = tpu.sem_alloc : memref<!tpu.dma_semaphore, #tpu.memory_space<semaphore_mem>>
        %dma_start3A_829 = arith.constant 0 : i32
        %dma_start3A_830 = arith.constant 0 : i32
        %dma_start3A_831 = tpu.memref_slice %arg7[%run_scoped3A_514, %dma_start3A_829, %dma_start3A_830] : memref<5x40x144xf32, #tpu.memory_space<vmem>> -> memref<1x40x144xf32, #tpu.memory_space<vmem>>
        %dma_start3A_832 = tpu.memref_squeeze %dma_start3A_831 : memref<1x40x144xf32, #tpu.memory_space<vmem>> -> memref<40x144xf32, #tpu.memory_space<vmem>>
        %dma_start3A_833 = arith.constant 0 : i32
        %dma_start3A_834 = tpu.memref_slice %arg6[%run_scoped3A_515, %run_scoped3A_516, %dma_start3A_833] : memref<5x2x40xi32, #tpu.memory_space<vmem>> -> memref<1x1x40xi32, #tpu.memory_space<vmem>>
        %dma_start3A_835 = tpu.memref_squeeze %dma_start3A_834 : memref<1x1x40xi32, #tpu.memory_space<vmem>> -> memref<40xi32, #tpu.memory_space<vmem>>
        %dma_start3A_836 = arith.constant 0 : i32
        %dma_start3A_837 = arith.constant 0 : i32
        %dma_start3A_838 = tpu.memref_slice %arg8[%dma_start3A_836, %dma_start3A_837] : memref<10240x144xf32, #tpu.memory_space<vmem_shared>> -> memref<10240x144xf32, #tpu.memory_space<vmem_shared>>
        tpu.enqueue_indirect_dma source(%dma_start3A_832 : memref<40x144xf32, #tpu.memory_space<vmem>>) target(%dma_start3A_838 : memref<10240x144xf32, #tpu.memory_space<vmem_shared>>) offsets(%dma_start3A_835 : memref<40xi32, #tpu.memory_space<vmem>>) semaphore(%run_scoped3A_828 : memref<!tpu.dma_semaphore, #tpu.memory_space<semaphore_mem>>) {add = true}
        %dma_wait3A_839 = arith.constant 0 : i32
        %dma_wait3A_840 = arith.constant 0 : i32
        %dma_wait3A_841 = tpu.memref_slice %arg7[%run_scoped3A_514, %dma_wait3A_839, %dma_wait3A_840] : memref<5x40x144xf32, #tpu.memory_space<vmem>> -> memref<1x40x144xf32, #tpu.memory_space<vmem>>
        %dma_wait3A_842 = tpu.memref_squeeze %dma_wait3A_841 : memref<1x40x144xf32, #tpu.memory_space<vmem>> -> memref<40x144xf32, #tpu.memory_space<vmem>>
        %dma_wait3A_843 = arith.constant 0 : i32
        %dma_wait3A_844 = tpu.memref_slice %arg6[%run_scoped3A_515, %run_scoped3A_516, %dma_wait3A_843] : memref<5x2x40xi32, #tpu.memory_space<vmem>> -> memref<1x1x40xi32, #tpu.memory_space<vmem>>
        %dma_wait3A_845 = tpu.memref_squeeze %dma_wait3A_844 : memref<1x1x40xi32, #tpu.memory_space<vmem>> -> memref<40xi32, #tpu.memory_space<vmem>>
        %dma_wait3A_846 = arith.constant 0 : i32
        %dma_wait3A_847 = arith.constant 0 : i32
        %dma_wait3A_848 = tpu.memref_slice %arg8[%dma_wait3A_846, %dma_wait3A_847] : memref<10240x144xf32, #tpu.memory_space<vmem_shared>> -> memref<10240x144xf32, #tpu.memory_space<vmem_shared>>
        tpu.wait_indirect_dma semaphore(%run_scoped3A_828 : memref<!tpu.dma_semaphore, #tpu.memory_space<semaphore_mem>>) src(%dma_wait3A_842 : memref<40x144xf32, #tpu.memory_space<vmem>>) dst(%dma_wait3A_848 : memref<10240x144xf32, #tpu.memory_space<vmem_shared>>)
        tpu.yield
      }) : () -> ()
      %add3A_517 = arith.constant 5 : i32
      %add3A_518 = arith.addi %add3A_495, %add3A_517 : i32
      %dma_start3A_519 = arith.constant 1 : i32
      %dma_start3A_520 = arith.constant 1 : i32
      %dma_start3A_521 = arith.constant 0 : i32
      %dma_start3A_522 = arith.constant 0 : i32
      %dma_start3A_523 = tpu.memref_slice %arg6[%dma_start3A_519, %dma_start3A_521, %dma_start3A_522] : memref<5x2x40xi32, #tpu.memory_space<vmem>> -> memref<1x2x40xi32, #tpu.memory_space<vmem>>
      %dma_start3A_524 = tpu.memref_squeeze %dma_start3A_523 : memref<1x2x40xi32, #tpu.memory_space<vmem>> -> memref<2x40xi32, #tpu.memory_space<vmem>>
      %dma_start3A_525 = arith.constant 0 : i32
      %dma_start3A_526 = arith.constant 0 : i32
      %dma_start3A_527 = tpu.memref_slice %arg3[%add3A, %add3A_518, %dma_start3A_525, %dma_start3A_526] : memref<32x250x2x40xi32, #tpu.memory_space<hbm>> -> memref<1x1x2x40xi32, #tpu.memory_space<hbm>>
      %dma_start3A_528 = tpu.memref_squeeze %dma_start3A_527 : memref<1x1x2x40xi32, #tpu.memory_space<hbm>> -> memref<2x40xi32, #tpu.memory_space<hbm>>
      %dma_start3A_529 = tpu.memref_slice %arg9[%dma_start3A_520] : memref<5x!tpu.dma_semaphore, #tpu.memory_space<semaphore_mem>> -> memref<1x!tpu.dma_semaphore, #tpu.memory_space<semaphore_mem>>
      %dma_start3A_530 = tpu.memref_squeeze %dma_start3A_529 : memref<1x!tpu.dma_semaphore, #tpu.memory_space<semaphore_mem>> -> memref<!tpu.dma_semaphore, #tpu.memory_space<semaphore_mem>>
      %dma_start3A_531 = arith.constant 0 : i32
      %dma_start3A_532 = arith.constant 0 : i32
      %dma_start3A_533 = tpu.memref_slice %arg6[%dma_start3A_519, %dma_start3A_531, %dma_start3A_532] : memref<5x2x40xi32, #tpu.memory_space<vmem>> -> memref<1x2x40xi32, #tpu.memory_space<vmem>>
      %dma_start3A_534 = tpu.memref_squeeze %dma_start3A_533 : memref<1x2x40xi32, #tpu.memory_space<vmem>> -> memref<2x40xi32, #tpu.memory_space<vmem>>
      %dma_start3A_535 = arith.constant 0 : i32
      %dma_start3A_536 = arith.constant 0 : i32
      %dma_start3A_537 = tpu.memref_slice %arg3[%add3A, %add3A_518, %dma_start3A_535, %dma_start3A_536] : memref<32x250x2x40xi32, #tpu.memory_space<hbm>> -> memref<1x1x2x40xi32, #tpu.memory_space<hbm>>
      %dma_start3A_538 = tpu.memref_squeeze %dma_start3A_537 : memref<1x1x2x40xi32, #tpu.memory_space<hbm>> -> memref<2x40xi32, #tpu.memory_space<hbm>>
      tpu.enqueue_dma source(%dma_start3A_538 : memref<2x40xi32, #tpu.memory_space<hbm>>) target(%dma_start3A_534 : memref<2x40xi32, #tpu.memory_space<vmem>>) target_semaphore(%dma_start3A_530 : memref<!tpu.dma_semaphore, #tpu.memory_space<semaphore_mem>>)
      %dma_wait3A_539 = arith.constant 0 : i32
      %dma_wait3A_540 = arith.constant 1 : i32
      %dma_wait3A_541 = arith.constant 1 : i32
      %dma_wait3A_542 = arith.constant 0 : i32
      %dma_wait3A_543 = arith.constant 0 : i32
      %dma_wait3A_544 = tpu.memref_slice %arg6[%dma_wait3A_540, %dma_wait3A_542, %dma_wait3A_543] : memref<5x2x40xi32, #tpu.memory_space<vmem>> -> memref<1x2x40xi32, #tpu.memory_space<vmem>>
      %dma_wait3A_545 = tpu.memref_squeeze %dma_wait3A_544 : memref<1x2x40xi32, #tpu.memory_space<vmem>> -> memref<2x40xi32, #tpu.memory_space<vmem>>
      %dma_wait3A_546 = arith.constant 0 : i32
      %dma_wait3A_547 = arith.constant 0 : i32
      %dma_wait3A_548 = tpu.memref_slice %arg3[%add3A, %dma_wait3A_539, %dma_wait3A_546, %dma_wait3A_547] : memref<32x250x2x40xi32, #tpu.memory_space<hbm>> -> memref<1x1x2x40xi32, #tpu.memory_space<hbm>>
      %dma_wait3A_549 = tpu.memref_squeeze %dma_wait3A_548 : memref<1x1x2x40xi32, #tpu.memory_space<hbm>> -> memref<2x40xi32, #tpu.memory_space<hbm>>
      %dma_wait3A_550 = tpu.memref_slice %arg9[%dma_wait3A_541] : memref<5x!tpu.dma_semaphore, #tpu.memory_space<semaphore_mem>> -> memref<1x!tpu.dma_semaphore, #tpu.memory_space<semaphore_mem>>
      %dma_wait3A_551 = tpu.memref_squeeze %dma_wait3A_550 : memref<1x!tpu.dma_semaphore, #tpu.memory_space<semaphore_mem>> -> memref<!tpu.dma_semaphore, #tpu.memory_space<semaphore_mem>>
      %dma_wait3A_552 = arith.constant 0 : i32
      %dma_wait3A_553 = arith.constant 0 : i32
      %dma_wait3A_554 = tpu.memref_slice %arg6[%dma_wait3A_540, %dma_wait3A_552, %dma_wait3A_553] : memref<5x2x40xi32, #tpu.memory_space<vmem>> -> memref<1x2x40xi32, #tpu.memory_space<vmem>>
      %dma_wait3A_555 = tpu.memref_squeeze %dma_wait3A_554 : memref<1x2x40xi32, #tpu.memory_space<vmem>> -> memref<2x40xi32, #tpu.memory_space<vmem>>
      %dma_wait3A_556 = arith.constant 0 : i32
      %dma_wait3A_557 = arith.constant 0 : i32
      %dma_wait3A_558 = tpu.memref_slice %arg3[%add3A, %dma_wait3A_539, %dma_wait3A_556, %dma_wait3A_557] : memref<32x250x2x40xi32, #tpu.memory_space<hbm>> -> memref<1x1x2x40xi32, #tpu.memory_space<hbm>>
      %dma_wait3A_559 = tpu.memref_squeeze %dma_wait3A_558 : memref<1x1x2x40xi32, #tpu.memory_space<hbm>> -> memref<2x40xi32, #tpu.memory_space<hbm>>
      tpu.wait_dma2 semaphore(%dma_wait3A_551 : memref<!tpu.dma_semaphore, #tpu.memory_space<semaphore_mem>>) src(%dma_wait3A_559 : memref<2x40xi32, #tpu.memory_space<hbm>>) dst(%dma_wait3A_555 : memref<2x40xi32, #tpu.memory_space<vmem>>)
      %dma_start3A_560 = arith.constant 1 : i32
      %dma_start3A_561 = arith.constant 0 : i32
      %dma_start3A_562 = arith.constant 1 : i32
      %dma_start3A_563 = arith.constant 1 : i32
      %dma_start3A_564 = arith.constant 0 : i32
      %dma_start3A_565 = arith.constant 0 : i32
      %dma_start3A_566 = tpu.memref_slice %arg7[%dma_start3A_562, %dma_start3A_564, %dma_start3A_565] : memref<5x40x144xf32, #tpu.memory_space<vmem>> -> memref<1x40x144xf32, #tpu.memory_space<vmem>>
      %dma_start3A_567 = tpu.memref_squeeze %dma_start3A_566 : memref<1x40x144xf32, #tpu.memory_space<vmem>> -> memref<40x144xf32, #tpu.memory_space<vmem>>
      %dma_start3A_568 = arith.constant 0 : i32
      %dma_start3A_569 = tpu.memref_slice %arg6[%dma_start3A_560, %dma_start3A_561, %dma_start3A_568] : memref<5x2x40xi32, #tpu.memory_space<vmem>> -> memref<1x1x40xi32, #tpu.memory_space<vmem>>
      %dma_start3A_570 = tpu.memref_squeeze %dma_start3A_569 : memref<1x1x40xi32, #tpu.memory_space<vmem>> -> memref<40xi32, #tpu.memory_space<vmem>>
      %dma_start3A_571 = arith.constant 0 : i32
      %dma_start3A_572 = arith.constant 0 : i32
      %dma_start3A_573 = tpu.memref_slice %arg2[%dma_start3A_571, %dma_start3A_572] : memref<10000x144xf32, #tpu.memory_space<hbm>> -> memref<10000x144xf32, #tpu.memory_space<hbm>>
      %dma_start3A_574 = tpu.memref_slice %arg10[%dma_start3A_563] : memref<5x!tpu.dma_semaphore, #tpu.memory_space<semaphore_mem>> -> memref<1x!tpu.dma_semaphore, #tpu.memory_space<semaphore_mem>>
      %dma_start3A_575 = tpu.memref_squeeze %dma_start3A_574 : memref<1x!tpu.dma_semaphore, #tpu.memory_space<semaphore_mem>> -> memref<!tpu.dma_semaphore, #tpu.memory_space<semaphore_mem>>
      tpu.enqueue_indirect_dma source(%dma_start3A_573 : memref<10000x144xf32, #tpu.memory_space<hbm>>) target(%dma_start3A_567 : memref<40x144xf32, #tpu.memory_space<vmem>>) offsets(%dma_start3A_570 : memref<40xi32, #tpu.memory_space<vmem>>) semaphore(%dma_start3A_575 : memref<!tpu.dma_semaphore, #tpu.memory_space<semaphore_mem>>)
      %mul3A_576 = arith.constant 5 : i32
      %mul3A_577 = arith.muli %scan3A_407, %mul3A_576 : i32
      %add3A_578 = arith.constant 2 : i32
      %add3A_579 = arith.addi %mul3A_577, %add3A_578 : i32
      %dma_wait3A_580 = arith.constant 2 : i32
      %dma_wait3A_581 = arith.constant 2 : i32
      %dma_wait3A_582 = arith.constant 0 : i32
      %dma_wait3A_583 = arith.constant 0 : i32
      %dma_wait3A_584 = tpu.memref_slice %arg7[%dma_wait3A_580, %dma_wait3A_582, %dma_wait3A_583] : memref<5x40x144xf32, #tpu.memory_space<vmem>> -> memref<1x40x144xf32, #tpu.memory_space<vmem>>
      %dma_wait3A_585 = tpu.memref_squeeze %dma_wait3A_584 : memref<1x40x144xf32, #tpu.memory_space<vmem>> -> memref<40x144xf32, #tpu.memory_space<vmem>>
      %dma_wait3A_586 = arith.constant 0 : i32
      %dma_wait3A_587 = arith.constant 0 : i32
      %dma_wait3A_588 = tpu.memref_slice %arg2[%dma_wait3A_586, %dma_wait3A_587] : memref<10000x144xf32, #tpu.memory_space<hbm>> -> memref<40x144xf32, #tpu.memory_space<hbm>>
      %dma_wait3A_589 = tpu.memref_slice %arg10[%dma_wait3A_581] : memref<5x!tpu.dma_semaphore, #tpu.memory_space<semaphore_mem>> -> memref<1x!tpu.dma_semaphore, #tpu.memory_space<semaphore_mem>>
      %dma_wait3A_590 = tpu.memref_squeeze %dma_wait3A_589 : memref<1x!tpu.dma_semaphore, #tpu.memory_space<semaphore_mem>> -> memref<!tpu.dma_semaphore, #tpu.memory_space<semaphore_mem>>
      %dma_wait3A_591 = arith.constant 0 : i32
      %dma_wait3A_592 = arith.constant 0 : i32
      %dma_wait3A_593 = tpu.memref_slice %arg7[%dma_wait3A_580, %dma_wait3A_591, %dma_wait3A_592] : memref<5x40x144xf32, #tpu.memory_space<vmem>> -> memref<1x40x144xf32, #tpu.memory_space<vmem>>
      %dma_wait3A_594 = tpu.memref_squeeze %dma_wait3A_593 : memref<1x40x144xf32, #tpu.memory_space<vmem>> -> memref<40x144xf32, #tpu.memory_space<vmem>>
      %dma_wait3A_595 = arith.constant 0 : i32
      %dma_wait3A_596 = arith.constant 0 : i32
      %dma_wait3A_597 = tpu.memref_slice %arg2[%dma_wait3A_595, %dma_wait3A_596] : memref<10000x144xf32, #tpu.memory_space<hbm>> -> memref<40x144xf32, #tpu.memory_space<hbm>>
      tpu.wait_dma2 semaphore(%dma_wait3A_590 : memref<!tpu.dma_semaphore, #tpu.memory_space<semaphore_mem>>) src(%dma_wait3A_597 : memref<40x144xf32, #tpu.memory_space<hbm>>) dst(%dma_wait3A_594 : memref<40x144xf32, #tpu.memory_space<vmem>>)
      %run_scoped3A_598 = arith.constant 2 : i32
      %run_scoped3A_599 = arith.constant 2 : i32
      %run_scoped3A_600 = arith.constant 1 : i32
      "tpu.region"() ({
        %run_scoped3A_828 = tpu.sem_alloc : memref<!tpu.dma_semaphore, #tpu.memory_space<semaphore_mem>>
        %dma_start3A_829 = arith.constant 0 : i32
        %dma_start3A_830 = arith.constant 0 : i32
        %dma_start3A_831 = tpu.memref_slice %arg7[%run_scoped3A_598, %dma_start3A_829, %dma_start3A_830] : memref<5x40x144xf32, #tpu.memory_space<vmem>> -> memref<1x40x144xf32, #tpu.memory_space<vmem>>
        %dma_start3A_832 = tpu.memref_squeeze %dma_start3A_831 : memref<1x40x144xf32, #tpu.memory_space<vmem>> -> memref<40x144xf32, #tpu.memory_space<vmem>>
        %dma_start3A_833 = arith.constant 0 : i32
        %dma_start3A_834 = tpu.memref_slice %arg6[%run_scoped3A_599, %run_scoped3A_600, %dma_start3A_833] : memref<5x2x40xi32, #tpu.memory_space<vmem>> -> memref<1x1x40xi32, #tpu.memory_space<vmem>>
        %dma_start3A_835 = tpu.memref_squeeze %dma_start3A_834 : memref<1x1x40xi32, #tpu.memory_space<vmem>> -> memref<40xi32, #tpu.memory_space<vmem>>
        %dma_start3A_836 = arith.constant 0 : i32
        %dma_start3A_837 = arith.constant 0 : i32
        %dma_start3A_838 = tpu.memref_slice %arg8[%dma_start3A_836, %dma_start3A_837] : memref<10240x144xf32, #tpu.memory_space<vmem_shared>> -> memref<10240x144xf32, #tpu.memory_space<vmem_shared>>
        tpu.enqueue_indirect_dma source(%dma_start3A_832 : memref<40x144xf32, #tpu.memory_space<vmem>>) target(%dma_start3A_838 : memref<10240x144xf32, #tpu.memory_space<vmem_shared>>) offsets(%dma_start3A_835 : memref<40xi32, #tpu.memory_space<vmem>>) semaphore(%run_scoped3A_828 : memref<!tpu.dma_semaphore, #tpu.memory_space<semaphore_mem>>) {add = true}
        %dma_wait3A_839 = arith.constant 0 : i32
        %dma_wait3A_840 = arith.constant 0 : i32
        %dma_wait3A_841 = tpu.memref_slice %arg7[%run_scoped3A_598, %dma_wait3A_839, %dma_wait3A_840] : memref<5x40x144xf32, #tpu.memory_space<vmem>> -> memref<1x40x144xf32, #tpu.memory_space<vmem>>
        %dma_wait3A_842 = tpu.memref_squeeze %dma_wait3A_841 : memref<1x40x144xf32, #tpu.memory_space<vmem>> -> memref<40x144xf32, #tpu.memory_space<vmem>>
        %dma_wait3A_843 = arith.constant 0 : i32
        %dma_wait3A_844 = tpu.memref_slice %arg6[%run_scoped3A_599, %run_scoped3A_600, %dma_wait3A_843] : memref<5x2x40xi32, #tpu.memory_space<vmem>> -> memref<1x1x40xi32, #tpu.memory_space<vmem>>
        %dma_wait3A_845 = tpu.memref_squeeze %dma_wait3A_844 : memref<1x1x40xi32, #tpu.memory_space<vmem>> -> memref<40xi32, #tpu.memory_space<vmem>>
        %dma_wait3A_846 = arith.constant 0 : i32
        %dma_wait3A_847 = arith.constant 0 : i32
        %dma_wait3A_848 = tpu.memref_slice %arg8[%dma_wait3A_846, %dma_wait3A_847] : memref<10240x144xf32, #tpu.memory_space<vmem_shared>> -> memref<10240x144xf32, #tpu.memory_space<vmem_shared>>
        tpu.wait_indirect_dma semaphore(%run_scoped3A_828 : memref<!tpu.dma_semaphore, #tpu.memory_space<semaphore_mem>>) src(%dma_wait3A_842 : memref<40x144xf32, #tpu.memory_space<vmem>>) dst(%dma_wait3A_848 : memref<10240x144xf32, #tpu.memory_space<vmem_shared>>)
        tpu.yield
      }) : () -> ()
      %add3A_601 = arith.constant 5 : i32
      %add3A_602 = arith.addi %add3A_579, %add3A_601 : i32
      %dma_start3A_603 = arith.constant 2 : i32
      %dma_start3A_604 = arith.constant 2 : i32
      %dma_start3A_605 = arith.constant 0 : i32
      %dma_start3A_606 = arith.constant 0 : i32
      %dma_start3A_607 = tpu.memref_slice %arg6[%dma_start3A_603, %dma_start3A_605, %dma_start3A_606] : memref<5x2x40xi32, #tpu.memory_space<vmem>> -> memref<1x2x40xi32, #tpu.memory_space<vmem>>
      %dma_start3A_608 = tpu.memref_squeeze %dma_start3A_607 : memref<1x2x40xi32, #tpu.memory_space<vmem>> -> memref<2x40xi32, #tpu.memory_space<vmem>>
      %dma_start3A_609 = arith.constant 0 : i32
      %dma_start3A_610 = arith.constant 0 : i32
      %dma_start3A_611 = tpu.memref_slice %arg3[%add3A, %add3A_602, %dma_start3A_609, %dma_start3A_610] : memref<32x250x2x40xi32, #tpu.memory_space<hbm>> -> memref<1x1x2x40xi32, #tpu.memory_space<hbm>>
      %dma_start3A_612 = tpu.memref_squeeze %dma_start3A_611 : memref<1x1x2x40xi32, #tpu.memory_space<hbm>> -> memref<2x40xi32, #tpu.memory_space<hbm>>
      %dma_start3A_613 = tpu.memref_slice %arg9[%dma_start3A_604] : memref<5x!tpu.dma_semaphore, #tpu.memory_space<semaphore_mem>> -> memref<1x!tpu.dma_semaphore, #tpu.memory_space<semaphore_mem>>
      %dma_start3A_614 = tpu.memref_squeeze %dma_start3A_613 : memref<1x!tpu.dma_semaphore, #tpu.memory_space<semaphore_mem>> -> memref<!tpu.dma_semaphore, #tpu.memory_space<semaphore_mem>>
      %dma_start3A_615 = arith.constant 0 : i32
      %dma_start3A_616 = arith.constant 0 : i32
      %dma_start3A_617 = tpu.memref_slice %arg6[%dma_start3A_603, %dma_start3A_615, %dma_start3A_616] : memref<5x2x40xi32, #tpu.memory_space<vmem>> -> memref<1x2x40xi32, #tpu.memory_space<vmem>>
      %dma_start3A_618 = tpu.memref_squeeze %dma_start3A_617 : memref<1x2x40xi32, #tpu.memory_space<vmem>> -> memref<2x40xi32, #tpu.memory_space<vmem>>
      %dma_start3A_619 = arith.constant 0 : i32
      %dma_start3A_620 = arith.constant 0 : i32
      %dma_start3A_621 = tpu.memref_slice %arg3[%add3A, %add3A_602, %dma_start3A_619, %dma_start3A_620] : memref<32x250x2x40xi32, #tpu.memory_space<hbm>> -> memref<1x1x2x40xi32, #tpu.memory_space<hbm>>
      %dma_start3A_622 = tpu.memref_squeeze %dma_start3A_621 : memref<1x1x2x40xi32, #tpu.memory_space<hbm>> -> memref<2x40xi32, #tpu.memory_space<hbm>>
      tpu.enqueue_dma source(%dma_start3A_622 : memref<2x40xi32, #tpu.memory_space<hbm>>) target(%dma_start3A_618 : memref<2x40xi32, #tpu.memory_space<vmem>>) target_semaphore(%dma_start3A_614 : memref<!tpu.dma_semaphore, #tpu.memory_space<semaphore_mem>>)
      %dma_wait3A_623 = arith.constant 0 : i32
      %dma_wait3A_624 = arith.constant 2 : i32
      %dma_wait3A_625 = arith.constant 2 : i32
      %dma_wait3A_626 = arith.constant 0 : i32
      %dma_wait3A_627 = arith.constant 0 : i32
      %dma_wait3A_628 = tpu.memref_slice %arg6[%dma_wait3A_624, %dma_wait3A_626, %dma_wait3A_627] : memref<5x2x40xi32, #tpu.memory_space<vmem>> -> memref<1x2x40xi32, #tpu.memory_space<vmem>>
      %dma_wait3A_629 = tpu.memref_squeeze %dma_wait3A_628 : memref<1x2x40xi32, #tpu.memory_space<vmem>> -> memref<2x40xi32, #tpu.memory_space<vmem>>
      %dma_wait3A_630 = arith.constant 0 : i32
      %dma_wait3A_631 = arith.constant 0 : i32
      %dma_wait3A_632 = tpu.memref_slice %arg3[%add3A, %dma_wait3A_623, %dma_wait3A_630, %dma_wait3A_631] : memref<32x250x2x40xi32, #tpu.memory_space<hbm>> -> memref<1x1x2x40xi32, #tpu.memory_space<hbm>>
      %dma_wait3A_633 = tpu.memref_squeeze %dma_wait3A_632 : memref<1x1x2x40xi32, #tpu.memory_space<hbm>> -> memref<2x40xi32, #tpu.memory_space<hbm>>
      %dma_wait3A_634 = tpu.memref_slice %arg9[%dma_wait3A_625] : memref<5x!tpu.dma_semaphore, #tpu.memory_space<semaphore_mem>> -> memref<1x!tpu.dma_semaphore, #tpu.memory_space<semaphore_mem>>
      %dma_wait3A_635 = tpu.memref_squeeze %dma_wait3A_634 : memref<1x!tpu.dma_semaphore, #tpu.memory_space<semaphore_mem>> -> memref<!tpu.dma_semaphore, #tpu.memory_space<semaphore_mem>>
      %dma_wait3A_636 = arith.constant 0 : i32
      %dma_wait3A_637 = arith.constant 0 : i32
      %dma_wait3A_638 = tpu.memref_slice %arg6[%dma_wait3A_624, %dma_wait3A_636, %dma_wait3A_637] : memref<5x2x40xi32, #tpu.memory_space<vmem>> -> memref<1x2x40xi32, #tpu.memory_space<vmem>>
      %dma_wait3A_639 = tpu.memref_squeeze %dma_wait3A_638 : memref<1x2x40xi32, #tpu.memory_space<vmem>> -> memref<2x40xi32, #tpu.memory_space<vmem>>
      %dma_wait3A_640 = arith.constant 0 : i32
      %dma_wait3A_641 = arith.constant 0 : i32
      %dma_wait3A_642 = tpu.memref_slice %arg3[%add3A, %dma_wait3A_623, %dma_wait3A_640, %dma_wait3A_641] : memref<32x250x2x40xi32, #tpu.memory_space<hbm>> -> memref<1x1x2x40xi32, #tpu.memory_space<hbm>>
      %dma_wait3A_643 = tpu.memref_squeeze %dma_wait3A_642 : memref<1x1x2x40xi32, #tpu.memory_space<hbm>> -> memref<2x40xi32, #tpu.memory_space<hbm>>
      tpu.wait_dma2 semaphore(%dma_wait3A_635 : memref<!tpu.dma_semaphore, #tpu.memory_space<semaphore_mem>>) src(%dma_wait3A_643 : memref<2x40xi32, #tpu.memory_space<hbm>>) dst(%dma_wait3A_639 : memref<2x40xi32, #tpu.memory_space<vmem>>)
      %dma_start3A_644 = arith.constant 2 : i32
      %dma_start3A_645 = arith.constant 0 : i32
      %dma_start3A_646 = arith.constant 2 : i32
      %dma_start3A_647 = arith.constant 2 : i32
      %dma_start3A_648 = arith.constant 0 : i32
      %dma_start3A_649 = arith.constant 0 : i32
      %dma_start3A_650 = tpu.memref_slice %arg7[%dma_start3A_646, %dma_start3A_648, %dma_start3A_649] : memref<5x40x144xf32, #tpu.memory_space<vmem>> -> memref<1x40x144xf32, #tpu.memory_space<vmem>>
      %dma_start3A_651 = tpu.memref_squeeze %dma_start3A_650 : memref<1x40x144xf32, #tpu.memory_space<vmem>> -> memref<40x144xf32, #tpu.memory_space<vmem>>
      %dma_start3A_652 = arith.constant 0 : i32
      %dma_start3A_653 = tpu.memref_slice %arg6[%dma_start3A_644, %dma_start3A_645, %dma_start3A_652] : memref<5x2x40xi32, #tpu.memory_space<vmem>> -> memref<1x1x40xi32, #tpu.memory_space<vmem>>
      %dma_start3A_654 = tpu.memref_squeeze %dma_start3A_653 : memref<1x1x40xi32, #tpu.memory_space<vmem>> -> memref<40xi32, #tpu.memory_space<vmem>>
      %dma_start3A_655 = arith.constant 0 : i32
      %dma_start3A_656 = arith.constant 0 : i32
      %dma_start3A_657 = tpu.memref_slice %arg2[%dma_start3A_655, %dma_start3A_656] : memref<10000x144xf32, #tpu.memory_space<hbm>> -> memref<10000x144xf32, #tpu.memory_space<hbm>>
      %dma_start3A_658 = tpu.memref_slice %arg10[%dma_start3A_647] : memref<5x!tpu.dma_semaphore, #tpu.memory_space<semaphore_mem>> -> memref<1x!tpu.dma_semaphore, #tpu.memory_space<semaphore_mem>>
      %dma_start3A_659 = tpu.memref_squeeze %dma_start3A_658 : memref<1x!tpu.dma_semaphore, #tpu.memory_space<semaphore_mem>> -> memref<!tpu.dma_semaphore, #tpu.memory_space<semaphore_mem>>
      tpu.enqueue_indirect_dma source(%dma_start3A_657 : memref<10000x144xf32, #tpu.memory_space<hbm>>) target(%dma_start3A_651 : memref<40x144xf32, #tpu.memory_space<vmem>>) offsets(%dma_start3A_654 : memref<40xi32, #tpu.memory_space<vmem>>) semaphore(%dma_start3A_659 : memref<!tpu.dma_semaphore, #tpu.memory_space<semaphore_mem>>)
      %mul3A_660 = arith.constant 5 : i32
      %mul3A_661 = arith.muli %scan3A_407, %mul3A_660 : i32
      %add3A_662 = arith.constant 3 : i32
      %add3A_663 = arith.addi %mul3A_661, %add3A_662 : i32
      %dma_wait3A_664 = arith.constant 3 : i32
      %dma_wait3A_665 = arith.constant 3 : i32
      %dma_wait3A_666 = arith.constant 0 : i32
      %dma_wait3A_667 = arith.constant 0 : i32
      %dma_wait3A_668 = tpu.memref_slice %arg7[%dma_wait3A_664, %dma_wait3A_666, %dma_wait3A_667] : memref<5x40x144xf32, #tpu.memory_space<vmem>> -> memref<1x40x144xf32, #tpu.memory_space<vmem>>
      %dma_wait3A_669 = tpu.memref_squeeze %dma_wait3A_668 : memref<1x40x144xf32, #tpu.memory_space<vmem>> -> memref<40x144xf32, #tpu.memory_space<vmem>>
      %dma_wait3A_670 = arith.constant 0 : i32
      %dma_wait3A_671 = arith.constant 0 : i32
      %dma_wait3A_672 = tpu.memref_slice %arg2[%dma_wait3A_670, %dma_wait3A_671] : memref<10000x144xf32, #tpu.memory_space<hbm>> -> memref<40x144xf32, #tpu.memory_space<hbm>>
      %dma_wait3A_673 = tpu.memref_slice %arg10[%dma_wait3A_665] : memref<5x!tpu.dma_semaphore, #tpu.memory_space<semaphore_mem>> -> memref<1x!tpu.dma_semaphore, #tpu.memory_space<semaphore_mem>>
      %dma_wait3A_674 = tpu.memref_squeeze %dma_wait3A_673 : memref<1x!tpu.dma_semaphore, #tpu.memory_space<semaphore_mem>> -> memref<!tpu.dma_semaphore, #tpu.memory_space<semaphore_mem>>
      %dma_wait3A_675 = arith.constant 0 : i32
      %dma_wait3A_676 = arith.constant 0 : i32
      %dma_wait3A_677 = tpu.memref_slice %arg7[%dma_wait3A_664, %dma_wait3A_675, %dma_wait3A_676] : memref<5x40x144xf32, #tpu.memory_space<vmem>> -> memref<1x40x144xf32, #tpu.memory_space<vmem>>
      %dma_wait3A_678 = tpu.memref_squeeze %dma_wait3A_677 : memref<1x40x144xf32, #tpu.memory_space<vmem>> -> memref<40x144xf32, #tpu.memory_space<vmem>>
      %dma_wait3A_679 = arith.constant 0 : i32
      %dma_wait3A_680 = arith.constant 0 : i32
      %dma_wait3A_681 = tpu.memref_slice %arg2[%dma_wait3A_679, %dma_wait3A_680] : memref<10000x144xf32, #tpu.memory_space<hbm>> -> memref<40x144xf32, #tpu.memory_space<hbm>>
      tpu.wait_dma2 semaphore(%dma_wait3A_674 : memref<!tpu.dma_semaphore, #tpu.memory_space<semaphore_mem>>) src(%dma_wait3A_681 : memref<40x144xf32, #tpu.memory_space<hbm>>) dst(%dma_wait3A_678 : memref<40x144xf32, #tpu.memory_space<vmem>>)
      %run_scoped3A_682 = arith.constant 3 : i32
      %run_scoped3A_683 = arith.constant 3 : i32
      %run_scoped3A_684 = arith.constant 1 : i32
      "tpu.region"() ({
        %run_scoped3A_828 = tpu.sem_alloc : memref<!tpu.dma_semaphore, #tpu.memory_space<semaphore_mem>>
        %dma_start3A_829 = arith.constant 0 : i32
        %dma_start3A_830 = arith.constant 0 : i32
        %dma_start3A_831 = tpu.memref_slice %arg7[%run_scoped3A_682, %dma_start3A_829, %dma_start3A_830] : memref<5x40x144xf32, #tpu.memory_space<vmem>> -> memref<1x40x144xf32, #tpu.memory_space<vmem>>
        %dma_start3A_832 = tpu.memref_squeeze %dma_start3A_831 : memref<1x40x144xf32, #tpu.memory_space<vmem>> -> memref<40x144xf32, #tpu.memory_space<vmem>>
        %dma_start3A_833 = arith.constant 0 : i32
        %dma_start3A_834 = tpu.memref_slice %arg6[%run_scoped3A_683, %run_scoped3A_684, %dma_start3A_833] : memref<5x2x40xi32, #tpu.memory_space<vmem>> -> memref<1x1x40xi32, #tpu.memory_space<vmem>>
        %dma_start3A_835 = tpu.memref_squeeze %dma_start3A_834 : memref<1x1x40xi32, #tpu.memory_space<vmem>> -> memref<40xi32, #tpu.memory_space<vmem>>
        %dma_start3A_836 = arith.constant 0 : i32
        %dma_start3A_837 = arith.constant 0 : i32
        %dma_start3A_838 = tpu.memref_slice %arg8[%dma_start3A_836, %dma_start3A_837] : memref<10240x144xf32, #tpu.memory_space<vmem_shared>> -> memref<10240x144xf32, #tpu.memory_space<vmem_shared>>
        tpu.enqueue_indirect_dma source(%dma_start3A_832 : memref<40x144xf32, #tpu.memory_space<vmem>>) target(%dma_start3A_838 : memref<10240x144xf32, #tpu.memory_space<vmem_shared>>) offsets(%dma_start3A_835 : memref<40xi32, #tpu.memory_space<vmem>>) semaphore(%run_scoped3A_828 : memref<!tpu.dma_semaphore, #tpu.memory_space<semaphore_mem>>) {add = true}
        %dma_wait3A_839 = arith.constant 0 : i32
        %dma_wait3A_840 = arith.constant 0 : i32
        %dma_wait3A_841 = tpu.memref_slice %arg7[%run_scoped3A_682, %dma_wait3A_839, %dma_wait3A_840] : memref<5x40x144xf32, #tpu.memory_space<vmem>> -> memref<1x40x144xf32, #tpu.memory_space<vmem>>
        %dma_wait3A_842 = tpu.memref_squeeze %dma_wait3A_841 : memref<1x40x144xf32, #tpu.memory_space<vmem>> -> memref<40x144xf32, #tpu.memory_space<vmem>>
        %dma_wait3A_843 = arith.constant 0 : i32
        %dma_wait3A_844 = tpu.memref_slice %arg6[%run_scoped3A_683, %run_scoped3A_684, %dma_wait3A_843] : memref<5x2x40xi32, #tpu.memory_space<vmem>> -> memref<1x1x40xi32, #tpu.memory_space<vmem>>
        %dma_wait3A_845 = tpu.memref_squeeze %dma_wait3A_844 : memref<1x1x40xi32, #tpu.memory_space<vmem>> -> memref<40xi32, #tpu.memory_space<vmem>>
        %dma_wait3A_846 = arith.constant 0 : i32
        %dma_wait3A_847 = arith.constant 0 : i32
        %dma_wait3A_848 = tpu.memref_slice %arg8[%dma_wait3A_846, %dma_wait3A_847] : memref<10240x144xf32, #tpu.memory_space<vmem_shared>> -> memref<10240x144xf32, #tpu.memory_space<vmem_shared>>
        tpu.wait_indirect_dma semaphore(%run_scoped3A_828 : memref<!tpu.dma_semaphore, #tpu.memory_space<semaphore_mem>>) src(%dma_wait3A_842 : memref<40x144xf32, #tpu.memory_space<vmem>>) dst(%dma_wait3A_848 : memref<10240x144xf32, #tpu.memory_space<vmem_shared>>)
        tpu.yield
      }) : () -> ()
      %add3A_685 = arith.constant 5 : i32
      %add3A_686 = arith.addi %add3A_663, %add3A_685 : i32
      %dma_start3A_687 = arith.constant 3 : i32
      %dma_start3A_688 = arith.constant 3 : i32
      %dma_start3A_689 = arith.constant 0 : i32
      %dma_start3A_690 = arith.constant 0 : i32
      %dma_start3A_691 = tpu.memref_slice %arg6[%dma_start3A_687, %dma_start3A_689, %dma_start3A_690] : memref<5x2x40xi32, #tpu.memory_space<vmem>> -> memref<1x2x40xi32, #tpu.memory_space<vmem>>
      %dma_start3A_692 = tpu.memref_squeeze %dma_start3A_691 : memref<1x2x40xi32, #tpu.memory_space<vmem>> -> memref<2x40xi32, #tpu.memory_space<vmem>>
      %dma_start3A_693 = arith.constant 0 : i32
      %dma_start3A_694 = arith.constant 0 : i32
      %dma_start3A_695 = tpu.memref_slice %arg3[%add3A, %add3A_686, %dma_start3A_693, %dma_start3A_694] : memref<32x250x2x40xi32, #tpu.memory_space<hbm>> -> memref<1x1x2x40xi32, #tpu.memory_space<hbm>>
      %dma_start3A_696 = tpu.memref_squeeze %dma_start3A_695 : memref<1x1x2x40xi32, #tpu.memory_space<hbm>> -> memref<2x40xi32, #tpu.memory_space<hbm>>
      %dma_start3A_697 = tpu.memref_slice %arg9[%dma_start3A_688] : memref<5x!tpu.dma_semaphore, #tpu.memory_space<semaphore_mem>> -> memref<1x!tpu.dma_semaphore, #tpu.memory_space<semaphore_mem>>
      %dma_start3A_698 = tpu.memref_squeeze %dma_start3A_697 : memref<1x!tpu.dma_semaphore, #tpu.memory_space<semaphore_mem>> -> memref<!tpu.dma_semaphore, #tpu.memory_space<semaphore_mem>>
      %dma_start3A_699 = arith.constant 0 : i32
      %dma_start3A_700 = arith.constant 0 : i32
      %dma_start3A_701 = tpu.memref_slice %arg6[%dma_start3A_687, %dma_start3A_699, %dma_start3A_700] : memref<5x2x40xi32, #tpu.memory_space<vmem>> -> memref<1x2x40xi32, #tpu.memory_space<vmem>>
      %dma_start3A_702 = tpu.memref_squeeze %dma_start3A_701 : memref<1x2x40xi32, #tpu.memory_space<vmem>> -> memref<2x40xi32, #tpu.memory_space<vmem>>
      %dma_start3A_703 = arith.constant 0 : i32
      %dma_start3A_704 = arith.constant 0 : i32
      %dma_start3A_705 = tpu.memref_slice %arg3[%add3A, %add3A_686, %dma_start3A_703, %dma_start3A_704] : memref<32x250x2x40xi32, #tpu.memory_space<hbm>> -> memref<1x1x2x40xi32, #tpu.memory_space<hbm>>
      %dma_start3A_706 = tpu.memref_squeeze %dma_start3A_705 : memref<1x1x2x40xi32, #tpu.memory_space<hbm>> -> memref<2x40xi32, #tpu.memory_space<hbm>>
      tpu.enqueue_dma source(%dma_start3A_706 : memref<2x40xi32, #tpu.memory_space<hbm>>) target(%dma_start3A_702 : memref<2x40xi32, #tpu.memory_space<vmem>>) target_semaphore(%dma_start3A_698 : memref<!tpu.dma_semaphore, #tpu.memory_space<semaphore_mem>>)
      %dma_wait3A_707 = arith.constant 0 : i32
      %dma_wait3A_708 = arith.constant 3 : i32
      %dma_wait3A_709 = arith.constant 3 : i32
      %dma_wait3A_710 = arith.constant 0 : i32
      %dma_wait3A_711 = arith.constant 0 : i32
      %dma_wait3A_712 = tpu.memref_slice %arg6[%dma_wait3A_708, %dma_wait3A_710, %dma_wait3A_711] : memref<5x2x40xi32, #tpu.memory_space<vmem>> -> memref<1x2x40xi32, #tpu.memory_space<vmem>>
      %dma_wait3A_713 = tpu.memref_squeeze %dma_wait3A_712 : memref<1x2x40xi32, #tpu.memory_space<vmem>> -> memref<2x40xi32, #tpu.memory_space<vmem>>
      %dma_wait3A_714 = arith.constant 0 : i32
      %dma_wait3A_715 = arith.constant 0 : i32
      %dma_wait3A_716 = tpu.memref_slice %arg3[%add3A, %dma_wait3A_707, %dma_wait3A_714, %dma_wait3A_715] : memref<32x250x2x40xi32, #tpu.memory_space<hbm>> -> memref<1x1x2x40xi32, #tpu.memory_space<hbm>>
      %dma_wait3A_717 = tpu.memref_squeeze %dma_wait3A_716 : memref<1x1x2x40xi32, #tpu.memory_space<hbm>> -> memref<2x40xi32, #tpu.memory_space<hbm>>
      %dma_wait3A_718 = tpu.memref_slice %arg9[%dma_wait3A_709] : memref<5x!tpu.dma_semaphore, #tpu.memory_space<semaphore_mem>> -> memref<1x!tpu.dma_semaphore, #tpu.memory_space<semaphore_mem>>
      %dma_wait3A_719 = tpu.memref_squeeze %dma_wait3A_718 : memref<1x!tpu.dma_semaphore, #tpu.memory_space<semaphore_mem>> -> memref<!tpu.dma_semaphore, #tpu.memory_space<semaphore_mem>>
      %dma_wait3A_720 = arith.constant 0 : i32
      %dma_wait3A_721 = arith.constant 0 : i32
      %dma_wait3A_722 = tpu.memref_slice %arg6[%dma_wait3A_708, %dma_wait3A_720, %dma_wait3A_721] : memref<5x2x40xi32, #tpu.memory_space<vmem>> -> memref<1x2x40xi32, #tpu.memory_space<vmem>>
      %dma_wait3A_723 = tpu.memref_squeeze %dma_wait3A_722 : memref<1x2x40xi32, #tpu.memory_space<vmem>> -> memref<2x40xi32, #tpu.memory_space<vmem>>
      %dma_wait3A_724 = arith.constant 0 : i32
      %dma_wait3A_725 = arith.constant 0 : i32
      %dma_wait3A_726 = tpu.memref_slice %arg3[%add3A, %dma_wait3A_707, %dma_wait3A_724, %dma_wait3A_725] : memref<32x250x2x40xi32, #tpu.memory_space<hbm>> -> memref<1x1x2x40xi32, #tpu.memory_space<hbm>>
      %dma_wait3A_727 = tpu.memref_squeeze %dma_wait3A_726 : memref<1x1x2x40xi32, #tpu.memory_space<hbm>> -> memref<2x40xi32, #tpu.memory_space<hbm>>
      tpu.wait_dma2 semaphore(%dma_wait3A_719 : memref<!tpu.dma_semaphore, #tpu.memory_space<semaphore_mem>>) src(%dma_wait3A_727 : memref<2x40xi32, #tpu.memory_space<hbm>>) dst(%dma_wait3A_723 : memref<2x40xi32, #tpu.memory_space<vmem>>)
      %dma_start3A_728 = arith.constant 3 : i32
      %dma_start3A_729 = arith.constant 0 : i32
      %dma_start3A_730 = arith.constant 3 : i32
      %dma_start3A_731 = arith.constant 3 : i32
      %dma_start3A_732 = arith.constant 0 : i32
      %dma_start3A_733 = arith.constant 0 : i32
      %dma_start3A_734 = tpu.memref_slice %arg7[%dma_start3A_730, %dma_start3A_732, %dma_start3A_733] : memref<5x40x144xf32, #tpu.memory_space<vmem>> -> memref<1x40x144xf32, #tpu.memory_space<vmem>>
      %dma_start3A_735 = tpu.memref_squeeze %dma_start3A_734 : memref<1x40x144xf32, #tpu.memory_space<vmem>> -> memref<40x144xf32, #tpu.memory_space<vmem>>
      %dma_start3A_736 = arith.constant 0 : i32
      %dma_start3A_737 = tpu.memref_slice %arg6[%dma_start3A_728, %dma_start3A_729, %dma_start3A_736] : memref<5x2x40xi32, #tpu.memory_space<vmem>> -> memref<1x1x40xi32, #tpu.memory_space<vmem>>
      %dma_start3A_738 = tpu.memref_squeeze %dma_start3A_737 : memref<1x1x40xi32, #tpu.memory_space<vmem>> -> memref<40xi32, #tpu.memory_space<vmem>>
      %dma_start3A_739 = arith.constant 0 : i32
      %dma_start3A_740 = arith.constant 0 : i32
      %dma_start3A_741 = tpu.memref_slice %arg2[%dma_start3A_739, %dma_start3A_740] : memref<10000x144xf32, #tpu.memory_space<hbm>> -> memref<10000x144xf32, #tpu.memory_space<hbm>>
      %dma_start3A_742 = tpu.memref_slice %arg10[%dma_start3A_731] : memref<5x!tpu.dma_semaphore, #tpu.memory_space<semaphore_mem>> -> memref<1x!tpu.dma_semaphore, #tpu.memory_space<semaphore_mem>>
      %dma_start3A_743 = tpu.memref_squeeze %dma_start3A_742 : memref<1x!tpu.dma_semaphore, #tpu.memory_space<semaphore_mem>> -> memref<!tpu.dma_semaphore, #tpu.memory_space<semaphore_mem>>
      tpu.enqueue_indirect_dma source(%dma_start3A_741 : memref<10000x144xf32, #tpu.memory_space<hbm>>) target(%dma_start3A_735 : memref<40x144xf32, #tpu.memory_space<vmem>>) offsets(%dma_start3A_738 : memref<40xi32, #tpu.memory_space<vmem>>) semaphore(%dma_start3A_743 : memref<!tpu.dma_semaphore, #tpu.memory_space<semaphore_mem>>)
      %mul3A_744 = arith.constant 5 : i32
      %mul3A_745 = arith.muli %scan3A_407, %mul3A_744 : i32
      %add3A_746 = arith.constant 4 : i32
      %add3A_747 = arith.addi %mul3A_745, %add3A_746 : i32
      %dma_wait3A_748 = arith.constant 4 : i32
      %dma_wait3A_749 = arith.constant 4 : i32
      %dma_wait3A_750 = arith.constant 0 : i32
      %dma_wait3A_751 = arith.constant 0 : i32
      %dma_wait3A_752 = tpu.memref_slice %arg7[%dma_wait3A_748, %dma_wait3A_750, %dma_wait3A_751] : memref<5x40x144xf32, #tpu.memory_space<vmem>> -> memref<1x40x144xf32, #tpu.memory_space<vmem>>
      %dma_wait3A_753 = tpu.memref_squeeze %dma_wait3A_752 : memref<1x40x144xf32, #tpu.memory_space<vmem>> -> memref<40x144xf32, #tpu.memory_space<vmem>>
      %dma_wait3A_754 = arith.constant 0 : i32
      %dma_wait3A_755 = arith.constant 0 : i32
      %dma_wait3A_756 = tpu.memref_slice %arg2[%dma_wait3A_754, %dma_wait3A_755] : memref<10000x144xf32, #tpu.memory_space<hbm>> -> memref<40x144xf32, #tpu.memory_space<hbm>>
      %dma_wait3A_757 = tpu.memref_slice %arg10[%dma_wait3A_749] : memref<5x!tpu.dma_semaphore, #tpu.memory_space<semaphore_mem>> -> memref<1x!tpu.dma_semaphore, #tpu.memory_space<semaphore_mem>>
      %dma_wait3A_758 = tpu.memref_squeeze %dma_wait3A_757 : memref<1x!tpu.dma_semaphore, #tpu.memory_space<semaphore_mem>> -> memref<!tpu.dma_semaphore, #tpu.memory_space<semaphore_mem>>
      %dma_wait3A_759 = arith.constant 0 : i32
      %dma_wait3A_760 = arith.constant 0 : i32
      %dma_wait3A_761 = tpu.memref_slice %arg7[%dma_wait3A_748, %dma_wait3A_759, %dma_wait3A_760] : memref<5x40x144xf32, #tpu.memory_space<vmem>> -> memref<1x40x144xf32, #tpu.memory_space<vmem>>
      %dma_wait3A_762 = tpu.memref_squeeze %dma_wait3A_761 : memref<1x40x144xf32, #tpu.memory_space<vmem>> -> memref<40x144xf32, #tpu.memory_space<vmem>>
      %dma_wait3A_763 = arith.constant 0 : i32
      %dma_wait3A_764 = arith.constant 0 : i32
      %dma_wait3A_765 = tpu.memref_slice %arg2[%dma_wait3A_763, %dma_wait3A_764] : memref<10000x144xf32, #tpu.memory_space<hbm>> -> memref<40x144xf32, #tpu.memory_space<hbm>>
      tpu.wait_dma2 semaphore(%dma_wait3A_758 : memref<!tpu.dma_semaphore, #tpu.memory_space<semaphore_mem>>) src(%dma_wait3A_765 : memref<40x144xf32, #tpu.memory_space<hbm>>) dst(%dma_wait3A_762 : memref<40x144xf32, #tpu.memory_space<vmem>>)
      %run_scoped3A_766 = arith.constant 4 : i32
      %run_scoped3A_767 = arith.constant 4 : i32
      %run_scoped3A_768 = arith.constant 1 : i32
      "tpu.region"() ({
        %run_scoped3A_828 = tpu.sem_alloc : memref<!tpu.dma_semaphore, #tpu.memory_space<semaphore_mem>>
        %dma_start3A_829 = arith.constant 0 : i32
        %dma_start3A_830 = arith.constant 0 : i32
        %dma_start3A_831 = tpu.memref_slice %arg7[%run_scoped3A_766, %dma_start3A_829, %dma_start3A_830] : memref<5x40x144xf32, #tpu.memory_space<vmem>> -> memref<1x40x144xf32, #tpu.memory_space<vmem>>
        %dma_start3A_832 = tpu.memref_squeeze %dma_start3A_831 : memref<1x40x144xf32, #tpu.memory_space<vmem>> -> memref<40x144xf32, #tpu.memory_space<vmem>>
        %dma_start3A_833 = arith.constant 0 : i32
        %dma_start3A_834 = tpu.memref_slice %arg6[%run_scoped3A_767, %run_scoped3A_768, %dma_start3A_833] : memref<5x2x40xi32, #tpu.memory_space<vmem>> -> memref<1x1x40xi32, #tpu.memory_space<vmem>>
        %dma_start3A_835 = tpu.memref_squeeze %dma_start3A_834 : memref<1x1x40xi32, #tpu.memory_space<vmem>> -> memref<40xi32, #tpu.memory_space<vmem>>
        %dma_start3A_836 = arith.constant 0 : i32
        %dma_start3A_837 = arith.constant 0 : i32
        %dma_start3A_838 = tpu.memref_slice %arg8[%dma_start3A_836, %dma_start3A_837] : memref<10240x144xf32, #tpu.memory_space<vmem_shared>> -> memref<10240x144xf32, #tpu.memory_space<vmem_shared>>
        tpu.enqueue_indirect_dma source(%dma_start3A_832 : memref<40x144xf32, #tpu.memory_space<vmem>>) target(%dma_start3A_838 : memref<10240x144xf32, #tpu.memory_space<vmem_shared>>) offsets(%dma_start3A_835 : memref<40xi32, #tpu.memory_space<vmem>>) semaphore(%run_scoped3A_828 : memref<!tpu.dma_semaphore, #tpu.memory_space<semaphore_mem>>) {add = true}
        %dma_wait3A_839 = arith.constant 0 : i32
        %dma_wait3A_840 = arith.constant 0 : i32
        %dma_wait3A_841 = tpu.memref_slice %arg7[%run_scoped3A_766, %dma_wait3A_839, %dma_wait3A_840] : memref<5x40x144xf32, #tpu.memory_space<vmem>> -> memref<1x40x144xf32, #tpu.memory_space<vmem>>
        %dma_wait3A_842 = tpu.memref_squeeze %dma_wait3A_841 : memref<1x40x144xf32, #tpu.memory_space<vmem>> -> memref<40x144xf32, #tpu.memory_space<vmem>>
        %dma_wait3A_843 = arith.constant 0 : i32
        %dma_wait3A_844 = tpu.memref_slice %arg6[%run_scoped3A_767, %run_scoped3A_768, %dma_wait3A_843] : memref<5x2x40xi32, #tpu.memory_space<vmem>> -> memref<1x1x40xi32, #tpu.memory_space<vmem>>
        %dma_wait3A_845 = tpu.memref_squeeze %dma_wait3A_844 : memref<1x1x40xi32, #tpu.memory_space<vmem>> -> memref<40xi32, #tpu.memory_space<vmem>>
        %dma_wait3A_846 = arith.constant 0 : i32
        %dma_wait3A_847 = arith.constant 0 : i32
        %dma_wait3A_848 = tpu.memref_slice %arg8[%dma_wait3A_846, %dma_wait3A_847] : memref<10240x144xf32, #tpu.memory_space<vmem_shared>> -> memref<10240x144xf32, #tpu.memory_space<vmem_shared>>
        tpu.wait_indirect_dma semaphore(%run_scoped3A_828 : memref<!tpu.dma_semaphore, #tpu.memory_space<semaphore_mem>>) src(%dma_wait3A_842 : memref<40x144xf32, #tpu.memory_space<vmem>>) dst(%dma_wait3A_848 : memref<10240x144xf32, #tpu.memory_space<vmem_shared>>)
        tpu.yield
      }) : () -> ()
      %add3A_769 = arith.constant 5 : i32
      %add3A_770 = arith.addi %add3A_747, %add3A_769 : i32
      %dma_start3A_771 = arith.constant 4 : i32
      %dma_start3A_772 = arith.constant 4 : i32
      %dma_start3A_773 = arith.constant 0 : i32
      %dma_start3A_774 = arith.constant 0 : i32
      %dma_start3A_775 = tpu.memref_slice %arg6[%dma_start3A_771, %dma_start3A_773, %dma_start3A_774] : memref<5x2x40xi32, #tpu.memory_space<vmem>> -> memref<1x2x40xi32, #tpu.memory_space<vmem>>
      %dma_start3A_776 = tpu.memref_squeeze %dma_start3A_775 : memref<1x2x40xi32, #tpu.memory_space<vmem>> -> memref<2x40xi32, #tpu.memory_space<vmem>>
      %dma_start3A_777 = arith.constant 0 : i32
      %dma_start3A_778 = arith.constant 0 : i32
      %dma_start3A_779 = tpu.memref_slice %arg3[%add3A, %add3A_770, %dma_start3A_777, %dma_start3A_778] : memref<32x250x2x40xi32, #tpu.memory_space<hbm>> -> memref<1x1x2x40xi32, #tpu.memory_space<hbm>>
      %dma_start3A_780 = tpu.memref_squeeze %dma_start3A_779 : memref<1x1x2x40xi32, #tpu.memory_space<hbm>> -> memref<2x40xi32, #tpu.memory_space<hbm>>
      %dma_start3A_781 = tpu.memref_slice %arg9[%dma_start3A_772] : memref<5x!tpu.dma_semaphore, #tpu.memory_space<semaphore_mem>> -> memref<1x!tpu.dma_semaphore, #tpu.memory_space<semaphore_mem>>
      %dma_start3A_782 = tpu.memref_squeeze %dma_start3A_781 : memref<1x!tpu.dma_semaphore, #tpu.memory_space<semaphore_mem>> -> memref<!tpu.dma_semaphore, #tpu.memory_space<semaphore_mem>>
      %dma_start3A_783 = arith.constant 0 : i32
      %dma_start3A_784 = arith.constant 0 : i32
      %dma_start3A_785 = tpu.memref_slice %arg6[%dma_start3A_771, %dma_start3A_783, %dma_start3A_784] : memref<5x2x40xi32, #tpu.memory_space<vmem>> -> memref<1x2x40xi32, #tpu.memory_space<vmem>>
      %dma_start3A_786 = tpu.memref_squeeze %dma_start3A_785 : memref<1x2x40xi32, #tpu.memory_space<vmem>> -> memref<2x40xi32, #tpu.memory_space<vmem>>
      %dma_start3A_787 = arith.constant 0 : i32
      %dma_start3A_788 = arith.constant 0 : i32
      %dma_start3A_789 = tpu.memref_slice %arg3[%add3A, %add3A_770, %dma_start3A_787, %dma_start3A_788] : memref<32x250x2x40xi32, #tpu.memory_space<hbm>> -> memref<1x1x2x40xi32, #tpu.memory_space<hbm>>
      %dma_start3A_790 = tpu.memref_squeeze %dma_start3A_789 : memref<1x1x2x40xi32, #tpu.memory_space<hbm>> -> memref<2x40xi32, #tpu.memory_space<hbm>>
      tpu.enqueue_dma source(%dma_start3A_790 : memref<2x40xi32, #tpu.memory_space<hbm>>) target(%dma_start3A_786 : memref<2x40xi32, #tpu.memory_space<vmem>>) target_semaphore(%dma_start3A_782 : memref<!tpu.dma_semaphore, #tpu.memory_space<semaphore_mem>>)
      %dma_wait3A_791 = arith.constant 0 : i32
      %dma_wait3A_792 = arith.constant 4 : i32
      %dma_wait3A_793 = arith.constant 4 : i32
      %dma_wait3A_794 = arith.constant 0 : i32
      %dma_wait3A_795 = arith.constant 0 : i32
      %dma_wait3A_796 = tpu.memref_slice %arg6[%dma_wait3A_792, %dma_wait3A_794, %dma_wait3A_795] : memref<5x2x40xi32, #tpu.memory_space<vmem>> -> memref<1x2x40xi32, #tpu.memory_space<vmem>>
      %dma_wait3A_797 = tpu.memref_squeeze %dma_wait3A_796 : memref<1x2x40xi32, #tpu.memory_space<vmem>> -> memref<2x40xi32, #tpu.memory_space<vmem>>
      %dma_wait3A_798 = arith.constant 0 : i32
      %dma_wait3A_799 = arith.constant 0 : i32
      %dma_wait3A_800 = tpu.memref_slice %arg3[%add3A, %dma_wait3A_791, %dma_wait3A_798, %dma_wait3A_799] : memref<32x250x2x40xi32, #tpu.memory_space<hbm>> -> memref<1x1x2x40xi32, #tpu.memory_space<hbm>>
      %dma_wait3A_801 = tpu.memref_squeeze %dma_wait3A_800 : memref<1x1x2x40xi32, #tpu.memory_space<hbm>> -> memref<2x40xi32, #tpu.memory_space<hbm>>
      %dma_wait3A_802 = tpu.memref_slice %arg9[%dma_wait3A_793] : memref<5x!tpu.dma_semaphore, #tpu.memory_space<semaphore_mem>> -> memref<1x!tpu.dma_semaphore, #tpu.memory_space<semaphore_mem>>
      %dma_wait3A_803 = tpu.memref_squeeze %dma_wait3A_802 : memref<1x!tpu.dma_semaphore, #tpu.memory_space<semaphore_mem>> -> memref<!tpu.dma_semaphore, #tpu.memory_space<semaphore_mem>>
      %dma_wait3A_804 = arith.constant 0 : i32
      %dma_wait3A_805 = arith.constant 0 : i32
      %dma_wait3A_806 = tpu.memref_slice %arg6[%dma_wait3A_792, %dma_wait3A_804, %dma_wait3A_805] : memref<5x2x40xi32, #tpu.memory_space<vmem>> -> memref<1x2x40xi32, #tpu.memory_space<vmem>>
      %dma_wait3A_807 = tpu.memref_squeeze %dma_wait3A_806 : memref<1x2x40xi32, #tpu.memory_space<vmem>> -> memref<2x40xi32, #tpu.memory_space<vmem>>
      %dma_wait3A_808 = arith.constant 0 : i32
      %dma_wait3A_809 = arith.constant 0 : i32
      %dma_wait3A_810 = tpu.memref_slice %arg3[%add3A, %dma_wait3A_791, %dma_wait3A_808, %dma_wait3A_809] : memref<32x250x2x40xi32, #tpu.memory_space<hbm>> -> memref<1x1x2x40xi32, #tpu.memory_space<hbm>>
      %dma_wait3A_811 = tpu.memref_squeeze %dma_wait3A_810 : memref<1x1x2x40xi32, #tpu.memory_space<hbm>> -> memref<2x40xi32, #tpu.memory_space<hbm>>
      tpu.wait_dma2 semaphore(%dma_wait3A_803 : memref<!tpu.dma_semaphore, #tpu.memory_space<semaphore_mem>>) src(%dma_wait3A_811 : memref<2x40xi32, #tpu.memory_space<hbm>>) dst(%dma_wait3A_807 : memref<2x40xi32, #tpu.memory_space<vmem>>)
      %dma_start3A_812 = arith.constant 4 : i32
      %dma_start3A_813 = arith.constant 0 : i32
      %dma_start3A_814 = arith.constant 4 : i32
      %dma_start3A_815 = arith.constant 4 : i32
      %dma_start3A_816 = arith.constant 0 : i32
      %dma_start3A_817 = arith.constant 0 : i32
      %dma_start3A_818 = tpu.memref_slice %arg7[%dma_start3A_814, %dma_start3A_816, %dma_start3A_817] : memref<5x40x144xf32, #tpu.memory_space<vmem>> -> memref<1x40x144xf32, #tpu.memory_space<vmem>>
      %dma_start3A_819 = tpu.memref_squeeze %dma_start3A_818 : memref<1x40x144xf32, #tpu.memory_space<vmem>> -> memref<40x144xf32, #tpu.memory_space<vmem>>
      %dma_start3A_820 = arith.constant 0 : i32
      %dma_start3A_821 = tpu.memref_slice %arg6[%dma_start3A_812, %dma_start3A_813, %dma_start3A_820] : memref<5x2x40xi32, #tpu.memory_space<vmem>> -> memref<1x1x40xi32, #tpu.memory_space<vmem>>
      %dma_start3A_822 = tpu.memref_squeeze %dma_start3A_821 : memref<1x1x40xi32, #tpu.memory_space<vmem>> -> memref<40xi32, #tpu.memory_space<vmem>>
      %dma_start3A_823 = arith.constant 0 : i32
      %dma_start3A_824 = arith.constant 0 : i32
      %dma_start3A_825 = tpu.memref_slice %arg2[%dma_start3A_823, %dma_start3A_824] : memref<10000x144xf32, #tpu.memory_space<hbm>> -> memref<10000x144xf32, #tpu.memory_space<hbm>>
      %dma_start3A_826 = tpu.memref_slice %arg10[%dma_start3A_815] : memref<5x!tpu.dma_semaphore, #tpu.memory_space<semaphore_mem>> -> memref<1x!tpu.dma_semaphore, #tpu.memory_space<semaphore_mem>>
      %dma_start3A_827 = tpu.memref_squeeze %dma_start3A_826 : memref<1x!tpu.dma_semaphore, #tpu.memory_space<semaphore_mem>> -> memref<!tpu.dma_semaphore, #tpu.memory_space<semaphore_mem>>
      tpu.enqueue_indirect_dma source(%dma_start3A_825 : memref<10000x144xf32, #tpu.memory_space<hbm>>) target(%dma_start3A_819 : memref<40x144xf32, #tpu.memory_space<vmem>>) offsets(%dma_start3A_822 : memref<40xi32, #tpu.memory_space<vmem>>) semaphore(%dma_start3A_827 : memref<!tpu.dma_semaphore, #tpu.memory_space<semaphore_mem>>)
    }
    %scan3A_297 = arith.constant 49 : i32
    %dma_wait3A_298 = arith.constant 0 : i32
    %dma_wait3A_299 = arith.constant 0 : i32
    %dma_wait3A_300 = arith.constant 0 : i32
    %dma_wait3A_301 = arith.constant 0 : i32
    %dma_wait3A_302 = tpu.memref_slice %arg7[%dma_wait3A_298, %dma_wait3A_300, %dma_wait3A_301] : memref<5x40x144xf32, #tpu.memory_space<vmem>> -> memref<1x40x144xf32, #tpu.memory_space<vmem>>
    %dma_wait3A_303 = tpu.memref_squeeze %dma_wait3A_302 : memref<1x40x144xf32, #tpu.memory_space<vmem>> -> memref<40x144xf32, #tpu.memory_space<vmem>>
    %dma_wait3A_304 = arith.constant 0 : i32
    %dma_wait3A_305 = arith.constant 0 : i32
    %dma_wait3A_306 = tpu.memref_slice %arg2[%dma_wait3A_304, %dma_wait3A_305] : memref<10000x144xf32, #tpu.memory_space<hbm>> -> memref<40x144xf32, #tpu.memory_space<hbm>>
    %dma_wait3A_307 = tpu.memref_slice %arg10[%dma_wait3A_299] : memref<5x!tpu.dma_semaphore, #tpu.memory_space<semaphore_mem>> -> memref<1x!tpu.dma_semaphore, #tpu.memory_space<semaphore_mem>>
    %dma_wait3A_308 = tpu.memref_squeeze %dma_wait3A_307 : memref<1x!tpu.dma_semaphore, #tpu.memory_space<semaphore_mem>> -> memref<!tpu.dma_semaphore, #tpu.memory_space<semaphore_mem>>
    %dma_wait3A_309 = arith.constant 0 : i32
    %dma_wait3A_310 = arith.constant 0 : i32
    %dma_wait3A_311 = tpu.memref_slice %arg7[%dma_wait3A_298, %dma_wait3A_309, %dma_wait3A_310] : memref<5x40x144xf32, #tpu.memory_space<vmem>> -> memref<1x40x144xf32, #tpu.memory_space<vmem>>
    %dma_wait3A_312 = tpu.memref_squeeze %dma_wait3A_311 : memref<1x40x144xf32, #tpu.memory_space<vmem>> -> memref<40x144xf32, #tpu.memory_space<vmem>>
    %dma_wait3A_313 = arith.constant 0 : i32
    %dma_wait3A_314 = arith.constant 0 : i32
    %dma_wait3A_315 = tpu.memref_slice %arg2[%dma_wait3A_313, %dma_wait3A_314] : memref<10000x144xf32, #tpu.memory_space<hbm>> -> memref<40x144xf32, #tpu.memory_space<hbm>>
    tpu.wait_dma2 semaphore(%dma_wait3A_308 : memref<!tpu.dma_semaphore, #tpu.memory_space<semaphore_mem>>) src(%dma_wait3A_315 : memref<40x144xf32, #tpu.memory_space<hbm>>) dst(%dma_wait3A_312 : memref<40x144xf32, #tpu.memory_space<vmem>>)
    %run_scoped3A = arith.constant 0 : i32
    %run_scoped3A_316 = arith.constant 0 : i32
    %run_scoped3A_317 = arith.constant 1 : i32
    "tpu.region"() ({
      %run_scoped3A_407 = tpu.sem_alloc : memref<!tpu.dma_semaphore, #tpu.memory_space<semaphore_mem>>
      %dma_start3A_408 = arith.constant 0 : i32
      %dma_start3A_409 = arith.constant 0 : i32
      %dma_start3A_410 = tpu.memref_slice %arg7[%run_scoped3A, %dma_start3A_408, %dma_start3A_409] : memref<5x40x144xf32, #tpu.memory_space<vmem>> -> memref<1x40x144xf32, #tpu.memory_space<vmem>>
      %dma_start3A_411 = tpu.memref_squeeze %dma_start3A_410 : memref<1x40x144xf32, #tpu.memory_space<vmem>> -> memref<40x144xf32, #tpu.memory_space<vmem>>
      %dma_start3A_412 = arith.constant 0 : i32
      %dma_start3A_413 = tpu.memref_slice %arg6[%run_scoped3A_316, %run_scoped3A_317, %dma_start3A_412] : memref<5x2x40xi32, #tpu.memory_space<vmem>> -> memref<1x1x40xi32, #tpu.memory_space<vmem>>
      %dma_start3A_414 = tpu.memref_squeeze %dma_start3A_413 : memref<1x1x40xi32, #tpu.memory_space<vmem>> -> memref<40xi32, #tpu.memory_space<vmem>>
      %dma_start3A_415 = arith.constant 0 : i32
      %dma_start3A_416 = arith.constant 0 : i32
      %dma_start3A_417 = tpu.memref_slice %arg8[%dma_start3A_415, %dma_start3A_416] : memref<10240x144xf32, #tpu.memory_space<vmem_shared>> -> memref<10240x144xf32, #tpu.memory_space<vmem_shared>>
      tpu.enqueue_indirect_dma source(%dma_start3A_411 : memref<40x144xf32, #tpu.memory_space<vmem>>) target(%dma_start3A_417 : memref<10240x144xf32, #tpu.memory_space<vmem_shared>>) offsets(%dma_start3A_414 : memref<40xi32, #tpu.memory_space<vmem>>) semaphore(%run_scoped3A_407 : memref<!tpu.dma_semaphore, #tpu.memory_space<semaphore_mem>>) {add = true}
      %dma_wait3A_418 = arith.constant 0 : i32
      %dma_wait3A_419 = arith.constant 0 : i32
      %dma_wait3A_420 = tpu.memref_slice %arg7[%run_scoped3A, %dma_wait3A_418, %dma_wait3A_419] : memref<5x40x144xf32, #tpu.memory_space<vmem>> -> memref<1x40x144xf32, #tpu.memory_space<vmem>>
      %dma_wait3A_421 = tpu.memref_squeeze %dma_wait3A_420 : memref<1x40x144xf32, #tpu.memory_space<vmem>> -> memref<40x144xf32, #tpu.memory_space<vmem>>
      %dma_wait3A_422 = arith.constant 0 : i32
      %dma_wait3A_423 = tpu.memref_slice %arg6[%run_scoped3A_316, %run_scoped3A_317, %dma_wait3A_422] : memref<5x2x40xi32, #tpu.memory_space<vmem>> -> memref<1x1x40xi32, #tpu.memory_space<vmem>>
      %dma_wait3A_424 = tpu.memref_squeeze %dma_wait3A_423 : memref<1x1x40xi32, #tpu.memory_space<vmem>> -> memref<40xi32, #tpu.memory_space<vmem>>
      %dma_wait3A_425 = arith.constant 0 : i32
      %dma_wait3A_426 = arith.constant 0 : i32
      %dma_wait3A_427 = tpu.memref_slice %arg8[%dma_wait3A_425, %dma_wait3A_426] : memref<10240x144xf32, #tpu.memory_space<vmem_shared>> -> memref<10240x144xf32, #tpu.memory_space<vmem_shared>>
      tpu.wait_indirect_dma semaphore(%run_scoped3A_407 : memref<!tpu.dma_semaphore, #tpu.memory_space<semaphore_mem>>) src(%dma_wait3A_421 : memref<40x144xf32, #tpu.memory_space<vmem>>) dst(%dma_wait3A_427 : memref<10240x144xf32, #tpu.memory_space<vmem_shared>>)
      tpu.yield
    }) : () -> ()
    %dma_wait3A_318 = arith.constant 1 : i32
    %dma_wait3A_319 = arith.constant 1 : i32
    %dma_wait3A_320 = arith.constant 0 : i32
    %dma_wait3A_321 = arith.constant 0 : i32
    %dma_wait3A_322 = tpu.memref_slice %arg7[%dma_wait3A_318, %dma_wait3A_320, %dma_wait3A_321] : memref<5x40x144xf32, #tpu.memory_space<vmem>> -> memref<1x40x144xf32, #tpu.memory_space<vmem>>
    %dma_wait3A_323 = tpu.memref_squeeze %dma_wait3A_322 : memref<1x40x144xf32, #tpu.memory_space<vmem>> -> memref<40x144xf32, #tpu.memory_space<vmem>>
    %dma_wait3A_324 = arith.constant 0 : i32
    %dma_wait3A_325 = arith.constant 0 : i32
    %dma_wait3A_326 = tpu.memref_slice %arg2[%dma_wait3A_324, %dma_wait3A_325] : memref<10000x144xf32, #tpu.memory_space<hbm>> -> memref<40x144xf32, #tpu.memory_space<hbm>>
    %dma_wait3A_327 = tpu.memref_slice %arg10[%dma_wait3A_319] : memref<5x!tpu.dma_semaphore, #tpu.memory_space<semaphore_mem>> -> memref<1x!tpu.dma_semaphore, #tpu.memory_space<semaphore_mem>>
    %dma_wait3A_328 = tpu.memref_squeeze %dma_wait3A_327 : memref<1x!tpu.dma_semaphore, #tpu.memory_space<semaphore_mem>> -> memref<!tpu.dma_semaphore, #tpu.memory_space<semaphore_mem>>
    %dma_wait3A_329 = arith.constant 0 : i32
    %dma_wait3A_330 = arith.constant 0 : i32
    %dma_wait3A_331 = tpu.memref_slice %arg7[%dma_wait3A_318, %dma_wait3A_329, %dma_wait3A_330] : memref<5x40x144xf32, #tpu.memory_space<vmem>> -> memref<1x40x144xf32, #tpu.memory_space<vmem>>
    %dma_wait3A_332 = tpu.memref_squeeze %dma_wait3A_331 : memref<1x40x144xf32, #tpu.memory_space<vmem>> -> memref<40x144xf32, #tpu.memory_space<vmem>>
    %dma_wait3A_333 = arith.constant 0 : i32
    %dma_wait3A_334 = arith.constant 0 : i32
    %dma_wait3A_335 = tpu.memref_slice %arg2[%dma_wait3A_333, %dma_wait3A_334] : memref<10000x144xf32, #tpu.memory_space<hbm>> -> memref<40x144xf32, #tpu.memory_space<hbm>>
    tpu.wait_dma2 semaphore(%dma_wait3A_328 : memref<!tpu.dma_semaphore, #tpu.memory_space<semaphore_mem>>) src(%dma_wait3A_335 : memref<40x144xf32, #tpu.memory_space<hbm>>) dst(%dma_wait3A_332 : memref<40x144xf32, #tpu.memory_space<vmem>>)
    %run_scoped3A_336 = arith.constant 1 : i32
    %run_scoped3A_337 = arith.constant 1 : i32
    %run_scoped3A_338 = arith.constant 1 : i32
    "tpu.region"() ({
      %run_scoped3A_407 = tpu.sem_alloc : memref<!tpu.dma_semaphore, #tpu.memory_space<semaphore_mem>>
      %dma_start3A_408 = arith.constant 0 : i32
      %dma_start3A_409 = arith.constant 0 : i32
      %dma_start3A_410 = tpu.memref_slice %arg7[%run_scoped3A_336, %dma_start3A_408, %dma_start3A_409] : memref<5x40x144xf32, #tpu.memory_space<vmem>> -> memref<1x40x144xf32, #tpu.memory_space<vmem>>
      %dma_start3A_411 = tpu.memref_squeeze %dma_start3A_410 : memref<1x40x144xf32, #tpu.memory_space<vmem>> -> memref<40x144xf32, #tpu.memory_space<vmem>>
      %dma_start3A_412 = arith.constant 0 : i32
      %dma_start3A_413 = tpu.memref_slice %arg6[%run_scoped3A_337, %run_scoped3A_338, %dma_start3A_412] : memref<5x2x40xi32, #tpu.memory_space<vmem>> -> memref<1x1x40xi32, #tpu.memory_space<vmem>>
      %dma_start3A_414 = tpu.memref_squeeze %dma_start3A_413 : memref<1x1x40xi32, #tpu.memory_space<vmem>> -> memref<40xi32, #tpu.memory_space<vmem>>
      %dma_start3A_415 = arith.constant 0 : i32
      %dma_start3A_416 = arith.constant 0 : i32
      %dma_start3A_417 = tpu.memref_slice %arg8[%dma_start3A_415, %dma_start3A_416] : memref<10240x144xf32, #tpu.memory_space<vmem_shared>> -> memref<10240x144xf32, #tpu.memory_space<vmem_shared>>
      tpu.enqueue_indirect_dma source(%dma_start3A_411 : memref<40x144xf32, #tpu.memory_space<vmem>>) target(%dma_start3A_417 : memref<10240x144xf32, #tpu.memory_space<vmem_shared>>) offsets(%dma_start3A_414 : memref<40xi32, #tpu.memory_space<vmem>>) semaphore(%run_scoped3A_407 : memref<!tpu.dma_semaphore, #tpu.memory_space<semaphore_mem>>) {add = true}
      %dma_wait3A_418 = arith.constant 0 : i32
      %dma_wait3A_419 = arith.constant 0 : i32
      %dma_wait3A_420 = tpu.memref_slice %arg7[%run_scoped3A_336, %dma_wait3A_418, %dma_wait3A_419] : memref<5x40x144xf32, #tpu.memory_space<vmem>> -> memref<1x40x144xf32, #tpu.memory_space<vmem>>
      %dma_wait3A_421 = tpu.memref_squeeze %dma_wait3A_420 : memref<1x40x144xf32, #tpu.memory_space<vmem>> -> memref<40x144xf32, #tpu.memory_space<vmem>>
      %dma_wait3A_422 = arith.constant 0 : i32
      %dma_wait3A_423 = tpu.memref_slice %arg6[%run_scoped3A_337, %run_scoped3A_338, %dma_wait3A_422] : memref<5x2x40xi32, #tpu.memory_space<vmem>> -> memref<1x1x40xi32, #tpu.memory_space<vmem>>
      %dma_wait3A_424 = tpu.memref_squeeze %dma_wait3A_423 : memref<1x1x40xi32, #tpu.memory_space<vmem>> -> memref<40xi32, #tpu.memory_space<vmem>>
      %dma_wait3A_425 = arith.constant 0 : i32
      %dma_wait3A_426 = arith.constant 0 : i32
      %dma_wait3A_427 = tpu.memref_slice %arg8[%dma_wait3A_425, %dma_wait3A_426] : memref<10240x144xf32, #tpu.memory_space<vmem_shared>> -> memref<10240x144xf32, #tpu.memory_space<vmem_shared>>
      tpu.wait_indirect_dma semaphore(%run_scoped3A_407 : memref<!tpu.dma_semaphore, #tpu.memory_space<semaphore_mem>>) src(%dma_wait3A_421 : memref<40x144xf32, #tpu.memory_space<vmem>>) dst(%dma_wait3A_427 : memref<10240x144xf32, #tpu.memory_space<vmem_shared>>)
      tpu.yield
    }) : () -> ()
    %dma_wait3A_339 = arith.constant 2 : i32
    %dma_wait3A_340 = arith.constant 2 : i32
    %dma_wait3A_341 = arith.constant 0 : i32
    %dma_wait3A_342 = arith.constant 0 : i32
    %dma_wait3A_343 = tpu.memref_slice %arg7[%dma_wait3A_339, %dma_wait3A_341, %dma_wait3A_342] : memref<5x40x144xf32, #tpu.memory_space<vmem>> -> memref<1x40x144xf32, #tpu.memory_space<vmem>>
    %dma_wait3A_344 = tpu.memref_squeeze %dma_wait3A_343 : memref<1x40x144xf32, #tpu.memory_space<vmem>> -> memref<40x144xf32, #tpu.memory_space<vmem>>
    %dma_wait3A_345 = arith.constant 0 : i32
    %dma_wait3A_346 = arith.constant 0 : i32
    %dma_wait3A_347 = tpu.memref_slice %arg2[%dma_wait3A_345, %dma_wait3A_346] : memref<10000x144xf32, #tpu.memory_space<hbm>> -> memref<40x144xf32, #tpu.memory_space<hbm>>
    %dma_wait3A_348 = tpu.memref_slice %arg10[%dma_wait3A_340] : memref<5x!tpu.dma_semaphore, #tpu.memory_space<semaphore_mem>> -> memref<1x!tpu.dma_semaphore, #tpu.memory_space<semaphore_mem>>
    %dma_wait3A_349 = tpu.memref_squeeze %dma_wait3A_348 : memref<1x!tpu.dma_semaphore, #tpu.memory_space<semaphore_mem>> -> memref<!tpu.dma_semaphore, #tpu.memory_space<semaphore_mem>>
    %dma_wait3A_350 = arith.constant 0 : i32
    %dma_wait3A_351 = arith.constant 0 : i32
    %dma_wait3A_352 = tpu.memref_slice %arg7[%dma_wait3A_339, %dma_wait3A_350, %dma_wait3A_351] : memref<5x40x144xf32, #tpu.memory_space<vmem>> -> memref<1x40x144xf32, #tpu.memory_space<vmem>>
    %dma_wait3A_353 = tpu.memref_squeeze %dma_wait3A_352 : memref<1x40x144xf32, #tpu.memory_space<vmem>> -> memref<40x144xf32, #tpu.memory_space<vmem>>
    %dma_wait3A_354 = arith.constant 0 : i32
    %dma_wait3A_355 = arith.constant 0 : i32
    %dma_wait3A_356 = tpu.memref_slice %arg2[%dma_wait3A_354, %dma_wait3A_355] : memref<10000x144xf32, #tpu.memory_space<hbm>> -> memref<40x144xf32, #tpu.memory_space<hbm>>
    tpu.wait_dma2 semaphore(%dma_wait3A_349 : memref<!tpu.dma_semaphore, #tpu.memory_space<semaphore_mem>>) src(%dma_wait3A_356 : memref<40x144xf32, #tpu.memory_space<hbm>>) dst(%dma_wait3A_353 : memref<40x144xf32, #tpu.memory_space<vmem>>)
    %run_scoped3A_357 = arith.constant 2 : i32
    %run_scoped3A_358 = arith.constant 2 : i32
    %run_scoped3A_359 = arith.constant 1 : i32
    "tpu.region"() ({
      %run_scoped3A_407 = tpu.sem_alloc : memref<!tpu.dma_semaphore, #tpu.memory_space<semaphore_mem>>
      %dma_start3A_408 = arith.constant 0 : i32
      %dma_start3A_409 = arith.constant 0 : i32
      %dma_start3A_410 = tpu.memref_slice %arg7[%run_scoped3A_357, %dma_start3A_408, %dma_start3A_409] : memref<5x40x144xf32, #tpu.memory_space<vmem>> -> memref<1x40x144xf32, #tpu.memory_space<vmem>>
      %dma_start3A_411 = tpu.memref_squeeze %dma_start3A_410 : memref<1x40x144xf32, #tpu.memory_space<vmem>> -> memref<40x144xf32, #tpu.memory_space<vmem>>
      %dma_start3A_412 = arith.constant 0 : i32
      %dma_start3A_413 = tpu.memref_slice %arg6[%run_scoped3A_358, %run_scoped3A_359, %dma_start3A_412] : memref<5x2x40xi32, #tpu.memory_space<vmem>> -> memref<1x1x40xi32, #tpu.memory_space<vmem>>
      %dma_start3A_414 = tpu.memref_squeeze %dma_start3A_413 : memref<1x1x40xi32, #tpu.memory_space<vmem>> -> memref<40xi32, #tpu.memory_space<vmem>>
      %dma_start3A_415 = arith.constant 0 : i32
      %dma_start3A_416 = arith.constant 0 : i32
      %dma_start3A_417 = tpu.memref_slice %arg8[%dma_start3A_415, %dma_start3A_416] : memref<10240x144xf32, #tpu.memory_space<vmem_shared>> -> memref<10240x144xf32, #tpu.memory_space<vmem_shared>>
      tpu.enqueue_indirect_dma source(%dma_start3A_411 : memref<40x144xf32, #tpu.memory_space<vmem>>) target(%dma_start3A_417 : memref<10240x144xf32, #tpu.memory_space<vmem_shared>>) offsets(%dma_start3A_414 : memref<40xi32, #tpu.memory_space<vmem>>) semaphore(%run_scoped3A_407 : memref<!tpu.dma_semaphore, #tpu.memory_space<semaphore_mem>>) {add = true}
      %dma_wait3A_418 = arith.constant 0 : i32
      %dma_wait3A_419 = arith.constant 0 : i32
      %dma_wait3A_420 = tpu.memref_slice %arg7[%run_scoped3A_357, %dma_wait3A_418, %dma_wait3A_419] : memref<5x40x144xf32, #tpu.memory_space<vmem>> -> memref<1x40x144xf32, #tpu.memory_space<vmem>>
      %dma_wait3A_421 = tpu.memref_squeeze %dma_wait3A_420 : memref<1x40x144xf32, #tpu.memory_space<vmem>> -> memref<40x144xf32, #tpu.memory_space<vmem>>
      %dma_wait3A_422 = arith.constant 0 : i32
      %dma_wait3A_423 = tpu.memref_slice %arg6[%run_scoped3A_358, %run_scoped3A_359, %dma_wait3A_422] : memref<5x2x40xi32, #tpu.memory_space<vmem>> -> memref<1x1x40xi32, #tpu.memory_space<vmem>>
      %dma_wait3A_424 = tpu.memref_squeeze %dma_wait3A_423 : memref<1x1x40xi32, #tpu.memory_space<vmem>> -> memref<40xi32, #tpu.memory_space<vmem>>
      %dma_wait3A_425 = arith.constant 0 : i32
      %dma_wait3A_426 = arith.constant 0 : i32
      %dma_wait3A_427 = tpu.memref_slice %arg8[%dma_wait3A_425, %dma_wait3A_426] : memref<10240x144xf32, #tpu.memory_space<vmem_shared>> -> memref<10240x144xf32, #tpu.memory_space<vmem_shared>>
      tpu.wait_indirect_dma semaphore(%run_scoped3A_407 : memref<!tpu.dma_semaphore, #tpu.memory_space<semaphore_mem>>) src(%dma_wait3A_421 : memref<40x144xf32, #tpu.memory_space<vmem>>) dst(%dma_wait3A_427 : memref<10240x144xf32, #tpu.memory_space<vmem_shared>>)
      tpu.yield
    }) : () -> ()
    %dma_wait3A_360 = arith.constant 3 : i32
    %dma_wait3A_361 = arith.constant 3 : i32
    %dma_wait3A_362 = arith.constant 0 : i32
    %dma_wait3A_363 = arith.constant 0 : i32
    %dma_wait3A_364 = tpu.memref_slice %arg7[%dma_wait3A_360, %dma_wait3A_362, %dma_wait3A_363] : memref<5x40x144xf32, #tpu.memory_space<vmem>> -> memref<1x40x144xf32, #tpu.memory_space<vmem>>
    %dma_wait3A_365 = tpu.memref_squeeze %dma_wait3A_364 : memref<1x40x144xf32, #tpu.memory_space<vmem>> -> memref<40x144xf32, #tpu.memory_space<vmem>>
    %dma_wait3A_366 = arith.constant 0 : i32
    %dma_wait3A_367 = arith.constant 0 : i32
    %dma_wait3A_368 = tpu.memref_slice %arg2[%dma_wait3A_366, %dma_wait3A_367] : memref<10000x144xf32, #tpu.memory_space<hbm>> -> memref<40x144xf32, #tpu.memory_space<hbm>>
    %dma_wait3A_369 = tpu.memref_slice %arg10[%dma_wait3A_361] : memref<5x!tpu.dma_semaphore, #tpu.memory_space<semaphore_mem>> -> memref<1x!tpu.dma_semaphore, #tpu.memory_space<semaphore_mem>>
    %dma_wait3A_370 = tpu.memref_squeeze %dma_wait3A_369 : memref<1x!tpu.dma_semaphore, #tpu.memory_space<semaphore_mem>> -> memref<!tpu.dma_semaphore, #tpu.memory_space<semaphore_mem>>
    %dma_wait3A_371 = arith.constant 0 : i32
    %dma_wait3A_372 = arith.constant 0 : i32
    %dma_wait3A_373 = tpu.memref_slice %arg7[%dma_wait3A_360, %dma_wait3A_371, %dma_wait3A_372] : memref<5x40x144xf32, #tpu.memory_space<vmem>> -> memref<1x40x144xf32, #tpu.memory_space<vmem>>
    %dma_wait3A_374 = tpu.memref_squeeze %dma_wait3A_373 : memref<1x40x144xf32, #tpu.memory_space<vmem>> -> memref<40x144xf32, #tpu.memory_space<vmem>>
    %dma_wait3A_375 = arith.constant 0 : i32
    %dma_wait3A_376 = arith.constant 0 : i32
    %dma_wait3A_377 = tpu.memref_slice %arg2[%dma_wait3A_375, %dma_wait3A_376] : memref<10000x144xf32, #tpu.memory_space<hbm>> -> memref<40x144xf32, #tpu.memory_space<hbm>>
    tpu.wait_dma2 semaphore(%dma_wait3A_370 : memref<!tpu.dma_semaphore, #tpu.memory_space<semaphore_mem>>) src(%dma_wait3A_377 : memref<40x144xf32, #tpu.memory_space<hbm>>) dst(%dma_wait3A_374 : memref<40x144xf32, #tpu.memory_space<vmem>>)
    %run_scoped3A_378 = arith.constant 3 : i32
    %run_scoped3A_379 = arith.constant 3 : i32
    %run_scoped3A_380 = arith.constant 1 : i32
    "tpu.region"() ({
      %run_scoped3A_407 = tpu.sem_alloc : memref<!tpu.dma_semaphore, #tpu.memory_space<semaphore_mem>>
      %dma_start3A_408 = arith.constant 0 : i32
      %dma_start3A_409 = arith.constant 0 : i32
      %dma_start3A_410 = tpu.memref_slice %arg7[%run_scoped3A_378, %dma_start3A_408, %dma_start3A_409] : memref<5x40x144xf32, #tpu.memory_space<vmem>> -> memref<1x40x144xf32, #tpu.memory_space<vmem>>
      %dma_start3A_411 = tpu.memref_squeeze %dma_start3A_410 : memref<1x40x144xf32, #tpu.memory_space<vmem>> -> memref<40x144xf32, #tpu.memory_space<vmem>>
      %dma_start3A_412 = arith.constant 0 : i32
      %dma_start3A_413 = tpu.memref_slice %arg6[%run_scoped3A_379, %run_scoped3A_380, %dma_start3A_412] : memref<5x2x40xi32, #tpu.memory_space<vmem>> -> memref<1x1x40xi32, #tpu.memory_space<vmem>>
      %dma_start3A_414 = tpu.memref_squeeze %dma_start3A_413 : memref<1x1x40xi32, #tpu.memory_space<vmem>> -> memref<40xi32, #tpu.memory_space<vmem>>
      %dma_start3A_415 = arith.constant 0 : i32
      %dma_start3A_416 = arith.constant 0 : i32
      %dma_start3A_417 = tpu.memref_slice %arg8[%dma_start3A_415, %dma_start3A_416] : memref<10240x144xf32, #tpu.memory_space<vmem_shared>> -> memref<10240x144xf32, #tpu.memory_space<vmem_shared>>
      tpu.enqueue_indirect_dma source(%dma_start3A_411 : memref<40x144xf32, #tpu.memory_space<vmem>>) target(%dma_start3A_417 : memref<10240x144xf32, #tpu.memory_space<vmem_shared>>) offsets(%dma_start3A_414 : memref<40xi32, #tpu.memory_space<vmem>>) semaphore(%run_scoped3A_407 : memref<!tpu.dma_semaphore, #tpu.memory_space<semaphore_mem>>) {add = true}
      %dma_wait3A_418 = arith.constant 0 : i32
      %dma_wait3A_419 = arith.constant 0 : i32
      %dma_wait3A_420 = tpu.memref_slice %arg7[%run_scoped3A_378, %dma_wait3A_418, %dma_wait3A_419] : memref<5x40x144xf32, #tpu.memory_space<vmem>> -> memref<1x40x144xf32, #tpu.memory_space<vmem>>
      %dma_wait3A_421 = tpu.memref_squeeze %dma_wait3A_420 : memref<1x40x144xf32, #tpu.memory_space<vmem>> -> memref<40x144xf32, #tpu.memory_space<vmem>>
      %dma_wait3A_422 = arith.constant 0 : i32
      %dma_wait3A_423 = tpu.memref_slice %arg6[%run_scoped3A_379, %run_scoped3A_380, %dma_wait3A_422] : memref<5x2x40xi32, #tpu.memory_space<vmem>> -> memref<1x1x40xi32, #tpu.memory_space<vmem>>
      %dma_wait3A_424 = tpu.memref_squeeze %dma_wait3A_423 : memref<1x1x40xi32, #tpu.memory_space<vmem>> -> memref<40xi32, #tpu.memory_space<vmem>>
      %dma_wait3A_425 = arith.constant 0 : i32
      %dma_wait3A_426 = arith.constant 0 : i32
      %dma_wait3A_427 = tpu.memref_slice %arg8[%dma_wait3A_425, %dma_wait3A_426] : memref<10240x144xf32, #tpu.memory_space<vmem_shared>> -> memref<10240x144xf32, #tpu.memory_space<vmem_shared>>
      tpu.wait_indirect_dma semaphore(%run_scoped3A_407 : memref<!tpu.dma_semaphore, #tpu.memory_space<semaphore_mem>>) src(%dma_wait3A_421 : memref<40x144xf32, #tpu.memory_space<vmem>>) dst(%dma_wait3A_427 : memref<10240x144xf32, #tpu.memory_space<vmem_shared>>)
      tpu.yield
    }) : () -> ()
    %dma_wait3A_381 = arith.constant 4 : i32
    %dma_wait3A_382 = arith.constant 4 : i32
    %dma_wait3A_383 = arith.constant 0 : i32
    %dma_wait3A_384 = arith.constant 0 : i32
    %dma_wait3A_385 = tpu.memref_slice %arg7[%dma_wait3A_381, %dma_wait3A_383, %dma_wait3A_384] : memref<5x40x144xf32, #tpu.memory_space<vmem>> -> memref<1x40x144xf32, #tpu.memory_space<vmem>>
    %dma_wait3A_386 = tpu.memref_squeeze %dma_wait3A_385 : memref<1x40x144xf32, #tpu.memory_space<vmem>> -> memref<40x144xf32, #tpu.memory_space<vmem>>
    %dma_wait3A_387 = arith.constant 0 : i32
    %dma_wait3A_388 = arith.constant 0 : i32
    %dma_wait3A_389 = tpu.memref_slice %arg2[%dma_wait3A_387, %dma_wait3A_388] : memref<10000x144xf32, #tpu.memory_space<hbm>> -> memref<40x144xf32, #tpu.memory_space<hbm>>
    %dma_wait3A_390 = tpu.memref_slice %arg10[%dma_wait3A_382] : memref<5x!tpu.dma_semaphore, #tpu.memory_space<semaphore_mem>> -> memref<1x!tpu.dma_semaphore, #tpu.memory_space<semaphore_mem>>
    %dma_wait3A_391 = tpu.memref_squeeze %dma_wait3A_390 : memref<1x!tpu.dma_semaphore, #tpu.memory_space<semaphore_mem>> -> memref<!tpu.dma_semaphore, #tpu.memory_space<semaphore_mem>>
    %dma_wait3A_392 = arith.constant 0 : i32
    %dma_wait3A_393 = arith.constant 0 : i32
    %dma_wait3A_394 = tpu.memref_slice %arg7[%dma_wait3A_381, %dma_wait3A_392, %dma_wait3A_393] : memref<5x40x144xf32, #tpu.memory_space<vmem>> -> memref<1x40x144xf32, #tpu.memory_space<vmem>>
    %dma_wait3A_395 = tpu.memref_squeeze %dma_wait3A_394 : memref<1x40x144xf32, #tpu.memory_space<vmem>> -> memref<40x144xf32, #tpu.memory_space<vmem>>
    %dma_wait3A_396 = arith.constant 0 : i32
    %dma_wait3A_397 = arith.constant 0 : i32
    %dma_wait3A_398 = tpu.memref_slice %arg2[%dma_wait3A_396, %dma_wait3A_397] : memref<10000x144xf32, #tpu.memory_space<hbm>> -> memref<40x144xf32, #tpu.memory_space<hbm>>
    tpu.wait_dma2 semaphore(%dma_wait3A_391 : memref<!tpu.dma_semaphore, #tpu.memory_space<semaphore_mem>>) src(%dma_wait3A_398 : memref<40x144xf32, #tpu.memory_space<hbm>>) dst(%dma_wait3A_395 : memref<40x144xf32, #tpu.memory_space<vmem>>)
    %run_scoped3A_399 = arith.constant 4 : i32
    %run_scoped3A_400 = arith.constant 4 : i32
    %run_scoped3A_401 = arith.constant 1 : i32
    "tpu.region"() ({
      %run_scoped3A_407 = tpu.sem_alloc : memref<!tpu.dma_semaphore, #tpu.memory_space<semaphore_mem>>
      %dma_start3A_408 = arith.constant 0 : i32
      %dma_start3A_409 = arith.constant 0 : i32
      %dma_start3A_410 = tpu.memref_slice %arg7[%run_scoped3A_399, %dma_start3A_408, %dma_start3A_409] : memref<5x40x144xf32, #tpu.memory_space<vmem>> -> memref<1x40x144xf32, #tpu.memory_space<vmem>>
      %dma_start3A_411 = tpu.memref_squeeze %dma_start3A_410 : memref<1x40x144xf32, #tpu.memory_space<vmem>> -> memref<40x144xf32, #tpu.memory_space<vmem>>
      %dma_start3A_412 = arith.constant 0 : i32
      %dma_start3A_413 = tpu.memref_slice %arg6[%run_scoped3A_400, %run_scoped3A_401, %dma_start3A_412] : memref<5x2x40xi32, #tpu.memory_space<vmem>> -> memref<1x1x40xi32, #tpu.memory_space<vmem>>
      %dma_start3A_414 = tpu.memref_squeeze %dma_start3A_413 : memref<1x1x40xi32, #tpu.memory_space<vmem>> -> memref<40xi32, #tpu.memory_space<vmem>>
      %dma_start3A_415 = arith.constant 0 : i32
      %dma_start3A_416 = arith.constant 0 : i32
      %dma_start3A_417 = tpu.memref_slice %arg8[%dma_start3A_415, %dma_start3A_416] : memref<10240x144xf32, #tpu.memory_space<vmem_shared>> -> memref<10240x144xf32, #tpu.memory_space<vmem_shared>>
      tpu.enqueue_indirect_dma source(%dma_start3A_411 : memref<40x144xf32, #tpu.memory_space<vmem>>) target(%dma_start3A_417 : memref<10240x144xf32, #tpu.memory_space<vmem_shared>>) offsets(%dma_start3A_414 : memref<40xi32, #tpu.memory_space<vmem>>) semaphore(%run_scoped3A_407 : memref<!tpu.dma_semaphore, #tpu.memory_space<semaphore_mem>>) {add = true}
      %dma_wait3A_418 = arith.constant 0 : i32
      %dma_wait3A_419 = arith.constant 0 : i32
      %dma_wait3A_420 = tpu.memref_slice %arg7[%run_scoped3A_399, %dma_wait3A_418, %dma_wait3A_419] : memref<5x40x144xf32, #tpu.memory_space<vmem>> -> memref<1x40x144xf32, #tpu.memory_space<vmem>>
      %dma_wait3A_421 = tpu.memref_squeeze %dma_wait3A_420 : memref<1x40x144xf32, #tpu.memory_space<vmem>> -> memref<40x144xf32, #tpu.memory_space<vmem>>
      %dma_wait3A_422 = arith.constant 0 : i32
      %dma_wait3A_423 = tpu.memref_slice %arg6[%run_scoped3A_400, %run_scoped3A_401, %dma_wait3A_422] : memref<5x2x40xi32, #tpu.memory_space<vmem>> -> memref<1x1x40xi32, #tpu.memory_space<vmem>>
      %dma_wait3A_424 = tpu.memref_squeeze %dma_wait3A_423 : memref<1x1x40xi32, #tpu.memory_space<vmem>> -> memref<40xi32, #tpu.memory_space<vmem>>
      %dma_wait3A_425 = arith.constant 0 : i32
      %dma_wait3A_426 = arith.constant 0 : i32
      %dma_wait3A_427 = tpu.memref_slice %arg8[%dma_wait3A_425, %dma_wait3A_426] : memref<10240x144xf32, #tpu.memory_space<vmem_shared>> -> memref<10240x144xf32, #tpu.memory_space<vmem_shared>>
      tpu.wait_indirect_dma semaphore(%run_scoped3A_407 : memref<!tpu.dma_semaphore, #tpu.memory_space<semaphore_mem>>) src(%dma_wait3A_421 : memref<40x144xf32, #tpu.memory_space<vmem>>) dst(%dma_wait3A_427 : memref<10240x144xf32, #tpu.memory_space<vmem_shared>>)
      tpu.yield
    }) : () -> ()
    %barrier3A_402 = arith.constant 0 : index
    tpu.barrier barrier_id(%barrier3A_402)
    %mul3A_403 = arith.constant 640 : i32
    %mul3A_404 = arith.muli %arg1, %mul3A_403 : i32
    %mul3A_405 = arith.constant 640 : i32
    %mul3A_406 = arith.muli %arg1, %mul3A_405 : i32
    "tpu.region"() ({
      %run_scoped3A_407 = tpu.sem_alloc : memref<!tpu.dma_semaphore, #tpu.memory_space<semaphore_mem>>
      %dma_start3A_408 = arith.constant 0 : i32
      %dma_start3A_409 = tpu.memref_slice %arg5[%arg0, %mul3A_406, %dma_start3A_408] : memref<2x10240x144xf32, #tpu.memory_space<hbm>> -> memref<1x640x144xf32, #tpu.memory_space<hbm>>
      %dma_start3A_410 = tpu.memref_squeeze %dma_start3A_409 : memref<1x640x144xf32, #tpu.memory_space<hbm>> -> memref<640x144xf32, #tpu.memory_space<hbm>>
      %dma_start3A_411 = arith.constant 0 : i32
      %dma_start3A_412 = tpu.memref_slice %arg8[%mul3A_404, %dma_start3A_411] : memref<10240x144xf32, #tpu.memory_space<vmem_shared>> -> memref<640x144xf32, #tpu.memory_space<vmem_shared>>
      tpu.enqueue_dma source(%dma_start3A_412 : memref<640x144xf32, #tpu.memory_space<vmem_shared>>) target(%dma_start3A_410 : memref<640x144xf32, #tpu.memory_space<hbm>>) target_semaphore(%run_scoped3A_407 : memref<!tpu.dma_semaphore, #tpu.memory_space<semaphore_mem>>)
      %dma_wait3A_413 = arith.constant 0 : i32
      %dma_wait3A_414 = tpu.memref_slice %arg5[%arg0, %mul3A_406, %dma_wait3A_413] : memref<2x10240x144xf32, #tpu.memory_space<hbm>> -> memref<1x640x144xf32, #tpu.memory_space<hbm>>
      %dma_wait3A_415 = tpu.memref_squeeze %dma_wait3A_414 : memref<1x640x144xf32, #tpu.memory_space<hbm>> -> memref<640x144xf32, #tpu.memory_space<hbm>>
      %dma_wait3A_416 = arith.constant 0 : i32
      %dma_wait3A_417 = tpu.memref_slice %arg8[%mul3A_404, %dma_wait3A_416] : memref<10240x144xf32, #tpu.memory_space<vmem_shared>> -> memref<640x144xf32, #tpu.memory_space<vmem_shared>>
      tpu.wait_dma2 semaphore(%run_scoped3A_407 : memref<!tpu.dma_semaphore, #tpu.memory_space<semaphore_mem>>) src(%dma_wait3A_417 : memref<640x144xf32, #tpu.memory_space<vmem_shared>>) dst(%dma_wait3A_415 : memref<640x144xf32, #tpu.memory_space<hbm>>)
      tpu.yield
    }) : () -> ()
    return
  }
}

#map = affine_map<(d0, d1) -> (0, 0)>
#map1 = affine_map<(d0, d1) -> (0, 0, 0, 0)>
#map2 = affine_map<(d0, d1) -> (0, 0, 0)>
module attributes {stable_mosaic.version = 14 : i64} {
  func.func @seg_kernel(%arg0: i32, %arg1: i32, %arg2: memref<10000x128xf32, #tpu.memory_space<hbm>>, %arg3: memref<32x250x2x40xi32, #tpu.memory_space<hbm>>, %arg4: memref<10240x128xf32, #tpu.memory_space<hbm>>, %arg5: memref<2x10240x128xf32, #tpu.memory_space<hbm>>, %arg6: memref<5x2x40xi32, #tpu.memory_space<vmem>>, %arg7: memref<5x40x128xf32, #tpu.memory_space<vmem>>, %arg8: memref<10240x128xf32, #tpu.memory_space<vmem_shared>>, %arg9: memref<5x!tpu.dma_semaphore, #tpu.memory_space<semaphore_mem>>, %arg10: memref<5x!tpu.dma_semaphore, #tpu.memory_space<semaphore_mem>>) attributes {dimension_semantics = [#tpu.dimension_semantics<core_parallel>, #tpu.dimension_semantics<subcore_parallel>], iteration_bounds = array<i64: 2, 16>, scalar_prefetch = 0 : i64, scratch_operands = 5 : i64, tpu.core_type = #tpu.core_type<sc_vector_subcore>, window_params = [{transform_indices = #map}, {transform_indices = #map1}, {transform_indices = #map}, {transform_indices = #map2}]} {
    %mul3A = arith.constant 2 : i32
    %mul3A_0 = arith.muli %arg1, %mul3A : i32
    %add3A = arith.addi %mul3A_0, %arg0 : i32
    %dma_start3A = arith.constant 0 : i32
    %dma_start3A_1 = arith.constant 0 : i32
    %dma_start3A_2 = arith.constant 0 : i32
    %dma_start3A_3 = arith.constant 0 : i32
    %dma_start3A_4 = arith.constant 0 : i32
    %dma_start3A_5 = tpu.memref_slice %arg6[%dma_start3A_1, %dma_start3A_3, %dma_start3A_4] : memref<5x2x40xi32, #tpu.memory_space<vmem>> -> memref<1x2x40xi32, #tpu.memory_space<vmem>>
    %dma_start3A_6 = tpu.memref_squeeze %dma_start3A_5 : memref<1x2x40xi32, #tpu.memory_space<vmem>> -> memref<2x40xi32, #tpu.memory_space<vmem>>
    %dma_start3A_7 = arith.constant 0 : i32
    %dma_start3A_8 = arith.constant 0 : i32
    %dma_start3A_9 = tpu.memref_slice %arg3[%add3A, %dma_start3A, %dma_start3A_7, %dma_start3A_8] : memref<32x250x2x40xi32, #tpu.memory_space<hbm>> -> memref<1x1x2x40xi32, #tpu.memory_space<hbm>>
    %dma_start3A_10 = tpu.memref_squeeze %dma_start3A_9 : memref<1x1x2x40xi32, #tpu.memory_space<hbm>> -> memref<2x40xi32, #tpu.memory_space<hbm>>
    %dma_start3A_11 = tpu.memref_slice %arg9[%dma_start3A_2] : memref<5x!tpu.dma_semaphore, #tpu.memory_space<semaphore_mem>> -> memref<1x!tpu.dma_semaphore, #tpu.memory_space<semaphore_mem>>
    %dma_start3A_12 = tpu.memref_squeeze %dma_start3A_11 : memref<1x!tpu.dma_semaphore, #tpu.memory_space<semaphore_mem>> -> memref<!tpu.dma_semaphore, #tpu.memory_space<semaphore_mem>>
    %dma_start3A_13 = arith.constant 0 : i32
    %dma_start3A_14 = arith.constant 0 : i32
    %dma_start3A_15 = tpu.memref_slice %arg6[%dma_start3A_1, %dma_start3A_13, %dma_start3A_14] : memref<5x2x40xi32, #tpu.memory_space<vmem>> -> memref<1x2x40xi32, #tpu.memory_space<vmem>>
    %dma_start3A_16 = tpu.memref_squeeze %dma_start3A_15 : memref<1x2x40xi32, #tpu.memory_space<vmem>> -> memref<2x40xi32, #tpu.memory_space<vmem>>
    %dma_start3A_17 = arith.constant 0 : i32
    %dma_start3A_18 = arith.constant 0 : i32
    %dma_start3A_19 = tpu.memref_slice %arg3[%add3A, %dma_start3A, %dma_start3A_17, %dma_start3A_18] : memref<32x250x2x40xi32, #tpu.memory_space<hbm>> -> memref<1x1x2x40xi32, #tpu.memory_space<hbm>>
    %dma_start3A_20 = tpu.memref_squeeze %dma_start3A_19 : memref<1x1x2x40xi32, #tpu.memory_space<hbm>> -> memref<2x40xi32, #tpu.memory_space<hbm>>
    tpu.enqueue_dma source(%dma_start3A_20 : memref<2x40xi32, #tpu.memory_space<hbm>>) target(%dma_start3A_16 : memref<2x40xi32, #tpu.memory_space<vmem>>) target_semaphore(%dma_start3A_12 : memref<!tpu.dma_semaphore, #tpu.memory_space<semaphore_mem>>)
    %dma_start3A_21 = arith.constant 1 : i32
    %dma_start3A_22 = arith.constant 1 : i32
    %dma_start3A_23 = arith.constant 1 : i32
    %dma_start3A_24 = arith.constant 0 : i32
    %dma_start3A_25 = arith.constant 0 : i32
    %dma_start3A_26 = tpu.memref_slice %arg6[%dma_start3A_22, %dma_start3A_24, %dma_start3A_25] : memref<5x2x40xi32, #tpu.memory_space<vmem>> -> memref<1x2x40xi32, #tpu.memory_space<vmem>>
    %dma_start3A_27 = tpu.memref_squeeze %dma_start3A_26 : memref<1x2x40xi32, #tpu.memory_space<vmem>> -> memref<2x40xi32, #tpu.memory_space<vmem>>
    %dma_start3A_28 = arith.constant 0 : i32
    %dma_start3A_29 = arith.constant 0 : i32
    %dma_start3A_30 = tpu.memref_slice %arg3[%add3A, %dma_start3A_21, %dma_start3A_28, %dma_start3A_29] : memref<32x250x2x40xi32, #tpu.memory_space<hbm>> -> memref<1x1x2x40xi32, #tpu.memory_space<hbm>>
    %dma_start3A_31 = tpu.memref_squeeze %dma_start3A_30 : memref<1x1x2x40xi32, #tpu.memory_space<hbm>> -> memref<2x40xi32, #tpu.memory_space<hbm>>
    %dma_start3A_32 = tpu.memref_slice %arg9[%dma_start3A_23] : memref<5x!tpu.dma_semaphore, #tpu.memory_space<semaphore_mem>> -> memref<1x!tpu.dma_semaphore, #tpu.memory_space<semaphore_mem>>
    %dma_start3A_33 = tpu.memref_squeeze %dma_start3A_32 : memref<1x!tpu.dma_semaphore, #tpu.memory_space<semaphore_mem>> -> memref<!tpu.dma_semaphore, #tpu.memory_space<semaphore_mem>>
    %dma_start3A_34 = arith.constant 0 : i32
    %dma_start3A_35 = arith.constant 0 : i32
    %dma_start3A_36 = tpu.memref_slice %arg6[%dma_start3A_22, %dma_start3A_34, %dma_start3A_35] : memref<5x2x40xi32, #tpu.memory_space<vmem>> -> memref<1x2x40xi32, #tpu.memory_space<vmem>>
    %dma_start3A_37 = tpu.memref_squeeze %dma_start3A_36 : memref<1x2x40xi32, #tpu.memory_space<vmem>> -> memref<2x40xi32, #tpu.memory_space<vmem>>
    %dma_start3A_38 = arith.constant 0 : i32
    %dma_start3A_39 = arith.constant 0 : i32
    %dma_start3A_40 = tpu.memref_slice %arg3[%add3A, %dma_start3A_21, %dma_start3A_38, %dma_start3A_39] : memref<32x250x2x40xi32, #tpu.memory_space<hbm>> -> memref<1x1x2x40xi32, #tpu.memory_space<hbm>>
    %dma_start3A_41 = tpu.memref_squeeze %dma_start3A_40 : memref<1x1x2x40xi32, #tpu.memory_space<hbm>> -> memref<2x40xi32, #tpu.memory_space<hbm>>
    tpu.enqueue_dma source(%dma_start3A_41 : memref<2x40xi32, #tpu.memory_space<hbm>>) target(%dma_start3A_37 : memref<2x40xi32, #tpu.memory_space<vmem>>) target_semaphore(%dma_start3A_33 : memref<!tpu.dma_semaphore, #tpu.memory_space<semaphore_mem>>)
    %dma_start3A_42 = arith.constant 2 : i32
    %dma_start3A_43 = arith.constant 2 : i32
    %dma_start3A_44 = arith.constant 2 : i32
    %dma_start3A_45 = arith.constant 0 : i32
    %dma_start3A_46 = arith.constant 0 : i32
    %dma_start3A_47 = tpu.memref_slice %arg6[%dma_start3A_43, %dma_start3A_45, %dma_start3A_46] : memref<5x2x40xi32, #tpu.memory_space<vmem>> -> memref<1x2x40xi32, #tpu.memory_space<vmem>>
    %dma_start3A_48 = tpu.memref_squeeze %dma_start3A_47 : memref<1x2x40xi32, #tpu.memory_space<vmem>> -> memref<2x40xi32, #tpu.memory_space<vmem>>
    %dma_start3A_49 = arith.constant 0 : i32
    %dma_start3A_50 = arith.constant 0 : i32
    %dma_start3A_51 = tpu.memref_slice %arg3[%add3A, %dma_start3A_42, %dma_start3A_49, %dma_start3A_50] : memref<32x250x2x40xi32, #tpu.memory_space<hbm>> -> memref<1x1x2x40xi32, #tpu.memory_space<hbm>>
    %dma_start3A_52 = tpu.memref_squeeze %dma_start3A_51 : memref<1x1x2x40xi32, #tpu.memory_space<hbm>> -> memref<2x40xi32, #tpu.memory_space<hbm>>
    %dma_start3A_53 = tpu.memref_slice %arg9[%dma_start3A_44] : memref<5x!tpu.dma_semaphore, #tpu.memory_space<semaphore_mem>> -> memref<1x!tpu.dma_semaphore, #tpu.memory_space<semaphore_mem>>
    %dma_start3A_54 = tpu.memref_squeeze %dma_start3A_53 : memref<1x!tpu.dma_semaphore, #tpu.memory_space<semaphore_mem>> -> memref<!tpu.dma_semaphore, #tpu.memory_space<semaphore_mem>>
    %dma_start3A_55 = arith.constant 0 : i32
    %dma_start3A_56 = arith.constant 0 : i32
    %dma_start3A_57 = tpu.memref_slice %arg6[%dma_start3A_43, %dma_start3A_55, %dma_start3A_56] : memref<5x2x40xi32, #tpu.memory_space<vmem>> -> memref<1x2x40xi32, #tpu.memory_space<vmem>>
    %dma_start3A_58 = tpu.memref_squeeze %dma_start3A_57 : memref<1x2x40xi32, #tpu.memory_space<vmem>> -> memref<2x40xi32, #tpu.memory_space<vmem>>
    %dma_start3A_59 = arith.constant 0 : i32
    %dma_start3A_60 = arith.constant 0 : i32
    %dma_start3A_61 = tpu.memref_slice %arg3[%add3A, %dma_start3A_42, %dma_start3A_59, %dma_start3A_60] : memref<32x250x2x40xi32, #tpu.memory_space<hbm>> -> memref<1x1x2x40xi32, #tpu.memory_space<hbm>>
    %dma_start3A_62 = tpu.memref_squeeze %dma_start3A_61 : memref<1x1x2x40xi32, #tpu.memory_space<hbm>> -> memref<2x40xi32, #tpu.memory_space<hbm>>
    tpu.enqueue_dma source(%dma_start3A_62 : memref<2x40xi32, #tpu.memory_space<hbm>>) target(%dma_start3A_58 : memref<2x40xi32, #tpu.memory_space<vmem>>) target_semaphore(%dma_start3A_54 : memref<!tpu.dma_semaphore, #tpu.memory_space<semaphore_mem>>)
    %dma_start3A_63 = arith.constant 3 : i32
    %dma_start3A_64 = arith.constant 3 : i32
    %dma_start3A_65 = arith.constant 3 : i32
    %dma_start3A_66 = arith.constant 0 : i32
    %dma_start3A_67 = arith.constant 0 : i32
    %dma_start3A_68 = tpu.memref_slice %arg6[%dma_start3A_64, %dma_start3A_66, %dma_start3A_67] : memref<5x2x40xi32, #tpu.memory_space<vmem>> -> memref<1x2x40xi32, #tpu.memory_space<vmem>>
    %dma_start3A_69 = tpu.memref_squeeze %dma_start3A_68 : memref<1x2x40xi32, #tpu.memory_space<vmem>> -> memref<2x40xi32, #tpu.memory_space<vmem>>
    %dma_start3A_70 = arith.constant 0 : i32
    %dma_start3A_71 = arith.constant 0 : i32
    %dma_start3A_72 = tpu.memref_slice %arg3[%add3A, %dma_start3A_63, %dma_start3A_70, %dma_start3A_71] : memref<32x250x2x40xi32, #tpu.memory_space<hbm>> -> memref<1x1x2x40xi32, #tpu.memory_space<hbm>>
    %dma_start3A_73 = tpu.memref_squeeze %dma_start3A_72 : memref<1x1x2x40xi32, #tpu.memory_space<hbm>> -> memref<2x40xi32, #tpu.memory_space<hbm>>
    %dma_start3A_74 = tpu.memref_slice %arg9[%dma_start3A_65] : memref<5x!tpu.dma_semaphore, #tpu.memory_space<semaphore_mem>> -> memref<1x!tpu.dma_semaphore, #tpu.memory_space<semaphore_mem>>
    %dma_start3A_75 = tpu.memref_squeeze %dma_start3A_74 : memref<1x!tpu.dma_semaphore, #tpu.memory_space<semaphore_mem>> -> memref<!tpu.dma_semaphore, #tpu.memory_space<semaphore_mem>>
    %dma_start3A_76 = arith.constant 0 : i32
    %dma_start3A_77 = arith.constant 0 : i32
    %dma_start3A_78 = tpu.memref_slice %arg6[%dma_start3A_64, %dma_start3A_76, %dma_start3A_77] : memref<5x2x40xi32, #tpu.memory_space<vmem>> -> memref<1x2x40xi32, #tpu.memory_space<vmem>>
    %dma_start3A_79 = tpu.memref_squeeze %dma_start3A_78 : memref<1x2x40xi32, #tpu.memory_space<vmem>> -> memref<2x40xi32, #tpu.memory_space<vmem>>
    %dma_start3A_80 = arith.constant 0 : i32
    %dma_start3A_81 = arith.constant 0 : i32
    %dma_start3A_82 = tpu.memref_slice %arg3[%add3A, %dma_start3A_63, %dma_start3A_80, %dma_start3A_81] : memref<32x250x2x40xi32, #tpu.memory_space<hbm>> -> memref<1x1x2x40xi32, #tpu.memory_space<hbm>>
    %dma_start3A_83 = tpu.memref_squeeze %dma_start3A_82 : memref<1x1x2x40xi32, #tpu.memory_space<hbm>> -> memref<2x40xi32, #tpu.memory_space<hbm>>
    tpu.enqueue_dma source(%dma_start3A_83 : memref<2x40xi32, #tpu.memory_space<hbm>>) target(%dma_start3A_79 : memref<2x40xi32, #tpu.memory_space<vmem>>) target_semaphore(%dma_start3A_75 : memref<!tpu.dma_semaphore, #tpu.memory_space<semaphore_mem>>)
    %dma_start3A_84 = arith.constant 4 : i32
    %dma_start3A_85 = arith.constant 4 : i32
    %dma_start3A_86 = arith.constant 4 : i32
    %dma_start3A_87 = arith.constant 0 : i32
    %dma_start3A_88 = arith.constant 0 : i32
    %dma_start3A_89 = tpu.memref_slice %arg6[%dma_start3A_85, %dma_start3A_87, %dma_start3A_88] : memref<5x2x40xi32, #tpu.memory_space<vmem>> -> memref<1x2x40xi32, #tpu.memory_space<vmem>>
    %dma_start3A_90 = tpu.memref_squeeze %dma_start3A_89 : memref<1x2x40xi32, #tpu.memory_space<vmem>> -> memref<2x40xi32, #tpu.memory_space<vmem>>
    %dma_start3A_91 = arith.constant 0 : i32
    %dma_start3A_92 = arith.constant 0 : i32
    %dma_start3A_93 = tpu.memref_slice %arg3[%add3A, %dma_start3A_84, %dma_start3A_91, %dma_start3A_92] : memref<32x250x2x40xi32, #tpu.memory_space<hbm>> -> memref<1x1x2x40xi32, #tpu.memory_space<hbm>>
    %dma_start3A_94 = tpu.memref_squeeze %dma_start3A_93 : memref<1x1x2x40xi32, #tpu.memory_space<hbm>> -> memref<2x40xi32, #tpu.memory_space<hbm>>
    %dma_start3A_95 = tpu.memref_slice %arg9[%dma_start3A_86] : memref<5x!tpu.dma_semaphore, #tpu.memory_space<semaphore_mem>> -> memref<1x!tpu.dma_semaphore, #tpu.memory_space<semaphore_mem>>
    %dma_start3A_96 = tpu.memref_squeeze %dma_start3A_95 : memref<1x!tpu.dma_semaphore, #tpu.memory_space<semaphore_mem>> -> memref<!tpu.dma_semaphore, #tpu.memory_space<semaphore_mem>>
    %dma_start3A_97 = arith.constant 0 : i32
    %dma_start3A_98 = arith.constant 0 : i32
    %dma_start3A_99 = tpu.memref_slice %arg6[%dma_start3A_85, %dma_start3A_97, %dma_start3A_98] : memref<5x2x40xi32, #tpu.memory_space<vmem>> -> memref<1x2x40xi32, #tpu.memory_space<vmem>>
    %dma_start3A_100 = tpu.memref_squeeze %dma_start3A_99 : memref<1x2x40xi32, #tpu.memory_space<vmem>> -> memref<2x40xi32, #tpu.memory_space<vmem>>
    %dma_start3A_101 = arith.constant 0 : i32
    %dma_start3A_102 = arith.constant 0 : i32
    %dma_start3A_103 = tpu.memref_slice %arg3[%add3A, %dma_start3A_84, %dma_start3A_101, %dma_start3A_102] : memref<32x250x2x40xi32, #tpu.memory_space<hbm>> -> memref<1x1x2x40xi32, #tpu.memory_space<hbm>>
    %dma_start3A_104 = tpu.memref_squeeze %dma_start3A_103 : memref<1x1x2x40xi32, #tpu.memory_space<hbm>> -> memref<2x40xi32, #tpu.memory_space<hbm>>
    tpu.enqueue_dma source(%dma_start3A_104 : memref<2x40xi32, #tpu.memory_space<hbm>>) target(%dma_start3A_100 : memref<2x40xi32, #tpu.memory_space<vmem>>) target_semaphore(%dma_start3A_96 : memref<!tpu.dma_semaphore, #tpu.memory_space<semaphore_mem>>)
    %dma_wait3A = arith.constant 0 : i32
    %dma_wait3A_105 = arith.constant 0 : i32
    %dma_wait3A_106 = arith.constant 0 : i32
    %dma_wait3A_107 = arith.constant 0 : i32
    %dma_wait3A_108 = arith.constant 0 : i32
    %dma_wait3A_109 = tpu.memref_slice %arg6[%dma_wait3A_105, %dma_wait3A_107, %dma_wait3A_108] : memref<5x2x40xi32, #tpu.memory_space<vmem>> -> memref<1x2x40xi32, #tpu.memory_space<vmem>>
    %dma_wait3A_110 = tpu.memref_squeeze %dma_wait3A_109 : memref<1x2x40xi32, #tpu.memory_space<vmem>> -> memref<2x40xi32, #tpu.memory_space<vmem>>
    %dma_wait3A_111 = arith.constant 0 : i32
    %dma_wait3A_112 = arith.constant 0 : i32
    %dma_wait3A_113 = tpu.memref_slice %arg3[%add3A, %dma_wait3A, %dma_wait3A_111, %dma_wait3A_112] : memref<32x250x2x40xi32, #tpu.memory_space<hbm>> -> memref<1x1x2x40xi32, #tpu.memory_space<hbm>>
    %dma_wait3A_114 = tpu.memref_squeeze %dma_wait3A_113 : memref<1x1x2x40xi32, #tpu.memory_space<hbm>> -> memref<2x40xi32, #tpu.memory_space<hbm>>
    %dma_wait3A_115 = tpu.memref_slice %arg9[%dma_wait3A_106] : memref<5x!tpu.dma_semaphore, #tpu.memory_space<semaphore_mem>> -> memref<1x!tpu.dma_semaphore, #tpu.memory_space<semaphore_mem>>
    %dma_wait3A_116 = tpu.memref_squeeze %dma_wait3A_115 : memref<1x!tpu.dma_semaphore, #tpu.memory_space<semaphore_mem>> -> memref<!tpu.dma_semaphore, #tpu.memory_space<semaphore_mem>>
    %dma_wait3A_117 = arith.constant 0 : i32
    %dma_wait3A_118 = arith.constant 0 : i32
    %dma_wait3A_119 = tpu.memref_slice %arg6[%dma_wait3A_105, %dma_wait3A_117, %dma_wait3A_118] : memref<5x2x40xi32, #tpu.memory_space<vmem>> -> memref<1x2x40xi32, #tpu.memory_space<vmem>>
    %dma_wait3A_120 = tpu.memref_squeeze %dma_wait3A_119 : memref<1x2x40xi32, #tpu.memory_space<vmem>> -> memref<2x40xi32, #tpu.memory_space<vmem>>
    %dma_wait3A_121 = arith.constant 0 : i32
    %dma_wait3A_122 = arith.constant 0 : i32
    %dma_wait3A_123 = tpu.memref_slice %arg3[%add3A, %dma_wait3A, %dma_wait3A_121, %dma_wait3A_122] : memref<32x250x2x40xi32, #tpu.memory_space<hbm>> -> memref<1x1x2x40xi32, #tpu.memory_space<hbm>>
    %dma_wait3A_124 = tpu.memref_squeeze %dma_wait3A_123 : memref<1x1x2x40xi32, #tpu.memory_space<hbm>> -> memref<2x40xi32, #tpu.memory_space<hbm>>
    tpu.wait_dma2 semaphore(%dma_wait3A_116 : memref<!tpu.dma_semaphore, #tpu.memory_space<semaphore_mem>>) src(%dma_wait3A_124 : memref<2x40xi32, #tpu.memory_space<hbm>>) dst(%dma_wait3A_120 : memref<2x40xi32, #tpu.memory_space<vmem>>)
    %dma_start3A_125 = arith.constant 0 : i32
    %dma_start3A_126 = arith.constant 0 : i32
    %dma_start3A_127 = arith.constant 0 : i32
    %dma_start3A_128 = arith.constant 0 : i32
    %dma_start3A_129 = arith.constant 0 : i32
    %dma_start3A_130 = arith.constant 0 : i32
    %dma_start3A_131 = tpu.memref_slice %arg7[%dma_start3A_127, %dma_start3A_129, %dma_start3A_130] : memref<5x40x128xf32, #tpu.memory_space<vmem>> -> memref<1x40x128xf32, #tpu.memory_space<vmem>>
    %dma_start3A_132 = tpu.memref_squeeze %dma_start3A_131 : memref<1x40x128xf32, #tpu.memory_space<vmem>> -> memref<40x128xf32, #tpu.memory_space<vmem>>
    %dma_start3A_133 = arith.constant 0 : i32
    %dma_start3A_134 = tpu.memref_slice %arg6[%dma_start3A_125, %dma_start3A_126, %dma_start3A_133] : memref<5x2x40xi32, #tpu.memory_space<vmem>> -> memref<1x1x40xi32, #tpu.memory_space<vmem>>
    %dma_start3A_135 = tpu.memref_squeeze %dma_start3A_134 : memref<1x1x40xi32, #tpu.memory_space<vmem>> -> memref<40xi32, #tpu.memory_space<vmem>>
    %dma_start3A_136 = arith.constant 0 : i32
    %dma_start3A_137 = arith.constant 0 : i32
    %dma_start3A_138 = tpu.memref_slice %arg2[%dma_start3A_136, %dma_start3A_137] : memref<10000x128xf32, #tpu.memory_space<hbm>> -> memref<10000x128xf32, #tpu.memory_space<hbm>>
    %dma_start3A_139 = tpu.memref_slice %arg10[%dma_start3A_128] : memref<5x!tpu.dma_semaphore, #tpu.memory_space<semaphore_mem>> -> memref<1x!tpu.dma_semaphore, #tpu.memory_space<semaphore_mem>>
    %dma_start3A_140 = tpu.memref_squeeze %dma_start3A_139 : memref<1x!tpu.dma_semaphore, #tpu.memory_space<semaphore_mem>> -> memref<!tpu.dma_semaphore, #tpu.memory_space<semaphore_mem>>
    tpu.enqueue_indirect_dma source(%dma_start3A_138 : memref<10000x128xf32, #tpu.memory_space<hbm>>) target(%dma_start3A_132 : memref<40x128xf32, #tpu.memory_space<vmem>>) offsets(%dma_start3A_135 : memref<40xi32, #tpu.memory_space<vmem>>) semaphore(%dma_start3A_140 : memref<!tpu.dma_semaphore, #tpu.memory_space<semaphore_mem>>)
    %dma_wait3A_141 = arith.constant 0 : i32
    %dma_wait3A_142 = arith.constant 1 : i32
    %dma_wait3A_143 = arith.constant 1 : i32
    %dma_wait3A_144 = arith.constant 0 : i32
    %dma_wait3A_145 = arith.constant 0 : i32
    %dma_wait3A_146 = tpu.memref_slice %arg6[%dma_wait3A_142, %dma_wait3A_144, %dma_wait3A_145] : memref<5x2x40xi32, #tpu.memory_space<vmem>> -> memref<1x2x40xi32, #tpu.memory_space<vmem>>
    %dma_wait3A_147 = tpu.memref_squeeze %dma_wait3A_146 : memref<1x2x40xi32, #tpu.memory_space<vmem>> -> memref<2x40xi32, #tpu.memory_space<vmem>>
    %dma_wait3A_148 = arith.constant 0 : i32
    %dma_wait3A_149 = arith.constant 0 : i32
    %dma_wait3A_150 = tpu.memref_slice %arg3[%add3A, %dma_wait3A_141, %dma_wait3A_148, %dma_wait3A_149] : memref<32x250x2x40xi32, #tpu.memory_space<hbm>> -> memref<1x1x2x40xi32, #tpu.memory_space<hbm>>
    %dma_wait3A_151 = tpu.memref_squeeze %dma_wait3A_150 : memref<1x1x2x40xi32, #tpu.memory_space<hbm>> -> memref<2x40xi32, #tpu.memory_space<hbm>>
    %dma_wait3A_152 = tpu.memref_slice %arg9[%dma_wait3A_143] : memref<5x!tpu.dma_semaphore, #tpu.memory_space<semaphore_mem>> -> memref<1x!tpu.dma_semaphore, #tpu.memory_space<semaphore_mem>>
    %dma_wait3A_153 = tpu.memref_squeeze %dma_wait3A_152 : memref<1x!tpu.dma_semaphore, #tpu.memory_space<semaphore_mem>> -> memref<!tpu.dma_semaphore, #tpu.memory_space<semaphore_mem>>
    %dma_wait3A_154 = arith.constant 0 : i32
    %dma_wait3A_155 = arith.constant 0 : i32
    %dma_wait3A_156 = tpu.memref_slice %arg6[%dma_wait3A_142, %dma_wait3A_154, %dma_wait3A_155] : memref<5x2x40xi32, #tpu.memory_space<vmem>> -> memref<1x2x40xi32, #tpu.memory_space<vmem>>
    %dma_wait3A_157 = tpu.memref_squeeze %dma_wait3A_156 : memref<1x2x40xi32, #tpu.memory_space<vmem>> -> memref<2x40xi32, #tpu.memory_space<vmem>>
    %dma_wait3A_158 = arith.constant 0 : i32
    %dma_wait3A_159 = arith.constant 0 : i32
    %dma_wait3A_160 = tpu.memref_slice %arg3[%add3A, %dma_wait3A_141, %dma_wait3A_158, %dma_wait3A_159] : memref<32x250x2x40xi32, #tpu.memory_space<hbm>> -> memref<1x1x2x40xi32, #tpu.memory_space<hbm>>
    %dma_wait3A_161 = tpu.memref_squeeze %dma_wait3A_160 : memref<1x1x2x40xi32, #tpu.memory_space<hbm>> -> memref<2x40xi32, #tpu.memory_space<hbm>>
    tpu.wait_dma2 semaphore(%dma_wait3A_153 : memref<!tpu.dma_semaphore, #tpu.memory_space<semaphore_mem>>) src(%dma_wait3A_161 : memref<2x40xi32, #tpu.memory_space<hbm>>) dst(%dma_wait3A_157 : memref<2x40xi32, #tpu.memory_space<vmem>>)
    %dma_start3A_162 = arith.constant 1 : i32
    %dma_start3A_163 = arith.constant 0 : i32
    %dma_start3A_164 = arith.constant 1 : i32
    %dma_start3A_165 = arith.constant 1 : i32
    %dma_start3A_166 = arith.constant 0 : i32
    %dma_start3A_167 = arith.constant 0 : i32
    %dma_start3A_168 = tpu.memref_slice %arg7[%dma_start3A_164, %dma_start3A_166, %dma_start3A_167] : memref<5x40x128xf32, #tpu.memory_space<vmem>> -> memref<1x40x128xf32, #tpu.memory_space<vmem>>
    %dma_start3A_169 = tpu.memref_squeeze %dma_start3A_168 : memref<1x40x128xf32, #tpu.memory_space<vmem>> -> memref<40x128xf32, #tpu.memory_space<vmem>>
    %dma_start3A_170 = arith.constant 0 : i32
    %dma_start3A_171 = tpu.memref_slice %arg6[%dma_start3A_162, %dma_start3A_163, %dma_start3A_170] : memref<5x2x40xi32, #tpu.memory_space<vmem>> -> memref<1x1x40xi32, #tpu.memory_space<vmem>>
    %dma_start3A_172 = tpu.memref_squeeze %dma_start3A_171 : memref<1x1x40xi32, #tpu.memory_space<vmem>> -> memref<40xi32, #tpu.memory_space<vmem>>
    %dma_start3A_173 = arith.constant 0 : i32
    %dma_start3A_174 = arith.constant 0 : i32
    %dma_start3A_175 = tpu.memref_slice %arg2[%dma_start3A_173, %dma_start3A_174] : memref<10000x128xf32, #tpu.memory_space<hbm>> -> memref<10000x128xf32, #tpu.memory_space<hbm>>
    %dma_start3A_176 = tpu.memref_slice %arg10[%dma_start3A_165] : memref<5x!tpu.dma_semaphore, #tpu.memory_space<semaphore_mem>> -> memref<1x!tpu.dma_semaphore, #tpu.memory_space<semaphore_mem>>
    %dma_start3A_177 = tpu.memref_squeeze %dma_start3A_176 : memref<1x!tpu.dma_semaphore, #tpu.memory_space<semaphore_mem>> -> memref<!tpu.dma_semaphore, #tpu.memory_space<semaphore_mem>>
    tpu.enqueue_indirect_dma source(%dma_start3A_175 : memref<10000x128xf32, #tpu.memory_space<hbm>>) target(%dma_start3A_169 : memref<40x128xf32, #tpu.memory_space<vmem>>) offsets(%dma_start3A_172 : memref<40xi32, #tpu.memory_space<vmem>>) semaphore(%dma_start3A_177 : memref<!tpu.dma_semaphore, #tpu.memory_space<semaphore_mem>>)
    %dma_wait3A_178 = arith.constant 0 : i32
    %dma_wait3A_179 = arith.constant 2 : i32
    %dma_wait3A_180 = arith.constant 2 : i32
    %dma_wait3A_181 = arith.constant 0 : i32
    %dma_wait3A_182 = arith.constant 0 : i32
    %dma_wait3A_183 = tpu.memref_slice %arg6[%dma_wait3A_179, %dma_wait3A_181, %dma_wait3A_182] : memref<5x2x40xi32, #tpu.memory_space<vmem>> -> memref<1x2x40xi32, #tpu.memory_space<vmem>>
    %dma_wait3A_184 = tpu.memref_squeeze %dma_wait3A_183 : memref<1x2x40xi32, #tpu.memory_space<vmem>> -> memref<2x40xi32, #tpu.memory_space<vmem>>
    %dma_wait3A_185 = arith.constant 0 : i32
    %dma_wait3A_186 = arith.constant 0 : i32
    %dma_wait3A_187 = tpu.memref_slice %arg3[%add3A, %dma_wait3A_178, %dma_wait3A_185, %dma_wait3A_186] : memref<32x250x2x40xi32, #tpu.memory_space<hbm>> -> memref<1x1x2x40xi32, #tpu.memory_space<hbm>>
    %dma_wait3A_188 = tpu.memref_squeeze %dma_wait3A_187 : memref<1x1x2x40xi32, #tpu.memory_space<hbm>> -> memref<2x40xi32, #tpu.memory_space<hbm>>
    %dma_wait3A_189 = tpu.memref_slice %arg9[%dma_wait3A_180] : memref<5x!tpu.dma_semaphore, #tpu.memory_space<semaphore_mem>> -> memref<1x!tpu.dma_semaphore, #tpu.memory_space<semaphore_mem>>
    %dma_wait3A_190 = tpu.memref_squeeze %dma_wait3A_189 : memref<1x!tpu.dma_semaphore, #tpu.memory_space<semaphore_mem>> -> memref<!tpu.dma_semaphore, #tpu.memory_space<semaphore_mem>>
    %dma_wait3A_191 = arith.constant 0 : i32
    %dma_wait3A_192 = arith.constant 0 : i32
    %dma_wait3A_193 = tpu.memref_slice %arg6[%dma_wait3A_179, %dma_wait3A_191, %dma_wait3A_192] : memref<5x2x40xi32, #tpu.memory_space<vmem>> -> memref<1x2x40xi32, #tpu.memory_space<vmem>>
    %dma_wait3A_194 = tpu.memref_squeeze %dma_wait3A_193 : memref<1x2x40xi32, #tpu.memory_space<vmem>> -> memref<2x40xi32, #tpu.memory_space<vmem>>
    %dma_wait3A_195 = arith.constant 0 : i32
    %dma_wait3A_196 = arith.constant 0 : i32
    %dma_wait3A_197 = tpu.memref_slice %arg3[%add3A, %dma_wait3A_178, %dma_wait3A_195, %dma_wait3A_196] : memref<32x250x2x40xi32, #tpu.memory_space<hbm>> -> memref<1x1x2x40xi32, #tpu.memory_space<hbm>>
    %dma_wait3A_198 = tpu.memref_squeeze %dma_wait3A_197 : memref<1x1x2x40xi32, #tpu.memory_space<hbm>> -> memref<2x40xi32, #tpu.memory_space<hbm>>
    tpu.wait_dma2 semaphore(%dma_wait3A_190 : memref<!tpu.dma_semaphore, #tpu.memory_space<semaphore_mem>>) src(%dma_wait3A_198 : memref<2x40xi32, #tpu.memory_space<hbm>>) dst(%dma_wait3A_194 : memref<2x40xi32, #tpu.memory_space<vmem>>)
    %dma_start3A_199 = arith.constant 2 : i32
    %dma_start3A_200 = arith.constant 0 : i32
    %dma_start3A_201 = arith.constant 2 : i32
    %dma_start3A_202 = arith.constant 2 : i32
    %dma_start3A_203 = arith.constant 0 : i32
    %dma_start3A_204 = arith.constant 0 : i32
    %dma_start3A_205 = tpu.memref_slice %arg7[%dma_start3A_201, %dma_start3A_203, %dma_start3A_204] : memref<5x40x128xf32, #tpu.memory_space<vmem>> -> memref<1x40x128xf32, #tpu.memory_space<vmem>>
    %dma_start3A_206 = tpu.memref_squeeze %dma_start3A_205 : memref<1x40x128xf32, #tpu.memory_space<vmem>> -> memref<40x128xf32, #tpu.memory_space<vmem>>
    %dma_start3A_207 = arith.constant 0 : i32
    %dma_start3A_208 = tpu.memref_slice %arg6[%dma_start3A_199, %dma_start3A_200, %dma_start3A_207] : memref<5x2x40xi32, #tpu.memory_space<vmem>> -> memref<1x1x40xi32, #tpu.memory_space<vmem>>
    %dma_start3A_209 = tpu.memref_squeeze %dma_start3A_208 : memref<1x1x40xi32, #tpu.memory_space<vmem>> -> memref<40xi32, #tpu.memory_space<vmem>>
    %dma_start3A_210 = arith.constant 0 : i32
    %dma_start3A_211 = arith.constant 0 : i32
    %dma_start3A_212 = tpu.memref_slice %arg2[%dma_start3A_210, %dma_start3A_211] : memref<10000x128xf32, #tpu.memory_space<hbm>> -> memref<10000x128xf32, #tpu.memory_space<hbm>>
    %dma_start3A_213 = tpu.memref_slice %arg10[%dma_start3A_202] : memref<5x!tpu.dma_semaphore, #tpu.memory_space<semaphore_mem>> -> memref<1x!tpu.dma_semaphore, #tpu.memory_space<semaphore_mem>>
    %dma_start3A_214 = tpu.memref_squeeze %dma_start3A_213 : memref<1x!tpu.dma_semaphore, #tpu.memory_space<semaphore_mem>> -> memref<!tpu.dma_semaphore, #tpu.memory_space<semaphore_mem>>
    tpu.enqueue_indirect_dma source(%dma_start3A_212 : memref<10000x128xf32, #tpu.memory_space<hbm>>) target(%dma_start3A_206 : memref<40x128xf32, #tpu.memory_space<vmem>>) offsets(%dma_start3A_209 : memref<40xi32, #tpu.memory_space<vmem>>) semaphore(%dma_start3A_214 : memref<!tpu.dma_semaphore, #tpu.memory_space<semaphore_mem>>)
    %dma_wait3A_215 = arith.constant 0 : i32
    %dma_wait3A_216 = arith.constant 3 : i32
    %dma_wait3A_217 = arith.constant 3 : i32
    %dma_wait3A_218 = arith.constant 0 : i32
    %dma_wait3A_219 = arith.constant 0 : i32
    %dma_wait3A_220 = tpu.memref_slice %arg6[%dma_wait3A_216, %dma_wait3A_218, %dma_wait3A_219] : memref<5x2x40xi32, #tpu.memory_space<vmem>> -> memref<1x2x40xi32, #tpu.memory_space<vmem>>
    %dma_wait3A_221 = tpu.memref_squeeze %dma_wait3A_220 : memref<1x2x40xi32, #tpu.memory_space<vmem>> -> memref<2x40xi32, #tpu.memory_space<vmem>>
    %dma_wait3A_222 = arith.constant 0 : i32
    %dma_wait3A_223 = arith.constant 0 : i32
    %dma_wait3A_224 = tpu.memref_slice %arg3[%add3A, %dma_wait3A_215, %dma_wait3A_222, %dma_wait3A_223] : memref<32x250x2x40xi32, #tpu.memory_space<hbm>> -> memref<1x1x2x40xi32, #tpu.memory_space<hbm>>
    %dma_wait3A_225 = tpu.memref_squeeze %dma_wait3A_224 : memref<1x1x2x40xi32, #tpu.memory_space<hbm>> -> memref<2x40xi32, #tpu.memory_space<hbm>>
    %dma_wait3A_226 = tpu.memref_slice %arg9[%dma_wait3A_217] : memref<5x!tpu.dma_semaphore, #tpu.memory_space<semaphore_mem>> -> memref<1x!tpu.dma_semaphore, #tpu.memory_space<semaphore_mem>>
    %dma_wait3A_227 = tpu.memref_squeeze %dma_wait3A_226 : memref<1x!tpu.dma_semaphore, #tpu.memory_space<semaphore_mem>> -> memref<!tpu.dma_semaphore, #tpu.memory_space<semaphore_mem>>
    %dma_wait3A_228 = arith.constant 0 : i32
    %dma_wait3A_229 = arith.constant 0 : i32
    %dma_wait3A_230 = tpu.memref_slice %arg6[%dma_wait3A_216, %dma_wait3A_228, %dma_wait3A_229] : memref<5x2x40xi32, #tpu.memory_space<vmem>> -> memref<1x2x40xi32, #tpu.memory_space<vmem>>
    %dma_wait3A_231 = tpu.memref_squeeze %dma_wait3A_230 : memref<1x2x40xi32, #tpu.memory_space<vmem>> -> memref<2x40xi32, #tpu.memory_space<vmem>>
    %dma_wait3A_232 = arith.constant 0 : i32
    %dma_wait3A_233 = arith.constant 0 : i32
    %dma_wait3A_234 = tpu.memref_slice %arg3[%add3A, %dma_wait3A_215, %dma_wait3A_232, %dma_wait3A_233] : memref<32x250x2x40xi32, #tpu.memory_space<hbm>> -> memref<1x1x2x40xi32, #tpu.memory_space<hbm>>
    %dma_wait3A_235 = tpu.memref_squeeze %dma_wait3A_234 : memref<1x1x2x40xi32, #tpu.memory_space<hbm>> -> memref<2x40xi32, #tpu.memory_space<hbm>>
    tpu.wait_dma2 semaphore(%dma_wait3A_227 : memref<!tpu.dma_semaphore, #tpu.memory_space<semaphore_mem>>) src(%dma_wait3A_235 : memref<2x40xi32, #tpu.memory_space<hbm>>) dst(%dma_wait3A_231 : memref<2x40xi32, #tpu.memory_space<vmem>>)
    %dma_start3A_236 = arith.constant 3 : i32
    %dma_start3A_237 = arith.constant 0 : i32
    %dma_start3A_238 = arith.constant 3 : i32
    %dma_start3A_239 = arith.constant 3 : i32
    %dma_start3A_240 = arith.constant 0 : i32
    %dma_start3A_241 = arith.constant 0 : i32
    %dma_start3A_242 = tpu.memref_slice %arg7[%dma_start3A_238, %dma_start3A_240, %dma_start3A_241] : memref<5x40x128xf32, #tpu.memory_space<vmem>> -> memref<1x40x128xf32, #tpu.memory_space<vmem>>
    %dma_start3A_243 = tpu.memref_squeeze %dma_start3A_242 : memref<1x40x128xf32, #tpu.memory_space<vmem>> -> memref<40x128xf32, #tpu.memory_space<vmem>>
    %dma_start3A_244 = arith.constant 0 : i32
    %dma_start3A_245 = tpu.memref_slice %arg6[%dma_start3A_236, %dma_start3A_237, %dma_start3A_244] : memref<5x2x40xi32, #tpu.memory_space<vmem>> -> memref<1x1x40xi32, #tpu.memory_space<vmem>>
    %dma_start3A_246 = tpu.memref_squeeze %dma_start3A_245 : memref<1x1x40xi32, #tpu.memory_space<vmem>> -> memref<40xi32, #tpu.memory_space<vmem>>
    %dma_start3A_247 = arith.constant 0 : i32
    %dma_start3A_248 = arith.constant 0 : i32
    %dma_start3A_249 = tpu.memref_slice %arg2[%dma_start3A_247, %dma_start3A_248] : memref<10000x128xf32, #tpu.memory_space<hbm>> -> memref<10000x128xf32, #tpu.memory_space<hbm>>
    %dma_start3A_250 = tpu.memref_slice %arg10[%dma_start3A_239] : memref<5x!tpu.dma_semaphore, #tpu.memory_space<semaphore_mem>> -> memref<1x!tpu.dma_semaphore, #tpu.memory_space<semaphore_mem>>
    %dma_start3A_251 = tpu.memref_squeeze %dma_start3A_250 : memref<1x!tpu.dma_semaphore, #tpu.memory_space<semaphore_mem>> -> memref<!tpu.dma_semaphore, #tpu.memory_space<semaphore_mem>>
    tpu.enqueue_indirect_dma source(%dma_start3A_249 : memref<10000x128xf32, #tpu.memory_space<hbm>>) target(%dma_start3A_243 : memref<40x128xf32, #tpu.memory_space<vmem>>) offsets(%dma_start3A_246 : memref<40xi32, #tpu.memory_space<vmem>>) semaphore(%dma_start3A_251 : memref<!tpu.dma_semaphore, #tpu.memory_space<semaphore_mem>>)
    %dma_wait3A_252 = arith.constant 0 : i32
    %dma_wait3A_253 = arith.constant 4 : i32
    %dma_wait3A_254 = arith.constant 4 : i32
    %dma_wait3A_255 = arith.constant 0 : i32
    %dma_wait3A_256 = arith.constant 0 : i32
    %dma_wait3A_257 = tpu.memref_slice %arg6[%dma_wait3A_253, %dma_wait3A_255, %dma_wait3A_256] : memref<5x2x40xi32, #tpu.memory_space<vmem>> -> memref<1x2x40xi32, #tpu.memory_space<vmem>>
    %dma_wait3A_258 = tpu.memref_squeeze %dma_wait3A_257 : memref<1x2x40xi32, #tpu.memory_space<vmem>> -> memref<2x40xi32, #tpu.memory_space<vmem>>
    %dma_wait3A_259 = arith.constant 0 : i32
    %dma_wait3A_260 = arith.constant 0 : i32
    %dma_wait3A_261 = tpu.memref_slice %arg3[%add3A, %dma_wait3A_252, %dma_wait3A_259, %dma_wait3A_260] : memref<32x250x2x40xi32, #tpu.memory_space<hbm>> -> memref<1x1x2x40xi32, #tpu.memory_space<hbm>>
    %dma_wait3A_262 = tpu.memref_squeeze %dma_wait3A_261 : memref<1x1x2x40xi32, #tpu.memory_space<hbm>> -> memref<2x40xi32, #tpu.memory_space<hbm>>
    %dma_wait3A_263 = tpu.memref_slice %arg9[%dma_wait3A_254] : memref<5x!tpu.dma_semaphore, #tpu.memory_space<semaphore_mem>> -> memref<1x!tpu.dma_semaphore, #tpu.memory_space<semaphore_mem>>
    %dma_wait3A_264 = tpu.memref_squeeze %dma_wait3A_263 : memref<1x!tpu.dma_semaphore, #tpu.memory_space<semaphore_mem>> -> memref<!tpu.dma_semaphore, #tpu.memory_space<semaphore_mem>>
    %dma_wait3A_265 = arith.constant 0 : i32
    %dma_wait3A_266 = arith.constant 0 : i32
    %dma_wait3A_267 = tpu.memref_slice %arg6[%dma_wait3A_253, %dma_wait3A_265, %dma_wait3A_266] : memref<5x2x40xi32, #tpu.memory_space<vmem>> -> memref<1x2x40xi32, #tpu.memory_space<vmem>>
    %dma_wait3A_268 = tpu.memref_squeeze %dma_wait3A_267 : memref<1x2x40xi32, #tpu.memory_space<vmem>> -> memref<2x40xi32, #tpu.memory_space<vmem>>
    %dma_wait3A_269 = arith.constant 0 : i32
    %dma_wait3A_270 = arith.constant 0 : i32
    %dma_wait3A_271 = tpu.memref_slice %arg3[%add3A, %dma_wait3A_252, %dma_wait3A_269, %dma_wait3A_270] : memref<32x250x2x40xi32, #tpu.memory_space<hbm>> -> memref<1x1x2x40xi32, #tpu.memory_space<hbm>>
    %dma_wait3A_272 = tpu.memref_squeeze %dma_wait3A_271 : memref<1x1x2x40xi32, #tpu.memory_space<hbm>> -> memref<2x40xi32, #tpu.memory_space<hbm>>
    tpu.wait_dma2 semaphore(%dma_wait3A_264 : memref<!tpu.dma_semaphore, #tpu.memory_space<semaphore_mem>>) src(%dma_wait3A_272 : memref<2x40xi32, #tpu.memory_space<hbm>>) dst(%dma_wait3A_268 : memref<2x40xi32, #tpu.memory_space<vmem>>)
    %dma_start3A_273 = arith.constant 4 : i32
    %dma_start3A_274 = arith.constant 0 : i32
    %dma_start3A_275 = arith.constant 4 : i32
    %dma_start3A_276 = arith.constant 4 : i32
    %dma_start3A_277 = arith.constant 0 : i32
    %dma_start3A_278 = arith.constant 0 : i32
    %dma_start3A_279 = tpu.memref_slice %arg7[%dma_start3A_275, %dma_start3A_277, %dma_start3A_278] : memref<5x40x128xf32, #tpu.memory_space<vmem>> -> memref<1x40x128xf32, #tpu.memory_space<vmem>>
    %dma_start3A_280 = tpu.memref_squeeze %dma_start3A_279 : memref<1x40x128xf32, #tpu.memory_space<vmem>> -> memref<40x128xf32, #tpu.memory_space<vmem>>
    %dma_start3A_281 = arith.constant 0 : i32
    %dma_start3A_282 = tpu.memref_slice %arg6[%dma_start3A_273, %dma_start3A_274, %dma_start3A_281] : memref<5x2x40xi32, #tpu.memory_space<vmem>> -> memref<1x1x40xi32, #tpu.memory_space<vmem>>
    %dma_start3A_283 = tpu.memref_squeeze %dma_start3A_282 : memref<1x1x40xi32, #tpu.memory_space<vmem>> -> memref<40xi32, #tpu.memory_space<vmem>>
    %dma_start3A_284 = arith.constant 0 : i32
    %dma_start3A_285 = arith.constant 0 : i32
    %dma_start3A_286 = tpu.memref_slice %arg2[%dma_start3A_284, %dma_start3A_285] : memref<10000x128xf32, #tpu.memory_space<hbm>> -> memref<10000x128xf32, #tpu.memory_space<hbm>>
    %dma_start3A_287 = tpu.memref_slice %arg10[%dma_start3A_276] : memref<5x!tpu.dma_semaphore, #tpu.memory_space<semaphore_mem>> -> memref<1x!tpu.dma_semaphore, #tpu.memory_space<semaphore_mem>>
    %dma_start3A_288 = tpu.memref_squeeze %dma_start3A_287 : memref<1x!tpu.dma_semaphore, #tpu.memory_space<semaphore_mem>> -> memref<!tpu.dma_semaphore, #tpu.memory_space<semaphore_mem>>
    tpu.enqueue_indirect_dma source(%dma_start3A_286 : memref<10000x128xf32, #tpu.memory_space<hbm>>) target(%dma_start3A_280 : memref<40x128xf32, #tpu.memory_space<vmem>>) offsets(%dma_start3A_283 : memref<40xi32, #tpu.memory_space<vmem>>) semaphore(%dma_start3A_288 : memref<!tpu.dma_semaphore, #tpu.memory_space<semaphore_mem>>)
    %mul3A_289 = arith.constant 640 : i32
    %mul3A_290 = arith.muli %arg1, %mul3A_289 : i32
    %mul3A_291 = arith.constant 640 : i32
    %mul3A_292 = arith.muli %arg1, %mul3A_291 : i32
    "tpu.region"() ({
      %run_scoped3A_407 = tpu.sem_alloc : memref<!tpu.dma_semaphore, #tpu.memory_space<semaphore_mem>>
      %dma_start3A_408 = arith.constant 0 : i32
      %dma_start3A_409 = tpu.memref_slice %arg8[%mul3A_292, %dma_start3A_408] : memref<10240x128xf32, #tpu.memory_space<vmem_shared>> -> memref<640x128xf32, #tpu.memory_space<vmem_shared>>
      %dma_start3A_410 = arith.constant 0 : i32
      %dma_start3A_411 = tpu.memref_slice %arg4[%mul3A_290, %dma_start3A_410] : memref<10240x128xf32, #tpu.memory_space<hbm>> -> memref<640x128xf32, #tpu.memory_space<hbm>>
      tpu.enqueue_dma source(%dma_start3A_411 : memref<640x128xf32, #tpu.memory_space<hbm>>) target(%dma_start3A_409 : memref<640x128xf32, #tpu.memory_space<vmem_shared>>) target_semaphore(%run_scoped3A_407 : memref<!tpu.dma_semaphore, #tpu.memory_space<semaphore_mem>>)
      %dma_wait3A_412 = arith.constant 0 : i32
      %dma_wait3A_413 = tpu.memref_slice %arg8[%mul3A_292, %dma_wait3A_412] : memref<10240x128xf32, #tpu.memory_space<vmem_shared>> -> memref<640x128xf32, #tpu.memory_space<vmem_shared>>
      %dma_wait3A_414 = arith.constant 0 : i32
      %dma_wait3A_415 = tpu.memref_slice %arg4[%mul3A_290, %dma_wait3A_414] : memref<10240x128xf32, #tpu.memory_space<hbm>> -> memref<640x128xf32, #tpu.memory_space<hbm>>
      tpu.wait_dma2 semaphore(%run_scoped3A_407 : memref<!tpu.dma_semaphore, #tpu.memory_space<semaphore_mem>>) src(%dma_wait3A_415 : memref<640x128xf32, #tpu.memory_space<hbm>>) dst(%dma_wait3A_413 : memref<640x128xf32, #tpu.memory_space<vmem_shared>>)
      tpu.yield
    }) : () -> ()
    %barrier3A = arith.constant 0 : index
    tpu.barrier barrier_id(%barrier3A)
    %scan3A = arith.constant 0 : i32
    %scan3A_293 = arith.constant 0 : i32
    %scan3A_294 = arith.constant 49 : i32
    %scan3A_295 = arith.addi %scan3A_293, %scan3A_294 : i32
    %scan3A_296 = arith.constant 1 : i32
    scf.for %scan3A_407 = %scan3A_293 to %scan3A_295 step %scan3A_296  : i32 {
      %mul3A_408 = arith.constant 5 : i32
      %mul3A_409 = arith.muli %scan3A_407, %mul3A_408 : i32
      %add3A_410 = arith.constant 0 : i32
      %add3A_411 = arith.addi %mul3A_409, %add3A_410 : i32
      %dma_wait3A_412 = arith.constant 0 : i32
      %dma_wait3A_413 = arith.constant 0 : i32
      %dma_wait3A_414 = arith.constant 0 : i32
      %dma_wait3A_415 = arith.constant 0 : i32
      %dma_wait3A_416 = tpu.memref_slice %arg7[%dma_wait3A_412, %dma_wait3A_414, %dma_wait3A_415] : memref<5x40x128xf32, #tpu.memory_space<vmem>> -> memref<1x40x128xf32, #tpu.memory_space<vmem>>
      %dma_wait3A_417 = tpu.memref_squeeze %dma_wait3A_416 : memref<1x40x128xf32, #tpu.memory_space<vmem>> -> memref<40x128xf32, #tpu.memory_space<vmem>>
      %dma_wait3A_418 = arith.constant 0 : i32
      %dma_wait3A_419 = arith.constant 0 : i32
      %dma_wait3A_420 = tpu.memref_slice %arg2[%dma_wait3A_418, %dma_wait3A_419] : memref<10000x128xf32, #tpu.memory_space<hbm>> -> memref<40x128xf32, #tpu.memory_space<hbm>>
      %dma_wait3A_421 = tpu.memref_slice %arg10[%dma_wait3A_413] : memref<5x!tpu.dma_semaphore, #tpu.memory_space<semaphore_mem>> -> memref<1x!tpu.dma_semaphore, #tpu.memory_space<semaphore_mem>>
      %dma_wait3A_422 = tpu.memref_squeeze %dma_wait3A_421 : memref<1x!tpu.dma_semaphore, #tpu.memory_space<semaphore_mem>> -> memref<!tpu.dma_semaphore, #tpu.memory_space<semaphore_mem>>
      %dma_wait3A_423 = arith.constant 0 : i32
      %dma_wait3A_424 = arith.constant 0 : i32
      %dma_wait3A_425 = tpu.memref_slice %arg7[%dma_wait3A_412, %dma_wait3A_423, %dma_wait3A_424] : memref<5x40x128xf32, #tpu.memory_space<vmem>> -> memref<1x40x128xf32, #tpu.memory_space<vmem>>
      %dma_wait3A_426 = tpu.memref_squeeze %dma_wait3A_425 : memref<1x40x128xf32, #tpu.memory_space<vmem>> -> memref<40x128xf32, #tpu.memory_space<vmem>>
      %dma_wait3A_427 = arith.constant 0 : i32
      %dma_wait3A_428 = arith.constant 0 : i32
      %dma_wait3A_429 = tpu.memref_slice %arg2[%dma_wait3A_427, %dma_wait3A_428] : memref<10000x128xf32, #tpu.memory_space<hbm>> -> memref<40x128xf32, #tpu.memory_space<hbm>>
      tpu.wait_dma2 semaphore(%dma_wait3A_422 : memref<!tpu.dma_semaphore, #tpu.memory_space<semaphore_mem>>) src(%dma_wait3A_429 : memref<40x128xf32, #tpu.memory_space<hbm>>) dst(%dma_wait3A_426 : memref<40x128xf32, #tpu.memory_space<vmem>>)
      %run_scoped3A_430 = arith.constant 0 : i32
      %run_scoped3A_431 = arith.constant 0 : i32
      %run_scoped3A_432 = arith.constant 1 : i32
      "tpu.region"() ({
        %run_scoped3A_828 = tpu.sem_alloc : memref<!tpu.dma_semaphore, #tpu.memory_space<semaphore_mem>>
        %dma_start3A_829 = arith.constant 0 : i32
        %dma_start3A_830 = arith.constant 0 : i32
        %dma_start3A_831 = tpu.memref_slice %arg7[%run_scoped3A_430, %dma_start3A_829, %dma_start3A_830] : memref<5x40x128xf32, #tpu.memory_space<vmem>> -> memref<1x40x128xf32, #tpu.memory_space<vmem>>
        %dma_start3A_832 = tpu.memref_squeeze %dma_start3A_831 : memref<1x40x128xf32, #tpu.memory_space<vmem>> -> memref<40x128xf32, #tpu.memory_space<vmem>>
        %dma_start3A_833 = arith.constant 0 : i32
        %dma_start3A_834 = tpu.memref_slice %arg6[%run_scoped3A_431, %run_scoped3A_432, %dma_start3A_833] : memref<5x2x40xi32, #tpu.memory_space<vmem>> -> memref<1x1x40xi32, #tpu.memory_space<vmem>>
        %dma_start3A_835 = tpu.memref_squeeze %dma_start3A_834 : memref<1x1x40xi32, #tpu.memory_space<vmem>> -> memref<40xi32, #tpu.memory_space<vmem>>
        %dma_start3A_836 = arith.constant 0 : i32
        %dma_start3A_837 = arith.constant 0 : i32
        %dma_start3A_838 = tpu.memref_slice %arg8[%dma_start3A_836, %dma_start3A_837] : memref<10240x128xf32, #tpu.memory_space<vmem_shared>> -> memref<10240x128xf32, #tpu.memory_space<vmem_shared>>
        tpu.enqueue_indirect_dma source(%dma_start3A_832 : memref<40x128xf32, #tpu.memory_space<vmem>>) target(%dma_start3A_838 : memref<10240x128xf32, #tpu.memory_space<vmem_shared>>) offsets(%dma_start3A_835 : memref<40xi32, #tpu.memory_space<vmem>>) semaphore(%run_scoped3A_828 : memref<!tpu.dma_semaphore, #tpu.memory_space<semaphore_mem>>) {add = true}
        %dma_wait3A_839 = arith.constant 0 : i32
        %dma_wait3A_840 = arith.constant 0 : i32
        %dma_wait3A_841 = tpu.memref_slice %arg7[%run_scoped3A_430, %dma_wait3A_839, %dma_wait3A_840] : memref<5x40x128xf32, #tpu.memory_space<vmem>> -> memref<1x40x128xf32, #tpu.memory_space<vmem>>
        %dma_wait3A_842 = tpu.memref_squeeze %dma_wait3A_841 : memref<1x40x128xf32, #tpu.memory_space<vmem>> -> memref<40x128xf32, #tpu.memory_space<vmem>>
        %dma_wait3A_843 = arith.constant 0 : i32
        %dma_wait3A_844 = tpu.memref_slice %arg6[%run_scoped3A_431, %run_scoped3A_432, %dma_wait3A_843] : memref<5x2x40xi32, #tpu.memory_space<vmem>> -> memref<1x1x40xi32, #tpu.memory_space<vmem>>
        %dma_wait3A_845 = tpu.memref_squeeze %dma_wait3A_844 : memref<1x1x40xi32, #tpu.memory_space<vmem>> -> memref<40xi32, #tpu.memory_space<vmem>>
        %dma_wait3A_846 = arith.constant 0 : i32
        %dma_wait3A_847 = arith.constant 0 : i32
        %dma_wait3A_848 = tpu.memref_slice %arg8[%dma_wait3A_846, %dma_wait3A_847] : memref<10240x128xf32, #tpu.memory_space<vmem_shared>> -> memref<10240x128xf32, #tpu.memory_space<vmem_shared>>
        tpu.wait_indirect_dma semaphore(%run_scoped3A_828 : memref<!tpu.dma_semaphore, #tpu.memory_space<semaphore_mem>>) src(%dma_wait3A_842 : memref<40x128xf32, #tpu.memory_space<vmem>>) dst(%dma_wait3A_848 : memref<10240x128xf32, #tpu.memory_space<vmem_shared>>)
        tpu.yield
      }) : () -> ()
      %add3A_433 = arith.constant 5 : i32
      %add3A_434 = arith.addi %add3A_411, %add3A_433 : i32
      %dma_start3A_435 = arith.constant 0 : i32
      %dma_start3A_436 = arith.constant 0 : i32
      %dma_start3A_437 = arith.constant 0 : i32
      %dma_start3A_438 = arith.constant 0 : i32
      %dma_start3A_439 = tpu.memref_slice %arg6[%dma_start3A_435, %dma_start3A_437, %dma_start3A_438] : memref<5x2x40xi32, #tpu.memory_space<vmem>> -> memref<1x2x40xi32, #tpu.memory_space<vmem>>
      %dma_start3A_440 = tpu.memref_squeeze %dma_start3A_439 : memref<1x2x40xi32, #tpu.memory_space<vmem>> -> memref<2x40xi32, #tpu.memory_space<vmem>>
      %dma_start3A_441 = arith.constant 0 : i32
      %dma_start3A_442 = arith.constant 0 : i32
      %dma_start3A_443 = tpu.memref_slice %arg3[%add3A, %add3A_434, %dma_start3A_441, %dma_start3A_442] : memref<32x250x2x40xi32, #tpu.memory_space<hbm>> -> memref<1x1x2x40xi32, #tpu.memory_space<hbm>>
      %dma_start3A_444 = tpu.memref_squeeze %dma_start3A_443 : memref<1x1x2x40xi32, #tpu.memory_space<hbm>> -> memref<2x40xi32, #tpu.memory_space<hbm>>
      %dma_start3A_445 = tpu.memref_slice %arg9[%dma_start3A_436] : memref<5x!tpu.dma_semaphore, #tpu.memory_space<semaphore_mem>> -> memref<1x!tpu.dma_semaphore, #tpu.memory_space<semaphore_mem>>
      %dma_start3A_446 = tpu.memref_squeeze %dma_start3A_445 : memref<1x!tpu.dma_semaphore, #tpu.memory_space<semaphore_mem>> -> memref<!tpu.dma_semaphore, #tpu.memory_space<semaphore_mem>>
      %dma_start3A_447 = arith.constant 0 : i32
      %dma_start3A_448 = arith.constant 0 : i32
      %dma_start3A_449 = tpu.memref_slice %arg6[%dma_start3A_435, %dma_start3A_447, %dma_start3A_448] : memref<5x2x40xi32, #tpu.memory_space<vmem>> -> memref<1x2x40xi32, #tpu.memory_space<vmem>>
      %dma_start3A_450 = tpu.memref_squeeze %dma_start3A_449 : memref<1x2x40xi32, #tpu.memory_space<vmem>> -> memref<2x40xi32, #tpu.memory_space<vmem>>
      %dma_start3A_451 = arith.constant 0 : i32
      %dma_start3A_452 = arith.constant 0 : i32
      %dma_start3A_453 = tpu.memref_slice %arg3[%add3A, %add3A_434, %dma_start3A_451, %dma_start3A_452] : memref<32x250x2x40xi32, #tpu.memory_space<hbm>> -> memref<1x1x2x40xi32, #tpu.memory_space<hbm>>
      %dma_start3A_454 = tpu.memref_squeeze %dma_start3A_453 : memref<1x1x2x40xi32, #tpu.memory_space<hbm>> -> memref<2x40xi32, #tpu.memory_space<hbm>>
      tpu.enqueue_dma source(%dma_start3A_454 : memref<2x40xi32, #tpu.memory_space<hbm>>) target(%dma_start3A_450 : memref<2x40xi32, #tpu.memory_space<vmem>>) target_semaphore(%dma_start3A_446 : memref<!tpu.dma_semaphore, #tpu.memory_space<semaphore_mem>>)
      %dma_wait3A_455 = arith.constant 0 : i32
      %dma_wait3A_456 = arith.constant 0 : i32
      %dma_wait3A_457 = arith.constant 0 : i32
      %dma_wait3A_458 = arith.constant 0 : i32
      %dma_wait3A_459 = arith.constant 0 : i32
      %dma_wait3A_460 = tpu.memref_slice %arg6[%dma_wait3A_456, %dma_wait3A_458, %dma_wait3A_459] : memref<5x2x40xi32, #tpu.memory_space<vmem>> -> memref<1x2x40xi32, #tpu.memory_space<vmem>>
      %dma_wait3A_461 = tpu.memref_squeeze %dma_wait3A_460 : memref<1x2x40xi32, #tpu.memory_space<vmem>> -> memref<2x40xi32, #tpu.memory_space<vmem>>
      %dma_wait3A_462 = arith.constant 0 : i32
      %dma_wait3A_463 = arith.constant 0 : i32
      %dma_wait3A_464 = tpu.memref_slice %arg3[%add3A, %dma_wait3A_455, %dma_wait3A_462, %dma_wait3A_463] : memref<32x250x2x40xi32, #tpu.memory_space<hbm>> -> memref<1x1x2x40xi32, #tpu.memory_space<hbm>>
      %dma_wait3A_465 = tpu.memref_squeeze %dma_wait3A_464 : memref<1x1x2x40xi32, #tpu.memory_space<hbm>> -> memref<2x40xi32, #tpu.memory_space<hbm>>
      %dma_wait3A_466 = tpu.memref_slice %arg9[%dma_wait3A_457] : memref<5x!tpu.dma_semaphore, #tpu.memory_space<semaphore_mem>> -> memref<1x!tpu.dma_semaphore, #tpu.memory_space<semaphore_mem>>
      %dma_wait3A_467 = tpu.memref_squeeze %dma_wait3A_466 : memref<1x!tpu.dma_semaphore, #tpu.memory_space<semaphore_mem>> -> memref<!tpu.dma_semaphore, #tpu.memory_space<semaphore_mem>>
      %dma_wait3A_468 = arith.constant 0 : i32
      %dma_wait3A_469 = arith.constant 0 : i32
      %dma_wait3A_470 = tpu.memref_slice %arg6[%dma_wait3A_456, %dma_wait3A_468, %dma_wait3A_469] : memref<5x2x40xi32, #tpu.memory_space<vmem>> -> memref<1x2x40xi32, #tpu.memory_space<vmem>>
      %dma_wait3A_471 = tpu.memref_squeeze %dma_wait3A_470 : memref<1x2x40xi32, #tpu.memory_space<vmem>> -> memref<2x40xi32, #tpu.memory_space<vmem>>
      %dma_wait3A_472 = arith.constant 0 : i32
      %dma_wait3A_473 = arith.constant 0 : i32
      %dma_wait3A_474 = tpu.memref_slice %arg3[%add3A, %dma_wait3A_455, %dma_wait3A_472, %dma_wait3A_473] : memref<32x250x2x40xi32, #tpu.memory_space<hbm>> -> memref<1x1x2x40xi32, #tpu.memory_space<hbm>>
      %dma_wait3A_475 = tpu.memref_squeeze %dma_wait3A_474 : memref<1x1x2x40xi32, #tpu.memory_space<hbm>> -> memref<2x40xi32, #tpu.memory_space<hbm>>
      tpu.wait_dma2 semaphore(%dma_wait3A_467 : memref<!tpu.dma_semaphore, #tpu.memory_space<semaphore_mem>>) src(%dma_wait3A_475 : memref<2x40xi32, #tpu.memory_space<hbm>>) dst(%dma_wait3A_471 : memref<2x40xi32, #tpu.memory_space<vmem>>)
      %dma_start3A_476 = arith.constant 0 : i32
      %dma_start3A_477 = arith.constant 0 : i32
      %dma_start3A_478 = arith.constant 0 : i32
      %dma_start3A_479 = arith.constant 0 : i32
      %dma_start3A_480 = arith.constant 0 : i32
      %dma_start3A_481 = arith.constant 0 : i32
      %dma_start3A_482 = tpu.memref_slice %arg7[%dma_start3A_478, %dma_start3A_480, %dma_start3A_481] : memref<5x40x128xf32, #tpu.memory_space<vmem>> -> memref<1x40x128xf32, #tpu.memory_space<vmem>>
      %dma_start3A_483 = tpu.memref_squeeze %dma_start3A_482 : memref<1x40x128xf32, #tpu.memory_space<vmem>> -> memref<40x128xf32, #tpu.memory_space<vmem>>
      %dma_start3A_484 = arith.constant 0 : i32
      %dma_start3A_485 = tpu.memref_slice %arg6[%dma_start3A_476, %dma_start3A_477, %dma_start3A_484] : memref<5x2x40xi32, #tpu.memory_space<vmem>> -> memref<1x1x40xi32, #tpu.memory_space<vmem>>
      %dma_start3A_486 = tpu.memref_squeeze %dma_start3A_485 : memref<1x1x40xi32, #tpu.memory_space<vmem>> -> memref<40xi32, #tpu.memory_space<vmem>>
      %dma_start3A_487 = arith.constant 0 : i32
      %dma_start3A_488 = arith.constant 0 : i32
      %dma_start3A_489 = tpu.memref_slice %arg2[%dma_start3A_487, %dma_start3A_488] : memref<10000x128xf32, #tpu.memory_space<hbm>> -> memref<10000x128xf32, #tpu.memory_space<hbm>>
      %dma_start3A_490 = tpu.memref_slice %arg10[%dma_start3A_479] : memref<5x!tpu.dma_semaphore, #tpu.memory_space<semaphore_mem>> -> memref<1x!tpu.dma_semaphore, #tpu.memory_space<semaphore_mem>>
      %dma_start3A_491 = tpu.memref_squeeze %dma_start3A_490 : memref<1x!tpu.dma_semaphore, #tpu.memory_space<semaphore_mem>> -> memref<!tpu.dma_semaphore, #tpu.memory_space<semaphore_mem>>
      tpu.enqueue_indirect_dma source(%dma_start3A_489 : memref<10000x128xf32, #tpu.memory_space<hbm>>) target(%dma_start3A_483 : memref<40x128xf32, #tpu.memory_space<vmem>>) offsets(%dma_start3A_486 : memref<40xi32, #tpu.memory_space<vmem>>) semaphore(%dma_start3A_491 : memref<!tpu.dma_semaphore, #tpu.memory_space<semaphore_mem>>)
      %mul3A_492 = arith.constant 5 : i32
      %mul3A_493 = arith.muli %scan3A_407, %mul3A_492 : i32
      %add3A_494 = arith.constant 1 : i32
      %add3A_495 = arith.addi %mul3A_493, %add3A_494 : i32
      %dma_wait3A_496 = arith.constant 1 : i32
      %dma_wait3A_497 = arith.constant 1 : i32
      %dma_wait3A_498 = arith.constant 0 : i32
      %dma_wait3A_499 = arith.constant 0 : i32
      %dma_wait3A_500 = tpu.memref_slice %arg7[%dma_wait3A_496, %dma_wait3A_498, %dma_wait3A_499] : memref<5x40x128xf32, #tpu.memory_space<vmem>> -> memref<1x40x128xf32, #tpu.memory_space<vmem>>
      %dma_wait3A_501 = tpu.memref_squeeze %dma_wait3A_500 : memref<1x40x128xf32, #tpu.memory_space<vmem>> -> memref<40x128xf32, #tpu.memory_space<vmem>>
      %dma_wait3A_502 = arith.constant 0 : i32
      %dma_wait3A_503 = arith.constant 0 : i32
      %dma_wait3A_504 = tpu.memref_slice %arg2[%dma_wait3A_502, %dma_wait3A_503] : memref<10000x128xf32, #tpu.memory_space<hbm>> -> memref<40x128xf32, #tpu.memory_space<hbm>>
      %dma_wait3A_505 = tpu.memref_slice %arg10[%dma_wait3A_497] : memref<5x!tpu.dma_semaphore, #tpu.memory_space<semaphore_mem>> -> memref<1x!tpu.dma_semaphore, #tpu.memory_space<semaphore_mem>>
      %dma_wait3A_506 = tpu.memref_squeeze %dma_wait3A_505 : memref<1x!tpu.dma_semaphore, #tpu.memory_space<semaphore_mem>> -> memref<!tpu.dma_semaphore, #tpu.memory_space<semaphore_mem>>
      %dma_wait3A_507 = arith.constant 0 : i32
      %dma_wait3A_508 = arith.constant 0 : i32
      %dma_wait3A_509 = tpu.memref_slice %arg7[%dma_wait3A_496, %dma_wait3A_507, %dma_wait3A_508] : memref<5x40x128xf32, #tpu.memory_space<vmem>> -> memref<1x40x128xf32, #tpu.memory_space<vmem>>
      %dma_wait3A_510 = tpu.memref_squeeze %dma_wait3A_509 : memref<1x40x128xf32, #tpu.memory_space<vmem>> -> memref<40x128xf32, #tpu.memory_space<vmem>>
      %dma_wait3A_511 = arith.constant 0 : i32
      %dma_wait3A_512 = arith.constant 0 : i32
      %dma_wait3A_513 = tpu.memref_slice %arg2[%dma_wait3A_511, %dma_wait3A_512] : memref<10000x128xf32, #tpu.memory_space<hbm>> -> memref<40x128xf32, #tpu.memory_space<hbm>>
      tpu.wait_dma2 semaphore(%dma_wait3A_506 : memref<!tpu.dma_semaphore, #tpu.memory_space<semaphore_mem>>) src(%dma_wait3A_513 : memref<40x128xf32, #tpu.memory_space<hbm>>) dst(%dma_wait3A_510 : memref<40x128xf32, #tpu.memory_space<vmem>>)
      %run_scoped3A_514 = arith.constant 1 : i32
      %run_scoped3A_515 = arith.constant 1 : i32
      %run_scoped3A_516 = arith.constant 1 : i32
      "tpu.region"() ({
        %run_scoped3A_828 = tpu.sem_alloc : memref<!tpu.dma_semaphore, #tpu.memory_space<semaphore_mem>>
        %dma_start3A_829 = arith.constant 0 : i32
        %dma_start3A_830 = arith.constant 0 : i32
        %dma_start3A_831 = tpu.memref_slice %arg7[%run_scoped3A_514, %dma_start3A_829, %dma_start3A_830] : memref<5x40x128xf32, #tpu.memory_space<vmem>> -> memref<1x40x128xf32, #tpu.memory_space<vmem>>
        %dma_start3A_832 = tpu.memref_squeeze %dma_start3A_831 : memref<1x40x128xf32, #tpu.memory_space<vmem>> -> memref<40x128xf32, #tpu.memory_space<vmem>>
        %dma_start3A_833 = arith.constant 0 : i32
        %dma_start3A_834 = tpu.memref_slice %arg6[%run_scoped3A_515, %run_scoped3A_516, %dma_start3A_833] : memref<5x2x40xi32, #tpu.memory_space<vmem>> -> memref<1x1x40xi32, #tpu.memory_space<vmem>>
        %dma_start3A_835 = tpu.memref_squeeze %dma_start3A_834 : memref<1x1x40xi32, #tpu.memory_space<vmem>> -> memref<40xi32, #tpu.memory_space<vmem>>
        %dma_start3A_836 = arith.constant 0 : i32
        %dma_start3A_837 = arith.constant 0 : i32
        %dma_start3A_838 = tpu.memref_slice %arg8[%dma_start3A_836, %dma_start3A_837] : memref<10240x128xf32, #tpu.memory_space<vmem_shared>> -> memref<10240x128xf32, #tpu.memory_space<vmem_shared>>
        tpu.enqueue_indirect_dma source(%dma_start3A_832 : memref<40x128xf32, #tpu.memory_space<vmem>>) target(%dma_start3A_838 : memref<10240x128xf32, #tpu.memory_space<vmem_shared>>) offsets(%dma_start3A_835 : memref<40xi32, #tpu.memory_space<vmem>>) semaphore(%run_scoped3A_828 : memref<!tpu.dma_semaphore, #tpu.memory_space<semaphore_mem>>) {add = true}
        %dma_wait3A_839 = arith.constant 0 : i32
        %dma_wait3A_840 = arith.constant 0 : i32
        %dma_wait3A_841 = tpu.memref_slice %arg7[%run_scoped3A_514, %dma_wait3A_839, %dma_wait3A_840] : memref<5x40x128xf32, #tpu.memory_space<vmem>> -> memref<1x40x128xf32, #tpu.memory_space<vmem>>
        %dma_wait3A_842 = tpu.memref_squeeze %dma_wait3A_841 : memref<1x40x128xf32, #tpu.memory_space<vmem>> -> memref<40x128xf32, #tpu.memory_space<vmem>>
        %dma_wait3A_843 = arith.constant 0 : i32
        %dma_wait3A_844 = tpu.memref_slice %arg6[%run_scoped3A_515, %run_scoped3A_516, %dma_wait3A_843] : memref<5x2x40xi32, #tpu.memory_space<vmem>> -> memref<1x1x40xi32, #tpu.memory_space<vmem>>
        %dma_wait3A_845 = tpu.memref_squeeze %dma_wait3A_844 : memref<1x1x40xi32, #tpu.memory_space<vmem>> -> memref<40xi32, #tpu.memory_space<vmem>>
        %dma_wait3A_846 = arith.constant 0 : i32
        %dma_wait3A_847 = arith.constant 0 : i32
        %dma_wait3A_848 = tpu.memref_slice %arg8[%dma_wait3A_846, %dma_wait3A_847] : memref<10240x128xf32, #tpu.memory_space<vmem_shared>> -> memref<10240x128xf32, #tpu.memory_space<vmem_shared>>
        tpu.wait_indirect_dma semaphore(%run_scoped3A_828 : memref<!tpu.dma_semaphore, #tpu.memory_space<semaphore_mem>>) src(%dma_wait3A_842 : memref<40x128xf32, #tpu.memory_space<vmem>>) dst(%dma_wait3A_848 : memref<10240x128xf32, #tpu.memory_space<vmem_shared>>)
        tpu.yield
      }) : () -> ()
      %add3A_517 = arith.constant 5 : i32
      %add3A_518 = arith.addi %add3A_495, %add3A_517 : i32
      %dma_start3A_519 = arith.constant 1 : i32
      %dma_start3A_520 = arith.constant 1 : i32
      %dma_start3A_521 = arith.constant 0 : i32
      %dma_start3A_522 = arith.constant 0 : i32
      %dma_start3A_523 = tpu.memref_slice %arg6[%dma_start3A_519, %dma_start3A_521, %dma_start3A_522] : memref<5x2x40xi32, #tpu.memory_space<vmem>> -> memref<1x2x40xi32, #tpu.memory_space<vmem>>
      %dma_start3A_524 = tpu.memref_squeeze %dma_start3A_523 : memref<1x2x40xi32, #tpu.memory_space<vmem>> -> memref<2x40xi32, #tpu.memory_space<vmem>>
      %dma_start3A_525 = arith.constant 0 : i32
      %dma_start3A_526 = arith.constant 0 : i32
      %dma_start3A_527 = tpu.memref_slice %arg3[%add3A, %add3A_518, %dma_start3A_525, %dma_start3A_526] : memref<32x250x2x40xi32, #tpu.memory_space<hbm>> -> memref<1x1x2x40xi32, #tpu.memory_space<hbm>>
      %dma_start3A_528 = tpu.memref_squeeze %dma_start3A_527 : memref<1x1x2x40xi32, #tpu.memory_space<hbm>> -> memref<2x40xi32, #tpu.memory_space<hbm>>
      %dma_start3A_529 = tpu.memref_slice %arg9[%dma_start3A_520] : memref<5x!tpu.dma_semaphore, #tpu.memory_space<semaphore_mem>> -> memref<1x!tpu.dma_semaphore, #tpu.memory_space<semaphore_mem>>
      %dma_start3A_530 = tpu.memref_squeeze %dma_start3A_529 : memref<1x!tpu.dma_semaphore, #tpu.memory_space<semaphore_mem>> -> memref<!tpu.dma_semaphore, #tpu.memory_space<semaphore_mem>>
      %dma_start3A_531 = arith.constant 0 : i32
      %dma_start3A_532 = arith.constant 0 : i32
      %dma_start3A_533 = tpu.memref_slice %arg6[%dma_start3A_519, %dma_start3A_531, %dma_start3A_532] : memref<5x2x40xi32, #tpu.memory_space<vmem>> -> memref<1x2x40xi32, #tpu.memory_space<vmem>>
      %dma_start3A_534 = tpu.memref_squeeze %dma_start3A_533 : memref<1x2x40xi32, #tpu.memory_space<vmem>> -> memref<2x40xi32, #tpu.memory_space<vmem>>
      %dma_start3A_535 = arith.constant 0 : i32
      %dma_start3A_536 = arith.constant 0 : i32
      %dma_start3A_537 = tpu.memref_slice %arg3[%add3A, %add3A_518, %dma_start3A_535, %dma_start3A_536] : memref<32x250x2x40xi32, #tpu.memory_space<hbm>> -> memref<1x1x2x40xi32, #tpu.memory_space<hbm>>
      %dma_start3A_538 = tpu.memref_squeeze %dma_start3A_537 : memref<1x1x2x40xi32, #tpu.memory_space<hbm>> -> memref<2x40xi32, #tpu.memory_space<hbm>>
      tpu.enqueue_dma source(%dma_start3A_538 : memref<2x40xi32, #tpu.memory_space<hbm>>) target(%dma_start3A_534 : memref<2x40xi32, #tpu.memory_space<vmem>>) target_semaphore(%dma_start3A_530 : memref<!tpu.dma_semaphore, #tpu.memory_space<semaphore_mem>>)
      %dma_wait3A_539 = arith.constant 0 : i32
      %dma_wait3A_540 = arith.constant 1 : i32
      %dma_wait3A_541 = arith.constant 1 : i32
      %dma_wait3A_542 = arith.constant 0 : i32
      %dma_wait3A_543 = arith.constant 0 : i32
      %dma_wait3A_544 = tpu.memref_slice %arg6[%dma_wait3A_540, %dma_wait3A_542, %dma_wait3A_543] : memref<5x2x40xi32, #tpu.memory_space<vmem>> -> memref<1x2x40xi32, #tpu.memory_space<vmem>>
      %dma_wait3A_545 = tpu.memref_squeeze %dma_wait3A_544 : memref<1x2x40xi32, #tpu.memory_space<vmem>> -> memref<2x40xi32, #tpu.memory_space<vmem>>
      %dma_wait3A_546 = arith.constant 0 : i32
      %dma_wait3A_547 = arith.constant 0 : i32
      %dma_wait3A_548 = tpu.memref_slice %arg3[%add3A, %dma_wait3A_539, %dma_wait3A_546, %dma_wait3A_547] : memref<32x250x2x40xi32, #tpu.memory_space<hbm>> -> memref<1x1x2x40xi32, #tpu.memory_space<hbm>>
      %dma_wait3A_549 = tpu.memref_squeeze %dma_wait3A_548 : memref<1x1x2x40xi32, #tpu.memory_space<hbm>> -> memref<2x40xi32, #tpu.memory_space<hbm>>
      %dma_wait3A_550 = tpu.memref_slice %arg9[%dma_wait3A_541] : memref<5x!tpu.dma_semaphore, #tpu.memory_space<semaphore_mem>> -> memref<1x!tpu.dma_semaphore, #tpu.memory_space<semaphore_mem>>
      %dma_wait3A_551 = tpu.memref_squeeze %dma_wait3A_550 : memref<1x!tpu.dma_semaphore, #tpu.memory_space<semaphore_mem>> -> memref<!tpu.dma_semaphore, #tpu.memory_space<semaphore_mem>>
      %dma_wait3A_552 = arith.constant 0 : i32
      %dma_wait3A_553 = arith.constant 0 : i32
      %dma_wait3A_554 = tpu.memref_slice %arg6[%dma_wait3A_540, %dma_wait3A_552, %dma_wait3A_553] : memref<5x2x40xi32, #tpu.memory_space<vmem>> -> memref<1x2x40xi32, #tpu.memory_space<vmem>>
      %dma_wait3A_555 = tpu.memref_squeeze %dma_wait3A_554 : memref<1x2x40xi32, #tpu.memory_space<vmem>> -> memref<2x40xi32, #tpu.memory_space<vmem>>
      %dma_wait3A_556 = arith.constant 0 : i32
      %dma_wait3A_557 = arith.constant 0 : i32
      %dma_wait3A_558 = tpu.memref_slice %arg3[%add3A, %dma_wait3A_539, %dma_wait3A_556, %dma_wait3A_557] : memref<32x250x2x40xi32, #tpu.memory_space<hbm>> -> memref<1x1x2x40xi32, #tpu.memory_space<hbm>>
      %dma_wait3A_559 = tpu.memref_squeeze %dma_wait3A_558 : memref<1x1x2x40xi32, #tpu.memory_space<hbm>> -> memref<2x40xi32, #tpu.memory_space<hbm>>
      tpu.wait_dma2 semaphore(%dma_wait3A_551 : memref<!tpu.dma_semaphore, #tpu.memory_space<semaphore_mem>>) src(%dma_wait3A_559 : memref<2x40xi32, #tpu.memory_space<hbm>>) dst(%dma_wait3A_555 : memref<2x40xi32, #tpu.memory_space<vmem>>)
      %dma_start3A_560 = arith.constant 1 : i32
      %dma_start3A_561 = arith.constant 0 : i32
      %dma_start3A_562 = arith.constant 1 : i32
      %dma_start3A_563 = arith.constant 1 : i32
      %dma_start3A_564 = arith.constant 0 : i32
      %dma_start3A_565 = arith.constant 0 : i32
      %dma_start3A_566 = tpu.memref_slice %arg7[%dma_start3A_562, %dma_start3A_564, %dma_start3A_565] : memref<5x40x128xf32, #tpu.memory_space<vmem>> -> memref<1x40x128xf32, #tpu.memory_space<vmem>>
      %dma_start3A_567 = tpu.memref_squeeze %dma_start3A_566 : memref<1x40x128xf32, #tpu.memory_space<vmem>> -> memref<40x128xf32, #tpu.memory_space<vmem>>
      %dma_start3A_568 = arith.constant 0 : i32
      %dma_start3A_569 = tpu.memref_slice %arg6[%dma_start3A_560, %dma_start3A_561, %dma_start3A_568] : memref<5x2x40xi32, #tpu.memory_space<vmem>> -> memref<1x1x40xi32, #tpu.memory_space<vmem>>
      %dma_start3A_570 = tpu.memref_squeeze %dma_start3A_569 : memref<1x1x40xi32, #tpu.memory_space<vmem>> -> memref<40xi32, #tpu.memory_space<vmem>>
      %dma_start3A_571 = arith.constant 0 : i32
      %dma_start3A_572 = arith.constant 0 : i32
      %dma_start3A_573 = tpu.memref_slice %arg2[%dma_start3A_571, %dma_start3A_572] : memref<10000x128xf32, #tpu.memory_space<hbm>> -> memref<10000x128xf32, #tpu.memory_space<hbm>>
      %dma_start3A_574 = tpu.memref_slice %arg10[%dma_start3A_563] : memref<5x!tpu.dma_semaphore, #tpu.memory_space<semaphore_mem>> -> memref<1x!tpu.dma_semaphore, #tpu.memory_space<semaphore_mem>>
      %dma_start3A_575 = tpu.memref_squeeze %dma_start3A_574 : memref<1x!tpu.dma_semaphore, #tpu.memory_space<semaphore_mem>> -> memref<!tpu.dma_semaphore, #tpu.memory_space<semaphore_mem>>
      tpu.enqueue_indirect_dma source(%dma_start3A_573 : memref<10000x128xf32, #tpu.memory_space<hbm>>) target(%dma_start3A_567 : memref<40x128xf32, #tpu.memory_space<vmem>>) offsets(%dma_start3A_570 : memref<40xi32, #tpu.memory_space<vmem>>) semaphore(%dma_start3A_575 : memref<!tpu.dma_semaphore, #tpu.memory_space<semaphore_mem>>)
      %mul3A_576 = arith.constant 5 : i32
      %mul3A_577 = arith.muli %scan3A_407, %mul3A_576 : i32
      %add3A_578 = arith.constant 2 : i32
      %add3A_579 = arith.addi %mul3A_577, %add3A_578 : i32
      %dma_wait3A_580 = arith.constant 2 : i32
      %dma_wait3A_581 = arith.constant 2 : i32
      %dma_wait3A_582 = arith.constant 0 : i32
      %dma_wait3A_583 = arith.constant 0 : i32
      %dma_wait3A_584 = tpu.memref_slice %arg7[%dma_wait3A_580, %dma_wait3A_582, %dma_wait3A_583] : memref<5x40x128xf32, #tpu.memory_space<vmem>> -> memref<1x40x128xf32, #tpu.memory_space<vmem>>
      %dma_wait3A_585 = tpu.memref_squeeze %dma_wait3A_584 : memref<1x40x128xf32, #tpu.memory_space<vmem>> -> memref<40x128xf32, #tpu.memory_space<vmem>>
      %dma_wait3A_586 = arith.constant 0 : i32
      %dma_wait3A_587 = arith.constant 0 : i32
      %dma_wait3A_588 = tpu.memref_slice %arg2[%dma_wait3A_586, %dma_wait3A_587] : memref<10000x128xf32, #tpu.memory_space<hbm>> -> memref<40x128xf32, #tpu.memory_space<hbm>>
      %dma_wait3A_589 = tpu.memref_slice %arg10[%dma_wait3A_581] : memref<5x!tpu.dma_semaphore, #tpu.memory_space<semaphore_mem>> -> memref<1x!tpu.dma_semaphore, #tpu.memory_space<semaphore_mem>>
      %dma_wait3A_590 = tpu.memref_squeeze %dma_wait3A_589 : memref<1x!tpu.dma_semaphore, #tpu.memory_space<semaphore_mem>> -> memref<!tpu.dma_semaphore, #tpu.memory_space<semaphore_mem>>
      %dma_wait3A_591 = arith.constant 0 : i32
      %dma_wait3A_592 = arith.constant 0 : i32
      %dma_wait3A_593 = tpu.memref_slice %arg7[%dma_wait3A_580, %dma_wait3A_591, %dma_wait3A_592] : memref<5x40x128xf32, #tpu.memory_space<vmem>> -> memref<1x40x128xf32, #tpu.memory_space<vmem>>
      %dma_wait3A_594 = tpu.memref_squeeze %dma_wait3A_593 : memref<1x40x128xf32, #tpu.memory_space<vmem>> -> memref<40x128xf32, #tpu.memory_space<vmem>>
      %dma_wait3A_595 = arith.constant 0 : i32
      %dma_wait3A_596 = arith.constant 0 : i32
      %dma_wait3A_597 = tpu.memref_slice %arg2[%dma_wait3A_595, %dma_wait3A_596] : memref<10000x128xf32, #tpu.memory_space<hbm>> -> memref<40x128xf32, #tpu.memory_space<hbm>>
      tpu.wait_dma2 semaphore(%dma_wait3A_590 : memref<!tpu.dma_semaphore, #tpu.memory_space<semaphore_mem>>) src(%dma_wait3A_597 : memref<40x128xf32, #tpu.memory_space<hbm>>) dst(%dma_wait3A_594 : memref<40x128xf32, #tpu.memory_space<vmem>>)
      %run_scoped3A_598 = arith.constant 2 : i32
      %run_scoped3A_599 = arith.constant 2 : i32
      %run_scoped3A_600 = arith.constant 1 : i32
      "tpu.region"() ({
        %run_scoped3A_828 = tpu.sem_alloc : memref<!tpu.dma_semaphore, #tpu.memory_space<semaphore_mem>>
        %dma_start3A_829 = arith.constant 0 : i32
        %dma_start3A_830 = arith.constant 0 : i32
        %dma_start3A_831 = tpu.memref_slice %arg7[%run_scoped3A_598, %dma_start3A_829, %dma_start3A_830] : memref<5x40x128xf32, #tpu.memory_space<vmem>> -> memref<1x40x128xf32, #tpu.memory_space<vmem>>
        %dma_start3A_832 = tpu.memref_squeeze %dma_start3A_831 : memref<1x40x128xf32, #tpu.memory_space<vmem>> -> memref<40x128xf32, #tpu.memory_space<vmem>>
        %dma_start3A_833 = arith.constant 0 : i32
        %dma_start3A_834 = tpu.memref_slice %arg6[%run_scoped3A_599, %run_scoped3A_600, %dma_start3A_833] : memref<5x2x40xi32, #tpu.memory_space<vmem>> -> memref<1x1x40xi32, #tpu.memory_space<vmem>>
        %dma_start3A_835 = tpu.memref_squeeze %dma_start3A_834 : memref<1x1x40xi32, #tpu.memory_space<vmem>> -> memref<40xi32, #tpu.memory_space<vmem>>
        %dma_start3A_836 = arith.constant 0 : i32
        %dma_start3A_837 = arith.constant 0 : i32
        %dma_start3A_838 = tpu.memref_slice %arg8[%dma_start3A_836, %dma_start3A_837] : memref<10240x128xf32, #tpu.memory_space<vmem_shared>> -> memref<10240x128xf32, #tpu.memory_space<vmem_shared>>
        tpu.enqueue_indirect_dma source(%dma_start3A_832 : memref<40x128xf32, #tpu.memory_space<vmem>>) target(%dma_start3A_838 : memref<10240x128xf32, #tpu.memory_space<vmem_shared>>) offsets(%dma_start3A_835 : memref<40xi32, #tpu.memory_space<vmem>>) semaphore(%run_scoped3A_828 : memref<!tpu.dma_semaphore, #tpu.memory_space<semaphore_mem>>) {add = true}
        %dma_wait3A_839 = arith.constant 0 : i32
        %dma_wait3A_840 = arith.constant 0 : i32
        %dma_wait3A_841 = tpu.memref_slice %arg7[%run_scoped3A_598, %dma_wait3A_839, %dma_wait3A_840] : memref<5x40x128xf32, #tpu.memory_space<vmem>> -> memref<1x40x128xf32, #tpu.memory_space<vmem>>
        %dma_wait3A_842 = tpu.memref_squeeze %dma_wait3A_841 : memref<1x40x128xf32, #tpu.memory_space<vmem>> -> memref<40x128xf32, #tpu.memory_space<vmem>>
        %dma_wait3A_843 = arith.constant 0 : i32
        %dma_wait3A_844 = tpu.memref_slice %arg6[%run_scoped3A_599, %run_scoped3A_600, %dma_wait3A_843] : memref<5x2x40xi32, #tpu.memory_space<vmem>> -> memref<1x1x40xi32, #tpu.memory_space<vmem>>
        %dma_wait3A_845 = tpu.memref_squeeze %dma_wait3A_844 : memref<1x1x40xi32, #tpu.memory_space<vmem>> -> memref<40xi32, #tpu.memory_space<vmem>>
        %dma_wait3A_846 = arith.constant 0 : i32
        %dma_wait3A_847 = arith.constant 0 : i32
        %dma_wait3A_848 = tpu.memref_slice %arg8[%dma_wait3A_846, %dma_wait3A_847] : memref<10240x128xf32, #tpu.memory_space<vmem_shared>> -> memref<10240x128xf32, #tpu.memory_space<vmem_shared>>
        tpu.wait_indirect_dma semaphore(%run_scoped3A_828 : memref<!tpu.dma_semaphore, #tpu.memory_space<semaphore_mem>>) src(%dma_wait3A_842 : memref<40x128xf32, #tpu.memory_space<vmem>>) dst(%dma_wait3A_848 : memref<10240x128xf32, #tpu.memory_space<vmem_shared>>)
        tpu.yield
      }) : () -> ()
      %add3A_601 = arith.constant 5 : i32
      %add3A_602 = arith.addi %add3A_579, %add3A_601 : i32
      %dma_start3A_603 = arith.constant 2 : i32
      %dma_start3A_604 = arith.constant 2 : i32
      %dma_start3A_605 = arith.constant 0 : i32
      %dma_start3A_606 = arith.constant 0 : i32
      %dma_start3A_607 = tpu.memref_slice %arg6[%dma_start3A_603, %dma_start3A_605, %dma_start3A_606] : memref<5x2x40xi32, #tpu.memory_space<vmem>> -> memref<1x2x40xi32, #tpu.memory_space<vmem>>
      %dma_start3A_608 = tpu.memref_squeeze %dma_start3A_607 : memref<1x2x40xi32, #tpu.memory_space<vmem>> -> memref<2x40xi32, #tpu.memory_space<vmem>>
      %dma_start3A_609 = arith.constant 0 : i32
      %dma_start3A_610 = arith.constant 0 : i32
      %dma_start3A_611 = tpu.memref_slice %arg3[%add3A, %add3A_602, %dma_start3A_609, %dma_start3A_610] : memref<32x250x2x40xi32, #tpu.memory_space<hbm>> -> memref<1x1x2x40xi32, #tpu.memory_space<hbm>>
      %dma_start3A_612 = tpu.memref_squeeze %dma_start3A_611 : memref<1x1x2x40xi32, #tpu.memory_space<hbm>> -> memref<2x40xi32, #tpu.memory_space<hbm>>
      %dma_start3A_613 = tpu.memref_slice %arg9[%dma_start3A_604] : memref<5x!tpu.dma_semaphore, #tpu.memory_space<semaphore_mem>> -> memref<1x!tpu.dma_semaphore, #tpu.memory_space<semaphore_mem>>
      %dma_start3A_614 = tpu.memref_squeeze %dma_start3A_613 : memref<1x!tpu.dma_semaphore, #tpu.memory_space<semaphore_mem>> -> memref<!tpu.dma_semaphore, #tpu.memory_space<semaphore_mem>>
      %dma_start3A_615 = arith.constant 0 : i32
      %dma_start3A_616 = arith.constant 0 : i32
      %dma_start3A_617 = tpu.memref_slice %arg6[%dma_start3A_603, %dma_start3A_615, %dma_start3A_616] : memref<5x2x40xi32, #tpu.memory_space<vmem>> -> memref<1x2x40xi32, #tpu.memory_space<vmem>>
      %dma_start3A_618 = tpu.memref_squeeze %dma_start3A_617 : memref<1x2x40xi32, #tpu.memory_space<vmem>> -> memref<2x40xi32, #tpu.memory_space<vmem>>
      %dma_start3A_619 = arith.constant 0 : i32
      %dma_start3A_620 = arith.constant 0 : i32
      %dma_start3A_621 = tpu.memref_slice %arg3[%add3A, %add3A_602, %dma_start3A_619, %dma_start3A_620] : memref<32x250x2x40xi32, #tpu.memory_space<hbm>> -> memref<1x1x2x40xi32, #tpu.memory_space<hbm>>
      %dma_start3A_622 = tpu.memref_squeeze %dma_start3A_621 : memref<1x1x2x40xi32, #tpu.memory_space<hbm>> -> memref<2x40xi32, #tpu.memory_space<hbm>>
      tpu.enqueue_dma source(%dma_start3A_622 : memref<2x40xi32, #tpu.memory_space<hbm>>) target(%dma_start3A_618 : memref<2x40xi32, #tpu.memory_space<vmem>>) target_semaphore(%dma_start3A_614 : memref<!tpu.dma_semaphore, #tpu.memory_space<semaphore_mem>>)
      %dma_wait3A_623 = arith.constant 0 : i32
      %dma_wait3A_624 = arith.constant 2 : i32
      %dma_wait3A_625 = arith.constant 2 : i32
      %dma_wait3A_626 = arith.constant 0 : i32
      %dma_wait3A_627 = arith.constant 0 : i32
      %dma_wait3A_628 = tpu.memref_slice %arg6[%dma_wait3A_624, %dma_wait3A_626, %dma_wait3A_627] : memref<5x2x40xi32, #tpu.memory_space<vmem>> -> memref<1x2x40xi32, #tpu.memory_space<vmem>>
      %dma_wait3A_629 = tpu.memref_squeeze %dma_wait3A_628 : memref<1x2x40xi32, #tpu.memory_space<vmem>> -> memref<2x40xi32, #tpu.memory_space<vmem>>
      %dma_wait3A_630 = arith.constant 0 : i32
      %dma_wait3A_631 = arith.constant 0 : i32
      %dma_wait3A_632 = tpu.memref_slice %arg3[%add3A, %dma_wait3A_623, %dma_wait3A_630, %dma_wait3A_631] : memref<32x250x2x40xi32, #tpu.memory_space<hbm>> -> memref<1x1x2x40xi32, #tpu.memory_space<hbm>>
      %dma_wait3A_633 = tpu.memref_squeeze %dma_wait3A_632 : memref<1x1x2x40xi32, #tpu.memory_space<hbm>> -> memref<2x40xi32, #tpu.memory_space<hbm>>
      %dma_wait3A_634 = tpu.memref_slice %arg9[%dma_wait3A_625] : memref<5x!tpu.dma_semaphore, #tpu.memory_space<semaphore_mem>> -> memref<1x!tpu.dma_semaphore, #tpu.memory_space<semaphore_mem>>
      %dma_wait3A_635 = tpu.memref_squeeze %dma_wait3A_634 : memref<1x!tpu.dma_semaphore, #tpu.memory_space<semaphore_mem>> -> memref<!tpu.dma_semaphore, #tpu.memory_space<semaphore_mem>>
      %dma_wait3A_636 = arith.constant 0 : i32
      %dma_wait3A_637 = arith.constant 0 : i32
      %dma_wait3A_638 = tpu.memref_slice %arg6[%dma_wait3A_624, %dma_wait3A_636, %dma_wait3A_637] : memref<5x2x40xi32, #tpu.memory_space<vmem>> -> memref<1x2x40xi32, #tpu.memory_space<vmem>>
      %dma_wait3A_639 = tpu.memref_squeeze %dma_wait3A_638 : memref<1x2x40xi32, #tpu.memory_space<vmem>> -> memref<2x40xi32, #tpu.memory_space<vmem>>
      %dma_wait3A_640 = arith.constant 0 : i32
      %dma_wait3A_641 = arith.constant 0 : i32
      %dma_wait3A_642 = tpu.memref_slice %arg3[%add3A, %dma_wait3A_623, %dma_wait3A_640, %dma_wait3A_641] : memref<32x250x2x40xi32, #tpu.memory_space<hbm>> -> memref<1x1x2x40xi32, #tpu.memory_space<hbm>>
      %dma_wait3A_643 = tpu.memref_squeeze %dma_wait3A_642 : memref<1x1x2x40xi32, #tpu.memory_space<hbm>> -> memref<2x40xi32, #tpu.memory_space<hbm>>
      tpu.wait_dma2 semaphore(%dma_wait3A_635 : memref<!tpu.dma_semaphore, #tpu.memory_space<semaphore_mem>>) src(%dma_wait3A_643 : memref<2x40xi32, #tpu.memory_space<hbm>>) dst(%dma_wait3A_639 : memref<2x40xi32, #tpu.memory_space<vmem>>)
      %dma_start3A_644 = arith.constant 2 : i32
      %dma_start3A_645 = arith.constant 0 : i32
      %dma_start3A_646 = arith.constant 2 : i32
      %dma_start3A_647 = arith.constant 2 : i32
      %dma_start3A_648 = arith.constant 0 : i32
      %dma_start3A_649 = arith.constant 0 : i32
      %dma_start3A_650 = tpu.memref_slice %arg7[%dma_start3A_646, %dma_start3A_648, %dma_start3A_649] : memref<5x40x128xf32, #tpu.memory_space<vmem>> -> memref<1x40x128xf32, #tpu.memory_space<vmem>>
      %dma_start3A_651 = tpu.memref_squeeze %dma_start3A_650 : memref<1x40x128xf32, #tpu.memory_space<vmem>> -> memref<40x128xf32, #tpu.memory_space<vmem>>
      %dma_start3A_652 = arith.constant 0 : i32
      %dma_start3A_653 = tpu.memref_slice %arg6[%dma_start3A_644, %dma_start3A_645, %dma_start3A_652] : memref<5x2x40xi32, #tpu.memory_space<vmem>> -> memref<1x1x40xi32, #tpu.memory_space<vmem>>
      %dma_start3A_654 = tpu.memref_squeeze %dma_start3A_653 : memref<1x1x40xi32, #tpu.memory_space<vmem>> -> memref<40xi32, #tpu.memory_space<vmem>>
      %dma_start3A_655 = arith.constant 0 : i32
      %dma_start3A_656 = arith.constant 0 : i32
      %dma_start3A_657 = tpu.memref_slice %arg2[%dma_start3A_655, %dma_start3A_656] : memref<10000x128xf32, #tpu.memory_space<hbm>> -> memref<10000x128xf32, #tpu.memory_space<hbm>>
      %dma_start3A_658 = tpu.memref_slice %arg10[%dma_start3A_647] : memref<5x!tpu.dma_semaphore, #tpu.memory_space<semaphore_mem>> -> memref<1x!tpu.dma_semaphore, #tpu.memory_space<semaphore_mem>>
      %dma_start3A_659 = tpu.memref_squeeze %dma_start3A_658 : memref<1x!tpu.dma_semaphore, #tpu.memory_space<semaphore_mem>> -> memref<!tpu.dma_semaphore, #tpu.memory_space<semaphore_mem>>
      tpu.enqueue_indirect_dma source(%dma_start3A_657 : memref<10000x128xf32, #tpu.memory_space<hbm>>) target(%dma_start3A_651 : memref<40x128xf32, #tpu.memory_space<vmem>>) offsets(%dma_start3A_654 : memref<40xi32, #tpu.memory_space<vmem>>) semaphore(%dma_start3A_659 : memref<!tpu.dma_semaphore, #tpu.memory_space<semaphore_mem>>)
      %mul3A_660 = arith.constant 5 : i32
      %mul3A_661 = arith.muli %scan3A_407, %mul3A_660 : i32
      %add3A_662 = arith.constant 3 : i32
      %add3A_663 = arith.addi %mul3A_661, %add3A_662 : i32
      %dma_wait3A_664 = arith.constant 3 : i32
      %dma_wait3A_665 = arith.constant 3 : i32
      %dma_wait3A_666 = arith.constant 0 : i32
      %dma_wait3A_667 = arith.constant 0 : i32
      %dma_wait3A_668 = tpu.memref_slice %arg7[%dma_wait3A_664, %dma_wait3A_666, %dma_wait3A_667] : memref<5x40x128xf32, #tpu.memory_space<vmem>> -> memref<1x40x128xf32, #tpu.memory_space<vmem>>
      %dma_wait3A_669 = tpu.memref_squeeze %dma_wait3A_668 : memref<1x40x128xf32, #tpu.memory_space<vmem>> -> memref<40x128xf32, #tpu.memory_space<vmem>>
      %dma_wait3A_670 = arith.constant 0 : i32
      %dma_wait3A_671 = arith.constant 0 : i32
      %dma_wait3A_672 = tpu.memref_slice %arg2[%dma_wait3A_670, %dma_wait3A_671] : memref<10000x128xf32, #tpu.memory_space<hbm>> -> memref<40x128xf32, #tpu.memory_space<hbm>>
      %dma_wait3A_673 = tpu.memref_slice %arg10[%dma_wait3A_665] : memref<5x!tpu.dma_semaphore, #tpu.memory_space<semaphore_mem>> -> memref<1x!tpu.dma_semaphore, #tpu.memory_space<semaphore_mem>>
      %dma_wait3A_674 = tpu.memref_squeeze %dma_wait3A_673 : memref<1x!tpu.dma_semaphore, #tpu.memory_space<semaphore_mem>> -> memref<!tpu.dma_semaphore, #tpu.memory_space<semaphore_mem>>
      %dma_wait3A_675 = arith.constant 0 : i32
      %dma_wait3A_676 = arith.constant 0 : i32
      %dma_wait3A_677 = tpu.memref_slice %arg7[%dma_wait3A_664, %dma_wait3A_675, %dma_wait3A_676] : memref<5x40x128xf32, #tpu.memory_space<vmem>> -> memref<1x40x128xf32, #tpu.memory_space<vmem>>
      %dma_wait3A_678 = tpu.memref_squeeze %dma_wait3A_677 : memref<1x40x128xf32, #tpu.memory_space<vmem>> -> memref<40x128xf32, #tpu.memory_space<vmem>>
      %dma_wait3A_679 = arith.constant 0 : i32
      %dma_wait3A_680 = arith.constant 0 : i32
      %dma_wait3A_681 = tpu.memref_slice %arg2[%dma_wait3A_679, %dma_wait3A_680] : memref<10000x128xf32, #tpu.memory_space<hbm>> -> memref<40x128xf32, #tpu.memory_space<hbm>>
      tpu.wait_dma2 semaphore(%dma_wait3A_674 : memref<!tpu.dma_semaphore, #tpu.memory_space<semaphore_mem>>) src(%dma_wait3A_681 : memref<40x128xf32, #tpu.memory_space<hbm>>) dst(%dma_wait3A_678 : memref<40x128xf32, #tpu.memory_space<vmem>>)
      %run_scoped3A_682 = arith.constant 3 : i32
      %run_scoped3A_683 = arith.constant 3 : i32
      %run_scoped3A_684 = arith.constant 1 : i32
      "tpu.region"() ({
        %run_scoped3A_828 = tpu.sem_alloc : memref<!tpu.dma_semaphore, #tpu.memory_space<semaphore_mem>>
        %dma_start3A_829 = arith.constant 0 : i32
        %dma_start3A_830 = arith.constant 0 : i32
        %dma_start3A_831 = tpu.memref_slice %arg7[%run_scoped3A_682, %dma_start3A_829, %dma_start3A_830] : memref<5x40x128xf32, #tpu.memory_space<vmem>> -> memref<1x40x128xf32, #tpu.memory_space<vmem>>
        %dma_start3A_832 = tpu.memref_squeeze %dma_start3A_831 : memref<1x40x128xf32, #tpu.memory_space<vmem>> -> memref<40x128xf32, #tpu.memory_space<vmem>>
        %dma_start3A_833 = arith.constant 0 : i32
        %dma_start3A_834 = tpu.memref_slice %arg6[%run_scoped3A_683, %run_scoped3A_684, %dma_start3A_833] : memref<5x2x40xi32, #tpu.memory_space<vmem>> -> memref<1x1x40xi32, #tpu.memory_space<vmem>>
        %dma_start3A_835 = tpu.memref_squeeze %dma_start3A_834 : memref<1x1x40xi32, #tpu.memory_space<vmem>> -> memref<40xi32, #tpu.memory_space<vmem>>
        %dma_start3A_836 = arith.constant 0 : i32
        %dma_start3A_837 = arith.constant 0 : i32
        %dma_start3A_838 = tpu.memref_slice %arg8[%dma_start3A_836, %dma_start3A_837] : memref<10240x128xf32, #tpu.memory_space<vmem_shared>> -> memref<10240x128xf32, #tpu.memory_space<vmem_shared>>
        tpu.enqueue_indirect_dma source(%dma_start3A_832 : memref<40x128xf32, #tpu.memory_space<vmem>>) target(%dma_start3A_838 : memref<10240x128xf32, #tpu.memory_space<vmem_shared>>) offsets(%dma_start3A_835 : memref<40xi32, #tpu.memory_space<vmem>>) semaphore(%run_scoped3A_828 : memref<!tpu.dma_semaphore, #tpu.memory_space<semaphore_mem>>) {add = true}
        %dma_wait3A_839 = arith.constant 0 : i32
        %dma_wait3A_840 = arith.constant 0 : i32
        %dma_wait3A_841 = tpu.memref_slice %arg7[%run_scoped3A_682, %dma_wait3A_839, %dma_wait3A_840] : memref<5x40x128xf32, #tpu.memory_space<vmem>> -> memref<1x40x128xf32, #tpu.memory_space<vmem>>
        %dma_wait3A_842 = tpu.memref_squeeze %dma_wait3A_841 : memref<1x40x128xf32, #tpu.memory_space<vmem>> -> memref<40x128xf32, #tpu.memory_space<vmem>>
        %dma_wait3A_843 = arith.constant 0 : i32
        %dma_wait3A_844 = tpu.memref_slice %arg6[%run_scoped3A_683, %run_scoped3A_684, %dma_wait3A_843] : memref<5x2x40xi32, #tpu.memory_space<vmem>> -> memref<1x1x40xi32, #tpu.memory_space<vmem>>
        %dma_wait3A_845 = tpu.memref_squeeze %dma_wait3A_844 : memref<1x1x40xi32, #tpu.memory_space<vmem>> -> memref<40xi32, #tpu.memory_space<vmem>>
        %dma_wait3A_846 = arith.constant 0 : i32
        %dma_wait3A_847 = arith.constant 0 : i32
        %dma_wait3A_848 = tpu.memref_slice %arg8[%dma_wait3A_846, %dma_wait3A_847] : memref<10240x128xf32, #tpu.memory_space<vmem_shared>> -> memref<10240x128xf32, #tpu.memory_space<vmem_shared>>
        tpu.wait_indirect_dma semaphore(%run_scoped3A_828 : memref<!tpu.dma_semaphore, #tpu.memory_space<semaphore_mem>>) src(%dma_wait3A_842 : memref<40x128xf32, #tpu.memory_space<vmem>>) dst(%dma_wait3A_848 : memref<10240x128xf32, #tpu.memory_space<vmem_shared>>)
        tpu.yield
      }) : () -> ()
      %add3A_685 = arith.constant 5 : i32
      %add3A_686 = arith.addi %add3A_663, %add3A_685 : i32
      %dma_start3A_687 = arith.constant 3 : i32
      %dma_start3A_688 = arith.constant 3 : i32
      %dma_start3A_689 = arith.constant 0 : i32
      %dma_start3A_690 = arith.constant 0 : i32
      %dma_start3A_691 = tpu.memref_slice %arg6[%dma_start3A_687, %dma_start3A_689, %dma_start3A_690] : memref<5x2x40xi32, #tpu.memory_space<vmem>> -> memref<1x2x40xi32, #tpu.memory_space<vmem>>
      %dma_start3A_692 = tpu.memref_squeeze %dma_start3A_691 : memref<1x2x40xi32, #tpu.memory_space<vmem>> -> memref<2x40xi32, #tpu.memory_space<vmem>>
      %dma_start3A_693 = arith.constant 0 : i32
      %dma_start3A_694 = arith.constant 0 : i32
      %dma_start3A_695 = tpu.memref_slice %arg3[%add3A, %add3A_686, %dma_start3A_693, %dma_start3A_694] : memref<32x250x2x40xi32, #tpu.memory_space<hbm>> -> memref<1x1x2x40xi32, #tpu.memory_space<hbm>>
      %dma_start3A_696 = tpu.memref_squeeze %dma_start3A_695 : memref<1x1x2x40xi32, #tpu.memory_space<hbm>> -> memref<2x40xi32, #tpu.memory_space<hbm>>
      %dma_start3A_697 = tpu.memref_slice %arg9[%dma_start3A_688] : memref<5x!tpu.dma_semaphore, #tpu.memory_space<semaphore_mem>> -> memref<1x!tpu.dma_semaphore, #tpu.memory_space<semaphore_mem>>
      %dma_start3A_698 = tpu.memref_squeeze %dma_start3A_697 : memref<1x!tpu.dma_semaphore, #tpu.memory_space<semaphore_mem>> -> memref<!tpu.dma_semaphore, #tpu.memory_space<semaphore_mem>>
      %dma_start3A_699 = arith.constant 0 : i32
      %dma_start3A_700 = arith.constant 0 : i32
      %dma_start3A_701 = tpu.memref_slice %arg6[%dma_start3A_687, %dma_start3A_699, %dma_start3A_700] : memref<5x2x40xi32, #tpu.memory_space<vmem>> -> memref<1x2x40xi32, #tpu.memory_space<vmem>>
      %dma_start3A_702 = tpu.memref_squeeze %dma_start3A_701 : memref<1x2x40xi32, #tpu.memory_space<vmem>> -> memref<2x40xi32, #tpu.memory_space<vmem>>
      %dma_start3A_703 = arith.constant 0 : i32
      %dma_start3A_704 = arith.constant 0 : i32
      %dma_start3A_705 = tpu.memref_slice %arg3[%add3A, %add3A_686, %dma_start3A_703, %dma_start3A_704] : memref<32x250x2x40xi32, #tpu.memory_space<hbm>> -> memref<1x1x2x40xi32, #tpu.memory_space<hbm>>
      %dma_start3A_706 = tpu.memref_squeeze %dma_start3A_705 : memref<1x1x2x40xi32, #tpu.memory_space<hbm>> -> memref<2x40xi32, #tpu.memory_space<hbm>>
      tpu.enqueue_dma source(%dma_start3A_706 : memref<2x40xi32, #tpu.memory_space<hbm>>) target(%dma_start3A_702 : memref<2x40xi32, #tpu.memory_space<vmem>>) target_semaphore(%dma_start3A_698 : memref<!tpu.dma_semaphore, #tpu.memory_space<semaphore_mem>>)
      %dma_wait3A_707 = arith.constant 0 : i32
      %dma_wait3A_708 = arith.constant 3 : i32
      %dma_wait3A_709 = arith.constant 3 : i32
      %dma_wait3A_710 = arith.constant 0 : i32
      %dma_wait3A_711 = arith.constant 0 : i32
      %dma_wait3A_712 = tpu.memref_slice %arg6[%dma_wait3A_708, %dma_wait3A_710, %dma_wait3A_711] : memref<5x2x40xi32, #tpu.memory_space<vmem>> -> memref<1x2x40xi32, #tpu.memory_space<vmem>>
      %dma_wait3A_713 = tpu.memref_squeeze %dma_wait3A_712 : memref<1x2x40xi32, #tpu.memory_space<vmem>> -> memref<2x40xi32, #tpu.memory_space<vmem>>
      %dma_wait3A_714 = arith.constant 0 : i32
      %dma_wait3A_715 = arith.constant 0 : i32
      %dma_wait3A_716 = tpu.memref_slice %arg3[%add3A, %dma_wait3A_707, %dma_wait3A_714, %dma_wait3A_715] : memref<32x250x2x40xi32, #tpu.memory_space<hbm>> -> memref<1x1x2x40xi32, #tpu.memory_space<hbm>>
      %dma_wait3A_717 = tpu.memref_squeeze %dma_wait3A_716 : memref<1x1x2x40xi32, #tpu.memory_space<hbm>> -> memref<2x40xi32, #tpu.memory_space<hbm>>
      %dma_wait3A_718 = tpu.memref_slice %arg9[%dma_wait3A_709] : memref<5x!tpu.dma_semaphore, #tpu.memory_space<semaphore_mem>> -> memref<1x!tpu.dma_semaphore, #tpu.memory_space<semaphore_mem>>
      %dma_wait3A_719 = tpu.memref_squeeze %dma_wait3A_718 : memref<1x!tpu.dma_semaphore, #tpu.memory_space<semaphore_mem>> -> memref<!tpu.dma_semaphore, #tpu.memory_space<semaphore_mem>>
      %dma_wait3A_720 = arith.constant 0 : i32
      %dma_wait3A_721 = arith.constant 0 : i32
      %dma_wait3A_722 = tpu.memref_slice %arg6[%dma_wait3A_708, %dma_wait3A_720, %dma_wait3A_721] : memref<5x2x40xi32, #tpu.memory_space<vmem>> -> memref<1x2x40xi32, #tpu.memory_space<vmem>>
      %dma_wait3A_723 = tpu.memref_squeeze %dma_wait3A_722 : memref<1x2x40xi32, #tpu.memory_space<vmem>> -> memref<2x40xi32, #tpu.memory_space<vmem>>
      %dma_wait3A_724 = arith.constant 0 : i32
      %dma_wait3A_725 = arith.constant 0 : i32
      %dma_wait3A_726 = tpu.memref_slice %arg3[%add3A, %dma_wait3A_707, %dma_wait3A_724, %dma_wait3A_725] : memref<32x250x2x40xi32, #tpu.memory_space<hbm>> -> memref<1x1x2x40xi32, #tpu.memory_space<hbm>>
      %dma_wait3A_727 = tpu.memref_squeeze %dma_wait3A_726 : memref<1x1x2x40xi32, #tpu.memory_space<hbm>> -> memref<2x40xi32, #tpu.memory_space<hbm>>
      tpu.wait_dma2 semaphore(%dma_wait3A_719 : memref<!tpu.dma_semaphore, #tpu.memory_space<semaphore_mem>>) src(%dma_wait3A_727 : memref<2x40xi32, #tpu.memory_space<hbm>>) dst(%dma_wait3A_723 : memref<2x40xi32, #tpu.memory_space<vmem>>)
      %dma_start3A_728 = arith.constant 3 : i32
      %dma_start3A_729 = arith.constant 0 : i32
      %dma_start3A_730 = arith.constant 3 : i32
      %dma_start3A_731 = arith.constant 3 : i32
      %dma_start3A_732 = arith.constant 0 : i32
      %dma_start3A_733 = arith.constant 0 : i32
      %dma_start3A_734 = tpu.memref_slice %arg7[%dma_start3A_730, %dma_start3A_732, %dma_start3A_733] : memref<5x40x128xf32, #tpu.memory_space<vmem>> -> memref<1x40x128xf32, #tpu.memory_space<vmem>>
      %dma_start3A_735 = tpu.memref_squeeze %dma_start3A_734 : memref<1x40x128xf32, #tpu.memory_space<vmem>> -> memref<40x128xf32, #tpu.memory_space<vmem>>
      %dma_start3A_736 = arith.constant 0 : i32
      %dma_start3A_737 = tpu.memref_slice %arg6[%dma_start3A_728, %dma_start3A_729, %dma_start3A_736] : memref<5x2x40xi32, #tpu.memory_space<vmem>> -> memref<1x1x40xi32, #tpu.memory_space<vmem>>
      %dma_start3A_738 = tpu.memref_squeeze %dma_start3A_737 : memref<1x1x40xi32, #tpu.memory_space<vmem>> -> memref<40xi32, #tpu.memory_space<vmem>>
      %dma_start3A_739 = arith.constant 0 : i32
      %dma_start3A_740 = arith.constant 0 : i32
      %dma_start3A_741 = tpu.memref_slice %arg2[%dma_start3A_739, %dma_start3A_740] : memref<10000x128xf32, #tpu.memory_space<hbm>> -> memref<10000x128xf32, #tpu.memory_space<hbm>>
      %dma_start3A_742 = tpu.memref_slice %arg10[%dma_start3A_731] : memref<5x!tpu.dma_semaphore, #tpu.memory_space<semaphore_mem>> -> memref<1x!tpu.dma_semaphore, #tpu.memory_space<semaphore_mem>>
      %dma_start3A_743 = tpu.memref_squeeze %dma_start3A_742 : memref<1x!tpu.dma_semaphore, #tpu.memory_space<semaphore_mem>> -> memref<!tpu.dma_semaphore, #tpu.memory_space<semaphore_mem>>
      tpu.enqueue_indirect_dma source(%dma_start3A_741 : memref<10000x128xf32, #tpu.memory_space<hbm>>) target(%dma_start3A_735 : memref<40x128xf32, #tpu.memory_space<vmem>>) offsets(%dma_start3A_738 : memref<40xi32, #tpu.memory_space<vmem>>) semaphore(%dma_start3A_743 : memref<!tpu.dma_semaphore, #tpu.memory_space<semaphore_mem>>)
      %mul3A_744 = arith.constant 5 : i32
      %mul3A_745 = arith.muli %scan3A_407, %mul3A_744 : i32
      %add3A_746 = arith.constant 4 : i32
      %add3A_747 = arith.addi %mul3A_745, %add3A_746 : i32
      %dma_wait3A_748 = arith.constant 4 : i32
      %dma_wait3A_749 = arith.constant 4 : i32
      %dma_wait3A_750 = arith.constant 0 : i32
      %dma_wait3A_751 = arith.constant 0 : i32
      %dma_wait3A_752 = tpu.memref_slice %arg7[%dma_wait3A_748, %dma_wait3A_750, %dma_wait3A_751] : memref<5x40x128xf32, #tpu.memory_space<vmem>> -> memref<1x40x128xf32, #tpu.memory_space<vmem>>
      %dma_wait3A_753 = tpu.memref_squeeze %dma_wait3A_752 : memref<1x40x128xf32, #tpu.memory_space<vmem>> -> memref<40x128xf32, #tpu.memory_space<vmem>>
      %dma_wait3A_754 = arith.constant 0 : i32
      %dma_wait3A_755 = arith.constant 0 : i32
      %dma_wait3A_756 = tpu.memref_slice %arg2[%dma_wait3A_754, %dma_wait3A_755] : memref<10000x128xf32, #tpu.memory_space<hbm>> -> memref<40x128xf32, #tpu.memory_space<hbm>>
      %dma_wait3A_757 = tpu.memref_slice %arg10[%dma_wait3A_749] : memref<5x!tpu.dma_semaphore, #tpu.memory_space<semaphore_mem>> -> memref<1x!tpu.dma_semaphore, #tpu.memory_space<semaphore_mem>>
      %dma_wait3A_758 = tpu.memref_squeeze %dma_wait3A_757 : memref<1x!tpu.dma_semaphore, #tpu.memory_space<semaphore_mem>> -> memref<!tpu.dma_semaphore, #tpu.memory_space<semaphore_mem>>
      %dma_wait3A_759 = arith.constant 0 : i32
      %dma_wait3A_760 = arith.constant 0 : i32
      %dma_wait3A_761 = tpu.memref_slice %arg7[%dma_wait3A_748, %dma_wait3A_759, %dma_wait3A_760] : memref<5x40x128xf32, #tpu.memory_space<vmem>> -> memref<1x40x128xf32, #tpu.memory_space<vmem>>
      %dma_wait3A_762 = tpu.memref_squeeze %dma_wait3A_761 : memref<1x40x128xf32, #tpu.memory_space<vmem>> -> memref<40x128xf32, #tpu.memory_space<vmem>>
      %dma_wait3A_763 = arith.constant 0 : i32
      %dma_wait3A_764 = arith.constant 0 : i32
      %dma_wait3A_765 = tpu.memref_slice %arg2[%dma_wait3A_763, %dma_wait3A_764] : memref<10000x128xf32, #tpu.memory_space<hbm>> -> memref<40x128xf32, #tpu.memory_space<hbm>>
      tpu.wait_dma2 semaphore(%dma_wait3A_758 : memref<!tpu.dma_semaphore, #tpu.memory_space<semaphore_mem>>) src(%dma_wait3A_765 : memref<40x128xf32, #tpu.memory_space<hbm>>) dst(%dma_wait3A_762 : memref<40x128xf32, #tpu.memory_space<vmem>>)
      %run_scoped3A_766 = arith.constant 4 : i32
      %run_scoped3A_767 = arith.constant 4 : i32
      %run_scoped3A_768 = arith.constant 1 : i32
      "tpu.region"() ({
        %run_scoped3A_828 = tpu.sem_alloc : memref<!tpu.dma_semaphore, #tpu.memory_space<semaphore_mem>>
        %dma_start3A_829 = arith.constant 0 : i32
        %dma_start3A_830 = arith.constant 0 : i32
        %dma_start3A_831 = tpu.memref_slice %arg7[%run_scoped3A_766, %dma_start3A_829, %dma_start3A_830] : memref<5x40x128xf32, #tpu.memory_space<vmem>> -> memref<1x40x128xf32, #tpu.memory_space<vmem>>
        %dma_start3A_832 = tpu.memref_squeeze %dma_start3A_831 : memref<1x40x128xf32, #tpu.memory_space<vmem>> -> memref<40x128xf32, #tpu.memory_space<vmem>>
        %dma_start3A_833 = arith.constant 0 : i32
        %dma_start3A_834 = tpu.memref_slice %arg6[%run_scoped3A_767, %run_scoped3A_768, %dma_start3A_833] : memref<5x2x40xi32, #tpu.memory_space<vmem>> -> memref<1x1x40xi32, #tpu.memory_space<vmem>>
        %dma_start3A_835 = tpu.memref_squeeze %dma_start3A_834 : memref<1x1x40xi32, #tpu.memory_space<vmem>> -> memref<40xi32, #tpu.memory_space<vmem>>
        %dma_start3A_836 = arith.constant 0 : i32
        %dma_start3A_837 = arith.constant 0 : i32
        %dma_start3A_838 = tpu.memref_slice %arg8[%dma_start3A_836, %dma_start3A_837] : memref<10240x128xf32, #tpu.memory_space<vmem_shared>> -> memref<10240x128xf32, #tpu.memory_space<vmem_shared>>
        tpu.enqueue_indirect_dma source(%dma_start3A_832 : memref<40x128xf32, #tpu.memory_space<vmem>>) target(%dma_start3A_838 : memref<10240x128xf32, #tpu.memory_space<vmem_shared>>) offsets(%dma_start3A_835 : memref<40xi32, #tpu.memory_space<vmem>>) semaphore(%run_scoped3A_828 : memref<!tpu.dma_semaphore, #tpu.memory_space<semaphore_mem>>) {add = true}
        %dma_wait3A_839 = arith.constant 0 : i32
        %dma_wait3A_840 = arith.constant 0 : i32
        %dma_wait3A_841 = tpu.memref_slice %arg7[%run_scoped3A_766, %dma_wait3A_839, %dma_wait3A_840] : memref<5x40x128xf32, #tpu.memory_space<vmem>> -> memref<1x40x128xf32, #tpu.memory_space<vmem>>
        %dma_wait3A_842 = tpu.memref_squeeze %dma_wait3A_841 : memref<1x40x128xf32, #tpu.memory_space<vmem>> -> memref<40x128xf32, #tpu.memory_space<vmem>>
        %dma_wait3A_843 = arith.constant 0 : i32
        %dma_wait3A_844 = tpu.memref_slice %arg6[%run_scoped3A_767, %run_scoped3A_768, %dma_wait3A_843] : memref<5x2x40xi32, #tpu.memory_space<vmem>> -> memref<1x1x40xi32, #tpu.memory_space<vmem>>
        %dma_wait3A_845 = tpu.memref_squeeze %dma_wait3A_844 : memref<1x1x40xi32, #tpu.memory_space<vmem>> -> memref<40xi32, #tpu.memory_space<vmem>>
        %dma_wait3A_846 = arith.constant 0 : i32
        %dma_wait3A_847 = arith.constant 0 : i32
        %dma_wait3A_848 = tpu.memref_slice %arg8[%dma_wait3A_846, %dma_wait3A_847] : memref<10240x128xf32, #tpu.memory_space<vmem_shared>> -> memref<10240x128xf32, #tpu.memory_space<vmem_shared>>
        tpu.wait_indirect_dma semaphore(%run_scoped3A_828 : memref<!tpu.dma_semaphore, #tpu.memory_space<semaphore_mem>>) src(%dma_wait3A_842 : memref<40x128xf32, #tpu.memory_space<vmem>>) dst(%dma_wait3A_848 : memref<10240x128xf32, #tpu.memory_space<vmem_shared>>)
        tpu.yield
      }) : () -> ()
      %add3A_769 = arith.constant 5 : i32
      %add3A_770 = arith.addi %add3A_747, %add3A_769 : i32
      %dma_start3A_771 = arith.constant 4 : i32
      %dma_start3A_772 = arith.constant 4 : i32
      %dma_start3A_773 = arith.constant 0 : i32
      %dma_start3A_774 = arith.constant 0 : i32
      %dma_start3A_775 = tpu.memref_slice %arg6[%dma_start3A_771, %dma_start3A_773, %dma_start3A_774] : memref<5x2x40xi32, #tpu.memory_space<vmem>> -> memref<1x2x40xi32, #tpu.memory_space<vmem>>
      %dma_start3A_776 = tpu.memref_squeeze %dma_start3A_775 : memref<1x2x40xi32, #tpu.memory_space<vmem>> -> memref<2x40xi32, #tpu.memory_space<vmem>>
      %dma_start3A_777 = arith.constant 0 : i32
      %dma_start3A_778 = arith.constant 0 : i32
      %dma_start3A_779 = tpu.memref_slice %arg3[%add3A, %add3A_770, %dma_start3A_777, %dma_start3A_778] : memref<32x250x2x40xi32, #tpu.memory_space<hbm>> -> memref<1x1x2x40xi32, #tpu.memory_space<hbm>>
      %dma_start3A_780 = tpu.memref_squeeze %dma_start3A_779 : memref<1x1x2x40xi32, #tpu.memory_space<hbm>> -> memref<2x40xi32, #tpu.memory_space<hbm>>
      %dma_start3A_781 = tpu.memref_slice %arg9[%dma_start3A_772] : memref<5x!tpu.dma_semaphore, #tpu.memory_space<semaphore_mem>> -> memref<1x!tpu.dma_semaphore, #tpu.memory_space<semaphore_mem>>
      %dma_start3A_782 = tpu.memref_squeeze %dma_start3A_781 : memref<1x!tpu.dma_semaphore, #tpu.memory_space<semaphore_mem>> -> memref<!tpu.dma_semaphore, #tpu.memory_space<semaphore_mem>>
      %dma_start3A_783 = arith.constant 0 : i32
      %dma_start3A_784 = arith.constant 0 : i32
      %dma_start3A_785 = tpu.memref_slice %arg6[%dma_start3A_771, %dma_start3A_783, %dma_start3A_784] : memref<5x2x40xi32, #tpu.memory_space<vmem>> -> memref<1x2x40xi32, #tpu.memory_space<vmem>>
      %dma_start3A_786 = tpu.memref_squeeze %dma_start3A_785 : memref<1x2x40xi32, #tpu.memory_space<vmem>> -> memref<2x40xi32, #tpu.memory_space<vmem>>
      %dma_start3A_787 = arith.constant 0 : i32
      %dma_start3A_788 = arith.constant 0 : i32
      %dma_start3A_789 = tpu.memref_slice %arg3[%add3A, %add3A_770, %dma_start3A_787, %dma_start3A_788] : memref<32x250x2x40xi32, #tpu.memory_space<hbm>> -> memref<1x1x2x40xi32, #tpu.memory_space<hbm>>
      %dma_start3A_790 = tpu.memref_squeeze %dma_start3A_789 : memref<1x1x2x40xi32, #tpu.memory_space<hbm>> -> memref<2x40xi32, #tpu.memory_space<hbm>>
      tpu.enqueue_dma source(%dma_start3A_790 : memref<2x40xi32, #tpu.memory_space<hbm>>) target(%dma_start3A_786 : memref<2x40xi32, #tpu.memory_space<vmem>>) target_semaphore(%dma_start3A_782 : memref<!tpu.dma_semaphore, #tpu.memory_space<semaphore_mem>>)
      %dma_wait3A_791 = arith.constant 0 : i32
      %dma_wait3A_792 = arith.constant 4 : i32
      %dma_wait3A_793 = arith.constant 4 : i32
      %dma_wait3A_794 = arith.constant 0 : i32
      %dma_wait3A_795 = arith.constant 0 : i32
      %dma_wait3A_796 = tpu.memref_slice %arg6[%dma_wait3A_792, %dma_wait3A_794, %dma_wait3A_795] : memref<5x2x40xi32, #tpu.memory_space<vmem>> -> memref<1x2x40xi32, #tpu.memory_space<vmem>>
      %dma_wait3A_797 = tpu.memref_squeeze %dma_wait3A_796 : memref<1x2x40xi32, #tpu.memory_space<vmem>> -> memref<2x40xi32, #tpu.memory_space<vmem>>
      %dma_wait3A_798 = arith.constant 0 : i32
      %dma_wait3A_799 = arith.constant 0 : i32
      %dma_wait3A_800 = tpu.memref_slice %arg3[%add3A, %dma_wait3A_791, %dma_wait3A_798, %dma_wait3A_799] : memref<32x250x2x40xi32, #tpu.memory_space<hbm>> -> memref<1x1x2x40xi32, #tpu.memory_space<hbm>>
      %dma_wait3A_801 = tpu.memref_squeeze %dma_wait3A_800 : memref<1x1x2x40xi32, #tpu.memory_space<hbm>> -> memref<2x40xi32, #tpu.memory_space<hbm>>
      %dma_wait3A_802 = tpu.memref_slice %arg9[%dma_wait3A_793] : memref<5x!tpu.dma_semaphore, #tpu.memory_space<semaphore_mem>> -> memref<1x!tpu.dma_semaphore, #tpu.memory_space<semaphore_mem>>
      %dma_wait3A_803 = tpu.memref_squeeze %dma_wait3A_802 : memref<1x!tpu.dma_semaphore, #tpu.memory_space<semaphore_mem>> -> memref<!tpu.dma_semaphore, #tpu.memory_space<semaphore_mem>>
      %dma_wait3A_804 = arith.constant 0 : i32
      %dma_wait3A_805 = arith.constant 0 : i32
      %dma_wait3A_806 = tpu.memref_slice %arg6[%dma_wait3A_792, %dma_wait3A_804, %dma_wait3A_805] : memref<5x2x40xi32, #tpu.memory_space<vmem>> -> memref<1x2x40xi32, #tpu.memory_space<vmem>>
      %dma_wait3A_807 = tpu.memref_squeeze %dma_wait3A_806 : memref<1x2x40xi32, #tpu.memory_space<vmem>> -> memref<2x40xi32, #tpu.memory_space<vmem>>
      %dma_wait3A_808 = arith.constant 0 : i32
      %dma_wait3A_809 = arith.constant 0 : i32
      %dma_wait3A_810 = tpu.memref_slice %arg3[%add3A, %dma_wait3A_791, %dma_wait3A_808, %dma_wait3A_809] : memref<32x250x2x40xi32, #tpu.memory_space<hbm>> -> memref<1x1x2x40xi32, #tpu.memory_space<hbm>>
      %dma_wait3A_811 = tpu.memref_squeeze %dma_wait3A_810 : memref<1x1x2x40xi32, #tpu.memory_space<hbm>> -> memref<2x40xi32, #tpu.memory_space<hbm>>
      tpu.wait_dma2 semaphore(%dma_wait3A_803 : memref<!tpu.dma_semaphore, #tpu.memory_space<semaphore_mem>>) src(%dma_wait3A_811 : memref<2x40xi32, #tpu.memory_space<hbm>>) dst(%dma_wait3A_807 : memref<2x40xi32, #tpu.memory_space<vmem>>)
      %dma_start3A_812 = arith.constant 4 : i32
      %dma_start3A_813 = arith.constant 0 : i32
      %dma_start3A_814 = arith.constant 4 : i32
      %dma_start3A_815 = arith.constant 4 : i32
      %dma_start3A_816 = arith.constant 0 : i32
      %dma_start3A_817 = arith.constant 0 : i32
      %dma_start3A_818 = tpu.memref_slice %arg7[%dma_start3A_814, %dma_start3A_816, %dma_start3A_817] : memref<5x40x128xf32, #tpu.memory_space<vmem>> -> memref<1x40x128xf32, #tpu.memory_space<vmem>>
      %dma_start3A_819 = tpu.memref_squeeze %dma_start3A_818 : memref<1x40x128xf32, #tpu.memory_space<vmem>> -> memref<40x128xf32, #tpu.memory_space<vmem>>
      %dma_start3A_820 = arith.constant 0 : i32
      %dma_start3A_821 = tpu.memref_slice %arg6[%dma_start3A_812, %dma_start3A_813, %dma_start3A_820] : memref<5x2x40xi32, #tpu.memory_space<vmem>> -> memref<1x1x40xi32, #tpu.memory_space<vmem>>
      %dma_start3A_822 = tpu.memref_squeeze %dma_start3A_821 : memref<1x1x40xi32, #tpu.memory_space<vmem>> -> memref<40xi32, #tpu.memory_space<vmem>>
      %dma_start3A_823 = arith.constant 0 : i32
      %dma_start3A_824 = arith.constant 0 : i32
      %dma_start3A_825 = tpu.memref_slice %arg2[%dma_start3A_823, %dma_start3A_824] : memref<10000x128xf32, #tpu.memory_space<hbm>> -> memref<10000x128xf32, #tpu.memory_space<hbm>>
      %dma_start3A_826 = tpu.memref_slice %arg10[%dma_start3A_815] : memref<5x!tpu.dma_semaphore, #tpu.memory_space<semaphore_mem>> -> memref<1x!tpu.dma_semaphore, #tpu.memory_space<semaphore_mem>>
      %dma_start3A_827 = tpu.memref_squeeze %dma_start3A_826 : memref<1x!tpu.dma_semaphore, #tpu.memory_space<semaphore_mem>> -> memref<!tpu.dma_semaphore, #tpu.memory_space<semaphore_mem>>
      tpu.enqueue_indirect_dma source(%dma_start3A_825 : memref<10000x128xf32, #tpu.memory_space<hbm>>) target(%dma_start3A_819 : memref<40x128xf32, #tpu.memory_space<vmem>>) offsets(%dma_start3A_822 : memref<40xi32, #tpu.memory_space<vmem>>) semaphore(%dma_start3A_827 : memref<!tpu.dma_semaphore, #tpu.memory_space<semaphore_mem>>)
    }
    %scan3A_297 = arith.constant 49 : i32
    %dma_wait3A_298 = arith.constant 0 : i32
    %dma_wait3A_299 = arith.constant 0 : i32
    %dma_wait3A_300 = arith.constant 0 : i32
    %dma_wait3A_301 = arith.constant 0 : i32
    %dma_wait3A_302 = tpu.memref_slice %arg7[%dma_wait3A_298, %dma_wait3A_300, %dma_wait3A_301] : memref<5x40x128xf32, #tpu.memory_space<vmem>> -> memref<1x40x128xf32, #tpu.memory_space<vmem>>
    %dma_wait3A_303 = tpu.memref_squeeze %dma_wait3A_302 : memref<1x40x128xf32, #tpu.memory_space<vmem>> -> memref<40x128xf32, #tpu.memory_space<vmem>>
    %dma_wait3A_304 = arith.constant 0 : i32
    %dma_wait3A_305 = arith.constant 0 : i32
    %dma_wait3A_306 = tpu.memref_slice %arg2[%dma_wait3A_304, %dma_wait3A_305] : memref<10000x128xf32, #tpu.memory_space<hbm>> -> memref<40x128xf32, #tpu.memory_space<hbm>>
    %dma_wait3A_307 = tpu.memref_slice %arg10[%dma_wait3A_299] : memref<5x!tpu.dma_semaphore, #tpu.memory_space<semaphore_mem>> -> memref<1x!tpu.dma_semaphore, #tpu.memory_space<semaphore_mem>>
    %dma_wait3A_308 = tpu.memref_squeeze %dma_wait3A_307 : memref<1x!tpu.dma_semaphore, #tpu.memory_space<semaphore_mem>> -> memref<!tpu.dma_semaphore, #tpu.memory_space<semaphore_mem>>
    %dma_wait3A_309 = arith.constant 0 : i32
    %dma_wait3A_310 = arith.constant 0 : i32
    %dma_wait3A_311 = tpu.memref_slice %arg7[%dma_wait3A_298, %dma_wait3A_309, %dma_wait3A_310] : memref<5x40x128xf32, #tpu.memory_space<vmem>> -> memref<1x40x128xf32, #tpu.memory_space<vmem>>
    %dma_wait3A_312 = tpu.memref_squeeze %dma_wait3A_311 : memref<1x40x128xf32, #tpu.memory_space<vmem>> -> memref<40x128xf32, #tpu.memory_space<vmem>>
    %dma_wait3A_313 = arith.constant 0 : i32
    %dma_wait3A_314 = arith.constant 0 : i32
    %dma_wait3A_315 = tpu.memref_slice %arg2[%dma_wait3A_313, %dma_wait3A_314] : memref<10000x128xf32, #tpu.memory_space<hbm>> -> memref<40x128xf32, #tpu.memory_space<hbm>>
    tpu.wait_dma2 semaphore(%dma_wait3A_308 : memref<!tpu.dma_semaphore, #tpu.memory_space<semaphore_mem>>) src(%dma_wait3A_315 : memref<40x128xf32, #tpu.memory_space<hbm>>) dst(%dma_wait3A_312 : memref<40x128xf32, #tpu.memory_space<vmem>>)
    %run_scoped3A = arith.constant 0 : i32
    %run_scoped3A_316 = arith.constant 0 : i32
    %run_scoped3A_317 = arith.constant 1 : i32
    "tpu.region"() ({
      %run_scoped3A_407 = tpu.sem_alloc : memref<!tpu.dma_semaphore, #tpu.memory_space<semaphore_mem>>
      %dma_start3A_408 = arith.constant 0 : i32
      %dma_start3A_409 = arith.constant 0 : i32
      %dma_start3A_410 = tpu.memref_slice %arg7[%run_scoped3A, %dma_start3A_408, %dma_start3A_409] : memref<5x40x128xf32, #tpu.memory_space<vmem>> -> memref<1x40x128xf32, #tpu.memory_space<vmem>>
      %dma_start3A_411 = tpu.memref_squeeze %dma_start3A_410 : memref<1x40x128xf32, #tpu.memory_space<vmem>> -> memref<40x128xf32, #tpu.memory_space<vmem>>
      %dma_start3A_412 = arith.constant 0 : i32
      %dma_start3A_413 = tpu.memref_slice %arg6[%run_scoped3A_316, %run_scoped3A_317, %dma_start3A_412] : memref<5x2x40xi32, #tpu.memory_space<vmem>> -> memref<1x1x40xi32, #tpu.memory_space<vmem>>
      %dma_start3A_414 = tpu.memref_squeeze %dma_start3A_413 : memref<1x1x40xi32, #tpu.memory_space<vmem>> -> memref<40xi32, #tpu.memory_space<vmem>>
      %dma_start3A_415 = arith.constant 0 : i32
      %dma_start3A_416 = arith.constant 0 : i32
      %dma_start3A_417 = tpu.memref_slice %arg8[%dma_start3A_415, %dma_start3A_416] : memref<10240x128xf32, #tpu.memory_space<vmem_shared>> -> memref<10240x128xf32, #tpu.memory_space<vmem_shared>>
      tpu.enqueue_indirect_dma source(%dma_start3A_411 : memref<40x128xf32, #tpu.memory_space<vmem>>) target(%dma_start3A_417 : memref<10240x128xf32, #tpu.memory_space<vmem_shared>>) offsets(%dma_start3A_414 : memref<40xi32, #tpu.memory_space<vmem>>) semaphore(%run_scoped3A_407 : memref<!tpu.dma_semaphore, #tpu.memory_space<semaphore_mem>>) {add = true}
      %dma_wait3A_418 = arith.constant 0 : i32
      %dma_wait3A_419 = arith.constant 0 : i32
      %dma_wait3A_420 = tpu.memref_slice %arg7[%run_scoped3A, %dma_wait3A_418, %dma_wait3A_419] : memref<5x40x128xf32, #tpu.memory_space<vmem>> -> memref<1x40x128xf32, #tpu.memory_space<vmem>>
      %dma_wait3A_421 = tpu.memref_squeeze %dma_wait3A_420 : memref<1x40x128xf32, #tpu.memory_space<vmem>> -> memref<40x128xf32, #tpu.memory_space<vmem>>
      %dma_wait3A_422 = arith.constant 0 : i32
      %dma_wait3A_423 = tpu.memref_slice %arg6[%run_scoped3A_316, %run_scoped3A_317, %dma_wait3A_422] : memref<5x2x40xi32, #tpu.memory_space<vmem>> -> memref<1x1x40xi32, #tpu.memory_space<vmem>>
      %dma_wait3A_424 = tpu.memref_squeeze %dma_wait3A_423 : memref<1x1x40xi32, #tpu.memory_space<vmem>> -> memref<40xi32, #tpu.memory_space<vmem>>
      %dma_wait3A_425 = arith.constant 0 : i32
      %dma_wait3A_426 = arith.constant 0 : i32
      %dma_wait3A_427 = tpu.memref_slice %arg8[%dma_wait3A_425, %dma_wait3A_426] : memref<10240x128xf32, #tpu.memory_space<vmem_shared>> -> memref<10240x128xf32, #tpu.memory_space<vmem_shared>>
      tpu.wait_indirect_dma semaphore(%run_scoped3A_407 : memref<!tpu.dma_semaphore, #tpu.memory_space<semaphore_mem>>) src(%dma_wait3A_421 : memref<40x128xf32, #tpu.memory_space<vmem>>) dst(%dma_wait3A_427 : memref<10240x128xf32, #tpu.memory_space<vmem_shared>>)
      tpu.yield
    }) : () -> ()
    %dma_wait3A_318 = arith.constant 1 : i32
    %dma_wait3A_319 = arith.constant 1 : i32
    %dma_wait3A_320 = arith.constant 0 : i32
    %dma_wait3A_321 = arith.constant 0 : i32
    %dma_wait3A_322 = tpu.memref_slice %arg7[%dma_wait3A_318, %dma_wait3A_320, %dma_wait3A_321] : memref<5x40x128xf32, #tpu.memory_space<vmem>> -> memref<1x40x128xf32, #tpu.memory_space<vmem>>
    %dma_wait3A_323 = tpu.memref_squeeze %dma_wait3A_322 : memref<1x40x128xf32, #tpu.memory_space<vmem>> -> memref<40x128xf32, #tpu.memory_space<vmem>>
    %dma_wait3A_324 = arith.constant 0 : i32
    %dma_wait3A_325 = arith.constant 0 : i32
    %dma_wait3A_326 = tpu.memref_slice %arg2[%dma_wait3A_324, %dma_wait3A_325] : memref<10000x128xf32, #tpu.memory_space<hbm>> -> memref<40x128xf32, #tpu.memory_space<hbm>>
    %dma_wait3A_327 = tpu.memref_slice %arg10[%dma_wait3A_319] : memref<5x!tpu.dma_semaphore, #tpu.memory_space<semaphore_mem>> -> memref<1x!tpu.dma_semaphore, #tpu.memory_space<semaphore_mem>>
    %dma_wait3A_328 = tpu.memref_squeeze %dma_wait3A_327 : memref<1x!tpu.dma_semaphore, #tpu.memory_space<semaphore_mem>> -> memref<!tpu.dma_semaphore, #tpu.memory_space<semaphore_mem>>
    %dma_wait3A_329 = arith.constant 0 : i32
    %dma_wait3A_330 = arith.constant 0 : i32
    %dma_wait3A_331 = tpu.memref_slice %arg7[%dma_wait3A_318, %dma_wait3A_329, %dma_wait3A_330] : memref<5x40x128xf32, #tpu.memory_space<vmem>> -> memref<1x40x128xf32, #tpu.memory_space<vmem>>
    %dma_wait3A_332 = tpu.memref_squeeze %dma_wait3A_331 : memref<1x40x128xf32, #tpu.memory_space<vmem>> -> memref<40x128xf32, #tpu.memory_space<vmem>>
    %dma_wait3A_333 = arith.constant 0 : i32
    %dma_wait3A_334 = arith.constant 0 : i32
    %dma_wait3A_335 = tpu.memref_slice %arg2[%dma_wait3A_333, %dma_wait3A_334] : memref<10000x128xf32, #tpu.memory_space<hbm>> -> memref<40x128xf32, #tpu.memory_space<hbm>>
    tpu.wait_dma2 semaphore(%dma_wait3A_328 : memref<!tpu.dma_semaphore, #tpu.memory_space<semaphore_mem>>) src(%dma_wait3A_335 : memref<40x128xf32, #tpu.memory_space<hbm>>) dst(%dma_wait3A_332 : memref<40x128xf32, #tpu.memory_space<vmem>>)
    %run_scoped3A_336 = arith.constant 1 : i32
    %run_scoped3A_337 = arith.constant 1 : i32
    %run_scoped3A_338 = arith.constant 1 : i32
    "tpu.region"() ({
      %run_scoped3A_407 = tpu.sem_alloc : memref<!tpu.dma_semaphore, #tpu.memory_space<semaphore_mem>>
      %dma_start3A_408 = arith.constant 0 : i32
      %dma_start3A_409 = arith.constant 0 : i32
      %dma_start3A_410 = tpu.memref_slice %arg7[%run_scoped3A_336, %dma_start3A_408, %dma_start3A_409] : memref<5x40x128xf32, #tpu.memory_space<vmem>> -> memref<1x40x128xf32, #tpu.memory_space<vmem>>
      %dma_start3A_411 = tpu.memref_squeeze %dma_start3A_410 : memref<1x40x128xf32, #tpu.memory_space<vmem>> -> memref<40x128xf32, #tpu.memory_space<vmem>>
      %dma_start3A_412 = arith.constant 0 : i32
      %dma_start3A_413 = tpu.memref_slice %arg6[%run_scoped3A_337, %run_scoped3A_338, %dma_start3A_412] : memref<5x2x40xi32, #tpu.memory_space<vmem>> -> memref<1x1x40xi32, #tpu.memory_space<vmem>>
      %dma_start3A_414 = tpu.memref_squeeze %dma_start3A_413 : memref<1x1x40xi32, #tpu.memory_space<vmem>> -> memref<40xi32, #tpu.memory_space<vmem>>
      %dma_start3A_415 = arith.constant 0 : i32
      %dma_start3A_416 = arith.constant 0 : i32
      %dma_start3A_417 = tpu.memref_slice %arg8[%dma_start3A_415, %dma_start3A_416] : memref<10240x128xf32, #tpu.memory_space<vmem_shared>> -> memref<10240x128xf32, #tpu.memory_space<vmem_shared>>
      tpu.enqueue_indirect_dma source(%dma_start3A_411 : memref<40x128xf32, #tpu.memory_space<vmem>>) target(%dma_start3A_417 : memref<10240x128xf32, #tpu.memory_space<vmem_shared>>) offsets(%dma_start3A_414 : memref<40xi32, #tpu.memory_space<vmem>>) semaphore(%run_scoped3A_407 : memref<!tpu.dma_semaphore, #tpu.memory_space<semaphore_mem>>) {add = true}
      %dma_wait3A_418 = arith.constant 0 : i32
      %dma_wait3A_419 = arith.constant 0 : i32
      %dma_wait3A_420 = tpu.memref_slice %arg7[%run_scoped3A_336, %dma_wait3A_418, %dma_wait3A_419] : memref<5x40x128xf32, #tpu.memory_space<vmem>> -> memref<1x40x128xf32, #tpu.memory_space<vmem>>
      %dma_wait3A_421 = tpu.memref_squeeze %dma_wait3A_420 : memref<1x40x128xf32, #tpu.memory_space<vmem>> -> memref<40x128xf32, #tpu.memory_space<vmem>>
      %dma_wait3A_422 = arith.constant 0 : i32
      %dma_wait3A_423 = tpu.memref_slice %arg6[%run_scoped3A_337, %run_scoped3A_338, %dma_wait3A_422] : memref<5x2x40xi32, #tpu.memory_space<vmem>> -> memref<1x1x40xi32, #tpu.memory_space<vmem>>
      %dma_wait3A_424 = tpu.memref_squeeze %dma_wait3A_423 : memref<1x1x40xi32, #tpu.memory_space<vmem>> -> memref<40xi32, #tpu.memory_space<vmem>>
      %dma_wait3A_425 = arith.constant 0 : i32
      %dma_wait3A_426 = arith.constant 0 : i32
      %dma_wait3A_427 = tpu.memref_slice %arg8[%dma_wait3A_425, %dma_wait3A_426] : memref<10240x128xf32, #tpu.memory_space<vmem_shared>> -> memref<10240x128xf32, #tpu.memory_space<vmem_shared>>
      tpu.wait_indirect_dma semaphore(%run_scoped3A_407 : memref<!tpu.dma_semaphore, #tpu.memory_space<semaphore_mem>>) src(%dma_wait3A_421 : memref<40x128xf32, #tpu.memory_space<vmem>>) dst(%dma_wait3A_427 : memref<10240x128xf32, #tpu.memory_space<vmem_shared>>)
      tpu.yield
    }) : () -> ()
    %dma_wait3A_339 = arith.constant 2 : i32
    %dma_wait3A_340 = arith.constant 2 : i32
    %dma_wait3A_341 = arith.constant 0 : i32
    %dma_wait3A_342 = arith.constant 0 : i32
    %dma_wait3A_343 = tpu.memref_slice %arg7[%dma_wait3A_339, %dma_wait3A_341, %dma_wait3A_342] : memref<5x40x128xf32, #tpu.memory_space<vmem>> -> memref<1x40x128xf32, #tpu.memory_space<vmem>>
    %dma_wait3A_344 = tpu.memref_squeeze %dma_wait3A_343 : memref<1x40x128xf32, #tpu.memory_space<vmem>> -> memref<40x128xf32, #tpu.memory_space<vmem>>
    %dma_wait3A_345 = arith.constant 0 : i32
    %dma_wait3A_346 = arith.constant 0 : i32
    %dma_wait3A_347 = tpu.memref_slice %arg2[%dma_wait3A_345, %dma_wait3A_346] : memref<10000x128xf32, #tpu.memory_space<hbm>> -> memref<40x128xf32, #tpu.memory_space<hbm>>
    %dma_wait3A_348 = tpu.memref_slice %arg10[%dma_wait3A_340] : memref<5x!tpu.dma_semaphore, #tpu.memory_space<semaphore_mem>> -> memref<1x!tpu.dma_semaphore, #tpu.memory_space<semaphore_mem>>
    %dma_wait3A_349 = tpu.memref_squeeze %dma_wait3A_348 : memref<1x!tpu.dma_semaphore, #tpu.memory_space<semaphore_mem>> -> memref<!tpu.dma_semaphore, #tpu.memory_space<semaphore_mem>>
    %dma_wait3A_350 = arith.constant 0 : i32
    %dma_wait3A_351 = arith.constant 0 : i32
    %dma_wait3A_352 = tpu.memref_slice %arg7[%dma_wait3A_339, %dma_wait3A_350, %dma_wait3A_351] : memref<5x40x128xf32, #tpu.memory_space<vmem>> -> memref<1x40x128xf32, #tpu.memory_space<vmem>>
    %dma_wait3A_353 = tpu.memref_squeeze %dma_wait3A_352 : memref<1x40x128xf32, #tpu.memory_space<vmem>> -> memref<40x128xf32, #tpu.memory_space<vmem>>
    %dma_wait3A_354 = arith.constant 0 : i32
    %dma_wait3A_355 = arith.constant 0 : i32
    %dma_wait3A_356 = tpu.memref_slice %arg2[%dma_wait3A_354, %dma_wait3A_355] : memref<10000x128xf32, #tpu.memory_space<hbm>> -> memref<40x128xf32, #tpu.memory_space<hbm>>
    tpu.wait_dma2 semaphore(%dma_wait3A_349 : memref<!tpu.dma_semaphore, #tpu.memory_space<semaphore_mem>>) src(%dma_wait3A_356 : memref<40x128xf32, #tpu.memory_space<hbm>>) dst(%dma_wait3A_353 : memref<40x128xf32, #tpu.memory_space<vmem>>)
    %run_scoped3A_357 = arith.constant 2 : i32
    %run_scoped3A_358 = arith.constant 2 : i32
    %run_scoped3A_359 = arith.constant 1 : i32
    "tpu.region"() ({
      %run_scoped3A_407 = tpu.sem_alloc : memref<!tpu.dma_semaphore, #tpu.memory_space<semaphore_mem>>
      %dma_start3A_408 = arith.constant 0 : i32
      %dma_start3A_409 = arith.constant 0 : i32
      %dma_start3A_410 = tpu.memref_slice %arg7[%run_scoped3A_357, %dma_start3A_408, %dma_start3A_409] : memref<5x40x128xf32, #tpu.memory_space<vmem>> -> memref<1x40x128xf32, #tpu.memory_space<vmem>>
      %dma_start3A_411 = tpu.memref_squeeze %dma_start3A_410 : memref<1x40x128xf32, #tpu.memory_space<vmem>> -> memref<40x128xf32, #tpu.memory_space<vmem>>
      %dma_start3A_412 = arith.constant 0 : i32
      %dma_start3A_413 = tpu.memref_slice %arg6[%run_scoped3A_358, %run_scoped3A_359, %dma_start3A_412] : memref<5x2x40xi32, #tpu.memory_space<vmem>> -> memref<1x1x40xi32, #tpu.memory_space<vmem>>
      %dma_start3A_414 = tpu.memref_squeeze %dma_start3A_413 : memref<1x1x40xi32, #tpu.memory_space<vmem>> -> memref<40xi32, #tpu.memory_space<vmem>>
      %dma_start3A_415 = arith.constant 0 : i32
      %dma_start3A_416 = arith.constant 0 : i32
      %dma_start3A_417 = tpu.memref_slice %arg8[%dma_start3A_415, %dma_start3A_416] : memref<10240x128xf32, #tpu.memory_space<vmem_shared>> -> memref<10240x128xf32, #tpu.memory_space<vmem_shared>>
      tpu.enqueue_indirect_dma source(%dma_start3A_411 : memref<40x128xf32, #tpu.memory_space<vmem>>) target(%dma_start3A_417 : memref<10240x128xf32, #tpu.memory_space<vmem_shared>>) offsets(%dma_start3A_414 : memref<40xi32, #tpu.memory_space<vmem>>) semaphore(%run_scoped3A_407 : memref<!tpu.dma_semaphore, #tpu.memory_space<semaphore_mem>>) {add = true}
      %dma_wait3A_418 = arith.constant 0 : i32
      %dma_wait3A_419 = arith.constant 0 : i32
      %dma_wait3A_420 = tpu.memref_slice %arg7[%run_scoped3A_357, %dma_wait3A_418, %dma_wait3A_419] : memref<5x40x128xf32, #tpu.memory_space<vmem>> -> memref<1x40x128xf32, #tpu.memory_space<vmem>>
      %dma_wait3A_421 = tpu.memref_squeeze %dma_wait3A_420 : memref<1x40x128xf32, #tpu.memory_space<vmem>> -> memref<40x128xf32, #tpu.memory_space<vmem>>
      %dma_wait3A_422 = arith.constant 0 : i32
      %dma_wait3A_423 = tpu.memref_slice %arg6[%run_scoped3A_358, %run_scoped3A_359, %dma_wait3A_422] : memref<5x2x40xi32, #tpu.memory_space<vmem>> -> memref<1x1x40xi32, #tpu.memory_space<vmem>>
      %dma_wait3A_424 = tpu.memref_squeeze %dma_wait3A_423 : memref<1x1x40xi32, #tpu.memory_space<vmem>> -> memref<40xi32, #tpu.memory_space<vmem>>
      %dma_wait3A_425 = arith.constant 0 : i32
      %dma_wait3A_426 = arith.constant 0 : i32
      %dma_wait3A_427 = tpu.memref_slice %arg8[%dma_wait3A_425, %dma_wait3A_426] : memref<10240x128xf32, #tpu.memory_space<vmem_shared>> -> memref<10240x128xf32, #tpu.memory_space<vmem_shared>>
      tpu.wait_indirect_dma semaphore(%run_scoped3A_407 : memref<!tpu.dma_semaphore, #tpu.memory_space<semaphore_mem>>) src(%dma_wait3A_421 : memref<40x128xf32, #tpu.memory_space<vmem>>) dst(%dma_wait3A_427 : memref<10240x128xf32, #tpu.memory_space<vmem_shared>>)
      tpu.yield
    }) : () -> ()
    %dma_wait3A_360 = arith.constant 3 : i32
    %dma_wait3A_361 = arith.constant 3 : i32
    %dma_wait3A_362 = arith.constant 0 : i32
    %dma_wait3A_363 = arith.constant 0 : i32
    %dma_wait3A_364 = tpu.memref_slice %arg7[%dma_wait3A_360, %dma_wait3A_362, %dma_wait3A_363] : memref<5x40x128xf32, #tpu.memory_space<vmem>> -> memref<1x40x128xf32, #tpu.memory_space<vmem>>
    %dma_wait3A_365 = tpu.memref_squeeze %dma_wait3A_364 : memref<1x40x128xf32, #tpu.memory_space<vmem>> -> memref<40x128xf32, #tpu.memory_space<vmem>>
    %dma_wait3A_366 = arith.constant 0 : i32
    %dma_wait3A_367 = arith.constant 0 : i32
    %dma_wait3A_368 = tpu.memref_slice %arg2[%dma_wait3A_366, %dma_wait3A_367] : memref<10000x128xf32, #tpu.memory_space<hbm>> -> memref<40x128xf32, #tpu.memory_space<hbm>>
    %dma_wait3A_369 = tpu.memref_slice %arg10[%dma_wait3A_361] : memref<5x!tpu.dma_semaphore, #tpu.memory_space<semaphore_mem>> -> memref<1x!tpu.dma_semaphore, #tpu.memory_space<semaphore_mem>>
    %dma_wait3A_370 = tpu.memref_squeeze %dma_wait3A_369 : memref<1x!tpu.dma_semaphore, #tpu.memory_space<semaphore_mem>> -> memref<!tpu.dma_semaphore, #tpu.memory_space<semaphore_mem>>
    %dma_wait3A_371 = arith.constant 0 : i32
    %dma_wait3A_372 = arith.constant 0 : i32
    %dma_wait3A_373 = tpu.memref_slice %arg7[%dma_wait3A_360, %dma_wait3A_371, %dma_wait3A_372] : memref<5x40x128xf32, #tpu.memory_space<vmem>> -> memref<1x40x128xf32, #tpu.memory_space<vmem>>
    %dma_wait3A_374 = tpu.memref_squeeze %dma_wait3A_373 : memref<1x40x128xf32, #tpu.memory_space<vmem>> -> memref<40x128xf32, #tpu.memory_space<vmem>>
    %dma_wait3A_375 = arith.constant 0 : i32
    %dma_wait3A_376 = arith.constant 0 : i32
    %dma_wait3A_377 = tpu.memref_slice %arg2[%dma_wait3A_375, %dma_wait3A_376] : memref<10000x128xf32, #tpu.memory_space<hbm>> -> memref<40x128xf32, #tpu.memory_space<hbm>>
    tpu.wait_dma2 semaphore(%dma_wait3A_370 : memref<!tpu.dma_semaphore, #tpu.memory_space<semaphore_mem>>) src(%dma_wait3A_377 : memref<40x128xf32, #tpu.memory_space<hbm>>) dst(%dma_wait3A_374 : memref<40x128xf32, #tpu.memory_space<vmem>>)
    %run_scoped3A_378 = arith.constant 3 : i32
    %run_scoped3A_379 = arith.constant 3 : i32
    %run_scoped3A_380 = arith.constant 1 : i32
    "tpu.region"() ({
      %run_scoped3A_407 = tpu.sem_alloc : memref<!tpu.dma_semaphore, #tpu.memory_space<semaphore_mem>>
      %dma_start3A_408 = arith.constant 0 : i32
      %dma_start3A_409 = arith.constant 0 : i32
      %dma_start3A_410 = tpu.memref_slice %arg7[%run_scoped3A_378, %dma_start3A_408, %dma_start3A_409] : memref<5x40x128xf32, #tpu.memory_space<vmem>> -> memref<1x40x128xf32, #tpu.memory_space<vmem>>
      %dma_start3A_411 = tpu.memref_squeeze %dma_start3A_410 : memref<1x40x128xf32, #tpu.memory_space<vmem>> -> memref<40x128xf32, #tpu.memory_space<vmem>>
      %dma_start3A_412 = arith.constant 0 : i32
      %dma_start3A_413 = tpu.memref_slice %arg6[%run_scoped3A_379, %run_scoped3A_380, %dma_start3A_412] : memref<5x2x40xi32, #tpu.memory_space<vmem>> -> memref<1x1x40xi32, #tpu.memory_space<vmem>>
      %dma_start3A_414 = tpu.memref_squeeze %dma_start3A_413 : memref<1x1x40xi32, #tpu.memory_space<vmem>> -> memref<40xi32, #tpu.memory_space<vmem>>
      %dma_start3A_415 = arith.constant 0 : i32
      %dma_start3A_416 = arith.constant 0 : i32
      %dma_start3A_417 = tpu.memref_slice %arg8[%dma_start3A_415, %dma_start3A_416] : memref<10240x128xf32, #tpu.memory_space<vmem_shared>> -> memref<10240x128xf32, #tpu.memory_space<vmem_shared>>
      tpu.enqueue_indirect_dma source(%dma_start3A_411 : memref<40x128xf32, #tpu.memory_space<vmem>>) target(%dma_start3A_417 : memref<10240x128xf32, #tpu.memory_space<vmem_shared>>) offsets(%dma_start3A_414 : memref<40xi32, #tpu.memory_space<vmem>>) semaphore(%run_scoped3A_407 : memref<!tpu.dma_semaphore, #tpu.memory_space<semaphore_mem>>) {add = true}
      %dma_wait3A_418 = arith.constant 0 : i32
      %dma_wait3A_419 = arith.constant 0 : i32
      %dma_wait3A_420 = tpu.memref_slice %arg7[%run_scoped3A_378, %dma_wait3A_418, %dma_wait3A_419] : memref<5x40x128xf32, #tpu.memory_space<vmem>> -> memref<1x40x128xf32, #tpu.memory_space<vmem>>
      %dma_wait3A_421 = tpu.memref_squeeze %dma_wait3A_420 : memref<1x40x128xf32, #tpu.memory_space<vmem>> -> memref<40x128xf32, #tpu.memory_space<vmem>>
      %dma_wait3A_422 = arith.constant 0 : i32
      %dma_wait3A_423 = tpu.memref_slice %arg6[%run_scoped3A_379, %run_scoped3A_380, %dma_wait3A_422] : memref<5x2x40xi32, #tpu.memory_space<vmem>> -> memref<1x1x40xi32, #tpu.memory_space<vmem>>
      %dma_wait3A_424 = tpu.memref_squeeze %dma_wait3A_423 : memref<1x1x40xi32, #tpu.memory_space<vmem>> -> memref<40xi32, #tpu.memory_space<vmem>>
      %dma_wait3A_425 = arith.constant 0 : i32
      %dma_wait3A_426 = arith.constant 0 : i32
      %dma_wait3A_427 = tpu.memref_slice %arg8[%dma_wait3A_425, %dma_wait3A_426] : memref<10240x128xf32, #tpu.memory_space<vmem_shared>> -> memref<10240x128xf32, #tpu.memory_space<vmem_shared>>
      tpu.wait_indirect_dma semaphore(%run_scoped3A_407 : memref<!tpu.dma_semaphore, #tpu.memory_space<semaphore_mem>>) src(%dma_wait3A_421 : memref<40x128xf32, #tpu.memory_space<vmem>>) dst(%dma_wait3A_427 : memref<10240x128xf32, #tpu.memory_space<vmem_shared>>)
      tpu.yield
    }) : () -> ()
    %dma_wait3A_381 = arith.constant 4 : i32
    %dma_wait3A_382 = arith.constant 4 : i32
    %dma_wait3A_383 = arith.constant 0 : i32
    %dma_wait3A_384 = arith.constant 0 : i32
    %dma_wait3A_385 = tpu.memref_slice %arg7[%dma_wait3A_381, %dma_wait3A_383, %dma_wait3A_384] : memref<5x40x128xf32, #tpu.memory_space<vmem>> -> memref<1x40x128xf32, #tpu.memory_space<vmem>>
    %dma_wait3A_386 = tpu.memref_squeeze %dma_wait3A_385 : memref<1x40x128xf32, #tpu.memory_space<vmem>> -> memref<40x128xf32, #tpu.memory_space<vmem>>
    %dma_wait3A_387 = arith.constant 0 : i32
    %dma_wait3A_388 = arith.constant 0 : i32
    %dma_wait3A_389 = tpu.memref_slice %arg2[%dma_wait3A_387, %dma_wait3A_388] : memref<10000x128xf32, #tpu.memory_space<hbm>> -> memref<40x128xf32, #tpu.memory_space<hbm>>
    %dma_wait3A_390 = tpu.memref_slice %arg10[%dma_wait3A_382] : memref<5x!tpu.dma_semaphore, #tpu.memory_space<semaphore_mem>> -> memref<1x!tpu.dma_semaphore, #tpu.memory_space<semaphore_mem>>
    %dma_wait3A_391 = tpu.memref_squeeze %dma_wait3A_390 : memref<1x!tpu.dma_semaphore, #tpu.memory_space<semaphore_mem>> -> memref<!tpu.dma_semaphore, #tpu.memory_space<semaphore_mem>>
    %dma_wait3A_392 = arith.constant 0 : i32
    %dma_wait3A_393 = arith.constant 0 : i32
    %dma_wait3A_394 = tpu.memref_slice %arg7[%dma_wait3A_381, %dma_wait3A_392, %dma_wait3A_393] : memref<5x40x128xf32, #tpu.memory_space<vmem>> -> memref<1x40x128xf32, #tpu.memory_space<vmem>>
    %dma_wait3A_395 = tpu.memref_squeeze %dma_wait3A_394 : memref<1x40x128xf32, #tpu.memory_space<vmem>> -> memref<40x128xf32, #tpu.memory_space<vmem>>
    %dma_wait3A_396 = arith.constant 0 : i32
    %dma_wait3A_397 = arith.constant 0 : i32
    %dma_wait3A_398 = tpu.memref_slice %arg2[%dma_wait3A_396, %dma_wait3A_397] : memref<10000x128xf32, #tpu.memory_space<hbm>> -> memref<40x128xf32, #tpu.memory_space<hbm>>
    tpu.wait_dma2 semaphore(%dma_wait3A_391 : memref<!tpu.dma_semaphore, #tpu.memory_space<semaphore_mem>>) src(%dma_wait3A_398 : memref<40x128xf32, #tpu.memory_space<hbm>>) dst(%dma_wait3A_395 : memref<40x128xf32, #tpu.memory_space<vmem>>)
    %run_scoped3A_399 = arith.constant 4 : i32
    %run_scoped3A_400 = arith.constant 4 : i32
    %run_scoped3A_401 = arith.constant 1 : i32
    "tpu.region"() ({
      %run_scoped3A_407 = tpu.sem_alloc : memref<!tpu.dma_semaphore, #tpu.memory_space<semaphore_mem>>
      %dma_start3A_408 = arith.constant 0 : i32
      %dma_start3A_409 = arith.constant 0 : i32
      %dma_start3A_410 = tpu.memref_slice %arg7[%run_scoped3A_399, %dma_start3A_408, %dma_start3A_409] : memref<5x40x128xf32, #tpu.memory_space<vmem>> -> memref<1x40x128xf32, #tpu.memory_space<vmem>>
      %dma_start3A_411 = tpu.memref_squeeze %dma_start3A_410 : memref<1x40x128xf32, #tpu.memory_space<vmem>> -> memref<40x128xf32, #tpu.memory_space<vmem>>
      %dma_start3A_412 = arith.constant 0 : i32
      %dma_start3A_413 = tpu.memref_slice %arg6[%run_scoped3A_400, %run_scoped3A_401, %dma_start3A_412] : memref<5x2x40xi32, #tpu.memory_space<vmem>> -> memref<1x1x40xi32, #tpu.memory_space<vmem>>
      %dma_start3A_414 = tpu.memref_squeeze %dma_start3A_413 : memref<1x1x40xi32, #tpu.memory_space<vmem>> -> memref<40xi32, #tpu.memory_space<vmem>>
      %dma_start3A_415 = arith.constant 0 : i32
      %dma_start3A_416 = arith.constant 0 : i32
      %dma_start3A_417 = tpu.memref_slice %arg8[%dma_start3A_415, %dma_start3A_416] : memref<10240x128xf32, #tpu.memory_space<vmem_shared>> -> memref<10240x128xf32, #tpu.memory_space<vmem_shared>>
      tpu.enqueue_indirect_dma source(%dma_start3A_411 : memref<40x128xf32, #tpu.memory_space<vmem>>) target(%dma_start3A_417 : memref<10240x128xf32, #tpu.memory_space<vmem_shared>>) offsets(%dma_start3A_414 : memref<40xi32, #tpu.memory_space<vmem>>) semaphore(%run_scoped3A_407 : memref<!tpu.dma_semaphore, #tpu.memory_space<semaphore_mem>>) {add = true}
      %dma_wait3A_418 = arith.constant 0 : i32
      %dma_wait3A_419 = arith.constant 0 : i32
      %dma_wait3A_420 = tpu.memref_slice %arg7[%run_scoped3A_399, %dma_wait3A_418, %dma_wait3A_419] : memref<5x40x128xf32, #tpu.memory_space<vmem>> -> memref<1x40x128xf32, #tpu.memory_space<vmem>>
      %dma_wait3A_421 = tpu.memref_squeeze %dma_wait3A_420 : memref<1x40x128xf32, #tpu.memory_space<vmem>> -> memref<40x128xf32, #tpu.memory_space<vmem>>
      %dma_wait3A_422 = arith.constant 0 : i32
      %dma_wait3A_423 = tpu.memref_slice %arg6[%run_scoped3A_400, %run_scoped3A_401, %dma_wait3A_422] : memref<5x2x40xi32, #tpu.memory_space<vmem>> -> memref<1x1x40xi32, #tpu.memory_space<vmem>>
      %dma_wait3A_424 = tpu.memref_squeeze %dma_wait3A_423 : memref<1x1x40xi32, #tpu.memory_space<vmem>> -> memref<40xi32, #tpu.memory_space<vmem>>
      %dma_wait3A_425 = arith.constant 0 : i32
      %dma_wait3A_426 = arith.constant 0 : i32
      %dma_wait3A_427 = tpu.memref_slice %arg8[%dma_wait3A_425, %dma_wait3A_426] : memref<10240x128xf32, #tpu.memory_space<vmem_shared>> -> memref<10240x128xf32, #tpu.memory_space<vmem_shared>>
      tpu.wait_indirect_dma semaphore(%run_scoped3A_407 : memref<!tpu.dma_semaphore, #tpu.memory_space<semaphore_mem>>) src(%dma_wait3A_421 : memref<40x128xf32, #tpu.memory_space<vmem>>) dst(%dma_wait3A_427 : memref<10240x128xf32, #tpu.memory_space<vmem_shared>>)
      tpu.yield
    }) : () -> ()
    %barrier3A_402 = arith.constant 0 : index
    tpu.barrier barrier_id(%barrier3A_402)
    %mul3A_403 = arith.constant 640 : i32
    %mul3A_404 = arith.muli %arg1, %mul3A_403 : i32
    %mul3A_405 = arith.constant 640 : i32
    %mul3A_406 = arith.muli %arg1, %mul3A_405 : i32
    "tpu.region"() ({
      %run_scoped3A_407 = tpu.sem_alloc : memref<!tpu.dma_semaphore, #tpu.memory_space<semaphore_mem>>
      %dma_start3A_408 = arith.constant 0 : i32
      %dma_start3A_409 = tpu.memref_slice %arg5[%arg0, %mul3A_406, %dma_start3A_408] : memref<2x10240x128xf32, #tpu.memory_space<hbm>> -> memref<1x640x128xf32, #tpu.memory_space<hbm>>
      %dma_start3A_410 = tpu.memref_squeeze %dma_start3A_409 : memref<1x640x128xf32, #tpu.memory_space<hbm>> -> memref<640x128xf32, #tpu.memory_space<hbm>>
      %dma_start3A_411 = arith.constant 0 : i32
      %dma_start3A_412 = tpu.memref_slice %arg8[%mul3A_404, %dma_start3A_411] : memref<10240x128xf32, #tpu.memory_space<vmem_shared>> -> memref<640x128xf32, #tpu.memory_space<vmem_shared>>
      tpu.enqueue_dma source(%dma_start3A_412 : memref<640x128xf32, #tpu.memory_space<vmem_shared>>) target(%dma_start3A_410 : memref<640x128xf32, #tpu.memory_space<hbm>>) target_semaphore(%run_scoped3A_407 : memref<!tpu.dma_semaphore, #tpu.memory_space<semaphore_mem>>)
      %dma_wait3A_413 = arith.constant 0 : i32
      %dma_wait3A_414 = tpu.memref_slice %arg5[%arg0, %mul3A_406, %dma_wait3A_413] : memref<2x10240x128xf32, #tpu.memory_space<hbm>> -> memref<1x640x128xf32, #tpu.memory_space<hbm>>
      %dma_wait3A_415 = tpu.memref_squeeze %dma_wait3A_414 : memref<1x640x128xf32, #tpu.memory_space<hbm>> -> memref<640x128xf32, #tpu.memory_space<hbm>>
      %dma_wait3A_416 = arith.constant 0 : i32
      %dma_wait3A_417 = tpu.memref_slice %arg8[%mul3A_404, %dma_wait3A_416] : memref<10240x128xf32, #tpu.memory_space<vmem_shared>> -> memref<640x128xf32, #tpu.memory_space<vmem_shared>>
      tpu.wait_dma2 semaphore(%run_scoped3A_407 : memref<!tpu.dma_semaphore, #tpu.memory_space<semaphore_mem>>) src(%dma_wait3A_417 : memref<640x128xf32, #tpu.memory_space<vmem_shared>>) dst(%dma_wait3A_415 : memref<640x128xf32, #tpu.memory_space<hbm>>)
      tpu.yield
    }) : () -> ()
    return
  }
}

module attributes {stable_mosaic.version = 14 : i64} {
  func.func @_layer1_body(%arg0: i32, %arg1: memref<2x1000x144xf32, #tpu.memory_space<vmem>>, %arg2: memref<1000x128xf32, #tpu.memory_space<vmem>>, %arg3: memref<128x128xf32, #tpu.memory_space<vmem>>, %arg4: memref<1x128xf32, #tpu.memory_space<vmem>>, %arg5: memref<128x128xf32, #tpu.memory_space<vmem>>, %arg6: memref<1000x128xf32, #tpu.memory_space<vmem>>, %arg7: memref<1000x1xf32, #tpu.memory_space<vmem>>) attributes {dimension_semantics = [#tpu.dimension_semantics<arbitrary>], iteration_bounds = array<i64: 10>, scalar_prefetch = 0 : i64, scratch_operands = 0 : i64, tpu.core_type = #tpu.core_type<tc>, window_params = [{transform_indices = @transform_0, window_bounds = array<i64: 2, 1000, 144>}, {transform_indices = @transform_1, window_bounds = array<i64: 1000, 128>}, {pipeline_mode = #tpu.pipeline_mode<synchronous>, transform_indices = @transform_2, window_bounds = array<i64: 128, 128>}, {pipeline_mode = #tpu.pipeline_mode<synchronous>, transform_indices = @transform_3, window_bounds = array<i64: 1, 128>}, {pipeline_mode = #tpu.pipeline_mode<synchronous>, transform_indices = @transform_4, window_bounds = array<i64: 128, 128>}, {transform_indices = @transform_5, window_bounds = array<i64: 1000, 128>}, {transform_indices = @transform_6, window_bounds = array<i64: 1000, 1>}]} {
    %get3A = arith.constant 0 : index
    %get3A_0 = arith.constant 0 : index
    %get3A_1 = arith.constant 0 : index
    %get3A_2 = vector.load %arg1[%get3A, %get3A_0, %get3A_1] : memref<2x1000x144xf32, #tpu.memory_space<vmem>>, vector<1x1000x144xf32>
    %get3A_3 = vector.shape_cast %get3A_2 : vector<1x1000x144xf32> to vector<1000x144xf32>
    %get3A_4 = arith.constant 1 : index
    %get3A_5 = arith.constant 0 : index
    %get3A_6 = arith.constant 0 : index
    %get3A_7 = vector.load %arg1[%get3A_4, %get3A_5, %get3A_6] : memref<2x1000x144xf32, #tpu.memory_space<vmem>>, vector<1x1000x144xf32>
    %get3A_8 = vector.shape_cast %get3A_7 : vector<1x1000x144xf32> to vector<1000x144xf32>
    %add3A = arith.addf %get3A_3, %get3A_8 : vector<1000x144xf32>
    %slice3A = vector.extract_strided_slice %add3A {offsets = [0, 128], sizes = [1000, 1], strides = [1, 1]} : vector<1000x144xf32> to vector<1000x1xf32>
    %max3A = arith.constant 1.000000e+00 : f32
    %max3A_9 = vector.broadcast %max3A : f32 to vector<1000x1xf32>
    %max3A_10 = arith.maximumf %slice3A, %max3A_9 : vector<1000x1xf32>
    %slice3A_11 = vector.extract_strided_slice %add3A {offsets = [0, 0], sizes = [1000, 128], strides = [1, 1]} : vector<1000x144xf32> to vector<1000x128xf32>
    %div3A = vector.broadcast %max3A_10 : vector<1000x1xf32> to vector<1000x128xf32>
    %div3A_12 = arith.divf %slice3A_11, %div3A : vector<1000x128xf32>
    %get3A_13 = arith.constant 0 : index
    %get3A_14 = arith.constant 0 : index
    %get3A_15 = vector.load %arg3[%get3A_13, %get3A_14] : memref<128x128xf32, #tpu.memory_space<vmem>>, vector<128x128xf32>
    %dot_general3A = arith.constant dense<0.000000e+00> : vector<1000x128xf32>
    %dot_general3A_16 = tpu.matmul %div3A_12, %get3A_15, %dot_general3A {dimension_numbers = #tpu.dot_dimension_numbers<[1], [1], [0], [0], [0, 0, 1, 0], [], []>, transpose_lhs_hint = false} : vector<1000x128xf32>, vector<128x128xf32>, vector<1000x128xf32> -> vector<1000x128xf32>
    %get3A_17 = arith.constant 0 : index
    %get3A_18 = arith.constant 0 : index
    %get3A_19 = vector.load %arg4[%get3A_17, %get3A_18] : memref<1x128xf32, #tpu.memory_space<vmem>>, vector<1x128xf32>
    %add3A_20 = vector.broadcast %get3A_19 : vector<1x128xf32> to vector<1000x128xf32>
    %add3A_21 = arith.addf %dot_general3A_16, %add3A_20 : vector<1000x128xf32>
    %get3A_22 = arith.constant 0 : index
    %get3A_23 = arith.constant 0 : index
    %get3A_24 = vector.load %arg2[%get3A_22, %get3A_23] : memref<1000x128xf32, #tpu.memory_space<vmem>>, vector<1000x128xf32>
    %get3A_25 = arith.constant 0 : index
    %get3A_26 = arith.constant 0 : index
    %get3A_27 = vector.load %arg5[%get3A_25, %get3A_26] : memref<128x128xf32, #tpu.memory_space<vmem>>, vector<128x128xf32>
    %dot_general3A_28 = arith.constant dense<0.000000e+00> : vector<1000x128xf32>
    %dot_general3A_29 = tpu.matmul %get3A_24, %get3A_27, %dot_general3A_28 {dimension_numbers = #tpu.dot_dimension_numbers<[1], [1], [0], [0], [0, 0, 1, 0], [], []>, transpose_lhs_hint = false} : vector<1000x128xf32>, vector<128x128xf32>, vector<1000x128xf32> -> vector<1000x128xf32>
    %add3A_30 = arith.addf %add3A_21, %dot_general3A_29 : vector<1000x128xf32>
    %max3A_31 = arith.constant 0.000000e+00 : f32
    %max3A_32 = vector.broadcast %max3A_31 : f32 to vector<1000x128xf32>
    %max3A_33 = arith.maximumf %add3A_30, %max3A_32 : vector<1000x128xf32>
    %swap3A = arith.constant 0 : index
    %swap3A_34 = arith.constant 0 : index
    %swap3A_35 = vector.load %arg6[%swap3A, %swap3A_34] : memref<1000x128xf32, #tpu.memory_space<vmem>>, vector<1000x128xf32>
    tpu.vector_store %arg6[%swap3A, %swap3A_34], %max3A_33 {strides = array<i32>} : memref<1000x128xf32, #tpu.memory_space<vmem>>, vector<1000x128xf32>,
    %swap3A_36 = arith.constant 0 : index
    %swap3A_37 = arith.constant 0 : index
    %swap3A_38 = vector.load %arg7[%swap3A_36, %swap3A_37] : memref<1000x1xf32, #tpu.memory_space<vmem>>, vector<1000x1xf32>
    tpu.vector_store %arg7[%swap3A_36, %swap3A_37], %max3A_10 {strides = array<i32>} : memref<1000x1xf32, #tpu.memory_space<vmem>>, vector<1000x1xf32>,
    return
  }
  func.func @transform_0(%arg0: i32) -> (i32, i32, i32) {
    %c0_i32 = arith.constant 0 : i32
    %c0_i32_0 = arith.constant 0 : i32
    %c0_i32_1 = arith.constant 0 : i32
    return %c0_i32, %arg0, %c0_i32_0 : i32, i32, i32
  }
  func.func @transform_1(%arg0: i32) -> (i32, i32) {
    %c0_i32 = arith.constant 0 : i32
    %c0_i32_0 = arith.constant 0 : i32
    return %arg0, %c0_i32 : i32, i32
  }
  func.func @transform_2(%arg0: i32) -> (i32, i32) {
    %c0_i32 = arith.constant 0 : i32
    %c0_i32_0 = arith.constant 0 : i32
    %c0_i32_1 = arith.constant 0 : i32
    return %c0_i32, %c0_i32_0 : i32, i32
  }
  func.func @transform_3(%arg0: i32) -> (i32, i32) {
    %c0_i32 = arith.constant 0 : i32
    %c0_i32_0 = arith.constant 0 : i32
    %c0_i32_1 = arith.constant 0 : i32
    return %c0_i32, %c0_i32_0 : i32, i32
  }
  func.func @transform_4(%arg0: i32) -> (i32, i32) {
    %c0_i32 = arith.constant 0 : i32
    %c0_i32_0 = arith.constant 0 : i32
    %c0_i32_1 = arith.constant 0 : i32
    return %c0_i32, %c0_i32_0 : i32, i32
  }
  func.func @transform_5(%arg0: i32) -> (i32, i32) {
    %c0_i32 = arith.constant 0 : i32
    %c0_i32_0 = arith.constant 0 : i32
    return %arg0, %c0_i32 : i32, i32
  }
  func.func @transform_6(%arg0: i32) -> (i32, i32) {
    %c0_i32 = arith.constant 0 : i32
    %c0_i32_0 = arith.constant 0 : i32
    return %arg0, %c0_i32 : i32, i32
  }
}

module attributes {stable_mosaic.version = 14 : i64} {
  func.func @_layer2_body(%arg0: i32, %arg1: memref<2x1000x128xf32, #tpu.memory_space<vmem>>, %arg2: memref<1000x1xf32, #tpu.memory_space<vmem>>, %arg3: memref<1000x128xf32, #tpu.memory_space<vmem>>, %arg4: memref<128x128xf32, #tpu.memory_space<vmem>>, %arg5: memref<1x128xf32, #tpu.memory_space<vmem>>, %arg6: memref<128x128xf32, #tpu.memory_space<vmem>>, %arg7: memref<128x128xf32, #tpu.memory_space<vmem>>, %arg8: memref<1x128xf32, #tpu.memory_space<vmem>>, %arg9: memref<1000x128xf32, #tpu.memory_space<vmem>>) attributes {dimension_semantics = [#tpu.dimension_semantics<arbitrary>], iteration_bounds = array<i64: 10>, scalar_prefetch = 0 : i64, scratch_operands = 0 : i64, tpu.core_type = #tpu.core_type<tc>, window_params = [{transform_indices = @transform_0, window_bounds = array<i64: 2, 1000, 128>}, {transform_indices = @transform_1, window_bounds = array<i64: 1000, 1>}, {transform_indices = @transform_2, window_bounds = array<i64: 1000, 128>}, {pipeline_mode = #tpu.pipeline_mode<synchronous>, transform_indices = @transform_3, window_bounds = array<i64: 128, 128>}, {pipeline_mode = #tpu.pipeline_mode<synchronous>, transform_indices = @transform_4, window_bounds = array<i64: 1, 128>}, {pipeline_mode = #tpu.pipeline_mode<synchronous>, transform_indices = @transform_5, window_bounds = array<i64: 128, 128>}, {pipeline_mode = #tpu.pipeline_mode<synchronous>, transform_indices = @transform_6, window_bounds = array<i64: 128, 128>}, {pipeline_mode = #tpu.pipeline_mode<synchronous>, transform_indices = @transform_7, window_bounds = array<i64: 1, 128>}, {transform_indices = @transform_8, window_bounds = array<i64: 1000, 128>}]} {
    %get3A = arith.constant 0 : index
    %get3A_0 = arith.constant 0 : index
    %get3A_1 = arith.constant 0 : index
    %get3A_2 = vector.load %arg1[%get3A, %get3A_0, %get3A_1] : memref<2x1000x128xf32, #tpu.memory_space<vmem>>, vector<1x1000x128xf32>
    %get3A_3 = vector.shape_cast %get3A_2 : vector<1x1000x128xf32> to vector<1000x128xf32>
    %get3A_4 = arith.constant 1 : index
    %get3A_5 = arith.constant 0 : index
    %get3A_6 = arith.constant 0 : index
    %get3A_7 = vector.load %arg1[%get3A_4, %get3A_5, %get3A_6] : memref<2x1000x128xf32, #tpu.memory_space<vmem>>, vector<1x1000x128xf32>
    %get3A_8 = vector.shape_cast %get3A_7 : vector<1x1000x128xf32> to vector<1000x128xf32>
    %add3A = arith.addf %get3A_3, %get3A_8 : vector<1000x128xf32>
    %get3A_9 = arith.constant 0 : index
    %get3A_10 = arith.constant 0 : index
    %get3A_11 = vector.load %arg2[%get3A_9, %get3A_10] : memref<1000x1xf32, #tpu.memory_space<vmem>>, vector<1000x1xf32>
    %div3A = vector.broadcast %get3A_11 : vector<1000x1xf32> to vector<1000x128xf32>
    %div3A_12 = arith.divf %add3A, %div3A : vector<1000x128xf32>
    %get3A_13 = arith.constant 0 : index
    %get3A_14 = arith.constant 0 : index
    %get3A_15 = vector.load %arg4[%get3A_13, %get3A_14] : memref<128x128xf32, #tpu.memory_space<vmem>>, vector<128x128xf32>
    %dot_general3A = arith.constant dense<0.000000e+00> : vector<1000x128xf32>
    %dot_general3A_16 = tpu.matmul %div3A_12, %get3A_15, %dot_general3A {dimension_numbers = #tpu.dot_dimension_numbers<[1], [1], [0], [0], [0, 0, 1, 0], [], []>, transpose_lhs_hint = false} : vector<1000x128xf32>, vector<128x128xf32>, vector<1000x128xf32> -> vector<1000x128xf32>
    %get3A_17 = arith.constant 0 : index
    %get3A_18 = arith.constant 0 : index
    %get3A_19 = vector.load %arg5[%get3A_17, %get3A_18] : memref<1x128xf32, #tpu.memory_space<vmem>>, vector<1x128xf32>
    %add3A_20 = vector.broadcast %get3A_19 : vector<1x128xf32> to vector<1000x128xf32>
    %add3A_21 = arith.addf %dot_general3A_16, %add3A_20 : vector<1000x128xf32>
    %get3A_22 = arith.constant 0 : index
    %get3A_23 = arith.constant 0 : index
    %get3A_24 = vector.load %arg3[%get3A_22, %get3A_23] : memref<1000x128xf32, #tpu.memory_space<vmem>>, vector<1000x128xf32>
    %get3A_25 = arith.constant 0 : index
    %get3A_26 = arith.constant 0 : index
    %get3A_27 = vector.load %arg6[%get3A_25, %get3A_26] : memref<128x128xf32, #tpu.memory_space<vmem>>, vector<128x128xf32>
    %dot_general3A_28 = arith.constant dense<0.000000e+00> : vector<1000x128xf32>
    %dot_general3A_29 = tpu.matmul %get3A_24, %get3A_27, %dot_general3A_28 {dimension_numbers = #tpu.dot_dimension_numbers<[1], [1], [0], [0], [0, 0, 1, 0], [], []>, transpose_lhs_hint = false} : vector<1000x128xf32>, vector<128x128xf32>, vector<1000x128xf32> -> vector<1000x128xf32>
    %add3A_30 = arith.addf %add3A_21, %dot_general3A_29 : vector<1000x128xf32>
    %max3A = arith.constant 0.000000e+00 : f32
    %max3A_31 = vector.broadcast %max3A : f32 to vector<1000x128xf32>
    %max3A_32 = arith.maximumf %add3A_30, %max3A_31 : vector<1000x128xf32>
    %get3A_33 = arith.constant 0 : index
    %get3A_34 = arith.constant 0 : index
    %get3A_35 = vector.load %arg7[%get3A_33, %get3A_34] : memref<128x128xf32, #tpu.memory_space<vmem>>, vector<128x128xf32>
    %dot_general3A_36 = arith.constant dense<0.000000e+00> : vector<1000x128xf32>
    %dot_general3A_37 = tpu.matmul %max3A_32, %get3A_35, %dot_general3A_36 {dimension_numbers = #tpu.dot_dimension_numbers<[1], [1], [0], [0], [0, 0, 1, 0], [], []>, transpose_lhs_hint = false} : vector<1000x128xf32>, vector<128x128xf32>, vector<1000x128xf32> -> vector<1000x128xf32>
    %get3A_38 = arith.constant 0 : index
    %get3A_39 = arith.constant 0 : index
    %get3A_40 = vector.load %arg8[%get3A_38, %get3A_39] : memref<1x128xf32, #tpu.memory_space<vmem>>, vector<1x128xf32>
    %add3A_41 = vector.broadcast %get3A_40 : vector<1x128xf32> to vector<1000x128xf32>
    %add3A_42 = arith.addf %dot_general3A_37, %add3A_41 : vector<1000x128xf32>
    %swap3A = arith.constant 0 : index
    %swap3A_43 = arith.constant 0 : index
    %swap3A_44 = vector.load %arg9[%swap3A, %swap3A_43] : memref<1000x128xf32, #tpu.memory_space<vmem>>, vector<1000x128xf32>
    tpu.vector_store %arg9[%swap3A, %swap3A_43], %add3A_42 {strides = array<i32>} : memref<1000x128xf32, #tpu.memory_space<vmem>>, vector<1000x128xf32>,
    return
  }
  func.func @transform_0(%arg0: i32) -> (i32, i32, i32) {
    %c0_i32 = arith.constant 0 : i32
    %c0_i32_0 = arith.constant 0 : i32
    %c0_i32_1 = arith.constant 0 : i32
    return %c0_i32, %arg0, %c0_i32_0 : i32, i32, i32
  }
  func.func @transform_1(%arg0: i32) -> (i32, i32) {
    %c0_i32 = arith.constant 0 : i32
    %c0_i32_0 = arith.constant 0 : i32
    return %arg0, %c0_i32 : i32, i32
  }
  func.func @transform_2(%arg0: i32) -> (i32, i32) {
    %c0_i32 = arith.constant 0 : i32
    %c0_i32_0 = arith.constant 0 : i32
    return %arg0, %c0_i32 : i32, i32
  }
  func.func @transform_3(%arg0: i32) -> (i32, i32) {
    %c0_i32 = arith.constant 0 : i32
    %c0_i32_0 = arith.constant 0 : i32
    %c0_i32_1 = arith.constant 0 : i32
    return %c0_i32, %c0_i32_0 : i32, i32
  }
  func.func @transform_4(%arg0: i32) -> (i32, i32) {
    %c0_i32 = arith.constant 0 : i32
    %c0_i32_0 = arith.constant 0 : i32
    %c0_i32_1 = arith.constant 0 : i32
    return %c0_i32, %c0_i32_0 : i32, i32
  }
  func.func @transform_5(%arg0: i32) -> (i32, i32) {
    %c0_i32 = arith.constant 0 : i32
    %c0_i32_0 = arith.constant 0 : i32
    %c0_i32_1 = arith.constant 0 : i32
    return %c0_i32, %c0_i32_0 : i32, i32
  }
  func.func @transform_6(%arg0: i32) -> (i32, i32) {
    %c0_i32 = arith.constant 0 : i32
    %c0_i32_0 = arith.constant 0 : i32
    %c0_i32_1 = arith.constant 0 : i32
    return %c0_i32, %c0_i32_0 : i32, i32
  }
  func.func @transform_7(%arg0: i32) -> (i32, i32) {
    %c0_i32 = arith.constant 0 : i32
    %c0_i32_0 = arith.constant 0 : i32
    %c0_i32_1 = arith.constant 0 : i32
    return %c0_i32, %c0_i32_0 : i32, i32
  }
  func.func @transform_8(%arg0: i32) -> (i32, i32) {
    %c0_i32 = arith.constant 0 : i32
    %c0_i32_0 = arith.constant 0 : i32
    return %arg0, %c0_i32 : i32, i32
  }
}

</mosaic_0001>

<sc_bundles>
// kernel: kernel.6.cloned.1.call-start
scs
__scs_entry_jumppad:
0x0: {  	(pc) =	sbr.rel $0x88, $3  }
0x1: {  	(tag) =	ssettag $0x0;
	lr =	simm.s32 $0x1  }
0x2: {  	[smem:$0x3F97] =	sst lr;
	_ =	strace $0xD0000000  }
0x3: {  	_ = 	snop  }
0x4: {  	_ = 	snop  }
0x5: {  	_ = 	snop  }
0x6: {  	_ = 	snop  }
0x7: {  	_ = 	snop  }
__scs_overlays_trampoline_lowered:
0x8: {  	[smem:$0x3FA6] =	sst s0  }
0x9: {  	[smem:$0x3FA7] =	sst s1  }
0xa: {  	[smem:$0x3FA8] =	sst s2  }
0xb: {  	[smem:$0x3FA9] =	sst s3  }
0xc: {  	[smem:$0x3FAA] =	sst s4  }
0xd: {  	[smem:$0x3FAB] =	sst s5  }
0xe: {  	[smem:$0x3FAC] =	sst s6  }
0xf: {  	[smem:$0x3FAD] =	sst s7  }
0x10: {  	[smem:$0x3FAE] =	sst s8  }
0x11: {  	[smem:$0x3FAF] =	sst s9;
	s0 =	simm.s32 @!p0 $0x0  }
0x12: {  	s1 =	sld [smem:$0x3F95];
	s0 =	simm.s32 @p0 $0x1  }
0x13: {  	[smem:$0x3FB0] =	sst s0;
	s0 =	simm.s32 @!p1 $0x0  }
0x14: {  	s2 =	sld [smem:$0x3F94];
	s0 =	simm.s32 @p1 $0x1  }
0x15: {  	[smem:$0x3FB1] =	sst s0;
	s0 =	simm.s32 @!p2 $0x0  }
0x16: {  	s3 =	sld [smem:$0x3FDB];
	s0 =	simm.s32 @p2 $0x1  }
0x17: {  	s4 =	simm.s32 $0x1BF5;
	[smem:$0x3FB3] =	sst s0  }
0x18: {  	s0 =	sld [smem:$0x3F96];
	_ =	swait.ge [sflag:s4], $0x0  }
0x19: {  	s7 =	sld [smem:$0x3F97]  }
0x1a: {  	s8 =	sadd.s32 $0xFFFFE003, lr  }
0x1b: {  	s9 =	sadd.s32 $0xFFFFFEF7, lr;
	s5 =	simm.s32 $0xFFFFFFFF;
	p2 =	slt.u32 s8, $0xFFFFF086  }
0x1c: {  	p1 =	slt.u32 s9, $0xF7A;
	s5 =	simm.s32 @!p2 $0x0  }
0x1d: {  	s5 =	simm.s32 @p1 $0x1;
	p0 =	seq.s32 s7, s2  }
0x1e: {  	s7 =	smul.u32 @!p0 $0xF7A, s2;
	p2 =	seq.s32 @!p0 s5, $0x0  }
0x1f: {  	s9 =	smul.u32 $0xF7A, s1;
	s8 =	simm.s32 @!p0 $0x1BF5;
	p2 =	por !p2, p0  }
0x20: {  	[sflag:s8] =	ssyncset.s32 @!p0 $0xFFFFF086;
	s6 =	sadd.s32 @!p0 s3, s7;
	s7 =	simm.s32 @!p0 $0x108  }
0x21: {  	s3 =	sadd.s32 s3, s9;
	s6 =	sadd.s32 @!p0 $0x88, s6;
	s7 =	simm.s32 @p2 $0x1082  }
0x22: {  	[simem:s7], [sflag:s8] =	dma.local @!p0 [hbm:s6], $0xF7A  }
0x23: {  	s9 =	sor.u32 $0xD0000000, s2;
	s6 =	simm.s32 $0x108;
	_ =	swait.ge @!p0 [sflag:s8], $0x0  }
0x24: {  	s3 =	sadd.s32 $0x88, s3;
	s6 =	simm.s32 @!p1 $0x1082;
	[sflag:s4] =	ssyncset.s32 $0xFFFFF086  }
0x25: {  	[simem:s6], [sflag:s4] =	dma.local [hbm:s3], $0xF7A  }
0x26: {  	[smem:$0x3F97] =	sst s1;
	(tag) =	ssettag s2;
	_ =	strace s9  }
0x27: {  	s1 =	sld [smem:$0x3FA7]  }
0x28: {  	s2 =	sld [smem:$0x3FA8]  }
0x29: {  	s4 =	sld [smem:$0x3FAA]  }
0x2a: {  	p0 =	seq.s32 s5, $0x0;
	s5 =	sld [smem:$0x3FAB]  }
0x2b: {  	s6 =	sld [smem:$0x3FAC]  }
0x2c: {  	s7 =	sld [smem:$0x3FAD]  }
0x2d: {  	s3 =	simm.s32 $0x108;
	s8 =	sld [smem:$0x3FAE]  }
0x2e: {  	s3 =	simm.s32 @!p0 $0x1082;
	s9 =	sld [smem:$0x3FAF]  }
0x2f: {  	lr =	sadd.s32 s0, s3;
	s0 =	sld [smem:$0x3FA6]  }
0x30: {  	s3 =	sld [smem:$0x3FA9]  }
0x31: {  	[smem:$0x3FB2] =	sst s10  }
0x32: {  	s10 =	sld [smem:$0x3FB0];
	_ =	sdelay $0x3  }
0x33: {  	p0 =	seq.s32 s10, $0x1;
	s10 =	sld [smem:$0x3FB2];
	_ =	sdelay $0x3  }
0x34: {  	[smem:$0x3FB2] =	sst s10  }
0x35: {  	s10 =	sld [smem:$0x3FB1];
	_ =	sdelay $0x3  }
0x36: {  	p1 =	seq.s32 s10, $0x1;
	s10 =	sld [smem:$0x3FB2];
	_ =	sdelay $0x3  }
0x37: {  	[smem:$0x3FB2] =	sst s10  }
0x38: {  	s10 =	sld [smem:$0x3FB3]  }
0x39: {  	_ = 	snop;
	(pc) =	sbr.ind lr, $3  }
0x3a: {  	_ = 	snop  }
0x3b: {  	_ = 	snop  }
0x3c: {  	p2 =	seq.s32 s10, $0x1;
	s10 =	sld [smem:$0x3FB2]  }
0x3d: {  	_ =	shalt  }
0x3e: {  	_ =	shalt  }
0x3f: {  	_ =	shalt  }
0x40: {  	_ =	shalt  }
0x41: {  	_ =	shalt  }
0x42: {  	_ =	shalt  }
0x43: {  	_ =	shalt  }
0x44: {  	_ =	shalt  }
0x45: {  	_ =	shalt  }
0x46: {  	_ =	shalt  }
0x47: {  	_ =	shalt  }
0x48: {  	_ =	shalt  }
0x49: {  	_ =	shalt  }
0x4a: {  	_ =	shalt  }
0x4b: {  	_ =	shalt  }
0x4c: {  	_ =	shalt  }
0x4d: {  	_ =	shalt  }
0x4e: {  	_ =	shalt  }
0x4f: {  	_ =	shalt  }
0x50: {  	_ =	shalt  }
0x51: {  	_ =	shalt  }
0x52: {  	_ =	shalt  }
0x53: {  	_ =	shalt  }
0x54: {  	_ =	shalt  }
0x55: {  	_ =	shalt  }
0x56: {  	_ =	shalt  }
0x57: {  	_ =	shalt  }
0x58: {  	_ =	shalt  }
0x59: {  	_ =	shalt  }
0x5a: {  	_ =	shalt  }
0x5b: {  	_ =	shalt  }
0x5c: {  	_ =	shalt  }
0x5d: {  	_ =	shalt  }
0x5e: {  	_ =	shalt  }
0x5f: {  	_ =	shalt  }
0x60: {  	_ =	shalt  }
0x61: {  	_ =	shalt  }
0x62: {  	_ =	shalt  }
0x63: {  	_ =	shalt  }
0x64: {  	_ =	shalt  }
0x65: {  	_ =	shalt  }
0x66: {  	_ =	shalt  }
0x67: {  	_ =	shalt  }
0x68: {  	_ =	shalt  }
0x69: {  	_ =	shalt  }
0x6a: {  	_ =	shalt  }
0x6b: {  	_ =	shalt  }
0x6c: {  	_ =	shalt  }
0x6d: {  	_ =	shalt  }
0x6e: {  	_ =	shalt  }
0x6f: {  	_ =	shalt  }
0x70: {  	_ =	shalt  }
0x71: {  	_ =	shalt  }
0x72: {  	_ =	shalt  }
0x73: {  	_ =	shalt  }
0x74: {  	_ =	shalt  }
0x75: {  	_ =	shalt  }
0x76: {  	_ =	shalt  }
0x77: {  	_ =	shalt  }
0x78: {  	_ =	shalt  }
0x79: {  	_ =	shalt  }
0x7a: {  	_ =	shalt  }
0x7b: {  	_ =	shalt  }
0x7c: {  	_ =	shalt  }
0x7d: {  	_ =	shalt  }
0x7e: {  	_ =	shalt  }
0x7f: {  	_ =	shalt  }
0x80: {  	_ =	shalt  }
0x81: {  	_ =	shalt  }
0x82: {  	_ =	shalt  }
0x83: {  	_ =	shalt  }
0x84: {  	_ =	shalt  }
0x85: {  	_ =	shalt  }
0x86: {  	_ =	shalt  }
0x87: {  	_ =	shalt  }
.Lfunc_end0:
.L_simem_size_0:
called_computation_lowered:
.L_overlay_start_0:
0x88: {  	s2 =	sld [smem:$0x3FD9]  }
0x89: {  	s3 =	sld [smem:$0x3FFE];
	_ =	sdelay $0x1  }
0x8a: {  	s1 =	srdreg.scid  }
0x8b: {  	s0 =	sand.u32 $0x1, s1  }
0x8c: {  	s16 =	sshll.u32 s0, $0xA;
	s2 =	sadd.s32 s3, s2  }
0x8d: {  	s2 =	sadd.s32 s2, s16  }
0x8e: {  	[smem:$0x3FBE] =	sst s2  }
0x8f: {  	_ = 	snop  }
0x90: {  	(tm) =	ssettm $0x1  }
0x91: {  	s17 =	sld [smem:$0x3FFB];
	_ =	sdelay $0x3  }
0x92: {  	_ =	strace s17  }
0x93: {  	s2 =	sld [smem:$0x3FFC];
	_ =	sdelay $0x3  }
0x94: {  	_ =	strace s2  }
0x95: {  	s2 =	sld [smem:$0x3FFD];
	_ =	sdelay $0x3  }
0x96: {  	_ =	strace s2  }
0x97: {  	_ =	strace $0x8FFFFFFF  }
0x98: {  	s18 =	sld [smem:$0x3FDB];
	_ =	sdelay $0x1  }
0x99: {  	s19 =	simm.s32 $_scs_section_size  }
0x9a: {  	s4 =	simm.s32 $_size__tile_overlayer_lowered;
	s5 =	simm.s32 $_tile_overlayer_lowered  }
0x9b: {  	s22 =	simm.s32 $0x1BFF;
	s21 =	sshll.u32 s5, $0x1;
	s2 =	sadd.s32 s19, s18  }
0x9c: {  	s6 =	simm.s32 $0x0;
	s20 =	sshll.u32 s4, $0x1;
	s4 =	sadd.s32 s21, s2  }
0x9d: {  	[timem:s6], [sflag:s22] =	dma.local [hbm:s4], s20  }
0x9e: {  	_ =	swait.ge [sflag:s22], s20  }
0x9f: {  	s3 =	ssub.s32 $0x0, s20;
	[sflag:s22] =	ssyncset.done $0x0  }
0xa0: {  	[sflag:s22] =	ssyncadd.s32 s3;
	_ =	sdelay $0x1  }
0xa1: {  	s23 =	simm.s32 $0x1B8B  }
0xa2: {  	_ =	swait.ge [sflag:s23], $0x1  }
0xa3: {  	[sflag:s23] =	ssyncset.done $0x0  }
0xa4: {  	s25 =	simm.s32 $0x1B8E;
	s24 =	sld [smem:$0x3FFE];
	[sflag:s23] =	ssyncadd.s32 $0xFFFFFFFF  }
0xa5: {  	s26 =	simm.s32 $execute0_lowered;
	[smem:$0x3FD2] =	sst s25  }
0xa6: {  	s4 =	sshll.u32 s26, $0x1;
	_ =	strace $0x80000046;
	[dreg:$0x1] =	wrdreg $0xFFFFFFFF  }
0xa7: {  	s28 =	simm.s32 $_size_execute0_lowered;
	s2 =	sadd.s32 s2, s4;
	[dreg:$0x0] =	wrdreg $0x0  }
0xa8: {  	s4 =	sshll.u32 s28, $0x1;
	[dreg:$0x2] =	wrdreg s2  }
0xa9: {  	[dreg:$0x3] =	wrdreg s4  }
0xaa: {  	[dreg:$0x4] =	wrdreg $0xC0  }
0xab: {  	_ =	task [dreg:s6], $0x5FFFF  }
0xac: {  	[dreg:$0x1] =	wrdreg $0xFFFFFFFF  }
0xad: {  	[dreg:$0x0] =	wrdreg $0x60  }
0xae: {  	[dreg:$0x2] =	wrdreg s24  }
0xaf: {  	[dreg:$0x3] =	wrdreg $0x72100  }
0xb0: {  	[dreg:$0x4] =	wrdreg $0x9  }
0xb1: {  	_ =	task.clear_ibuf [dreg:s6], $0x5FFFF;
	_ =	strace $0x90000046  }
0xb2: {  	s29 =	simm.s32 $0x9;
	_ =	strace $0x80000048  }
0xb3: {  	_ =	swait.ge [sflag:s29], $0x1  }
0xb4: {  	[sflag:s29] =	ssyncadd.s32 $0xFFFFFFFF  }
0xb5: {  	_ =	strace $0x90000048  }
0xb6: {  	_ =	sfence  }
0xb7: {  	s30 =	sld [smem:$0x0];
	_ =	sdelay $0x2  }
0xb8: {  	s31 =	sshll.u32 s1, $0xD;
	s1 =	sshrl.u32 s1, $0x2  }
0xb9: {  	s3 =	sand.u32 $0x4000, s31;
	s1 =	sadd.s32 s1, s30  }
0xba: {  	s0 =	sor.u32 s3, s0;
	s1 =	sshll.u32 s1, $0x11  }
0xbb: {  	s0 =	sor.u32 s1, s0  }
0xbc: {  	s0 =	sadd.s32 $0x8F2B, s0  }
0xbd: {  	[sflag:s0] =	ssyncadd.remote.s32 $0x1  }
0xbe: {  	_ =	sfence.sel $0xFFFF  }
0xbf: {  	[dreg:$0x0] =	wrdreg $0xFFFFFFFF;
	(pc) =	sbr.abs _section_cstart, $3  }
0xc0: {  	[dreg:$0x1] =	wrdreg $0xFFFFFFFF  }
0xc1: {  	_ =	task.clear_ibuf [dreg:s6], $0x2FFFF;
	_ =	strace $0x9FFFFFFF  }
0xc2: {  	(tm) =	ssettm $0x7FFFFFFF  }
0xc3: {  	_ =	shalt  }
tec
execute0_lowered:
.L_overlay_start_1:
0x0: {  	(tag) =	ssettag $0x1  }
0x1: {  	s0 =	rddreg [dreg:$0x0]  }
0x2: {  	s1 =	rddreg [dreg:$0x1];
	s3 =	simm.s32 $0x0  }
0x3: {  	s10 =	stileid.u32;
	s2 =	srdreg.scid;
	s28 =	simm.s32 $0x4  }
0x4: {  	s29 =	simm.s32 $0x4510;
	s30 =	simm.s32 $0x5;
	s31 =	simm.s32 $0x5B90  }
0x5: {  	[smem:$0x7FF] =	sst s3;
	s6 =	smul.u32 $0x16800, s10;
	s2 =	sand.u32 $0x1, s2  }
0x6: {  	s5 =	sshll.u32 s10, $0x1;
	s4 =	sadd.s32 $0x15A00, s0;
	s10 =	smul.u32 $0x9C40, s10  }
0x7: {  	_ =	strace $0x80000047;
	s7 =	smul.u32 $0x168000, s2;
	s8 =	sor.u32 s2, s5  }
0x8: {  	s5 =	sadd.s32 $0x2000, s0;
	s11 =	ssub.s32 $0x2, s2;
	s2 =	smul.u32 $0x4E20, s2  }
0x9: {  	s9 =	sshrl.u32 s6, $0x3;
	s8 =	smul.u32 $0x4E20, s8;
	s26 =	sshrl.u32 s11, $0x1  }
0xa: {  	s9 =	sadd.s32 s9, s0;
	s7 =	sadd.s32 s6, s7;
	s2 =	sadd.s32 s2, s10  }
0xb: {  	s6 =	sadd.s32 s6, s1;
	s7 =	sshrl.u32 s7, $0x3;
	s8 =	sshrl.u32 s8, $0x3  }
0xc: {  	s14 =	sadd.s32 $0x2D0, s2;
	[dreg:$0xc] =	wrdreg s6;
	s18 =	sadd.s32 $0x280, s2  }
0xd: {  	s20 =	sadd.s32 $0x230, s2;
	s21 =	sadd.s32 $0x1E0, s2;
	s9 =	sadd.s32 $0x41A00, s9  }
0xe: {  	s0 =	sadd.s32 s7, s0;
	s7 =	ssub.s32 s11, s26;
	s12 =	sadd.s32 s5, s8  }
0xf: {  	s19 =	sshrl.u32 s18, $0x3;
	s23 =	sshrl.u32 s21, $0x3;
	[dreg:$0xd] =	wrdreg s9  }
0x10: {  	s26 =	sadd.s32 $0x190, s2;
	s18 =	simm.s32 $0xF0;
	[dreg:$0x7] =	wrdreg s12  }
0x11: {  	s21 =	simm.s32 $0x28;
	s8 =	sadd.s32 $0xA, s12;
	[dreg:$0x10] =	wrdreg s26  }
0x12: {  	s2 =	simm.s32 $0x6;
	s13 =	sadd.s32 $0x14, s12;
	[dreg:$0x8] =	wrdreg s8  }
0x13: {  	s9 =	simm.s32 $0x8;
	s15 =	sadd.s32 $0x1E, s12;
	[dreg:$0x9] =	wrdreg s13  }
0x14: {  	s11 =	simm.s32 $0x9;
	s16 =	sadd.s32 $0x28, s12;
	[dreg:$0xa] =	wrdreg s15  }
0x15: {  	s6 =	sadd.s32 s19, s5;
	s24 =	sadd.s32 s23, s5;
	[dreg:$0xb] =	wrdreg s16  }
0x16: {  	s0 =	sadd.s32 $0x6EA00, s0;
	s25 =	smax.u32 s7, $0x1;
	[dreg:$0x4] =	wrdreg s6  }
0x17: {  	s19 =	simm.s32 $0x140;
	s23 =	simm.s32 $0x2;
	[dreg:$0xe] =	wrdreg s0  }
0x18: {  	s26 =	simm.s32 $0x2E90;
	s7 =	simm.s32 $0x7;
	[dreg:$0xf] =	wrdreg s25  }
0x19: {  	s12 =	simm.s32 $0x118;
	s8 =	sshrl.u32 s14, $0x3;
	[dreg:$0x6] =	wrdreg s24  }
0x1a: {  	s16 =	simm.s32 $0x50;
	s24 =	simm.s32 $0x1810;
	s25 =	simm.s32 $0x3  }
0x1b: {  	s0 =	simm.s32 $0xB;
	s13 =	simm.s32 $0xA;
	s14 =	simm.s32 $0x168  }
0x1c: {  	s17 =	sadd.s32 s8, s5;
	s8 =	sshrl.u32 s20, $0x3;
	s20 =	simm.s32 $0x1  }
0x1d: {  	[dreg:$0x3] =	wrdreg s17;
	s22 =	sadd.s32 s8, s5;
	s17 =	simm.s32 $0xA0  }
0x1e: {  	s8 =	simm.s32 $0x0;
	[dreg:$0x5] =	wrdreg s22;
	s22 =	simm.s32 $0x190  }
.LBB2_1:
0x1f: {  	[dreg:$0x11] =	wrdreg s8  }
0x20: {  	s6 =	rddreg [dreg:$0x7]  }
0x21: {  	[tilespmem:s3], [sflag:$0x1] =	stream.linear.gather [hbm4b:s6+s3], $0x50, $0x38;
	[tilespmem:$0x1DA10] =	vst v63  }
0x22: {  	s15 =	rddreg [dreg:$0x8]  }
0x23: {  	[tilespmem:s16], [sflag:$0x2] =	stream.linear.gather [hbm4b:s15+s3], $0x50, $0x38;
	[tilespmem:$0x1DA10] =	vst v63  }
0x24: {  	s8 =	rddreg [dreg:$0x9]  }
0x25: {  	[tilespmem:s17], [sflag:$0x3] =	stream.linear.gather [hbm4b:s8+s3], $0x50, $0x38;
	[tilespmem:$0x1DA10] =	vst v63  }
0x26: {  	s10 =	rddreg [dreg:$0xa]  }
0x27: {  	[tilespmem:s18], [sflag:$0x4] =	stream.linear.gather [hbm4b:s10+s3], $0x50, $0x38;
	[tilespmem:$0x1DA10] =	vst v63  }
0x28: {  	s15 =	rddreg [dreg:$0xb]  }
0x29: {  	[tilespmem:s19], [sflag:$0x5] =	stream.linear.gather [hbm4b:s15+s3], $0x50, $0x38;
	[tilespmem:$0x1DA10] =	vst v63  }
0x2a: {  	_ =	swait.ge [sflag:s20], $0x50  }
0x2b: {  	[sflag:s20] =	ssyncset.done $0x0  }
0x2c: {  	[sflag:s20] =	ssyncadd.s32 $0xFFFFFFB0  }
0x2d: {  	[tilespmem:s22], [sflag:$0x6] =	stream.indirect.gather [hbm4b:s4+s21], $0x90, s3, s21, $0xb8;
	[tilespmem:$0x1DA10] =	vst v63  }
0x2e: {  	_ =	swait.ge [sflag:s23], $0x50  }
0x2f: {  	[sflag:s23] =	ssyncset.done $0x0  }
0x30: {  	[sflag:s23] =	ssyncadd.s32 $0xFFFFFFB0  }
0x31: {  	[tilespmem:s24], [sflag:$0x7] =	stream.indirect.gather [hbm4b:s4+s21], $0x90, s16, s21, $0xb8;
	[tilespmem:$0x1DA10] =	vst v63  }
0x32: {  	_ =	swait.ge [sflag:s25], $0x50  }
0x33: {  	[sflag:s25] =	ssyncset.done $0x0  }
0x34: {  	[sflag:s25] =	ssyncadd.s32 $0xFFFFFFB0  }
0x35: {  	[tilespmem:s26], [sflag:$0x8] =	stream.indirect.gather [hbm4b:s4+s21], $0x90, s17, s21, $0xb8;
	[tilespmem:$0x1DA10] =	vst v63  }
0x36: {  	s8 =	stileid.u32;
	_ =	swait.ge [sflag:s28], $0x50  }
0x37: {  	s6 =	sshll.u32 s8, $0x6;
	[sflag:s28] =	ssyncset.done $0x0  }
0x38: {  	s8 =	sor.u32 $0x1C0B, s6;
	[sflag:s28] =	ssyncadd.s32 $0xFFFFFFB0  }
0x39: {  	[tilespmem:s29], [sflag:$0x9] =	stream.indirect.gather [hbm4b:s4+s21], $0x90, s18, s21, $0xb8;
	[tilespmem:$0x1DA10] =	vst v63  }
0x3a: {  	_ =	swait.ge [sflag:s30], $0x50;
	[dreg:$0x12] =	wrdreg s8  }
0x3b: {  	[sflag:s30] =	ssyncset.done $0x0;
	s10 =	rddreg [dreg:$0xc]  }
0x3c: {  	s15 =	rddreg [dreg:$0xd];
	[sflag:s30] =	ssyncadd.s32 $0xFFFFFFB0;
	s10 =	sshrl.u32 s10, $0x3  }
0x3d: {  	[tilespmem:s31], [sflag:$0xA] =	stream.indirect.gather [hbm4b:s4+s21], $0x90, s19, s21, $0xb8;
	[tilespmem:$0x1DA10] =	vst v63  }
0x3e: {  	[dreg:$0x13] =	wrdreg s10  }
0x3f: {  	[spmem:s10], [sflag:s8] =	dma.local [hbm:s15], $0x2D00  }
0x40: {  	_ =	swait.ge [sflag:s0], $0x2D00  }
0x41: {  	[sflag:s0] =	ssyncset.done $0x0  }
0x42: {  	[sflag:s0] =	ssyncadd.s32 $0xFFFFD300  }
0x43: {  	[bflag:$0x0] =	sbarrier.arrive $0xFFFF  }
0x44: {  	_ =	swait.ge [sflag:s2], $0x1680  }
0x45: {  	[sflag:s2] =	ssyncset.done $0x0  }
0x46: {  	[sflag:s2] =	ssyncadd.s32 $0xFFFFE980  }
0x47: {  	[spmem:s1] =	stream.indirect.scatter.add.f32 [tilespmem:s22], [sflag:$0xB], $0x90, s21, s21, $0xb8;
	[tilespmem:$0x1DA10] =	vst v63  }
0x48: {  	_ =	swait.ge [sflag:s0], $0x1680  }
0x49: {  	s8 =	rddreg [dreg:$0x10]  }
0x4a: {  	[sflag:s0] =	ssyncset.done $0x0;
	s15 =	sshrl.u32 s8, $0x3  }
0x4b: {  	[sflag:s0] =	ssyncadd.s32 $0xFFFFE980;
	s6 =	sadd.s32 s5, s15  }
0x4c: {  	[tilespmem:s3], [sflag:$0x1] =	stream.linear.gather [hbm4b:s6+s3], $0x50, $0x38;
	[tilespmem:$0x1DA10] =	vst v63  }
0x4d: {  	_ =	swait.ge [sflag:s20], $0x50  }
0x4e: {  	[sflag:s20] =	ssyncset.done $0x0  }
0x4f: {  	[sflag:s20] =	ssyncadd.s32 $0xFFFFFFB0  }
0x50: {  	[tilespmem:s22], [sflag:$0x6] =	stream.indirect.gather [hbm4b:s4+s21], $0x90, s3, s21, $0xb8;
	[tilespmem:$0x1DA10] =	vst v63  }
0x51: {  	_ =	swait.ge [sflag:s7], $0x1680  }
0x52: {  	[sflag:s7] =	ssyncset.done $0x0  }
0x53: {  	s10 =	simm.s32 $0x78;
	[sflag:s7] =	ssyncadd.s32 $0xFFFFE980  }
0x54: {  	[spmem:s1] =	stream.indirect.scatter.add.f32 [tilespmem:s24], [sflag:$0xB], $0x90, s10, s21, $0xb8;
	[tilespmem:$0x1DA10] =	vst v63  }
0x55: {  	_ =	swait.ge [sflag:s0], $0x1680  }
0x56: {  	s15 =	rddreg [dreg:$0x6];
	[sflag:s0] =	ssyncset.done $0x0  }
0x57: {  	[sflag:s0] =	ssyncadd.s32 $0xFFFFE980;
	s6 =	sadd.s32 $0x0, s15  }
0x58: {  	[tilespmem:s16], [sflag:$0x2] =	stream.linear.gather [hbm4b:s6+s3], $0x50, $0x38;
	[tilespmem:$0x1DA10] =	vst v63  }
0x59: {  	_ =	swait.ge [sflag:s23], $0x50  }
0x5a: {  	[sflag:s23] =	ssyncset.done $0x0  }
0x5b: {  	[sflag:s23] =	ssyncadd.s32 $0xFFFFFFB0  }
0x5c: {  	[tilespmem:s24], [sflag:$0x7] =	stream.indirect.gather [hbm4b:s4+s21], $0x90, s16, s21, $0xb8;
	[tilespmem:$0x1DA10] =	vst v63  }
0x5d: {  	_ =	swait.ge [sflag:s9], $0x1680  }
0x5e: {  	[sflag:s9] =	ssyncset.done $0x0  }
0x5f: {  	s10 =	simm.s32 $0xC8;
	[sflag:s9] =	ssyncadd.s32 $0xFFFFE980  }
0x60: {  	[spmem:s1] =	stream.indirect.scatter.add.f32 [tilespmem:s26], [sflag:$0xB], $0x90, s10, s21, $0xb8;
	[tilespmem:$0x1DA10] =	vst v63  }
0x61: {  	_ =	swait.ge [sflag:s0], $0x1680  }
0x62: {  	s15 =	rddreg [dreg:$0x5];
	[sflag:s0] =	ssyncset.done $0x0  }
0x63: {  	[sflag:s0] =	ssyncadd.s32 $0xFFFFE980;
	s6 =	sadd.s32 $0x0, s15  }
0x64: {  	[tilespmem:s17], [sflag:$0x3] =	stream.linear.gather [hbm4b:s6+s3], $0x50, $0x38;
	[tilespmem:$0x1DA10] =	vst v63  }
0x65: {  	_ =	swait.ge [sflag:s25], $0x50  }
0x66: {  	[sflag:s25] =	ssyncset.done $0x0  }
0x67: {  	[sflag:s25] =	ssyncadd.s32 $0xFFFFFFB0  }
0x68: {  	[tilespmem:s26], [sflag:$0x8] =	stream.indirect.gather [hbm4b:s4+s21], $0x90, s17, s21, $0xb8;
	[tilespmem:$0x1DA10] =	vst v63  }
0x69: {  	_ =	swait.ge [sflag:s11], $0x1680  }
0x6a: {  	[sflag:s11] =	ssyncset.done $0x0  }
0x6b: {  	[sflag:s11] =	ssyncadd.s32 $0xFFFFE980  }
0x6c: {  	[spmem:s1] =	stream.indirect.scatter.add.f32 [tilespmem:s29], [sflag:$0xB], $0x90, s12, s21, $0xb8;
	[tilespmem:$0x1DA10] =	vst v63  }
0x6d: {  	_ =	swait.ge [sflag:s0], $0x1680  }
0x6e: {  	s10 =	rddreg [dreg:$0x4];
	[sflag:s0] =	ssyncset.done $0x0  }
0x6f: {  	[sflag:s0] =	ssyncadd.s32 $0xFFFFE980;
	s6 =	sadd.s32 $0x0, s10  }
0x70: {  	[tilespmem:s18], [sflag:$0x4] =	stream.linear.gather [hbm4b:s6+s3], $0x50, $0x38;
	[tilespmem:$0x1DA10] =	vst v63  }
0x71: {  	_ =	swait.ge [sflag:s28], $0x50  }
0x72: {  	[sflag:s28] =	ssyncset.done $0x0  }
0x73: {  	[sflag:s28] =	ssyncadd.s32 $0xFFFFFFB0  }
0x74: {  	[tilespmem:s29], [sflag:$0x9] =	stream.indirect.gather [hbm4b:s4+s21], $0x90, s18, s21, $0xb8;
	[tilespmem:$0x1DA10] =	vst v63  }
0x75: {  	_ =	swait.ge [sflag:s13], $0x1680  }
0x76: {  	[sflag:s13] =	ssyncset.done $0x0  }
0x77: {  	[sflag:s13] =	ssyncadd.s32 $0xFFFFE980  }
0x78: {  	[spmem:s1] =	stream.indirect.scatter.add.f32 [tilespmem:s31], [sflag:$0xB], $0x90, s14, s21, $0xb8;
	[tilespmem:$0x1DA10] =	vst v63  }
0x79: {  	_ =	swait.ge [sflag:s0], $0x1680  }
0x7a: {  	s15 =	rddreg [dreg:$0x3];
	[sflag:s0] =	ssyncset.done $0x0  }
0x7b: {  	[sflag:s0] =	ssyncadd.s32 $0xFFFFE980;
	s6 =	sadd.s32 $0x0, s15  }
0x7c: {  	[tilespmem:s19], [sflag:$0x5] =	stream.linear.gather [hbm4b:s6+s3], $0x50, $0x38;
	[tilespmem:$0x1DA10] =	vst v63  }
0x7d: {  	_ =	swait.ge [sflag:s30], $0x50  }
0x7e: {  	[sflag:s30] =	ssyncset.done $0x0  }
0x7f: {  	s15 =	simm.s32 $0x32;
	s6 =	sadd.s32 $0x190, s8;
	[sflag:s30] =	ssyncadd.s32 $0xFFFFFFB0  }
.LBB2_2:
0x80: {  	[tilespmem:s31], [sflag:$0xA] =	stream.indirect.gather [hbm4b:s4+s21], $0x90, s19, s21, $0xb8;
	[tilespmem:$0x1DA10] =	vst v63  }
0x81: {  	_ =	swait.ge [sflag:s2], $0x1680  }
0x82: {  	[sflag:s2] =	ssyncset.done $0x0  }
0x83: {  	[sflag:s2] =	ssyncadd.s32 $0xFFFFE980  }
0x84: {  	[spmem:s1] =	stream.indirect.scatter.add.f32 [tilespmem:s22], [sflag:$0xB], $0x90, s21, s21, $0xb8;
	[tilespmem:$0x1DA10] =	vst v63  }
0x85: {  	_ =	swait.ge [sflag:s0], $0x1680  }
0x86: {  	s10 =	sshrl.u32 s6, $0x3;
	[sflag:s0] =	ssyncset.done $0x0  }
0x87: {  	s10 =	sadd.s32 s5, s10;
	[sflag:s0] =	ssyncadd.s32 $0xFFFFE980  }
0x88: {  	[tilespmem:s3], [sflag:$0x1] =	stream.linear.gather [hbm4b:s10+s3], $0x50, $0x38;
	[tilespmem:$0x1DA10] =	vst v63  }
0x89: {  	_ =	swait.ge [sflag:s20], $0x50  }
0x8a: {  	[sflag:s20] =	ssyncset.done $0x0  }
0x8b: {  	[sflag:s20] =	ssyncadd.s32 $0xFFFFFFB0  }
0x8c: {  	[tilespmem:s22], [sflag:$0x6] =	stream.indirect.gather [hbm4b:s4+s21], $0x90, s3, s21, $0xb8;
	[tilespmem:$0x1DA10] =	vst v63  }
0x8d: {  	_ =	swait.ge [sflag:s7], $0x1680  }
0x8e: {  	[sflag:s7] =	ssyncset.done $0x0  }
0x8f: {  	s10 =	simm.s32 $0x78;
	[sflag:s7] =	ssyncadd.s32 $0xFFFFE980  }
0x90: {  	[spmem:s1] =	stream.indirect.scatter.add.f32 [tilespmem:s24], [sflag:$0xB], $0x90, s10, s21, $0xb8;
	[tilespmem:$0x1DA10] =	vst v63  }
0x91: {  	_ =	swait.ge [sflag:s0], $0x1680  }
0x92: {  	s8 =	smov.u32 s15;
	s10 =	rddreg [dreg:$0x6];
	[sflag:s0] =	ssyncset.done $0x0  }
0x93: {  	[sflag:s0] =	ssyncadd.s32 $0xFFFFE980;
	s10 =	sadd.s32 s8, s10  }
0x94: {  	[tilespmem:s16], [sflag:$0x2] =	stream.linear.gather [hbm4b:s10+s3], $0x50, $0x38;
	[tilespmem:$0x1DA10] =	vst v63  }
0x95: {  	_ =	swait.ge [sflag:s23], $0x50  }
0x96: {  	[sflag:s23] =	ssyncset.done $0x0  }
0x97: {  	[sflag:s23] =	ssyncadd.s32 $0xFFFFFFB0  }
0x98: {  	[tilespmem:s24], [sflag:$0x7] =	stream.indirect.gather [hbm4b:s4+s21], $0x90, s16, s21, $0xb8;
	[tilespmem:$0x1DA10] =	vst v63  }
0x99: {  	_ =	swait.ge [sflag:s9], $0x1680  }
0x9a: {  	[sflag:s9] =	ssyncset.done $0x0  }
0x9b: {  	s10 =	simm.s32 $0xC8;
	[sflag:s9] =	ssyncadd.s32 $0xFFFFE980  }
0x9c: {  	[spmem:s1] =	stream.indirect.scatter.add.f32 [tilespmem:s26], [sflag:$0xB], $0x90, s10, s21, $0xb8;
	[tilespmem:$0x1DA10] =	vst v63  }
0x9d: {  	_ =	swait.ge [sflag:s0], $0x1680  }
0x9e: {  	s10 =	rddreg [dreg:$0x5];
	[sflag:s0] =	ssyncset.done $0x0  }
0x9f: {  	[sflag:s0] =	ssyncadd.s32 $0xFFFFE980;
	s10 =	sadd.s32 s8, s10  }
0xa0: {  	[tilespmem:s17], [sflag:$0x3] =	stream.linear.gather [hbm4b:s10+s3], $0x50, $0x38;
	[tilespmem:$0x1DA10] =	vst v63  }
0xa1: {  	_ =	swait.ge [sflag:s25], $0x50  }
0xa2: {  	[sflag:s25] =	ssyncset.done $0x0  }
0xa3: {  	[sflag:s25] =	ssyncadd.s32 $0xFFFFFFB0  }
0xa4: {  	[tilespmem:s26], [sflag:$0x8] =	stream.indirect.gather [hbm4b:s4+s21], $0x90, s17, s21, $0xb8;
	[tilespmem:$0x1DA10] =	vst v63  }
0xa5: {  	_ =	swait.ge [sflag:s11], $0x1680  }
0xa6: {  	[sflag:s11] =	ssyncset.done $0x0  }
0xa7: {  	[sflag:s11] =	ssyncadd.s32 $0xFFFFE980  }
0xa8: {  	[spmem:s1] =	stream.indirect.scatter.add.f32 [tilespmem:s29], [sflag:$0xB], $0x90, s12, s21, $0xb8;
	[tilespmem:$0x1DA10] =	vst v63  }
0xa9: {  	_ =	swait.ge [sflag:s0], $0x1680  }
0xaa: {  	s10 =	rddreg [dreg:$0x4];
	[sflag:s0] =	ssyncset.done $0x0  }
0xab: {  	[sflag:s0] =	ssyncadd.s32 $0xFFFFE980;
	s10 =	sadd.s32 s8, s10  }
0xac: {  	[tilespmem:s18], [sflag:$0x4] =	stream.linear.gather [hbm4b:s10+s3], $0x50, $0x38;
	[tilespmem:$0x1DA10] =	vst v63  }
0xad: {  	_ =	swait.ge [sflag:s28], $0x50  }
0xae: {  	[sflag:s28] =	ssyncset.done $0x0  }
0xaf: {  	[sflag:s28] =	ssyncadd.s32 $0xFFFFFFB0  }
0xb0: {  	[tilespmem:s29], [sflag:$0x9] =	stream.indirect.gather [hbm4b:s4+s21], $0x90, s18, s21, $0xb8;
	[tilespmem:$0x1DA10] =	vst v63  }
0xb1: {  	_ =	swait.ge [sflag:s13], $0x1680  }
0xb2: {  	[sflag:s13] =	ssyncset.done $0x0  }
0xb3: {  	[sflag:s13] =	ssyncadd.s32 $0xFFFFE980  }
0xb4: {  	[spmem:s1] =	stream.indirect.scatter.add.f32 [tilespmem:s31], [sflag:$0xB], $0x90, s14, s21, $0xb8;
	[tilespmem:$0x1DA10] =	vst v63  }
0xb5: {  	_ =	swait.ge [sflag:s0], $0x1680  }
0xb6: {  	p0 =	sne.s32 s15, $0x960;
	s10 =	rddreg [dreg:$0x3];
	[sflag:s0] =	ssyncset.done $0x0  }
.Ltmp0:
0xb7: {  	[sflag:s0] =	ssyncadd.s32 $0xFFFFE980;
	s8 =	sadd.s32 s8, s10;
	(pc) =	sbr.rel @p0 .LBB2_2-.Ltmp0, $4  }
0xb8: {  	[tilespmem:s19], [sflag:$0x5] =	stream.linear.gather [hbm4b:s8+s3], $0x50, $0x38;
	[tilespmem:$0x1DA10] =	vst v63  }
0xb9: {  	_ =	swait.ge [sflag:s30], $0x50  }
0xba: {  	[sflag:s30] =	ssyncset.done $0x0  }
0xbb: {  	s15 =	sadd.s32 $0x32, s15;
	s6 =	sadd.s32 $0x190, s6;
	[sflag:s30] =	ssyncadd.s32 $0xFFFFFFB0  }
0xbc: {  	[tilespmem:s31], [sflag:$0xA] =	stream.indirect.gather [hbm4b:s4+s21], $0x90, s19, s21, $0xb8;
	[tilespmem:$0x1DA10] =	vst v63  }
0xbd: {  	_ =	swait.ge [sflag:s2], $0x1680  }
0xbe: {  	[sflag:s2] =	ssyncset.done $0x0  }
0xbf: {  	[sflag:s2] =	ssyncadd.s32 $0xFFFFE980  }
0xc0: {  	[spmem:s1] =	stream.indirect.scatter.add.f32 [tilespmem:s22], [sflag:$0xB], $0x90, s21, s21, $0xb8;
	[tilespmem:$0x1DA10] =	vst v63  }
0xc1: {  	_ =	swait.ge [sflag:s0], $0x1680  }
0xc2: {  	[sflag:s0] =	ssyncset.done $0x0  }
0xc3: {  	[sflag:s0] =	ssyncadd.s32 $0xFFFFE980  }
0xc4: {  	_ =	swait.ge [sflag:s7], $0x1680  }
0xc5: {  	[sflag:s7] =	ssyncset.done $0x0  }
0xc6: {  	s6 =	simm.s32 $0x78;
	[sflag:s7] =	ssyncadd.s32 $0xFFFFE980  }
0xc7: {  	[spmem:s1] =	stream.indirect.scatter.add.f32 [tilespmem:s24], [sflag:$0xB], $0x90, s6, s21, $0xb8;
	[tilespmem:$0x1DA10] =	vst v63  }
0xc8: {  	_ =	swait.ge [sflag:s0], $0x1680  }
0xc9: {  	[sflag:s0] =	ssyncset.done $0x0  }
0xca: {  	[sflag:s0] =	ssyncadd.s32 $0xFFFFE980  }
0xcb: {  	_ =	swait.ge [sflag:s9], $0x1680  }
0xcc: {  	[sflag:s9] =	ssyncset.done $0x0  }
0xcd: {  	s10 =	simm.s32 $0xC8;
	[sflag:s9] =	ssyncadd.s32 $0xFFFFE980  }
0xce: {  	[spmem:s1] =	stream.indirect.scatter.add.f32 [tilespmem:s26], [sflag:$0xB], $0x90, s10, s21, $0xb8;
	[tilespmem:$0x1DA10] =	vst v63  }
0xcf: {  	_ =	swait.ge [sflag:s0], $0x1680  }
0xd0: {  	[sflag:s0] =	ssyncset.done $0x0  }
0xd1: {  	[sflag:s0] =	ssyncadd.s32 $0xFFFFE980  }
0xd2: {  	_ =	swait.ge [sflag:s11], $0x1680  }
0xd3: {  	[sflag:s11] =	ssyncset.done $0x0  }
0xd4: {  	[sflag:s11] =	ssyncadd.s32 $0xFFFFE980  }
0xd5: {  	[spmem:s1] =	stream.indirect.scatter.add.f32 [tilespmem:s29], [sflag:$0xB], $0x90, s12, s21, $0xb8;
	[tilespmem:$0x1DA10] =	vst v63  }
0xd6: {  	_ =	swait.ge [sflag:s0], $0x1680  }
0xd7: {  	[sflag:s0] =	ssyncset.done $0x0  }
0xd8: {  	[sflag:s0] =	ssyncadd.s32 $0xFFFFE980  }
0xd9: {  	_ =	swait.ge [sflag:s13], $0x1680  }
0xda: {  	[sflag:s13] =	ssyncset.done $0x0  }
0xdb: {  	[sflag:s13] =	ssyncadd.s32 $0xFFFFE980  }
0xdc: {  	[spmem:s1] =	stream.indirect.scatter.add.f32 [tilespmem:s31], [sflag:$0xB], $0x90, s14, s21, $0xb8;
	[tilespmem:$0x1DA10] =	vst v63  }
0xdd: {  	_ =	swait.ge [sflag:s0], $0x1680  }
0xde: {  	[sflag:s0] =	ssyncset.done $0x0  }
0xdf: {  	[sflag:s0] =	ssyncadd.s32 $0xFFFFE980  }
0xe0: {  	[bflag:$0x0] =	sbarrier.arrive $0xFFFF  }
0xe1: {  	s15 =	rddreg [dreg:$0xe]  }
0xe2: {  	s8 =	rddreg [dreg:$0x12]  }
0xe3: {  	s10 =	rddreg [dreg:$0x13]  }
0xe4: {  	[hbm:s15], [sflag:s8] =	dma.local [spmem:s10], $0x2D00  }
0xe5: {  	_ =	swait.ge [sflag:s0], $0x2D00  }
0xe6: {  	s10 =	rddreg [dreg:$0x11]  }
0xe7: {  	s15 =	rddreg [dreg:$0xf];
	s8 =	sadd.s32 $0x1, s10  }
0xe8: {  	p0 =	sne.s32 s8, s15  }
.Ltmp1:
0xe9: {  	_ = 	snop;
	(pc) =	sbr.rel @p0 .LBB2_1-.Ltmp1, $3  }
0xea: {  	_ =	sdelay $0x1  }
0xeb: {  	[sflag:s0] =	ssyncset.done $0x0  }
0xec: {  	[sflag:s0] =	ssyncadd.s32 $0xFFFFD300  }
0xed: {  	_ =	sfence.sel $0x180000  }
0xee: {  	[bflag:$0x0] =	sbarrier.arrive $0xFFFF  }
0xef: {  	_ =	strace $0x90000047  }
0xf0: {  	s0 =	stileid.u32;
	[bflag:$0x2] =	sbarrier.arrive $0xFFFF  }
0xf1: {  	p0 =	sne.s32 s0, $0x0;
	s0 =	rddreg [dreg:$0x2]  }
0xf2: {  	s0 =	sadd.s32 @!p0 $0x100000, s0  }
0xf3: {  	[sflag:s0] =	ssyncadd.tile.s32 @!p0 $0x1;
	_ =	shalt  }
.Lfunc_end2:
_tile_overlayer_lowered:
.L_overlay_start_2:
0xf4: {  	(tag) =	ssettag $0x2  }
0xf5: {  	s0 =	rddreg [dreg:$0x0];
	s2 =	stileid.u32  }
0xf6: {  	s1 =	rddreg [dreg:$0x1];
	p0 =	sne.s32 s2, $0x0  }
0xf7: {  	s3 =	rddreg [dreg:$0x2];
	[bflag:$0x3] =	sbarrier.arrive $0xFFFF;
	s2 =	simm.s32 @!p0 $0x1C0B  }
0xf8: {  	[timem:s3], [sflag:s2] =	dma.local @!p0 [hbm:s0], s1  }
0xf9: {  	s0 =	simm.s32 @!p0 $0xB  }
0xfa: {  	_ =	swait.ge @!p0 [sflag:s0], s1  }
0xfb: {  	s1 =	ssub.s32 @!p0 $0x0, s1;
	[sflag:s0] =	ssyncset.done @!p0 $0x0  }
0xfc: {  	[sflag:s0] =	ssyncadd.s32 @!p0 s1  }
0xfd: {  	[bflag:$0x3] =	sbarrier.arrive $0xFFFF  }
0xfe: {  	_ =	shalt  }

// kernel: kernel.9.cloned.1.call-start
scs
__scs_entry_jumppad:
0x0: {  	(pc) =	sbr.rel $0x88, $3  }
0x1: {  	(tag) =	ssettag $0x0;
	lr =	simm.s32 $0x1  }
0x2: {  	[smem:$0x3F97] =	sst lr;
	_ =	strace $0xD0000000  }
0x3: {  	_ = 	snop  }
0x4: {  	_ = 	snop  }
0x5: {  	_ = 	snop  }
0x6: {  	_ = 	snop  }
0x7: {  	_ = 	snop  }
__scs_overlays_trampoline_lowered:
0x8: {  	[smem:$0x3FA6] =	sst s0  }
0x9: {  	[smem:$0x3FA7] =	sst s1  }
0xa: {  	[smem:$0x3FA8] =	sst s2  }
0xb: {  	[smem:$0x3FA9] =	sst s3  }
0xc: {  	[smem:$0x3FAA] =	sst s4  }
0xd: {  	[smem:$0x3FAB] =	sst s5  }
0xe: {  	[smem:$0x3FAC] =	sst s6  }
0xf: {  	[smem:$0x3FAD] =	sst s7  }
0x10: {  	[smem:$0x3FAE] =	sst s8  }
0x11: {  	[smem:$0x3FAF] =	sst s9;
	s0 =	simm.s32 @!p0 $0x0  }
0x12: {  	s1 =	sld [smem:$0x3F95];
	s0 =	simm.s32 @p0 $0x1  }
0x13: {  	[smem:$0x3FB0] =	sst s0;
	s0 =	simm.s32 @!p1 $0x0  }
0x14: {  	s2 =	sld [smem:$0x3F94];
	s0 =	simm.s32 @p1 $0x1  }
0x15: {  	[smem:$0x3FB1] =	sst s0;
	s0 =	simm.s32 @!p2 $0x0  }
0x16: {  	s3 =	sld [smem:$0x3FDB];
	s0 =	simm.s32 @p2 $0x1  }
0x17: {  	s4 =	simm.s32 $0x1BF5;
	[smem:$0x3FB3] =	sst s0  }
0x18: {  	s0 =	sld [smem:$0x3F96];
	_ =	swait.ge [sflag:s4], $0x0  }
0x19: {  	s7 =	sld [smem:$0x3F97]  }
0x1a: {  	s8 =	sadd.s32 $0xFFFFE003, lr  }
0x1b: {  	s9 =	sadd.s32 $0xFFFFFEF7, lr;
	s5 =	simm.s32 $0xFFFFFFFF;
	p2 =	slt.u32 s8, $0xFFFFF086  }
0x1c: {  	p1 =	slt.u32 s9, $0xF7A;
	s5 =	simm.s32 @!p2 $0x0  }
0x1d: {  	s5 =	simm.s32 @p1 $0x1;
	p0 =	seq.s32 s7, s2  }
0x1e: {  	s7 =	smul.u32 @!p0 $0xF7A, s2;
	p2 =	seq.s32 @!p0 s5, $0x0  }
0x1f: {  	s9 =	smul.u32 $0xF7A, s1;
	s8 =	simm.s32 @!p0 $0x1BF5;
	p2 =	por !p2, p0  }
0x20: {  	[sflag:s8] =	ssyncset.s32 @!p0 $0xFFFFF086;
	s6 =	sadd.s32 @!p0 s3, s7;
	s7 =	simm.s32 @!p0 $0x108  }
0x21: {  	s3 =	sadd.s32 s3, s9;
	s6 =	sadd.s32 @!p0 $0x88, s6;
	s7 =	simm.s32 @p2 $0x1082  }
0x22: {  	[simem:s7], [sflag:s8] =	dma.local @!p0 [hbm:s6], $0xF7A  }
0x23: {  	s9 =	sor.u32 $0xD0000000, s2;
	s6 =	simm.s32 $0x108;
	_ =	swait.ge @!p0 [sflag:s8], $0x0  }
0x24: {  	s3 =	sadd.s32 $0x88, s3;
	s6 =	simm.s32 @!p1 $0x1082;
	[sflag:s4] =	ssyncset.s32 $0xFFFFF086  }
0x25: {  	[simem:s6], [sflag:s4] =	dma.local [hbm:s3], $0xF7A  }
0x26: {  	[smem:$0x3F97] =	sst s1;
	(tag) =	ssettag s2;
	_ =	strace s9  }
0x27: {  	s1 =	sld [smem:$0x3FA7]  }
0x28: {  	s2 =	sld [smem:$0x3FA8]  }
0x29: {  	s4 =	sld [smem:$0x3FAA]  }
0x2a: {  	p0 =	seq.s32 s5, $0x0;
	s5 =	sld [smem:$0x3FAB]  }
0x2b: {  	s6 =	sld [smem:$0x3FAC]  }
0x2c: {  	s7 =	sld [smem:$0x3FAD]  }
0x2d: {  	s3 =	simm.s32 $0x108;
	s8 =	sld [smem:$0x3FAE]  }
0x2e: {  	s3 =	simm.s32 @!p0 $0x1082;
	s9 =	sld [smem:$0x3FAF]  }
0x2f: {  	lr =	sadd.s32 s0, s3;
	s0 =	sld [smem:$0x3FA6]  }
0x30: {  	s3 =	sld [smem:$0x3FA9]  }
0x31: {  	[smem:$0x3FB2] =	sst s10  }
0x32: {  	s10 =	sld [smem:$0x3FB0];
	_ =	sdelay $0x3  }
0x33: {  	p0 =	seq.s32 s10, $0x1;
	s10 =	sld [smem:$0x3FB2];
	_ =	sdelay $0x3  }
0x34: {  	[smem:$0x3FB2] =	sst s10  }
0x35: {  	s10 =	sld [smem:$0x3FB1];
	_ =	sdelay $0x3  }
0x36: {  	p1 =	seq.s32 s10, $0x1;
	s10 =	sld [smem:$0x3FB2];
	_ =	sdelay $0x3  }
0x37: {  	[smem:$0x3FB2] =	sst s10  }
0x38: {  	s10 =	sld [smem:$0x3FB3]  }
0x39: {  	_ = 	snop;
	(pc) =	sbr.ind lr, $3  }
0x3a: {  	_ = 	snop  }
0x3b: {  	_ = 	snop  }
0x3c: {  	p2 =	seq.s32 s10, $0x1;
	s10 =	sld [smem:$0x3FB2]  }
0x3d: {  	_ =	shalt  }
0x3e: {  	_ =	shalt  }
0x3f: {  	_ =	shalt  }
0x40: {  	_ =	shalt  }
0x41: {  	_ =	shalt  }
0x42: {  	_ =	shalt  }
0x43: {  	_ =	shalt  }
0x44: {  	_ =	shalt  }
0x45: {  	_ =	shalt  }
0x46: {  	_ =	shalt  }
0x47: {  	_ =	shalt  }
0x48: {  	_ =	shalt  }
0x49: {  	_ =	shalt  }
0x4a: {  	_ =	shalt  }
0x4b: {  	_ =	shalt  }
0x4c: {  	_ =	shalt  }
0x4d: {  	_ =	shalt  }
0x4e: {  	_ =	shalt  }
0x4f: {  	_ =	shalt  }
0x50: {  	_ =	shalt  }
0x51: {  	_ =	shalt  }
0x52: {  	_ =	shalt  }
0x53: {  	_ =	shalt  }
0x54: {  	_ =	shalt  }
0x55: {  	_ =	shalt  }
0x56: {  	_ =	shalt  }
0x57: {  	_ =	shalt  }
0x58: {  	_ =	shalt  }
0x59: {  	_ =	shalt  }
0x5a: {  	_ =	shalt  }
0x5b: {  	_ =	shalt  }
0x5c: {  	_ =	shalt  }
0x5d: {  	_ =	shalt  }
0x5e: {  	_ =	shalt  }
0x5f: {  	_ =	shalt  }
0x60: {  	_ =	shalt  }
0x61: {  	_ =	shalt  }
0x62: {  	_ =	shalt  }
0x63: {  	_ =	shalt  }
0x64: {  	_ =	shalt  }
0x65: {  	_ =	shalt  }
0x66: {  	_ =	shalt  }
0x67: {  	_ =	shalt  }
0x68: {  	_ =	shalt  }
0x69: {  	_ =	shalt  }
0x6a: {  	_ =	shalt  }
0x6b: {  	_ =	shalt  }
0x6c: {  	_ =	shalt  }
0x6d: {  	_ =	shalt  }
0x6e: {  	_ =	shalt  }
0x6f: {  	_ =	shalt  }
0x70: {  	_ =	shalt  }
0x71: {  	_ =	shalt  }
0x72: {  	_ =	shalt  }
0x73: {  	_ =	shalt  }
0x74: {  	_ =	shalt  }
0x75: {  	_ =	shalt  }
0x76: {  	_ =	shalt  }
0x77: {  	_ =	shalt  }
0x78: {  	_ =	shalt  }
0x79: {  	_ =	shalt  }
0x7a: {  	_ =	shalt  }
0x7b: {  	_ =	shalt  }
0x7c: {  	_ =	shalt  }
0x7d: {  	_ =	shalt  }
0x7e: {  	_ =	shalt  }
0x7f: {  	_ =	shalt  }
0x80: {  	_ =	shalt  }
0x81: {  	_ =	shalt  }
0x82: {  	_ =	shalt  }
0x83: {  	_ =	shalt  }
0x84: {  	_ =	shalt  }
0x85: {  	_ =	shalt  }
0x86: {  	_ =	shalt  }
0x87: {  	_ =	shalt  }
.Lfunc_end0:
.L_simem_size_0:
called_computation.1_lowered:
.L_overlay_start_0:
0x88: {  	s2 =	sld [smem:$0x3FD9]  }
0x89: {  	s3 =	sld [smem:$0x3FFE];
	_ =	sdelay $0x1  }
0x8a: {  	s1 =	srdreg.scid  }
0x8b: {  	s0 =	sand.u32 $0x1, s1  }
0x8c: {  	s17 =	sshll.u32 s0, $0xA;
	s2 =	sadd.s32 s3, s2  }
0x8d: {  	s2 =	sadd.s32 s2, s17  }
0x8e: {  	[smem:$0x3FBE] =	sst s2  }
0x8f: {  	_ = 	snop  }
0x90: {  	s2 =	sld [smem:$0x3FD0];
	(tm) =	ssettm $0x1  }
0x91: {  	s18 =	sld [smem:$0x3FFB];
	_ =	sdelay $0x3  }
0x92: {  	_ =	strace s18  }
0x93: {  	s3 =	sld [smem:$0x3FFC];
	_ =	sdelay $0x3  }
0x94: {  	_ =	strace s3  }
0x95: {  	s3 =	sld [smem:$0x3FFD];
	_ =	sdelay $0x3  }
0x96: {  	_ =	strace s3  }
0x97: {  	_ =	strace $0x8FFFFFFF  }
0x98: {  	s19 =	sld [smem:$0x3FDB];
	_ =	sdelay $0x1  }
0x99: {  	s4 =	simm.s32 $_scs_section_size  }
0x9a: {  	s5 =	simm.s32 $_size__tile_overlayer_lowered;
	s6 =	simm.s32 $_tile_overlayer_lowered  }
0x9b: {  	s22 =	simm.s32 $0x1BFF;
	s21 =	sshll.u32 s6, $0x1;
	s3 =	sadd.s32 s4, s19  }
0x9c: {  	s7 =	simm.s32 $0x0;
	s20 =	sshll.u32 s5, $0x1;
	s5 =	sadd.s32 s21, s3  }
0x9d: {  	[timem:s7], [sflag:s22] =	dma.local [hbm:s5], s20  }
0x9e: {  	_ =	swait.ge [sflag:s22], s20  }
0x9f: {  	s4 =	ssub.s32 $0x0, s20;
	[sflag:s22] =	ssyncset.done $0x0  }
0xa0: {  	[sflag:s22] =	ssyncadd.s32 s4;
	_ =	sdelay $0x1  }
0xa1: {  	s23 =	simm.s32 $0x1B8B  }
0xa2: {  	_ =	swait.ge [sflag:s23], $0x1  }
0xa3: {  	[sflag:s23] =	ssyncset.done $0x0  }
0xa4: {  	s25 =	simm.s32 $0x1B8E;
	s24 =	sld [smem:$0x3FFE];
	[sflag:s23] =	ssyncadd.s32 $0xFFFFFFFF  }
0xa5: {  	s26 =	simm.s32 $execute0_lowered;
	[smem:$0x3FD2] =	sst s25  }
0xa6: {  	s5 =	sshll.u32 s26, $0x1;
	_ =	strace $0x80000049;
	[dreg:$0x1] =	wrdreg $0xFFFFFFFF  }
0xa7: {  	s28 =	simm.s32 $_size_execute0_lowered;
	s3 =	sadd.s32 s3, s5;
	[dreg:$0x0] =	wrdreg $0x0  }
0xa8: {  	s5 =	sshll.u32 s28, $0x1;
	[dreg:$0x2] =	wrdreg s3  }
0xa9: {  	[dreg:$0x3] =	wrdreg s5  }
0xaa: {  	[dreg:$0x4] =	wrdreg $0xC0  }
0xab: {  	_ =	task [dreg:s7], $0x5FFFF  }
0xac: {  	[dreg:$0x1] =	wrdreg $0xFFFFFFFF  }
0xad: {  	[dreg:$0x0] =	wrdreg $0x60  }
0xae: {  	[dreg:$0x2] =	wrdreg s2  }
0xaf: {  	[dreg:$0x3] =	wrdreg s24  }
0xb0: {  	[dreg:$0x4] =	wrdreg $0x65900  }
0xb1: {  	[dreg:$0x5] =	wrdreg $0x9  }
0xb2: {  	_ =	task.clear_ibuf [dreg:s7], $0x6FFFF;
	_ =	strace $0x90000049  }
0xb3: {  	s29 =	simm.s32 $0x9;
	_ =	strace $0x8000004B  }
0xb4: {  	_ =	swait.ge [sflag:s29], $0x1  }
0xb5: {  	[sflag:s29] =	ssyncadd.s32 $0xFFFFFFFF  }
0xb6: {  	_ =	strace $0x9000004B  }
0xb7: {  	_ =	sfence  }
0xb8: {  	s30 =	sld [smem:$0x0];
	_ =	sdelay $0x2  }
0xb9: {  	s31 =	sshll.u32 s1, $0xD;
	s1 =	sshrl.u32 s1, $0x2  }
0xba: {  	s3 =	sand.u32 $0x4000, s31;
	s1 =	sadd.s32 s1, s30  }
0xbb: {  	s0 =	sor.u32 s3, s0;
	s1 =	sshll.u32 s1, $0x11  }
0xbc: {  	s0 =	sor.u32 s1, s0  }
0xbd: {  	s0 =	sadd.s32 $0x8F2B, s0  }
0xbe: {  	[sflag:s0] =	ssyncadd.remote.s32 $0x1  }
0xbf: {  	_ =	sfence.sel $0xFFFF  }
0xc0: {  	[dreg:$0x0] =	wrdreg $0xFFFFFFFF;
	(pc) =	sbr.abs _section_cstart, $3  }
0xc1: {  	[dreg:$0x1] =	wrdreg $0xFFFFFFFF  }
0xc2: {  	_ =	task.clear_ibuf [dreg:s7], $0x2FFFF;
	_ =	strace $0x9FFFFFFF  }
0xc3: {  	(tm) =	ssettm $0x7FFFFFFF  }
tec
execute0_lowered:
.L_overlay_start_1:
0x0: {  	(tag) =	ssettag $0x1  }
0x1: {  	s1 =	rddreg [dreg:$0x0]  }
0x2: {  	s0 =	rddreg [dreg:$0x1]  }
0x3: {  	s3 =	rddreg [dreg:$0x2]  }
0x4: {  	s4 =	simm.s32 $0x0;
	s10 =	stileid.u32;
	s2 =	srdreg.scid  }
0x5: {  	s28 =	simm.s32 $0x4;
	s29 =	simm.s32 $0x3D90;
	s30 =	simm.s32 $0x5  }
0x6: {  	s31 =	simm.s32 $0x5190;
	[smem:$0x7FF] =	sst s4;
	s6 =	smul.u32 $0x14000, s10  }
0x7: {  	s2 =	sand.u32 $0x1, s2;
	s5 =	sshll.u32 s10, $0x1;
	s10 =	smul.u32 $0x9C40, s10  }
0x8: {  	_ =	strace $0x8000004A;
	s7 =	smul.u32 $0x140000, s2;
	s8 =	sor.u32 s2, s5  }
0x9: {  	s5 =	sadd.s32 $0x2000, s0;
	s11 =	ssub.s32 $0x2, s2;
	s2 =	smul.u32 $0x4E20, s2  }
0xa: {  	s9 =	sshrl.u32 s6, $0x3;
	s8 =	smul.u32 $0x4E20, s8;
	s26 =	sshrl.u32 s11, $0x1  }
0xb: {  	s9 =	sadd.s32 s9, s0;
	s7 =	sadd.s32 s6, s7;
	s2 =	sadd.s32 s2, s10  }
0xc: {  	s6 =	sadd.s32 s6, s3;
	s7 =	sshrl.u32 s7, $0x3;
	s8 =	sshrl.u32 s8, $0x3  }
0xd: {  	s14 =	sadd.s32 $0x2D0, s2;
	[dreg:$0xd] =	wrdreg s6;
	s18 =	sadd.s32 $0x280, s2  }
0xe: {  	s20 =	sadd.s32 $0x230, s2;
	s21 =	sadd.s32 $0x1E0, s2;
	s9 =	sadd.s32 $0x15A00, s9  }
0xf: {  	s0 =	sadd.s32 s7, s0;
	s7 =	ssub.s32 s11, s26;
	s12 =	sadd.s32 s5, s8  }
0x10: {  	s19 =	sshrl.u32 s18, $0x3;
	s23 =	sshrl.u32 s21, $0x3;
	[dreg:$0xe] =	wrdreg s9  }
0x11: {  	s26 =	sadd.s32 $0x190, s2;
	s18 =	simm.s32 $0xF0;
	[dreg:$0x8] =	wrdreg s12  }
0x12: {  	s21 =	simm.s32 $0x28;
	s8 =	sadd.s32 $0xA, s12;
	[dreg:$0x11] =	wrdreg s26  }
0x13: {  	s2 =	simm.s32 $0x6;
	s13 =	sadd.s32 $0x14, s12;
	[dreg:$0x9] =	wrdreg s8  }
0x14: {  	s9 =	simm.s32 $0x8;
	s15 =	sadd.s32 $0x1E, s12;
	[dreg:$0xa] =	wrdreg s13  }
0x15: {  	s11 =	simm.s32 $0x9;
	s16 =	sadd.s32 $0x28, s12;
	[dreg:$0xb] =	wrdreg s15  }
0x16: {  	s6 =	sadd.s32 s19, s5;
	s24 =	sadd.s32 s23, s5;
	[dreg:$0xc] =	wrdreg s16  }
0x17: {  	s0 =	sadd.s32 $0x3DA00, s0;
	s25 =	smax.u32 s7, $0x1;
	[dreg:$0x5] =	wrdreg s6  }
0x18: {  	s19 =	simm.s32 $0x140;
	s23 =	simm.s32 $0x2;
	[dreg:$0xf] =	wrdreg s0  }
0x19: {  	s26 =	simm.s32 $0x2990;
	s7 =	simm.s32 $0x7;
	[dreg:$0x10] =	wrdreg s25  }
0x1a: {  	s12 =	simm.s32 $0x118;
	s8 =	sshrl.u32 s14, $0x3;
	[dreg:$0x7] =	wrdreg s24  }
0x1b: {  	s16 =	simm.s32 $0x50;
	s24 =	simm.s32 $0x1590;
	s25 =	simm.s32 $0x3  }
0x1c: {  	s0 =	simm.s32 $0xB;
	s13 =	simm.s32 $0xA;
	s14 =	simm.s32 $0x168  }
0x1d: {  	s17 =	sadd.s32 s8, s5;
	s8 =	sshrl.u32 s20, $0x3;
	s20 =	simm.s32 $0x1  }
0x1e: {  	[dreg:$0x4] =	wrdreg s17;
	s22 =	sadd.s32 s8, s5;
	s17 =	simm.s32 $0xA0  }
0x1f: {  	s8 =	simm.s32 $0x0;
	[dreg:$0x6] =	wrdreg s22;
	s22 =	simm.s32 $0x190  }
.LBB2_1:
0x20: {  	[dreg:$0x12] =	wrdreg s8  }
0x21: {  	s6 =	rddreg [dreg:$0x8]  }
0x22: {  	[tilespmem:s4], [sflag:$0x1] =	stream.linear.gather [hbm4b:s6+s4], $0x50, $0x38;
	[tilespmem:$0x1A590] =	vst v63  }
0x23: {  	s15 =	rddreg [dreg:$0x9]  }
0x24: {  	[tilespmem:s16], [sflag:$0x2] =	stream.linear.gather [hbm4b:s15+s4], $0x50, $0x38;
	[tilespmem:$0x1A590] =	vst v63  }
0x25: {  	s8 =	rddreg [dreg:$0xa]  }
0x26: {  	[tilespmem:s17], [sflag:$0x3] =	stream.linear.gather [hbm4b:s8+s4], $0x50, $0x38;
	[tilespmem:$0x1A590] =	vst v63  }
0x27: {  	s10 =	rddreg [dreg:$0xb]  }
0x28: {  	[tilespmem:s18], [sflag:$0x4] =	stream.linear.gather [hbm4b:s10+s4], $0x50, $0x38;
	[tilespmem:$0x1A590] =	vst v63  }
0x29: {  	s15 =	rddreg [dreg:$0xc]  }
0x2a: {  	[tilespmem:s19], [sflag:$0x5] =	stream.linear.gather [hbm4b:s15+s4], $0x50, $0x38;
	[tilespmem:$0x1A590] =	vst v63  }
0x2b: {  	_ =	swait.ge [sflag:s20], $0x50  }
0x2c: {  	[sflag:s20] =	ssyncset.done $0x0  }
0x2d: {  	[sflag:s20] =	ssyncadd.s32 $0xFFFFFFB0  }
0x2e: {  	[tilespmem:s22], [sflag:$0x6] =	stream.indirect.gather [hbm4b:s1+s21], $0x80, s4, s21, $0xb8;
	[tilespmem:$0x1A590] =	vst v63  }
0x2f: {  	_ =	swait.ge [sflag:s23], $0x50  }
0x30: {  	[sflag:s23] =	ssyncset.done $0x0  }
0x31: {  	[sflag:s23] =	ssyncadd.s32 $0xFFFFFFB0  }
0x32: {  	[tilespmem:s24], [sflag:$0x7] =	stream.indirect.gather [hbm4b:s1+s21], $0x80, s16, s21, $0xb8;
	[tilespmem:$0x1A590] =	vst v63  }
0x33: {  	_ =	swait.ge [sflag:s25], $0x50  }
0x34: {  	[sflag:s25] =	ssyncset.done $0x0  }
0x35: {  	[sflag:s25] =	ssyncadd.s32 $0xFFFFFFB0  }
0x36: {  	[tilespmem:s26], [sflag:$0x8] =	stream.indirect.gather [hbm4b:s1+s21], $0x80, s17, s21, $0xb8;
	[tilespmem:$0x1A590] =	vst v63  }
0x37: {  	s8 =	stileid.u32;
	_ =	swait.ge [sflag:s28], $0x50  }
0x38: {  	s6 =	sshll.u32 s8, $0x6;
	[sflag:s28] =	ssyncset.done $0x0  }
0x39: {  	s8 =	sor.u32 $0x1C0B, s6;
	[sflag:s28] =	ssyncadd.s32 $0xFFFFFFB0  }
0x3a: {  	[tilespmem:s29], [sflag:$0x9] =	stream.indirect.gather [hbm4b:s1+s21], $0x80, s18, s21, $0xb8;
	[tilespmem:$0x1A590] =	vst v63  }
0x3b: {  	_ =	swait.ge [sflag:s30], $0x50;
	[dreg:$0x13] =	wrdreg s8  }
0x3c: {  	[sflag:s30] =	ssyncset.done $0x0;
	s10 =	rddreg [dreg:$0xd]  }
0x3d: {  	s15 =	rddreg [dreg:$0xe];
	[sflag:s30] =	ssyncadd.s32 $0xFFFFFFB0;
	s10 =	sshrl.u32 s10, $0x3  }
0x3e: {  	[tilespmem:s31], [sflag:$0xA] =	stream.indirect.gather [hbm4b:s1+s21], $0x80, s19, s21, $0xb8;
	[tilespmem:$0x1A590] =	vst v63  }
0x3f: {  	[dreg:$0x14] =	wrdreg s10  }
0x40: {  	[spmem:s10], [sflag:s8] =	dma.local [hbm:s15], $0x2800  }
0x41: {  	_ =	swait.ge [sflag:s0], $0x2800  }
0x42: {  	[sflag:s0] =	ssyncset.done $0x0  }
0x43: {  	[sflag:s0] =	ssyncadd.s32 $0xFFFFD800  }
0x44: {  	[bflag:$0x0] =	sbarrier.arrive $0xFFFF  }
0x45: {  	_ =	swait.ge [sflag:s2], $0x1400  }
0x46: {  	[sflag:s2] =	ssyncset.done $0x0  }
0x47: {  	[sflag:s2] =	ssyncadd.s32 $0xFFFFEC00  }
0x48: {  	[spmem:s3] =	stream.indirect.scatter.add.f32 [tilespmem:s22], [sflag:$0xB], $0x80, s21, s21, $0xb8;
	[tilespmem:$0x1A590] =	vst v63  }
0x49: {  	_ =	swait.ge [sflag:s0], $0x1400  }
0x4a: {  	s8 =	rddreg [dreg:$0x11]  }
0x4b: {  	[sflag:s0] =	ssyncset.done $0x0;
	s15 =	sshrl.u32 s8, $0x3  }
0x4c: {  	[sflag:s0] =	ssyncadd.s32 $0xFFFFEC00;
	s6 =	sadd.s32 s5, s15  }
0x4d: {  	[tilespmem:s4], [sflag:$0x1] =	stream.linear.gather [hbm4b:s6+s4], $0x50, $0x38;
	[tilespmem:$0x1A590] =	vst v63  }
0x4e: {  	_ =	swait.ge [sflag:s20], $0x50  }
0x4f: {  	[sflag:s20] =	ssyncset.done $0x0  }
0x50: {  	[sflag:s20] =	ssyncadd.s32 $0xFFFFFFB0  }
0x51: {  	[tilespmem:s22], [sflag:$0x6] =	stream.indirect.gather [hbm4b:s1+s21], $0x80, s4, s21, $0xb8;
	[tilespmem:$0x1A590] =	vst v63  }
0x52: {  	_ =	swait.ge [sflag:s7], $0x1400  }
0x53: {  	[sflag:s7] =	ssyncset.done $0x0  }
0x54: {  	s10 =	simm.s32 $0x78;
	[sflag:s7] =	ssyncadd.s32 $0xFFFFEC00  }
0x55: {  	[spmem:s3] =	stream.indirect.scatter.add.f32 [tilespmem:s24], [sflag:$0xB], $0x80, s10, s21, $0xb8;
	[tilespmem:$0x1A590] =	vst v63  }
0x56: {  	_ =	swait.ge [sflag:s0], $0x1400  }
0x57: {  	s15 =	rddreg [dreg:$0x7];
	[sflag:s0] =	ssyncset.done $0x0  }
0x58: {  	[sflag:s0] =	ssyncadd.s32 $0xFFFFEC00;
	s6 =	sadd.s32 $0x0, s15  }
0x59: {  	[tilespmem:s16], [sflag:$0x2] =	stream.linear.gather [hbm4b:s6+s4], $0x50, $0x38;
	[tilespmem:$0x1A590] =	vst v63  }
0x5a: {  	_ =	swait.ge [sflag:s23], $0x50  }
0x5b: {  	[sflag:s23] =	ssyncset.done $0x0  }
0x5c: {  	[sflag:s23] =	ssyncadd.s32 $0xFFFFFFB0  }
0x5d: {  	[tilespmem:s24], [sflag:$0x7] =	stream.indirect.gather [hbm4b:s1+s21], $0x80, s16, s21, $0xb8;
	[tilespmem:$0x1A590] =	vst v63  }
0x5e: {  	_ =	swait.ge [sflag:s9], $0x1400  }
0x5f: {  	[sflag:s9] =	ssyncset.done $0x0  }
0x60: {  	s10 =	simm.s32 $0xC8;
	[sflag:s9] =	ssyncadd.s32 $0xFFFFEC00  }
0x61: {  	[spmem:s3] =	stream.indirect.scatter.add.f32 [tilespmem:s26], [sflag:$0xB], $0x80, s10, s21, $0xb8;
	[tilespmem:$0x1A590] =	vst v63  }
0x62: {  	_ =	swait.ge [sflag:s0], $0x1400  }
0x63: {  	s15 =	rddreg [dreg:$0x6];
	[sflag:s0] =	ssyncset.done $0x0  }
0x64: {  	[sflag:s0] =	ssyncadd.s32 $0xFFFFEC00;
	s6 =	sadd.s32 $0x0, s15  }
0x65: {  	[tilespmem:s17], [sflag:$0x3] =	stream.linear.gather [hbm4b:s6+s4], $0x50, $0x38;
	[tilespmem:$0x1A590] =	vst v63  }
0x66: {  	_ =	swait.ge [sflag:s25], $0x50  }
0x67: {  	[sflag:s25] =	ssyncset.done $0x0  }
0x68: {  	[sflag:s25] =	ssyncadd.s32 $0xFFFFFFB0  }
0x69: {  	[tilespmem:s26], [sflag:$0x8] =	stream.indirect.gather [hbm4b:s1+s21], $0x80, s17, s21, $0xb8;
	[tilespmem:$0x1A590] =	vst v63  }
0x6a: {  	_ =	swait.ge [sflag:s11], $0x1400  }
0x6b: {  	[sflag:s11] =	ssyncset.done $0x0  }
0x6c: {  	[sflag:s11] =	ssyncadd.s32 $0xFFFFEC00  }
0x6d: {  	[spmem:s3] =	stream.indirect.scatter.add.f32 [tilespmem:s29], [sflag:$0xB], $0x80, s12, s21, $0xb8;
	[tilespmem:$0x1A590] =	vst v63  }
0x6e: {  	_ =	swait.ge [sflag:s0], $0x1400  }
0x6f: {  	s10 =	rddreg [dreg:$0x5];
	[sflag:s0] =	ssyncset.done $0x0  }
0x70: {  	[sflag:s0] =	ssyncadd.s32 $0xFFFFEC00;
	s6 =	sadd.s32 $0x0, s10  }
0x71: {  	[tilespmem:s18], [sflag:$0x4] =	stream.linear.gather [hbm4b:s6+s4], $0x50, $0x38;
	[tilespmem:$0x1A590] =	vst v63  }
0x72: {  	_ =	swait.ge [sflag:s28], $0x50  }
0x73: {  	[sflag:s28] =	ssyncset.done $0x0  }
0x74: {  	[sflag:s28] =	ssyncadd.s32 $0xFFFFFFB0  }
0x75: {  	[tilespmem:s29], [sflag:$0x9] =	stream.indirect.gather [hbm4b:s1+s21], $0x80, s18, s21, $0xb8;
	[tilespmem:$0x1A590] =	vst v63  }
0x76: {  	_ =	swait.ge [sflag:s13], $0x1400  }
0x77: {  	[sflag:s13] =	ssyncset.done $0x0  }
0x78: {  	[sflag:s13] =	ssyncadd.s32 $0xFFFFEC00  }
0x79: {  	[spmem:s3] =	stream.indirect.scatter.add.f32 [tilespmem:s31], [sflag:$0xB], $0x80, s14, s21, $0xb8;
	[tilespmem:$0x1A590] =	vst v63  }
0x7a: {  	_ =	swait.ge [sflag:s0], $0x1400  }
0x7b: {  	s15 =	rddreg [dreg:$0x4];
	[sflag:s0] =	ssyncset.done $0x0  }
0x7c: {  	[sflag:s0] =	ssyncadd.s32 $0xFFFFEC00;
	s6 =	sadd.s32 $0x0, s15  }
0x7d: {  	[tilespmem:s19], [sflag:$0x5] =	stream.linear.gather [hbm4b:s6+s4], $0x50, $0x38;
	[tilespmem:$0x1A590] =	vst v63  }
0x7e: {  	_ =	swait.ge [sflag:s30], $0x50  }
0x7f: {  	[sflag:s30] =	ssyncset.done $0x0  }
0x80: {  	s15 =	simm.s32 $0x32;
	s6 =	sadd.s32 $0x190, s8;
	[sflag:s30] =	ssyncadd.s32 $0xFFFFFFB0  }
.LBB2_2:
0x81: {  	[tilespmem:s31], [sflag:$0xA] =	stream.indirect.gather [hbm4b:s1+s21], $0x80, s19, s21, $0xb8;
	[tilespmem:$0x1A590] =	vst v63  }
0x82: {  	_ =	swait.ge [sflag:s2], $0x1400  }
0x83: {  	[sflag:s2] =	ssyncset.done $0x0  }
0x84: {  	[sflag:s2] =	ssyncadd.s32 $0xFFFFEC00  }
0x85: {  	[spmem:s3] =	stream.indirect.scatter.add.f32 [tilespmem:s22], [sflag:$0xB], $0x80, s21, s21, $0xb8;
	[tilespmem:$0x1A590] =	vst v63  }
0x86: {  	_ =	swait.ge [sflag:s0], $0x1400  }
0x87: {  	s10 =	sshrl.u32 s6, $0x3;
	[sflag:s0] =	ssyncset.done $0x0  }
0x88: {  	s10 =	sadd.s32 s5, s10;
	[sflag:s0] =	ssyncadd.s32 $0xFFFFEC00  }
0x89: {  	[tilespmem:s4], [sflag:$0x1] =	stream.linear.gather [hbm4b:s10+s4], $0x50, $0x38;
	[tilespmem:$0x1A590] =	vst v63  }
0x8a: {  	_ =	swait.ge [sflag:s20], $0x50  }
0x8b: {  	[sflag:s20] =	ssyncset.done $0x0  }
0x8c: {  	[sflag:s20] =	ssyncadd.s32 $0xFFFFFFB0  }
0x8d: {  	[tilespmem:s22], [sflag:$0x6] =	stream.indirect.gather [hbm4b:s1+s21], $0x80, s4, s21, $0xb8;
	[tilespmem:$0x1A590] =	vst v63  }
0x8e: {  	_ =	swait.ge [sflag:s7], $0x1400  }
0x8f: {  	[sflag:s7] =	ssyncset.done $0x0  }
0x90: {  	s10 =	simm.s32 $0x78;
	[sflag:s7] =	ssyncadd.s32 $0xFFFFEC00  }
0x91: {  	[spmem:s3] =	stream.indirect.scatter.add.f32 [tilespmem:s24], [sflag:$0xB], $0x80, s10, s21, $0xb8;
	[tilespmem:$0x1A590] =	vst v63  }
0x92: {  	_ =	swait.ge [sflag:s0], $0x1400  }
0x93: {  	s8 =	smov.u32 s15;
	s10 =	rddreg [dreg:$0x7];
	[sflag:s0] =	ssyncset.done $0x0  }
0x94: {  	[sflag:s0] =	ssyncadd.s32 $0xFFFFEC00;
	s10 =	sadd.s32 s8, s10  }
0x95: {  	[tilespmem:s16], [sflag:$0x2] =	stream.linear.gather [hbm4b:s10+s4], $0x50, $0x38;
	[tilespmem:$0x1A590] =	vst v63  }
0x96: {  	_ =	swait.ge [sflag:s23], $0x50  }
0x97: {  	[sflag:s23] =	ssyncset.done $0x0  }
0x98: {  	[sflag:s23] =	ssyncadd.s32 $0xFFFFFFB0  }
0x99: {  	[tilespmem:s24], [sflag:$0x7] =	stream.indirect.gather [hbm4b:s1+s21], $0x80, s16, s21, $0xb8;
	[tilespmem:$0x1A590] =	vst v63  }
0x9a: {  	_ =	swait.ge [sflag:s9], $0x1400  }
0x9b: {  	[sflag:s9] =	ssyncset.done $0x0  }
0x9c: {  	s10 =	simm.s32 $0xC8;
	[sflag:s9] =	ssyncadd.s32 $0xFFFFEC00  }
0x9d: {  	[spmem:s3] =	stream.indirect.scatter.add.f32 [tilespmem:s26], [sflag:$0xB], $0x80, s10, s21, $0xb8;
	[tilespmem:$0x1A590] =	vst v63  }
0x9e: {  	_ =	swait.ge [sflag:s0], $0x1400  }
0x9f: {  	s10 =	rddreg [dreg:$0x6];
	[sflag:s0] =	ssyncset.done $0x0  }
0xa0: {  	[sflag:s0] =	ssyncadd.s32 $0xFFFFEC00;
	s10 =	sadd.s32 s8, s10  }
0xa1: {  	[tilespmem:s17], [sflag:$0x3] =	stream.linear.gather [hbm4b:s10+s4], $0x50, $0x38;
	[tilespmem:$0x1A590] =	vst v63  }
0xa2: {  	_ =	swait.ge [sflag:s25], $0x50  }
0xa3: {  	[sflag:s25] =	ssyncset.done $0x0  }
0xa4: {  	[sflag:s25] =	ssyncadd.s32 $0xFFFFFFB0  }
0xa5: {  	[tilespmem:s26], [sflag:$0x8] =	stream.indirect.gather [hbm4b:s1+s21], $0x80, s17, s21, $0xb8;
	[tilespmem:$0x1A590] =	vst v63  }
0xa6: {  	_ =	swait.ge [sflag:s11], $0x1400  }
0xa7: {  	[sflag:s11] =	ssyncset.done $0x0  }
0xa8: {  	[sflag:s11] =	ssyncadd.s32 $0xFFFFEC00  }
0xa9: {  	[spmem:s3] =	stream.indirect.scatter.add.f32 [tilespmem:s29], [sflag:$0xB], $0x80, s12, s21, $0xb8;
	[tilespmem:$0x1A590] =	vst v63  }
0xaa: {  	_ =	swait.ge [sflag:s0], $0x1400  }
0xab: {  	s10 =	rddreg [dreg:$0x5];
	[sflag:s0] =	ssyncset.done $0x0  }
0xac: {  	[sflag:s0] =	ssyncadd.s32 $0xFFFFEC00;
	s10 =	sadd.s32 s8, s10  }
0xad: {  	[tilespmem:s18], [sflag:$0x4] =	stream.linear.gather [hbm4b:s10+s4], $0x50, $0x38;
	[tilespmem:$0x1A590] =	vst v63  }
0xae: {  	_ =	swait.ge [sflag:s28], $0x50  }
0xaf: {  	[sflag:s28] =	ssyncset.done $0x0  }
0xb0: {  	[sflag:s28] =	ssyncadd.s32 $0xFFFFFFB0  }
0xb1: {  	[tilespmem:s29], [sflag:$0x9] =	stream.indirect.gather [hbm4b:s1+s21], $0x80, s18, s21, $0xb8;
	[tilespmem:$0x1A590] =	vst v63  }
0xb2: {  	_ =	swait.ge [sflag:s13], $0x1400  }
0xb3: {  	[sflag:s13] =	ssyncset.done $0x0  }
0xb4: {  	[sflag:s13] =	ssyncadd.s32 $0xFFFFEC00  }
0xb5: {  	[spmem:s3] =	stream.indirect.scatter.add.f32 [tilespmem:s31], [sflag:$0xB], $0x80, s14, s21, $0xb8;
	[tilespmem:$0x1A590] =	vst v63  }
0xb6: {  	_ =	swait.ge [sflag:s0], $0x1400  }
0xb7: {  	p0 =	sne.s32 s15, $0x960;
	s10 =	rddreg [dreg:$0x4];
	[sflag:s0] =	ssyncset.done $0x0  }
.Ltmp0:
0xb8: {  	[sflag:s0] =	ssyncadd.s32 $0xFFFFEC00;
	s8 =	sadd.s32 s8, s10;
	(pc) =	sbr.rel @p0 .LBB2_2-.Ltmp0, $4  }
0xb9: {  	[tilespmem:s19], [sflag:$0x5] =	stream.linear.gather [hbm4b:s8+s4], $0x50, $0x38;
	[tilespmem:$0x1A590] =	vst v63  }
0xba: {  	_ =	swait.ge [sflag:s30], $0x50  }
0xbb: {  	[sflag:s30] =	ssyncset.done $0x0  }
0xbc: {  	s15 =	sadd.s32 $0x32, s15;
	s6 =	sadd.s32 $0x190, s6;
	[sflag:s30] =	ssyncadd.s32 $0xFFFFFFB0  }
0xbd: {  	[tilespmem:s31], [sflag:$0xA] =	stream.indirect.gather [hbm4b:s1+s21], $0x80, s19, s21, $0xb8;
	[tilespmem:$0x1A590] =	vst v63  }
0xbe: {  	_ =	swait.ge [sflag:s2], $0x1400  }
0xbf: {  	[sflag:s2] =	ssyncset.done $0x0  }
0xc0: {  	[sflag:s2] =	ssyncadd.s32 $0xFFFFEC00  }
0xc1: {  	[spmem:s3] =	stream.indirect.scatter.add.f32 [tilespmem:s22], [sflag:$0xB], $0x80, s21, s21, $0xb8;
	[tilespmem:$0x1A590] =	vst v63  }
0xc2: {  	_ =	swait.ge [sflag:s0], $0x1400  }
0xc3: {  	[sflag:s0] =	ssyncset.done $0x0  }
0xc4: {  	[sflag:s0] =	ssyncadd.s32 $0xFFFFEC00  }
0xc5: {  	_ =	swait.ge [sflag:s7], $0x1400  }
0xc6: {  	[sflag:s7] =	ssyncset.done $0x0  }
0xc7: {  	s6 =	simm.s32 $0x78;
	[sflag:s7] =	ssyncadd.s32 $0xFFFFEC00  }
0xc8: {  	[spmem:s3] =	stream.indirect.scatter.add.f32 [tilespmem:s24], [sflag:$0xB], $0x80, s6, s21, $0xb8;
	[tilespmem:$0x1A590] =	vst v63  }
0xc9: {  	_ =	swait.ge [sflag:s0], $0x1400  }
0xca: {  	[sflag:s0] =	ssyncset.done $0x0  }
0xcb: {  	[sflag:s0] =	ssyncadd.s32 $0xFFFFEC00  }
0xcc: {  	_ =	swait.ge [sflag:s9], $0x1400  }
0xcd: {  	[sflag:s9] =	ssyncset.done $0x0  }
0xce: {  	s10 =	simm.s32 $0xC8;
	[sflag:s9] =	ssyncadd.s32 $0xFFFFEC00  }
0xcf: {  	[spmem:s3] =	stream.indirect.scatter.add.f32 [tilespmem:s26], [sflag:$0xB], $0x80, s10, s21, $0xb8;
	[tilespmem:$0x1A590] =	vst v63  }
0xd0: {  	_ =	swait.ge [sflag:s0], $0x1400  }
0xd1: {  	[sflag:s0] =	ssyncset.done $0x0  }
0xd2: {  	[sflag:s0] =	ssyncadd.s32 $0xFFFFEC00  }
0xd3: {  	_ =	swait.ge [sflag:s11], $0x1400  }
0xd4: {  	[sflag:s11] =	ssyncset.done $0x0  }
0xd5: {  	[sflag:s11] =	ssyncadd.s32 $0xFFFFEC00  }
0xd6: {  	[spmem:s3] =	stream.indirect.scatter.add.f32 [tilespmem:s29], [sflag:$0xB], $0x80, s12, s21, $0xb8;
	[tilespmem:$0x1A590] =	vst v63  }
0xd7: {  	_ =	swait.ge [sflag:s0], $0x1400  }
0xd8: {  	[sflag:s0] =	ssyncset.done $0x0  }
0xd9: {  	[sflag:s0] =	ssyncadd.s32 $0xFFFFEC00  }
0xda: {  	_ =	swait.ge [sflag:s13], $0x1400  }
0xdb: {  	[sflag:s13] =	ssyncset.done $0x0  }
0xdc: {  	[sflag:s13] =	ssyncadd.s32 $0xFFFFEC00  }
0xdd: {  	[spmem:s3] =	stream.indirect.scatter.add.f32 [tilespmem:s31], [sflag:$0xB], $0x80, s14, s21, $0xb8;
	[tilespmem:$0x1A590] =	vst v63  }
0xde: {  	_ =	swait.ge [sflag:s0], $0x1400  }
0xdf: {  	[sflag:s0] =	ssyncset.done $0x0  }
0xe0: {  	[sflag:s0] =	ssyncadd.s32 $0xFFFFEC00  }
0xe1: {  	[bflag:$0x0] =	sbarrier.arrive $0xFFFF  }
0xe2: {  	s15 =	rddreg [dreg:$0xf]  }
0xe3: {  	s8 =	rddreg [dreg:$0x13]  }
0xe4: {  	s10 =	rddreg [dreg:$0x14]  }
0xe5: {  	[hbm:s15], [sflag:s8] =	dma.local [spmem:s10], $0x2800  }
0xe6: {  	_ =	swait.ge [sflag:s0], $0x2800  }
0xe7: {  	s10 =	rddreg [dreg:$0x12]  }
0xe8: {  	s15 =	rddreg [dreg:$0x10];
	s8 =	sadd.s32 $0x1, s10  }
0xe9: {  	p0 =	sne.s32 s8, s15  }
.Ltmp1:
0xea: {  	_ = 	snop;
	(pc) =	sbr.rel @p0 .LBB2_1-.Ltmp1, $3  }
0xeb: {  	_ =	sdelay $0x1  }
0xec: {  	[sflag:s0] =	ssyncset.done $0x0  }
0xed: {  	[sflag:s0] =	ssyncadd.s32 $0xFFFFD800  }
0xee: {  	_ =	sfence.sel $0x180000  }
0xef: {  	[bflag:$0x0] =	sbarrier.arrive $0xFFFF  }
0xf0: {  	_ =	strace $0x9000004A  }
0xf1: {  	s0 =	stileid.u32;
	[bflag:$0x2] =	sbarrier.arrive $0xFFFF  }
0xf2: {  	p0 =	sne.s32 s0, $0x0;
	s0 =	rddreg [dreg:$0x3]  }
0xf3: {  	s0 =	sadd.s32 @!p0 $0x100000, s0  }
0xf4: {  	[sflag:s0] =	ssyncadd.tile.s32 @!p0 $0x1;
	_ =	shalt  }
.Lfunc_end2:
_tile_overlayer_lowered:
.L_overlay_start_2:
0xf5: {  	(tag) =	ssettag $0x2  }
0xf6: {  	s0 =	rddreg [dreg:$0x0];
	s2 =	stileid.u32  }
0xf7: {  	s1 =	rddreg [dreg:$0x1];
	p0 =	sne.s32 s2, $0x0  }
0xf8: {  	s3 =	rddreg [dreg:$0x2];
	[bflag:$0x3] =	sbarrier.arrive $0xFFFF;
	s2 =	simm.s32 @!p0 $0x1C0B  }
0xf9: {  	[timem:s3], [sflag:s2] =	dma.local @!p0 [hbm:s0], s1  }
0xfa: {  	s0 =	simm.s32 @!p0 $0xB  }
0xfb: {  	_ =	swait.ge @!p0 [sflag:s0], s1  }
0xfc: {  	s1 =	ssub.s32 @!p0 $0x0, s1;
	[sflag:s0] =	ssyncset.done @!p0 $0x0  }
0xfd: {  	[sflag:s0] =	ssyncadd.s32 @!p0 s1  }
0xfe: {  	[bflag:$0x3] =	sbarrier.arrive $0xFFFF  }
0xff: {  	_ =	shalt  }

</sc_bundles>
